<compile_context>
chip_gen: v7x
topology: tpu7x:2x2x1
jax: 0.10.2.dev20260603
libtpu: 0.0.44.dev20260713+nightly
codegen_flags: <defaults>
</compile_context>

<pallas_src>
import functools

import jax
import jax.numpy as jnp
from jax import lax
from jax.experimental import pallas as pl
from jax.experimental.pallas import tpu as pltpu
from jax.experimental.pallas import tpu_sc as plsc

NC = 2
NS = 16
NW = NC * NS


def _build(B, S, V, D):
    assert B == 128 * NW and S % 8 == 0 and D % 16 == 0
    ST = S // 8
    DT = D // 8

    mesh = plsc.VectorSubcoreMesh(core_axis_name="c", subcore_axis_name="s")

    @functools.partial(
        pl.kernel,
        mesh=mesh,
        compiler_params=pltpu.CompilerParams(
            use_tc_tiling_on_sc=False, needs_layout_passes=False,
            disable_bounds_checks=True),
        out_type=jax.ShapeDtypeStruct((S, DT, NW, 8, 128), jnp.float32),
        scratch_types=[
            pltpu.VMEM((ST, 8, 128), jnp.int32),
            [pltpu.VMEM((128, D), jnp.float32) for _ in range(4)],
            [pltpu.VMEM((D, 129), jnp.float32) for _ in range(4)],
            pltpu.VMEM((S, D), jnp.float32),
            [pltpu.SemaphoreType.DMA for _ in range(4)],
            [pltpu.SemaphoreType.DMA for _ in range(4)],
            pltpu.SemaphoreType.DMA,
        ],
    )
    def emb(xr_hbm, table_hbm, pos_hbm, y_hbm,
            idx_v, rows_v, tr_v, pos_v, sem_g, sem_o, sem_i):
        cid = lax.axis_index("c")
        sid = lax.axis_index("s")
        w = sid * NC + cid

        d_i = [pltpu.async_copy(xr_hbm.at[st, w], idx_v.at[st], sem_i)
               for st in range(ST)]
        pltpu.sync_copy(pos_hbm, pos_v)
        for d in d_i:
            d.wait()

        def issue_gather(s, par):
            st, sl = s // 8, s % 8
            pltpu.async_copy(
                table_hbm.at[idx_v.at[st, sl]], rows_v[par], sem_g[par])

        def wait_gather(par):
            pltpu.make_async_copy(
                table_hbm.at[idx_v.at[0, 0]], rows_v[par], sem_g[par]).wait()

        def issue_out(s, par):
            for dt in range(DT):
                pltpu.async_copy(
                    tr_v[par].at[pl.ds(dt * 8, 8), pl.ds(0, 128)],
                    y_hbm.at[s, dt, w], sem_o[par])

        def wait_out(par):
            pltpu.make_async_copy(
                table_hbm.at[idx_v.at[0, 0]], rows_v[0], sem_o[par]).wait()

        def transpose_add(s, par_g, par_t):
            pos_c = [pos_v[s, pl.ds(c * 16, 16)] for c in range(D // 16)]
            d_idx = [jnp.arange(c * 16, c * 16 + 16, dtype=jnp.int32)
                     for c in range(D // 16)]

            @plsc.parallel_loop(0, 128, unroll=4)
            def body(r):
                rsplat = jnp.full((16,), r, dtype=jnp.int32)
                for c in range(D // 16):
                    val = rows_v[par_g][r, pl.ds(c * 16, 16)] + pos_c[c]
                    plsc.store_scatter(tr_v[par_t], [d_idx[c], rsplat], val)

        for s0 in range(3):
            issue_gather(s0, s0)

        def step(sp, carry):
            for j in range(4):
                s = sp * 4 + j

                @pl.when(sp > 0)
                def _():
                    wait_out(j)

                wait_gather(j)

                @pl.when(s + 3 < S)
                def _():
                    issue_gather(s + 3, (j + 3) % 4)

                transpose_add(s, j, j)
                issue_out(s, j)
            return carry

        lax.fori_loop(0, S // 4, step, 0)
        for j in range(4):
            wait_out(j)

    return emb


def kernel(x, text_table, pos_table):
    B, S = x.shape
    V, D = text_table.shape
    xr = x.astype(jnp.int32).reshape(NW, 128, S // 8, 8).transpose(2, 0, 3, 1)
    emb = _build(B, S, V, D)
    y = emb(xr, text_table, pos_table)
    return jnp.transpose(y, (2, 4, 0, 1, 3)).reshape(B, S, D)

# --- scband reference (transcript-rebuilt; emitter-appended) ---
"""Pipeline reference for scband-embedding-and-positional-encoding-45595372814919 (READ-ONLY COPY).

The authoritative reference and input builder live on the scoring server;
editing this copy changes nothing except your own understanding.
"""

import jax, jax.numpy as jnp
import numpy as np

NUM_EMBEDDINGS = 100000
EMBEDDING_DIM = 64
SEQUENCE_LENGTH = 200
BATCH = 4096

def setup_inputs(seed: int = 0) -> dict:
    key = jax.random.key(seed)
    k1, k2, k3 = jax.random.split(key, 3)
    x = jax.random.randint(k1, (BATCH, SEQUENCE_LENGTH), 0, NUM_EMBEDDINGS, dtype=jnp.int64 if jax.config.jax_enable_x64 else jnp.int32)
    text_table = jax.random.normal(k2, (NUM_EMBEDDINGS, EMBEDDING_DIM), dtype=jnp.float32)
    pos_table = jax.random.normal(k3, (SEQUENCE_LENGTH, EMBEDDING_DIM), dtype=jnp.float32)
    return {"x": x, "text_table": text_table, "pos_table": pos_table}

def reference(x, text_table, pos_table):
    seq_len = x.shape[1]
    pos = jnp.arange(0, seq_len)[None, :]  # [1, S]
    tok_emb = jnp.take(text_table, x, axis=0)        # [B, S, D]
    pos_emb = jnp.take(pos_table, pos, axis=0)       # [1, S, D]
    return tok_emb + pos_emb

if __name__ == "__main__":
    import jax
    _d = setup_inputs()
    print(jax.jit(kernel)(*tuple(_d.values())))

</pallas_src>

<mosaic_0001>
#map = affine_map<(d0, d1) -> (0, 0, 0, 0)>
#map1 = affine_map<(d0, d1) -> (0, 0)>
#map2 = affine_map<(d0, d1) -> (0, 0, 0, 0, 0)>
module attributes {stable_mosaic.version = 14 : i64} {
  func.func @emb(%arg0: i32, %arg1: i32, %arg2: memref<25x32x8x128xi32, #tpu.memory_space<hbm>>, %arg3: memref<100000x64xf32, #tpu.memory_space<hbm>>, %arg4: memref<200x64xf32, #tpu.memory_space<hbm>>, %arg5: memref<200x8x32x8x128xf32, #tpu.memory_space<hbm>>, %arg6: memref<25x8x128xi32, #tpu.memory_space<vmem>>, %arg7: memref<128x64xf32, #tpu.memory_space<vmem>>, %arg8: memref<128x64xf32, #tpu.memory_space<vmem>>, %arg9: memref<128x64xf32, #tpu.memory_space<vmem>>, %arg10: memref<128x64xf32, #tpu.memory_space<vmem>>, %arg11: memref<64x129xf32, #tpu.memory_space<vmem>>, %arg12: memref<64x129xf32, #tpu.memory_space<vmem>>, %arg13: memref<64x129xf32, #tpu.memory_space<vmem>>, %arg14: memref<64x129xf32, #tpu.memory_space<vmem>>, %arg15: memref<200x64xf32, #tpu.memory_space<vmem>>, %arg16: memref<!tpu.dma_semaphore, #tpu.memory_space<semaphore_mem>>, %arg17: memref<!tpu.dma_semaphore, #tpu.memory_space<semaphore_mem>>, %arg18: memref<!tpu.dma_semaphore, #tpu.memory_space<semaphore_mem>>, %arg19: memref<!tpu.dma_semaphore, #tpu.memory_space<semaphore_mem>>, %arg20: memref<!tpu.dma_semaphore, #tpu.memory_space<semaphore_mem>>, %arg21: memref<!tpu.dma_semaphore, #tpu.memory_space<semaphore_mem>>, %arg22: memref<!tpu.dma_semaphore, #tpu.memory_space<semaphore_mem>>, %arg23: memref<!tpu.dma_semaphore, #tpu.memory_space<semaphore_mem>>, %arg24: memref<!tpu.dma_semaphore, #tpu.memory_space<semaphore_mem>>) attributes {dimension_semantics = [#tpu.dimension_semantics<core_parallel>, #tpu.dimension_semantics<subcore_parallel>], iteration_bounds = array<i64: 2, 16>, scalar_prefetch = 0 : i64, scratch_operands = 19 : i64, tpu.core_type = #tpu.core_type<sc_vector_subcore>, window_params = [{transform_indices = #map}, {transform_indices = #map1}, {transform_indices = #map1}, {transform_indices = #map2}]} {
    %mul3A = arith.constant 2 : i32
    %mul3A_0 = arith.muli %arg1, %mul3A : i32
    %add3A = arith.addi %mul3A_0, %arg0 : i32
    %dma_start3A = arith.constant 0 : i32
    %dma_start3A_1 = arith.constant 0 : i32
    %dma_start3A_2 = arith.constant 0 : i32
    %dma_start3A_3 = arith.constant 0 : i32
    %dma_start3A_4 = tpu.memref_slice %arg6[%dma_start3A_1, %dma_start3A_2, %dma_start3A_3] : memref<25x8x128xi32, #tpu.memory_space<vmem>> -> memref<1x8x128xi32, #tpu.memory_space<vmem>>
    %dma_start3A_5 = tpu.memref_squeeze %dma_start3A_4 : memref<1x8x128xi32, #tpu.memory_space<vmem>> -> memref<8x128xi32, #tpu.memory_space<vmem>>
    %dma_start3A_6 = arith.constant 0 : i32
    %dma_start3A_7 = arith.constant 0 : i32
    %dma_start3A_8 = tpu.memref_slice %arg2[%dma_start3A, %add3A, %dma_start3A_6, %dma_start3A_7] : memref<25x32x8x128xi32, #tpu.memory_space<hbm>> -> memref<1x1x8x128xi32, #tpu.memory_space<hbm>>
    %dma_start3A_9 = tpu.memref_squeeze %dma_start3A_8 : memref<1x1x8x128xi32, #tpu.memory_space<hbm>> -> memref<8x128xi32, #tpu.memory_space<hbm>>
    %dma_start3A_10 = arith.constant 0 : i32
    %dma_start3A_11 = arith.constant 0 : i32
    %dma_start3A_12 = tpu.memref_slice %arg6[%dma_start3A_1, %dma_start3A_10, %dma_start3A_11] : memref<25x8x128xi32, #tpu.memory_space<vmem>> -> memref<1x8x128xi32, #tpu.memory_space<vmem>>
    %dma_start3A_13 = tpu.memref_squeeze %dma_start3A_12 : memref<1x8x128xi32, #tpu.memory_space<vmem>> -> memref<8x128xi32, #tpu.memory_space<vmem>>
    %dma_start3A_14 = arith.constant 0 : i32
    %dma_start3A_15 = arith.constant 0 : i32
    %dma_start3A_16 = tpu.memref_slice %arg2[%dma_start3A, %add3A, %dma_start3A_14, %dma_start3A_15] : memref<25x32x8x128xi32, #tpu.memory_space<hbm>> -> memref<1x1x8x128xi32, #tpu.memory_space<hbm>>
    %dma_start3A_17 = tpu.memref_squeeze %dma_start3A_16 : memref<1x1x8x128xi32, #tpu.memory_space<hbm>> -> memref<8x128xi32, #tpu.memory_space<hbm>>
    tpu.enqueue_dma source(%dma_start3A_17 : memref<8x128xi32, #tpu.memory_space<hbm>>) target(%dma_start3A_13 : memref<8x128xi32, #tpu.memory_space<vmem>>) target_semaphore(%arg24 : memref<!tpu.dma_semaphore, #tpu.memory_space<semaphore_mem>>)
    %dma_start3A_18 = arith.constant 1 : i32
    %dma_start3A_19 = arith.constant 1 : i32
    %dma_start3A_20 = arith.constant 0 : i32
    %dma_start3A_21 = arith.constant 0 : i32
    %dma_start3A_22 = tpu.memref_slice %arg6[%dma_start3A_19, %dma_start3A_20, %dma_start3A_21] : memref<25x8x128xi32, #tpu.memory_space<vmem>> -> memref<1x8x128xi32, #tpu.memory_space<vmem>>
    %dma_start3A_23 = tpu.memref_squeeze %dma_start3A_22 : memref<1x8x128xi32, #tpu.memory_space<vmem>> -> memref<8x128xi32, #tpu.memory_space<vmem>>
    %dma_start3A_24 = arith.constant 0 : i32
    %dma_start3A_25 = arith.constant 0 : i32
    %dma_start3A_26 = tpu.memref_slice %arg2[%dma_start3A_18, %add3A, %dma_start3A_24, %dma_start3A_25] : memref<25x32x8x128xi32, #tpu.memory_space<hbm>> -> memref<1x1x8x128xi32, #tpu.memory_space<hbm>>
    %dma_start3A_27 = tpu.memref_squeeze %dma_start3A_26 : memref<1x1x8x128xi32, #tpu.memory_space<hbm>> -> memref<8x128xi32, #tpu.memory_space<hbm>>
    %dma_start3A_28 = arith.constant 0 : i32
    %dma_start3A_29 = arith.constant 0 : i32
    %dma_start3A_30 = tpu.memref_slice %arg6[%dma_start3A_19, %dma_start3A_28, %dma_start3A_29] : memref<25x8x128xi32, #tpu.memory_space<vmem>> -> memref<1x8x128xi32, #tpu.memory_space<vmem>>
    %dma_start3A_31 = tpu.memref_squeeze %dma_start3A_30 : memref<1x8x128xi32, #tpu.memory_space<vmem>> -> memref<8x128xi32, #tpu.memory_space<vmem>>
    %dma_start3A_32 = arith.constant 0 : i32
    %dma_start3A_33 = arith.constant 0 : i32
    %dma_start3A_34 = tpu.memref_slice %arg2[%dma_start3A_18, %add3A, %dma_start3A_32, %dma_start3A_33] : memref<25x32x8x128xi32, #tpu.memory_space<hbm>> -> memref<1x1x8x128xi32, #tpu.memory_space<hbm>>
    %dma_start3A_35 = tpu.memref_squeeze %dma_start3A_34 : memref<1x1x8x128xi32, #tpu.memory_space<hbm>> -> memref<8x128xi32, #tpu.memory_space<hbm>>
    tpu.enqueue_dma source(%dma_start3A_35 : memref<8x128xi32, #tpu.memory_space<hbm>>) target(%dma_start3A_31 : memref<8x128xi32, #tpu.memory_space<vmem>>) target_semaphore(%arg24 : memref<!tpu.dma_semaphore, #tpu.memory_space<semaphore_mem>>)
    %dma_start3A_36 = arith.constant 2 : i32
    %dma_start3A_37 = arith.constant 2 : i32
    %dma_start3A_38 = arith.constant 0 : i32
    %dma_start3A_39 = arith.constant 0 : i32
    %dma_start3A_40 = tpu.memref_slice %arg6[%dma_start3A_37, %dma_start3A_38, %dma_start3A_39] : memref<25x8x128xi32, #tpu.memory_space<vmem>> -> memref<1x8x128xi32, #tpu.memory_space<vmem>>
    %dma_start3A_41 = tpu.memref_squeeze %dma_start3A_40 : memref<1x8x128xi32, #tpu.memory_space<vmem>> -> memref<8x128xi32, #tpu.memory_space<vmem>>
    %dma_start3A_42 = arith.constant 0 : i32
    %dma_start3A_43 = arith.constant 0 : i32
    %dma_start3A_44 = tpu.memref_slice %arg2[%dma_start3A_36, %add3A, %dma_start3A_42, %dma_start3A_43] : memref<25x32x8x128xi32, #tpu.memory_space<hbm>> -> memref<1x1x8x128xi32, #tpu.memory_space<hbm>>
    %dma_start3A_45 = tpu.memref_squeeze %dma_start3A_44 : memref<1x1x8x128xi32, #tpu.memory_space<hbm>> -> memref<8x128xi32, #tpu.memory_space<hbm>>
    %dma_start3A_46 = arith.constant 0 : i32
    %dma_start3A_47 = arith.constant 0 : i32
    %dma_start3A_48 = tpu.memref_slice %arg6[%dma_start3A_37, %dma_start3A_46, %dma_start3A_47] : memref<25x8x128xi32, #tpu.memory_space<vmem>> -> memref<1x8x128xi32, #tpu.memory_space<vmem>>
    %dma_start3A_49 = tpu.memref_squeeze %dma_start3A_48 : memref<1x8x128xi32, #tpu.memory_space<vmem>> -> memref<8x128xi32, #tpu.memory_space<vmem>>
    %dma_start3A_50 = arith.constant 0 : i32
    %dma_start3A_51 = arith.constant 0 : i32
    %dma_start3A_52 = tpu.memref_slice %arg2[%dma_start3A_36, %add3A, %dma_start3A_50, %dma_start3A_51] : memref<25x32x8x128xi32, #tpu.memory_space<hbm>> -> memref<1x1x8x128xi32, #tpu.memory_space<hbm>>
    %dma_start3A_53 = tpu.memref_squeeze %dma_start3A_52 : memref<1x1x8x128xi32, #tpu.memory_space<hbm>> -> memref<8x128xi32, #tpu.memory_space<hbm>>
    tpu.enqueue_dma source(%dma_start3A_53 : memref<8x128xi32, #tpu.memory_space<hbm>>) target(%dma_start3A_49 : memref<8x128xi32, #tpu.memory_space<vmem>>) target_semaphore(%arg24 : memref<!tpu.dma_semaphore, #tpu.memory_space<semaphore_mem>>)
    %dma_start3A_54 = arith.constant 3 : i32
    %dma_start3A_55 = arith.constant 3 : i32
    %dma_start3A_56 = arith.constant 0 : i32
    %dma_start3A_57 = arith.constant 0 : i32
    %dma_start3A_58 = tpu.memref_slice %arg6[%dma_start3A_55, %dma_start3A_56, %dma_start3A_57] : memref<25x8x128xi32, #tpu.memory_space<vmem>> -> memref<1x8x128xi32, #tpu.memory_space<vmem>>
    %dma_start3A_59 = tpu.memref_squeeze %dma_start3A_58 : memref<1x8x128xi32, #tpu.memory_space<vmem>> -> memref<8x128xi32, #tpu.memory_space<vmem>>
    %dma_start3A_60 = arith.constant 0 : i32
    %dma_start3A_61 = arith.constant 0 : i32
    %dma_start3A_62 = tpu.memref_slice %arg2[%dma_start3A_54, %add3A, %dma_start3A_60, %dma_start3A_61] : memref<25x32x8x128xi32, #tpu.memory_space<hbm>> -> memref<1x1x8x128xi32, #tpu.memory_space<hbm>>
    %dma_start3A_63 = tpu.memref_squeeze %dma_start3A_62 : memref<1x1x8x128xi32, #tpu.memory_space<hbm>> -> memref<8x128xi32, #tpu.memory_space<hbm>>
    %dma_start3A_64 = arith.constant 0 : i32
    %dma_start3A_65 = arith.constant 0 : i32
    %dma_start3A_66 = tpu.memref_slice %arg6[%dma_start3A_55, %dma_start3A_64, %dma_start3A_65] : memref<25x8x128xi32, #tpu.memory_space<vmem>> -> memref<1x8x128xi32, #tpu.memory_space<vmem>>
    %dma_start3A_67 = tpu.memref_squeeze %dma_start3A_66 : memref<1x8x128xi32, #tpu.memory_space<vmem>> -> memref<8x128xi32, #tpu.memory_space<vmem>>
    %dma_start3A_68 = arith.constant 0 : i32
    %dma_start3A_69 = arith.constant 0 : i32
    %dma_start3A_70 = tpu.memref_slice %arg2[%dma_start3A_54, %add3A, %dma_start3A_68, %dma_start3A_69] : memref<25x32x8x128xi32, #tpu.memory_space<hbm>> -> memref<1x1x8x128xi32, #tpu.memory_space<hbm>>
    %dma_start3A_71 = tpu.memref_squeeze %dma_start3A_70 : memref<1x1x8x128xi32, #tpu.memory_space<hbm>> -> memref<8x128xi32, #tpu.memory_space<hbm>>
    tpu.enqueue_dma source(%dma_start3A_71 : memref<8x128xi32, #tpu.memory_space<hbm>>) target(%dma_start3A_67 : memref<8x128xi32, #tpu.memory_space<vmem>>) target_semaphore(%arg24 : memref<!tpu.dma_semaphore, #tpu.memory_space<semaphore_mem>>)
    %dma_start3A_72 = arith.constant 4 : i32
    %dma_start3A_73 = arith.constant 4 : i32
    %dma_start3A_74 = arith.constant 0 : i32
    %dma_start3A_75 = arith.constant 0 : i32
    %dma_start3A_76 = tpu.memref_slice %arg6[%dma_start3A_73, %dma_start3A_74, %dma_start3A_75] : memref<25x8x128xi32, #tpu.memory_space<vmem>> -> memref<1x8x128xi32, #tpu.memory_space<vmem>>
    %dma_start3A_77 = tpu.memref_squeeze %dma_start3A_76 : memref<1x8x128xi32, #tpu.memory_space<vmem>> -> memref<8x128xi32, #tpu.memory_space<vmem>>
    %dma_start3A_78 = arith.constant 0 : i32
    %dma_start3A_79 = arith.constant 0 : i32
    %dma_start3A_80 = tpu.memref_slice %arg2[%dma_start3A_72, %add3A, %dma_start3A_78, %dma_start3A_79] : memref<25x32x8x128xi32, #tpu.memory_space<hbm>> -> memref<1x1x8x128xi32, #tpu.memory_space<hbm>>
    %dma_start3A_81 = tpu.memref_squeeze %dma_start3A_80 : memref<1x1x8x128xi32, #tpu.memory_space<hbm>> -> memref<8x128xi32, #tpu.memory_space<hbm>>
    %dma_start3A_82 = arith.constant 0 : i32
    %dma_start3A_83 = arith.constant 0 : i32
    %dma_start3A_84 = tpu.memref_slice %arg6[%dma_start3A_73, %dma_start3A_82, %dma_start3A_83] : memref<25x8x128xi32, #tpu.memory_space<vmem>> -> memref<1x8x128xi32, #tpu.memory_space<vmem>>
    %dma_start3A_85 = tpu.memref_squeeze %dma_start3A_84 : memref<1x8x128xi32, #tpu.memory_space<vmem>> -> memref<8x128xi32, #tpu.memory_space<vmem>>
    %dma_start3A_86 = arith.constant 0 : i32
    %dma_start3A_87 = arith.constant 0 : i32
    %dma_start3A_88 = tpu.memref_slice %arg2[%dma_start3A_72, %add3A, %dma_start3A_86, %dma_start3A_87] : memref<25x32x8x128xi32, #tpu.memory_space<hbm>> -> memref<1x1x8x128xi32, #tpu.memory_space<hbm>>
    %dma_start3A_89 = tpu.memref_squeeze %dma_start3A_88 : memref<1x1x8x128xi32, #tpu.memory_space<hbm>> -> memref<8x128xi32, #tpu.memory_space<hbm>>
    tpu.enqueue_dma source(%dma_start3A_89 : memref<8x128xi32, #tpu.memory_space<hbm>>) target(%dma_start3A_85 : memref<8x128xi32, #tpu.memory_space<vmem>>) target_semaphore(%arg24 : memref<!tpu.dma_semaphore, #tpu.memory_space<semaphore_mem>>)
    %dma_start3A_90 = arith.constant 5 : i32
    %dma_start3A_91 = arith.constant 5 : i32
    %dma_start3A_92 = arith.constant 0 : i32
    %dma_start3A_93 = arith.constant 0 : i32
    %dma_start3A_94 = tpu.memref_slice %arg6[%dma_start3A_91, %dma_start3A_92, %dma_start3A_93] : memref<25x8x128xi32, #tpu.memory_space<vmem>> -> memref<1x8x128xi32, #tpu.memory_space<vmem>>
    %dma_start3A_95 = tpu.memref_squeeze %dma_start3A_94 : memref<1x8x128xi32, #tpu.memory_space<vmem>> -> memref<8x128xi32, #tpu.memory_space<vmem>>
    %dma_start3A_96 = arith.constant 0 : i32
    %dma_start3A_97 = arith.constant 0 : i32
    %dma_start3A_98 = tpu.memref_slice %arg2[%dma_start3A_90, %add3A, %dma_start3A_96, %dma_start3A_97] : memref<25x32x8x128xi32, #tpu.memory_space<hbm>> -> memref<1x1x8x128xi32, #tpu.memory_space<hbm>>
    %dma_start3A_99 = tpu.memref_squeeze %dma_start3A_98 : memref<1x1x8x128xi32, #tpu.memory_space<hbm>> -> memref<8x128xi32, #tpu.memory_space<hbm>>
    %dma_start3A_100 = arith.constant 0 : i32
    %dma_start3A_101 = arith.constant 0 : i32
    %dma_start3A_102 = tpu.memref_slice %arg6[%dma_start3A_91, %dma_start3A_100, %dma_start3A_101] : memref<25x8x128xi32, #tpu.memory_space<vmem>> -> memref<1x8x128xi32, #tpu.memory_space<vmem>>
    %dma_start3A_103 = tpu.memref_squeeze %dma_start3A_102 : memref<1x8x128xi32, #tpu.memory_space<vmem>> -> memref<8x128xi32, #tpu.memory_space<vmem>>
    %dma_start3A_104 = arith.constant 0 : i32
    %dma_start3A_105 = arith.constant 0 : i32
    %dma_start3A_106 = tpu.memref_slice %arg2[%dma_start3A_90, %add3A, %dma_start3A_104, %dma_start3A_105] : memref<25x32x8x128xi32, #tpu.memory_space<hbm>> -> memref<1x1x8x128xi32, #tpu.memory_space<hbm>>
    %dma_start3A_107 = tpu.memref_squeeze %dma_start3A_106 : memref<1x1x8x128xi32, #tpu.memory_space<hbm>> -> memref<8x128xi32, #tpu.memory_space<hbm>>
    tpu.enqueue_dma source(%dma_start3A_107 : memref<8x128xi32, #tpu.memory_space<hbm>>) target(%dma_start3A_103 : memref<8x128xi32, #tpu.memory_space<vmem>>) target_semaphore(%arg24 : memref<!tpu.dma_semaphore, #tpu.memory_space<semaphore_mem>>)
    %dma_start3A_108 = arith.constant 6 : i32
    %dma_start3A_109 = arith.constant 6 : i32
    %dma_start3A_110 = arith.constant 0 : i32
    %dma_start3A_111 = arith.constant 0 : i32
    %dma_start3A_112 = tpu.memref_slice %arg6[%dma_start3A_109, %dma_start3A_110, %dma_start3A_111] : memref<25x8x128xi32, #tpu.memory_space<vmem>> -> memref<1x8x128xi32, #tpu.memory_space<vmem>>
    %dma_start3A_113 = tpu.memref_squeeze %dma_start3A_112 : memref<1x8x128xi32, #tpu.memory_space<vmem>> -> memref<8x128xi32, #tpu.memory_space<vmem>>
    %dma_start3A_114 = arith.constant 0 : i32
    %dma_start3A_115 = arith.constant 0 : i32
    %dma_start3A_116 = tpu.memref_slice %arg2[%dma_start3A_108, %add3A, %dma_start3A_114, %dma_start3A_115] : memref<25x32x8x128xi32, #tpu.memory_space<hbm>> -> memref<1x1x8x128xi32, #tpu.memory_space<hbm>>
    %dma_start3A_117 = tpu.memref_squeeze %dma_start3A_116 : memref<1x1x8x128xi32, #tpu.memory_space<hbm>> -> memref<8x128xi32, #tpu.memory_space<hbm>>
    %dma_start3A_118 = arith.constant 0 : i32
    %dma_start3A_119 = arith.constant 0 : i32
    %dma_start3A_120 = tpu.memref_slice %arg6[%dma_start3A_109, %dma_start3A_118, %dma_start3A_119] : memref<25x8x128xi32, #tpu.memory_space<vmem>> -> memref<1x8x128xi32, #tpu.memory_space<vmem>>
    %dma_start3A_121 = tpu.memref_squeeze %dma_start3A_120 : memref<1x8x128xi32, #tpu.memory_space<vmem>> -> memref<8x128xi32, #tpu.memory_space<vmem>>
    %dma_start3A_122 = arith.constant 0 : i32
    %dma_start3A_123 = arith.constant 0 : i32
    %dma_start3A_124 = tpu.memref_slice %arg2[%dma_start3A_108, %add3A, %dma_start3A_122, %dma_start3A_123] : memref<25x32x8x128xi32, #tpu.memory_space<hbm>> -> memref<1x1x8x128xi32, #tpu.memory_space<hbm>>
    %dma_start3A_125 = tpu.memref_squeeze %dma_start3A_124 : memref<1x1x8x128xi32, #tpu.memory_space<hbm>> -> memref<8x128xi32, #tpu.memory_space<hbm>>
    tpu.enqueue_dma source(%dma_start3A_125 : memref<8x128xi32, #tpu.memory_space<hbm>>) target(%dma_start3A_121 : memref<8x128xi32, #tpu.memory_space<vmem>>) target_semaphore(%arg24 : memref<!tpu.dma_semaphore, #tpu.memory_space<semaphore_mem>>)
    %dma_start3A_126 = arith.constant 7 : i32
    %dma_start3A_127 = arith.constant 7 : i32
    %dma_start3A_128 = arith.constant 0 : i32
    %dma_start3A_129 = arith.constant 0 : i32
    %dma_start3A_130 = tpu.memref_slice %arg6[%dma_start3A_127, %dma_start3A_128, %dma_start3A_129] : memref<25x8x128xi32, #tpu.memory_space<vmem>> -> memref<1x8x128xi32, #tpu.memory_space<vmem>>
    %dma_start3A_131 = tpu.memref_squeeze %dma_start3A_130 : memref<1x8x128xi32, #tpu.memory_space<vmem>> -> memref<8x128xi32, #tpu.memory_space<vmem>>
    %dma_start3A_132 = arith.constant 0 : i32
    %dma_start3A_133 = arith.constant 0 : i32
    %dma_start3A_134 = tpu.memref_slice %arg2[%dma_start3A_126, %add3A, %dma_start3A_132, %dma_start3A_133] : memref<25x32x8x128xi32, #tpu.memory_space<hbm>> -> memref<1x1x8x128xi32, #tpu.memory_space<hbm>>
    %dma_start3A_135 = tpu.memref_squeeze %dma_start3A_134 : memref<1x1x8x128xi32, #tpu.memory_space<hbm>> -> memref<8x128xi32, #tpu.memory_space<hbm>>
    %dma_start3A_136 = arith.constant 0 : i32
    %dma_start3A_137 = arith.constant 0 : i32
    %dma_start3A_138 = tpu.memref_slice %arg6[%dma_start3A_127, %dma_start3A_136, %dma_start3A_137] : memref<25x8x128xi32, #tpu.memory_space<vmem>> -> memref<1x8x128xi32, #tpu.memory_space<vmem>>
    %dma_start3A_139 = tpu.memref_squeeze %dma_start3A_138 : memref<1x8x128xi32, #tpu.memory_space<vmem>> -> memref<8x128xi32, #tpu.memory_space<vmem>>
    %dma_start3A_140 = arith.constant 0 : i32
    %dma_start3A_141 = arith.constant 0 : i32
    %dma_start3A_142 = tpu.memref_slice %arg2[%dma_start3A_126, %add3A, %dma_start3A_140, %dma_start3A_141] : memref<25x32x8x128xi32, #tpu.memory_space<hbm>> -> memref<1x1x8x128xi32, #tpu.memory_space<hbm>>
    %dma_start3A_143 = tpu.memref_squeeze %dma_start3A_142 : memref<1x1x8x128xi32, #tpu.memory_space<hbm>> -> memref<8x128xi32, #tpu.memory_space<hbm>>
    tpu.enqueue_dma source(%dma_start3A_143 : memref<8x128xi32, #tpu.memory_space<hbm>>) target(%dma_start3A_139 : memref<8x128xi32, #tpu.memory_space<vmem>>) target_semaphore(%arg24 : memref<!tpu.dma_semaphore, #tpu.memory_space<semaphore_mem>>)
    %dma_start3A_144 = arith.constant 8 : i32
    %dma_start3A_145 = arith.constant 8 : i32
    %dma_start3A_146 = arith.constant 0 : i32
    %dma_start3A_147 = arith.constant 0 : i32
    %dma_start3A_148 = tpu.memref_slice %arg6[%dma_start3A_145, %dma_start3A_146, %dma_start3A_147] : memref<25x8x128xi32, #tpu.memory_space<vmem>> -> memref<1x8x128xi32, #tpu.memory_space<vmem>>
    %dma_start3A_149 = tpu.memref_squeeze %dma_start3A_148 : memref<1x8x128xi32, #tpu.memory_space<vmem>> -> memref<8x128xi32, #tpu.memory_space<vmem>>
    %dma_start3A_150 = arith.constant 0 : i32
    %dma_start3A_151 = arith.constant 0 : i32
    %dma_start3A_152 = tpu.memref_slice %arg2[%dma_start3A_144, %add3A, %dma_start3A_150, %dma_start3A_151] : memref<25x32x8x128xi32, #tpu.memory_space<hbm>> -> memref<1x1x8x128xi32, #tpu.memory_space<hbm>>
    %dma_start3A_153 = tpu.memref_squeeze %dma_start3A_152 : memref<1x1x8x128xi32, #tpu.memory_space<hbm>> -> memref<8x128xi32, #tpu.memory_space<hbm>>
    %dma_start3A_154 = arith.constant 0 : i32
    %dma_start3A_155 = arith.constant 0 : i32
    %dma_start3A_156 = tpu.memref_slice %arg6[%dma_start3A_145, %dma_start3A_154, %dma_start3A_155] : memref<25x8x128xi32, #tpu.memory_space<vmem>> -> memref<1x8x128xi32, #tpu.memory_space<vmem>>
    %dma_start3A_157 = tpu.memref_squeeze %dma_start3A_156 : memref<1x8x128xi32, #tpu.memory_space<vmem>> -> memref<8x128xi32, #tpu.memory_space<vmem>>
    %dma_start3A_158 = arith.constant 0 : i32
    %dma_start3A_159 = arith.constant 0 : i32
    %dma_start3A_160 = tpu.memref_slice %arg2[%dma_start3A_144, %add3A, %dma_start3A_158, %dma_start3A_159] : memref<25x32x8x128xi32, #tpu.memory_space<hbm>> -> memref<1x1x8x128xi32, #tpu.memory_space<hbm>>
    %dma_start3A_161 = tpu.memref_squeeze %dma_start3A_160 : memref<1x1x8x128xi32, #tpu.memory_space<hbm>> -> memref<8x128xi32, #tpu.memory_space<hbm>>
    tpu.enqueue_dma source(%dma_start3A_161 : memref<8x128xi32, #tpu.memory_space<hbm>>) target(%dma_start3A_157 : memref<8x128xi32, #tpu.memory_space<vmem>>) target_semaphore(%arg24 : memref<!tpu.dma_semaphore, #tpu.memory_space<semaphore_mem>>)
    %dma_start3A_162 = arith.constant 9 : i32
    %dma_start3A_163 = arith.constant 9 : i32
    %dma_start3A_164 = arith.constant 0 : i32
    %dma_start3A_165 = arith.constant 0 : i32
    %dma_start3A_166 = tpu.memref_slice %arg6[%dma_start3A_163, %dma_start3A_164, %dma_start3A_165] : memref<25x8x128xi32, #tpu.memory_space<vmem>> -> memref<1x8x128xi32, #tpu.memory_space<vmem>>
    %dma_start3A_167 = tpu.memref_squeeze %dma_start3A_166 : memref<1x8x128xi32, #tpu.memory_space<vmem>> -> memref<8x128xi32, #tpu.memory_space<vmem>>
    %dma_start3A_168 = arith.constant 0 : i32
    %dma_start3A_169 = arith.constant 0 : i32
    %dma_start3A_170 = tpu.memref_slice %arg2[%dma_start3A_162, %add3A, %dma_start3A_168, %dma_start3A_169] : memref<25x32x8x128xi32, #tpu.memory_space<hbm>> -> memref<1x1x8x128xi32, #tpu.memory_space<hbm>>
    %dma_start3A_171 = tpu.memref_squeeze %dma_start3A_170 : memref<1x1x8x128xi32, #tpu.memory_space<hbm>> -> memref<8x128xi32, #tpu.memory_space<hbm>>
    %dma_start3A_172 = arith.constant 0 : i32
    %dma_start3A_173 = arith.constant 0 : i32
    %dma_start3A_174 = tpu.memref_slice %arg6[%dma_start3A_163, %dma_start3A_172, %dma_start3A_173] : memref<25x8x128xi32, #tpu.memory_space<vmem>> -> memref<1x8x128xi32, #tpu.memory_space<vmem>>
    %dma_start3A_175 = tpu.memref_squeeze %dma_start3A_174 : memref<1x8x128xi32, #tpu.memory_space<vmem>> -> memref<8x128xi32, #tpu.memory_space<vmem>>
    %dma_start3A_176 = arith.constant 0 : i32
    %dma_start3A_177 = arith.constant 0 : i32
    %dma_start3A_178 = tpu.memref_slice %arg2[%dma_start3A_162, %add3A, %dma_start3A_176, %dma_start3A_177] : memref<25x32x8x128xi32, #tpu.memory_space<hbm>> -> memref<1x1x8x128xi32, #tpu.memory_space<hbm>>
    %dma_start3A_179 = tpu.memref_squeeze %dma_start3A_178 : memref<1x1x8x128xi32, #tpu.memory_space<hbm>> -> memref<8x128xi32, #tpu.memory_space<hbm>>
    tpu.enqueue_dma source(%dma_start3A_179 : memref<8x128xi32, #tpu.memory_space<hbm>>) target(%dma_start3A_175 : memref<8x128xi32, #tpu.memory_space<vmem>>) target_semaphore(%arg24 : memref<!tpu.dma_semaphore, #tpu.memory_space<semaphore_mem>>)
    %dma_start3A_180 = arith.constant 10 : i32
    %dma_start3A_181 = arith.constant 10 : i32
    %dma_start3A_182 = arith.constant 0 : i32
    %dma_start3A_183 = arith.constant 0 : i32
    %dma_start3A_184 = tpu.memref_slice %arg6[%dma_start3A_181, %dma_start3A_182, %dma_start3A_183] : memref<25x8x128xi32, #tpu.memory_space<vmem>> -> memref<1x8x128xi32, #tpu.memory_space<vmem>>
    %dma_start3A_185 = tpu.memref_squeeze %dma_start3A_184 : memref<1x8x128xi32, #tpu.memory_space<vmem>> -> memref<8x128xi32, #tpu.memory_space<vmem>>
    %dma_start3A_186 = arith.constant 0 : i32
    %dma_start3A_187 = arith.constant 0 : i32
    %dma_start3A_188 = tpu.memref_slice %arg2[%dma_start3A_180, %add3A, %dma_start3A_186, %dma_start3A_187] : memref<25x32x8x128xi32, #tpu.memory_space<hbm>> -> memref<1x1x8x128xi32, #tpu.memory_space<hbm>>
    %dma_start3A_189 = tpu.memref_squeeze %dma_start3A_188 : memref<1x1x8x128xi32, #tpu.memory_space<hbm>> -> memref<8x128xi32, #tpu.memory_space<hbm>>
    %dma_start3A_190 = arith.constant 0 : i32
    %dma_start3A_191 = arith.constant 0 : i32
    %dma_start3A_192 = tpu.memref_slice %arg6[%dma_start3A_181, %dma_start3A_190, %dma_start3A_191] : memref<25x8x128xi32, #tpu.memory_space<vmem>> -> memref<1x8x128xi32, #tpu.memory_space<vmem>>
    %dma_start3A_193 = tpu.memref_squeeze %dma_start3A_192 : memref<1x8x128xi32, #tpu.memory_space<vmem>> -> memref<8x128xi32, #tpu.memory_space<vmem>>
    %dma_start3A_194 = arith.constant 0 : i32
    %dma_start3A_195 = arith.constant 0 : i32
    %dma_start3A_196 = tpu.memref_slice %arg2[%dma_start3A_180, %add3A, %dma_start3A_194, %dma_start3A_195] : memref<25x32x8x128xi32, #tpu.memory_space<hbm>> -> memref<1x1x8x128xi32, #tpu.memory_space<hbm>>
    %dma_start3A_197 = tpu.memref_squeeze %dma_start3A_196 : memref<1x1x8x128xi32, #tpu.memory_space<hbm>> -> memref<8x128xi32, #tpu.memory_space<hbm>>
    tpu.enqueue_dma source(%dma_start3A_197 : memref<8x128xi32, #tpu.memory_space<hbm>>) target(%dma_start3A_193 : memref<8x128xi32, #tpu.memory_space<vmem>>) target_semaphore(%arg24 : memref<!tpu.dma_semaphore, #tpu.memory_space<semaphore_mem>>)
    %dma_start3A_198 = arith.constant 11 : i32
    %dma_start3A_199 = arith.constant 11 : i32
    %dma_start3A_200 = arith.constant 0 : i32
    %dma_start3A_201 = arith.constant 0 : i32
    %dma_start3A_202 = tpu.memref_slice %arg6[%dma_start3A_199, %dma_start3A_200, %dma_start3A_201] : memref<25x8x128xi32, #tpu.memory_space<vmem>> -> memref<1x8x128xi32, #tpu.memory_space<vmem>>
    %dma_start3A_203 = tpu.memref_squeeze %dma_start3A_202 : memref<1x8x128xi32, #tpu.memory_space<vmem>> -> memref<8x128xi32, #tpu.memory_space<vmem>>
    %dma_start3A_204 = arith.constant 0 : i32
    %dma_start3A_205 = arith.constant 0 : i32
    %dma_start3A_206 = tpu.memref_slice %arg2[%dma_start3A_198, %add3A, %dma_start3A_204, %dma_start3A_205] : memref<25x32x8x128xi32, #tpu.memory_space<hbm>> -> memref<1x1x8x128xi32, #tpu.memory_space<hbm>>
    %dma_start3A_207 = tpu.memref_squeeze %dma_start3A_206 : memref<1x1x8x128xi32, #tpu.memory_space<hbm>> -> memref<8x128xi32, #tpu.memory_space<hbm>>
    %dma_start3A_208 = arith.constant 0 : i32
    %dma_start3A_209 = arith.constant 0 : i32
    %dma_start3A_210 = tpu.memref_slice %arg6[%dma_start3A_199, %dma_start3A_208, %dma_start3A_209] : memref<25x8x128xi32, #tpu.memory_space<vmem>> -> memref<1x8x128xi32, #tpu.memory_space<vmem>>
    %dma_start3A_211 = tpu.memref_squeeze %dma_start3A_210 : memref<1x8x128xi32, #tpu.memory_space<vmem>> -> memref<8x128xi32, #tpu.memory_space<vmem>>
    %dma_start3A_212 = arith.constant 0 : i32
    %dma_start3A_213 = arith.constant 0 : i32
    %dma_start3A_214 = tpu.memref_slice %arg2[%dma_start3A_198, %add3A, %dma_start3A_212, %dma_start3A_213] : memref<25x32x8x128xi32, #tpu.memory_space<hbm>> -> memref<1x1x8x128xi32, #tpu.memory_space<hbm>>
    %dma_start3A_215 = tpu.memref_squeeze %dma_start3A_214 : memref<1x1x8x128xi32, #tpu.memory_space<hbm>> -> memref<8x128xi32, #tpu.memory_space<hbm>>
    tpu.enqueue_dma source(%dma_start3A_215 : memref<8x128xi32, #tpu.memory_space<hbm>>) target(%dma_start3A_211 : memref<8x128xi32, #tpu.memory_space<vmem>>) target_semaphore(%arg24 : memref<!tpu.dma_semaphore, #tpu.memory_space<semaphore_mem>>)
    %dma_start3A_216 = arith.constant 12 : i32
    %dma_start3A_217 = arith.constant 12 : i32
    %dma_start3A_218 = arith.constant 0 : i32
    %dma_start3A_219 = arith.constant 0 : i32
    %dma_start3A_220 = tpu.memref_slice %arg6[%dma_start3A_217, %dma_start3A_218, %dma_start3A_219] : memref<25x8x128xi32, #tpu.memory_space<vmem>> -> memref<1x8x128xi32, #tpu.memory_space<vmem>>
    %dma_start3A_221 = tpu.memref_squeeze %dma_start3A_220 : memref<1x8x128xi32, #tpu.memory_space<vmem>> -> memref<8x128xi32, #tpu.memory_space<vmem>>
    %dma_start3A_222 = arith.constant 0 : i32
    %dma_start3A_223 = arith.constant 0 : i32
    %dma_start3A_224 = tpu.memref_slice %arg2[%dma_start3A_216, %add3A, %dma_start3A_222, %dma_start3A_223] : memref<25x32x8x128xi32, #tpu.memory_space<hbm>> -> memref<1x1x8x128xi32, #tpu.memory_space<hbm>>
    %dma_start3A_225 = tpu.memref_squeeze %dma_start3A_224 : memref<1x1x8x128xi32, #tpu.memory_space<hbm>> -> memref<8x128xi32, #tpu.memory_space<hbm>>
    %dma_start3A_226 = arith.constant 0 : i32
    %dma_start3A_227 = arith.constant 0 : i32
    %dma_start3A_228 = tpu.memref_slice %arg6[%dma_start3A_217, %dma_start3A_226, %dma_start3A_227] : memref<25x8x128xi32, #tpu.memory_space<vmem>> -> memref<1x8x128xi32, #tpu.memory_space<vmem>>
    %dma_start3A_229 = tpu.memref_squeeze %dma_start3A_228 : memref<1x8x128xi32, #tpu.memory_space<vmem>> -> memref<8x128xi32, #tpu.memory_space<vmem>>
    %dma_start3A_230 = arith.constant 0 : i32
    %dma_start3A_231 = arith.constant 0 : i32
    %dma_start3A_232 = tpu.memref_slice %arg2[%dma_start3A_216, %add3A, %dma_start3A_230, %dma_start3A_231] : memref<25x32x8x128xi32, #tpu.memory_space<hbm>> -> memref<1x1x8x128xi32, #tpu.memory_space<hbm>>
    %dma_start3A_233 = tpu.memref_squeeze %dma_start3A_232 : memref<1x1x8x128xi32, #tpu.memory_space<hbm>> -> memref<8x128xi32, #tpu.memory_space<hbm>>
    tpu.enqueue_dma source(%dma_start3A_233 : memref<8x128xi32, #tpu.memory_space<hbm>>) target(%dma_start3A_229 : memref<8x128xi32, #tpu.memory_space<vmem>>) target_semaphore(%arg24 : memref<!tpu.dma_semaphore, #tpu.memory_space<semaphore_mem>>)
    %dma_start3A_234 = arith.constant 13 : i32
    %dma_start3A_235 = arith.constant 13 : i32
    %dma_start3A_236 = arith.constant 0 : i32
    %dma_start3A_237 = arith.constant 0 : i32
    %dma_start3A_238 = tpu.memref_slice %arg6[%dma_start3A_235, %dma_start3A_236, %dma_start3A_237] : memref<25x8x128xi32, #tpu.memory_space<vmem>> -> memref<1x8x128xi32, #tpu.memory_space<vmem>>
    %dma_start3A_239 = tpu.memref_squeeze %dma_start3A_238 : memref<1x8x128xi32, #tpu.memory_space<vmem>> -> memref<8x128xi32, #tpu.memory_space<vmem>>
    %dma_start3A_240 = arith.constant 0 : i32
    %dma_start3A_241 = arith.constant 0 : i32
    %dma_start3A_242 = tpu.memref_slice %arg2[%dma_start3A_234, %add3A, %dma_start3A_240, %dma_start3A_241] : memref<25x32x8x128xi32, #tpu.memory_space<hbm>> -> memref<1x1x8x128xi32, #tpu.memory_space<hbm>>
    %dma_start3A_243 = tpu.memref_squeeze %dma_start3A_242 : memref<1x1x8x128xi32, #tpu.memory_space<hbm>> -> memref<8x128xi32, #tpu.memory_space<hbm>>
    %dma_start3A_244 = arith.constant 0 : i32
    %dma_start3A_245 = arith.constant 0 : i32
    %dma_start3A_246 = tpu.memref_slice %arg6[%dma_start3A_235, %dma_start3A_244, %dma_start3A_245] : memref<25x8x128xi32, #tpu.memory_space<vmem>> -> memref<1x8x128xi32, #tpu.memory_space<vmem>>
    %dma_start3A_247 = tpu.memref_squeeze %dma_start3A_246 : memref<1x8x128xi32, #tpu.memory_space<vmem>> -> memref<8x128xi32, #tpu.memory_space<vmem>>
    %dma_start3A_248 = arith.constant 0 : i32
    %dma_start3A_249 = arith.constant 0 : i32
    %dma_start3A_250 = tpu.memref_slice %arg2[%dma_start3A_234, %add3A, %dma_start3A_248, %dma_start3A_249] : memref<25x32x8x128xi32, #tpu.memory_space<hbm>> -> memref<1x1x8x128xi32, #tpu.memory_space<hbm>>
    %dma_start3A_251 = tpu.memref_squeeze %dma_start3A_250 : memref<1x1x8x128xi32, #tpu.memory_space<hbm>> -> memref<8x128xi32, #tpu.memory_space<hbm>>
    tpu.enqueue_dma source(%dma_start3A_251 : memref<8x128xi32, #tpu.memory_space<hbm>>) target(%dma_start3A_247 : memref<8x128xi32, #tpu.memory_space<vmem>>) target_semaphore(%arg24 : memref<!tpu.dma_semaphore, #tpu.memory_space<semaphore_mem>>)
    %dma_start3A_252 = arith.constant 14 : i32
    %dma_start3A_253 = arith.constant 14 : i32
    %dma_start3A_254 = arith.constant 0 : i32
    %dma_start3A_255 = arith.constant 0 : i32
    %dma_start3A_256 = tpu.memref_slice %arg6[%dma_start3A_253, %dma_start3A_254, %dma_start3A_255] : memref<25x8x128xi32, #tpu.memory_space<vmem>> -> memref<1x8x128xi32, #tpu.memory_space<vmem>>
    %dma_start3A_257 = tpu.memref_squeeze %dma_start3A_256 : memref<1x8x128xi32, #tpu.memory_space<vmem>> -> memref<8x128xi32, #tpu.memory_space<vmem>>
    %dma_start3A_258 = arith.constant 0 : i32
    %dma_start3A_259 = arith.constant 0 : i32
    %dma_start3A_260 = tpu.memref_slice %arg2[%dma_start3A_252, %add3A, %dma_start3A_258, %dma_start3A_259] : memref<25x32x8x128xi32, #tpu.memory_space<hbm>> -> memref<1x1x8x128xi32, #tpu.memory_space<hbm>>
    %dma_start3A_261 = tpu.memref_squeeze %dma_start3A_260 : memref<1x1x8x128xi32, #tpu.memory_space<hbm>> -> memref<8x128xi32, #tpu.memory_space<hbm>>
    %dma_start3A_262 = arith.constant 0 : i32
    %dma_start3A_263 = arith.constant 0 : i32
    %dma_start3A_264 = tpu.memref_slice %arg6[%dma_start3A_253, %dma_start3A_262, %dma_start3A_263] : memref<25x8x128xi32, #tpu.memory_space<vmem>> -> memref<1x8x128xi32, #tpu.memory_space<vmem>>
    %dma_start3A_265 = tpu.memref_squeeze %dma_start3A_264 : memref<1x8x128xi32, #tpu.memory_space<vmem>> -> memref<8x128xi32, #tpu.memory_space<vmem>>
    %dma_start3A_266 = arith.constant 0 : i32
    %dma_start3A_267 = arith.constant 0 : i32
    %dma_start3A_268 = tpu.memref_slice %arg2[%dma_start3A_252, %add3A, %dma_start3A_266, %dma_start3A_267] : memref<25x32x8x128xi32, #tpu.memory_space<hbm>> -> memref<1x1x8x128xi32, #tpu.memory_space<hbm>>
    %dma_start3A_269 = tpu.memref_squeeze %dma_start3A_268 : memref<1x1x8x128xi32, #tpu.memory_space<hbm>> -> memref<8x128xi32, #tpu.memory_space<hbm>>
    tpu.enqueue_dma source(%dma_start3A_269 : memref<8x128xi32, #tpu.memory_space<hbm>>) target(%dma_start3A_265 : memref<8x128xi32, #tpu.memory_space<vmem>>) target_semaphore(%arg24 : memref<!tpu.dma_semaphore, #tpu.memory_space<semaphore_mem>>)
    %dma_start3A_270 = arith.constant 15 : i32
    %dma_start3A_271 = arith.constant 15 : i32
    %dma_start3A_272 = arith.constant 0 : i32
    %dma_start3A_273 = arith.constant 0 : i32
    %dma_start3A_274 = tpu.memref_slice %arg6[%dma_start3A_271, %dma_start3A_272, %dma_start3A_273] : memref<25x8x128xi32, #tpu.memory_space<vmem>> -> memref<1x8x128xi32, #tpu.memory_space<vmem>>
    %dma_start3A_275 = tpu.memref_squeeze %dma_start3A_274 : memref<1x8x128xi32, #tpu.memory_space<vmem>> -> memref<8x128xi32, #tpu.memory_space<vmem>>
    %dma_start3A_276 = arith.constant 0 : i32
    %dma_start3A_277 = arith.constant 0 : i32
    %dma_start3A_278 = tpu.memref_slice %arg2[%dma_start3A_270, %add3A, %dma_start3A_276, %dma_start3A_277] : memref<25x32x8x128xi32, #tpu.memory_space<hbm>> -> memref<1x1x8x128xi32, #tpu.memory_space<hbm>>
    %dma_start3A_279 = tpu.memref_squeeze %dma_start3A_278 : memref<1x1x8x128xi32, #tpu.memory_space<hbm>> -> memref<8x128xi32, #tpu.memory_space<hbm>>
    %dma_start3A_280 = arith.constant 0 : i32
    %dma_start3A_281 = arith.constant 0 : i32
    %dma_start3A_282 = tpu.memref_slice %arg6[%dma_start3A_271, %dma_start3A_280, %dma_start3A_281] : memref<25x8x128xi32, #tpu.memory_space<vmem>> -> memref<1x8x128xi32, #tpu.memory_space<vmem>>
    %dma_start3A_283 = tpu.memref_squeeze %dma_start3A_282 : memref<1x8x128xi32, #tpu.memory_space<vmem>> -> memref<8x128xi32, #tpu.memory_space<vmem>>
    %dma_start3A_284 = arith.constant 0 : i32
    %dma_start3A_285 = arith.constant 0 : i32
    %dma_start3A_286 = tpu.memref_slice %arg2[%dma_start3A_270, %add3A, %dma_start3A_284, %dma_start3A_285] : memref<25x32x8x128xi32, #tpu.memory_space<hbm>> -> memref<1x1x8x128xi32, #tpu.memory_space<hbm>>
    %dma_start3A_287 = tpu.memref_squeeze %dma_start3A_286 : memref<1x1x8x128xi32, #tpu.memory_space<hbm>> -> memref<8x128xi32, #tpu.memory_space<hbm>>
    tpu.enqueue_dma source(%dma_start3A_287 : memref<8x128xi32, #tpu.memory_space<hbm>>) target(%dma_start3A_283 : memref<8x128xi32, #tpu.memory_space<vmem>>) target_semaphore(%arg24 : memref<!tpu.dma_semaphore, #tpu.memory_space<semaphore_mem>>)
    %dma_start3A_288 = arith.constant 16 : i32
    %dma_start3A_289 = arith.constant 16 : i32
    %dma_start3A_290 = arith.constant 0 : i32
    %dma_start3A_291 = arith.constant 0 : i32
    %dma_start3A_292 = tpu.memref_slice %arg6[%dma_start3A_289, %dma_start3A_290, %dma_start3A_291] : memref<25x8x128xi32, #tpu.memory_space<vmem>> -> memref<1x8x128xi32, #tpu.memory_space<vmem>>
    %dma_start3A_293 = tpu.memref_squeeze %dma_start3A_292 : memref<1x8x128xi32, #tpu.memory_space<vmem>> -> memref<8x128xi32, #tpu.memory_space<vmem>>
    %dma_start3A_294 = arith.constant 0 : i32
    %dma_start3A_295 = arith.constant 0 : i32
    %dma_start3A_296 = tpu.memref_slice %arg2[%dma_start3A_288, %add3A, %dma_start3A_294, %dma_start3A_295] : memref<25x32x8x128xi32, #tpu.memory_space<hbm>> -> memref<1x1x8x128xi32, #tpu.memory_space<hbm>>
    %dma_start3A_297 = tpu.memref_squeeze %dma_start3A_296 : memref<1x1x8x128xi32, #tpu.memory_space<hbm>> -> memref<8x128xi32, #tpu.memory_space<hbm>>
    %dma_start3A_298 = arith.constant 0 : i32
    %dma_start3A_299 = arith.constant 0 : i32
    %dma_start3A_300 = tpu.memref_slice %arg6[%dma_start3A_289, %dma_start3A_298, %dma_start3A_299] : memref<25x8x128xi32, #tpu.memory_space<vmem>> -> memref<1x8x128xi32, #tpu.memory_space<vmem>>
    %dma_start3A_301 = tpu.memref_squeeze %dma_start3A_300 : memref<1x8x128xi32, #tpu.memory_space<vmem>> -> memref<8x128xi32, #tpu.memory_space<vmem>>
    %dma_start3A_302 = arith.constant 0 : i32
    %dma_start3A_303 = arith.constant 0 : i32
    %dma_start3A_304 = tpu.memref_slice %arg2[%dma_start3A_288, %add3A, %dma_start3A_302, %dma_start3A_303] : memref<25x32x8x128xi32, #tpu.memory_space<hbm>> -> memref<1x1x8x128xi32, #tpu.memory_space<hbm>>
    %dma_start3A_305 = tpu.memref_squeeze %dma_start3A_304 : memref<1x1x8x128xi32, #tpu.memory_space<hbm>> -> memref<8x128xi32, #tpu.memory_space<hbm>>
    tpu.enqueue_dma source(%dma_start3A_305 : memref<8x128xi32, #tpu.memory_space<hbm>>) target(%dma_start3A_301 : memref<8x128xi32, #tpu.memory_space<vmem>>) target_semaphore(%arg24 : memref<!tpu.dma_semaphore, #tpu.memory_space<semaphore_mem>>)
    %dma_start3A_306 = arith.constant 17 : i32
    %dma_start3A_307 = arith.constant 17 : i32
    %dma_start3A_308 = arith.constant 0 : i32
    %dma_start3A_309 = arith.constant 0 : i32
    %dma_start3A_310 = tpu.memref_slice %arg6[%dma_start3A_307, %dma_start3A_308, %dma_start3A_309] : memref<25x8x128xi32, #tpu.memory_space<vmem>> -> memref<1x8x128xi32, #tpu.memory_space<vmem>>
    %dma_start3A_311 = tpu.memref_squeeze %dma_start3A_310 : memref<1x8x128xi32, #tpu.memory_space<vmem>> -> memref<8x128xi32, #tpu.memory_space<vmem>>
    %dma_start3A_312 = arith.constant 0 : i32
    %dma_start3A_313 = arith.constant 0 : i32
    %dma_start3A_314 = tpu.memref_slice %arg2[%dma_start3A_306, %add3A, %dma_start3A_312, %dma_start3A_313] : memref<25x32x8x128xi32, #tpu.memory_space<hbm>> -> memref<1x1x8x128xi32, #tpu.memory_space<hbm>>
    %dma_start3A_315 = tpu.memref_squeeze %dma_start3A_314 : memref<1x1x8x128xi32, #tpu.memory_space<hbm>> -> memref<8x128xi32, #tpu.memory_space<hbm>>
    %dma_start3A_316 = arith.constant 0 : i32
    %dma_start3A_317 = arith.constant 0 : i32
    %dma_start3A_318 = tpu.memref_slice %arg6[%dma_start3A_307, %dma_start3A_316, %dma_start3A_317] : memref<25x8x128xi32, #tpu.memory_space<vmem>> -> memref<1x8x128xi32, #tpu.memory_space<vmem>>
    %dma_start3A_319 = tpu.memref_squeeze %dma_start3A_318 : memref<1x8x128xi32, #tpu.memory_space<vmem>> -> memref<8x128xi32, #tpu.memory_space<vmem>>
    %dma_start3A_320 = arith.constant 0 : i32
    %dma_start3A_321 = arith.constant 0 : i32
    %dma_start3A_322 = tpu.memref_slice %arg2[%dma_start3A_306, %add3A, %dma_start3A_320, %dma_start3A_321] : memref<25x32x8x128xi32, #tpu.memory_space<hbm>> -> memref<1x1x8x128xi32, #tpu.memory_space<hbm>>
    %dma_start3A_323 = tpu.memref_squeeze %dma_start3A_322 : memref<1x1x8x128xi32, #tpu.memory_space<hbm>> -> memref<8x128xi32, #tpu.memory_space<hbm>>
    tpu.enqueue_dma source(%dma_start3A_323 : memref<8x128xi32, #tpu.memory_space<hbm>>) target(%dma_start3A_319 : memref<8x128xi32, #tpu.memory_space<vmem>>) target_semaphore(%arg24 : memref<!tpu.dma_semaphore, #tpu.memory_space<semaphore_mem>>)
    %dma_start3A_324 = arith.constant 18 : i32
    %dma_start3A_325 = arith.constant 18 : i32
    %dma_start3A_326 = arith.constant 0 : i32
    %dma_start3A_327 = arith.constant 0 : i32
    %dma_start3A_328 = tpu.memref_slice %arg6[%dma_start3A_325, %dma_start3A_326, %dma_start3A_327] : memref<25x8x128xi32, #tpu.memory_space<vmem>> -> memref<1x8x128xi32, #tpu.memory_space<vmem>>
    %dma_start3A_329 = tpu.memref_squeeze %dma_start3A_328 : memref<1x8x128xi32, #tpu.memory_space<vmem>> -> memref<8x128xi32, #tpu.memory_space<vmem>>
    %dma_start3A_330 = arith.constant 0 : i32
    %dma_start3A_331 = arith.constant 0 : i32
    %dma_start3A_332 = tpu.memref_slice %arg2[%dma_start3A_324, %add3A, %dma_start3A_330, %dma_start3A_331] : memref<25x32x8x128xi32, #tpu.memory_space<hbm>> -> memref<1x1x8x128xi32, #tpu.memory_space<hbm>>
    %dma_start3A_333 = tpu.memref_squeeze %dma_start3A_332 : memref<1x1x8x128xi32, #tpu.memory_space<hbm>> -> memref<8x128xi32, #tpu.memory_space<hbm>>
    %dma_start3A_334 = arith.constant 0 : i32
    %dma_start3A_335 = arith.constant 0 : i32
    %dma_start3A_336 = tpu.memref_slice %arg6[%dma_start3A_325, %dma_start3A_334, %dma_start3A_335] : memref<25x8x128xi32, #tpu.memory_space<vmem>> -> memref<1x8x128xi32, #tpu.memory_space<vmem>>
    %dma_start3A_337 = tpu.memref_squeeze %dma_start3A_336 : memref<1x8x128xi32, #tpu.memory_space<vmem>> -> memref<8x128xi32, #tpu.memory_space<vmem>>
    %dma_start3A_338 = arith.constant 0 : i32
    %dma_start3A_339 = arith.constant 0 : i32
    %dma_start3A_340 = tpu.memref_slice %arg2[%dma_start3A_324, %add3A, %dma_start3A_338, %dma_start3A_339] : memref<25x32x8x128xi32, #tpu.memory_space<hbm>> -> memref<1x1x8x128xi32, #tpu.memory_space<hbm>>
    %dma_start3A_341 = tpu.memref_squeeze %dma_start3A_340 : memref<1x1x8x128xi32, #tpu.memory_space<hbm>> -> memref<8x128xi32, #tpu.memory_space<hbm>>
    tpu.enqueue_dma source(%dma_start3A_341 : memref<8x128xi32, #tpu.memory_space<hbm>>) target(%dma_start3A_337 : memref<8x128xi32, #tpu.memory_space<vmem>>) target_semaphore(%arg24 : memref<!tpu.dma_semaphore, #tpu.memory_space<semaphore_mem>>)
    %dma_start3A_342 = arith.constant 19 : i32
    %dma_start3A_343 = arith.constant 19 : i32
    %dma_start3A_344 = arith.constant 0 : i32
    %dma_start3A_345 = arith.constant 0 : i32
    %dma_start3A_346 = tpu.memref_slice %arg6[%dma_start3A_343, %dma_start3A_344, %dma_start3A_345] : memref<25x8x128xi32, #tpu.memory_space<vmem>> -> memref<1x8x128xi32, #tpu.memory_space<vmem>>
    %dma_start3A_347 = tpu.memref_squeeze %dma_start3A_346 : memref<1x8x128xi32, #tpu.memory_space<vmem>> -> memref<8x128xi32, #tpu.memory_space<vmem>>
    %dma_start3A_348 = arith.constant 0 : i32
    %dma_start3A_349 = arith.constant 0 : i32
    %dma_start3A_350 = tpu.memref_slice %arg2[%dma_start3A_342, %add3A, %dma_start3A_348, %dma_start3A_349] : memref<25x32x8x128xi32, #tpu.memory_space<hbm>> -> memref<1x1x8x128xi32, #tpu.memory_space<hbm>>
    %dma_start3A_351 = tpu.memref_squeeze %dma_start3A_350 : memref<1x1x8x128xi32, #tpu.memory_space<hbm>> -> memref<8x128xi32, #tpu.memory_space<hbm>>
    %dma_start3A_352 = arith.constant 0 : i32
    %dma_start3A_353 = arith.constant 0 : i32
    %dma_start3A_354 = tpu.memref_slice %arg6[%dma_start3A_343, %dma_start3A_352, %dma_start3A_353] : memref<25x8x128xi32, #tpu.memory_space<vmem>> -> memref<1x8x128xi32, #tpu.memory_space<vmem>>
    %dma_start3A_355 = tpu.memref_squeeze %dma_start3A_354 : memref<1x8x128xi32, #tpu.memory_space<vmem>> -> memref<8x128xi32, #tpu.memory_space<vmem>>
    %dma_start3A_356 = arith.constant 0 : i32
    %dma_start3A_357 = arith.constant 0 : i32
    %dma_start3A_358 = tpu.memref_slice %arg2[%dma_start3A_342, %add3A, %dma_start3A_356, %dma_start3A_357] : memref<25x32x8x128xi32, #tpu.memory_space<hbm>> -> memref<1x1x8x128xi32, #tpu.memory_space<hbm>>
    %dma_start3A_359 = tpu.memref_squeeze %dma_start3A_358 : memref<1x1x8x128xi32, #tpu.memory_space<hbm>> -> memref<8x128xi32, #tpu.memory_space<hbm>>
    tpu.enqueue_dma source(%dma_start3A_359 : memref<8x128xi32, #tpu.memory_space<hbm>>) target(%dma_start3A_355 : memref<8x128xi32, #tpu.memory_space<vmem>>) target_semaphore(%arg24 : memref<!tpu.dma_semaphore, #tpu.memory_space<semaphore_mem>>)
    %dma_start3A_360 = arith.constant 20 : i32
    %dma_start3A_361 = arith.constant 20 : i32
    %dma_start3A_362 = arith.constant 0 : i32
    %dma_start3A_363 = arith.constant 0 : i32
    %dma_start3A_364 = tpu.memref_slice %arg6[%dma_start3A_361, %dma_start3A_362, %dma_start3A_363] : memref<25x8x128xi32, #tpu.memory_space<vmem>> -> memref<1x8x128xi32, #tpu.memory_space<vmem>>
    %dma_start3A_365 = tpu.memref_squeeze %dma_start3A_364 : memref<1x8x128xi32, #tpu.memory_space<vmem>> -> memref<8x128xi32, #tpu.memory_space<vmem>>
    %dma_start3A_366 = arith.constant 0 : i32
    %dma_start3A_367 = arith.constant 0 : i32
    %dma_start3A_368 = tpu.memref_slice %arg2[%dma_start3A_360, %add3A, %dma_start3A_366, %dma_start3A_367] : memref<25x32x8x128xi32, #tpu.memory_space<hbm>> -> memref<1x1x8x128xi32, #tpu.memory_space<hbm>>
    %dma_start3A_369 = tpu.memref_squeeze %dma_start3A_368 : memref<1x1x8x128xi32, #tpu.memory_space<hbm>> -> memref<8x128xi32, #tpu.memory_space<hbm>>
    %dma_start3A_370 = arith.constant 0 : i32
    %dma_start3A_371 = arith.constant 0 : i32
    %dma_start3A_372 = tpu.memref_slice %arg6[%dma_start3A_361, %dma_start3A_370, %dma_start3A_371] : memref<25x8x128xi32, #tpu.memory_space<vmem>> -> memref<1x8x128xi32, #tpu.memory_space<vmem>>
    %dma_start3A_373 = tpu.memref_squeeze %dma_start3A_372 : memref<1x8x128xi32, #tpu.memory_space<vmem>> -> memref<8x128xi32, #tpu.memory_space<vmem>>
    %dma_start3A_374 = arith.constant 0 : i32
    %dma_start3A_375 = arith.constant 0 : i32
    %dma_start3A_376 = tpu.memref_slice %arg2[%dma_start3A_360, %add3A, %dma_start3A_374, %dma_start3A_375] : memref<25x32x8x128xi32, #tpu.memory_space<hbm>> -> memref<1x1x8x128xi32, #tpu.memory_space<hbm>>
    %dma_start3A_377 = tpu.memref_squeeze %dma_start3A_376 : memref<1x1x8x128xi32, #tpu.memory_space<hbm>> -> memref<8x128xi32, #tpu.memory_space<hbm>>
    tpu.enqueue_dma source(%dma_start3A_377 : memref<8x128xi32, #tpu.memory_space<hbm>>) target(%dma_start3A_373 : memref<8x128xi32, #tpu.memory_space<vmem>>) target_semaphore(%arg24 : memref<!tpu.dma_semaphore, #tpu.memory_space<semaphore_mem>>)
    %dma_start3A_378 = arith.constant 21 : i32
    %dma_start3A_379 = arith.constant 21 : i32
    %dma_start3A_380 = arith.constant 0 : i32
    %dma_start3A_381 = arith.constant 0 : i32
    %dma_start3A_382 = tpu.memref_slice %arg6[%dma_start3A_379, %dma_start3A_380, %dma_start3A_381] : memref<25x8x128xi32, #tpu.memory_space<vmem>> -> memref<1x8x128xi32, #tpu.memory_space<vmem>>
    %dma_start3A_383 = tpu.memref_squeeze %dma_start3A_382 : memref<1x8x128xi32, #tpu.memory_space<vmem>> -> memref<8x128xi32, #tpu.memory_space<vmem>>
    %dma_start3A_384 = arith.constant 0 : i32
    %dma_start3A_385 = arith.constant 0 : i32
    %dma_start3A_386 = tpu.memref_slice %arg2[%dma_start3A_378, %add3A, %dma_start3A_384, %dma_start3A_385] : memref<25x32x8x128xi32, #tpu.memory_space<hbm>> -> memref<1x1x8x128xi32, #tpu.memory_space<hbm>>
    %dma_start3A_387 = tpu.memref_squeeze %dma_start3A_386 : memref<1x1x8x128xi32, #tpu.memory_space<hbm>> -> memref<8x128xi32, #tpu.memory_space<hbm>>
    %dma_start3A_388 = arith.constant 0 : i32
    %dma_start3A_389 = arith.constant 0 : i32
    %dma_start3A_390 = tpu.memref_slice %arg6[%dma_start3A_379, %dma_start3A_388, %dma_start3A_389] : memref<25x8x128xi32, #tpu.memory_space<vmem>> -> memref<1x8x128xi32, #tpu.memory_space<vmem>>
    %dma_start3A_391 = tpu.memref_squeeze %dma_start3A_390 : memref<1x8x128xi32, #tpu.memory_space<vmem>> -> memref<8x128xi32, #tpu.memory_space<vmem>>
    %dma_start3A_392 = arith.constant 0 : i32
    %dma_start3A_393 = arith.constant 0 : i32
    %dma_start3A_394 = tpu.memref_slice %arg2[%dma_start3A_378, %add3A, %dma_start3A_392, %dma_start3A_393] : memref<25x32x8x128xi32, #tpu.memory_space<hbm>> -> memref<1x1x8x128xi32, #tpu.memory_space<hbm>>
    %dma_start3A_395 = tpu.memref_squeeze %dma_start3A_394 : memref<1x1x8x128xi32, #tpu.memory_space<hbm>> -> memref<8x128xi32, #tpu.memory_space<hbm>>
    tpu.enqueue_dma source(%dma_start3A_395 : memref<8x128xi32, #tpu.memory_space<hbm>>) target(%dma_start3A_391 : memref<8x128xi32, #tpu.memory_space<vmem>>) target_semaphore(%arg24 : memref<!tpu.dma_semaphore, #tpu.memory_space<semaphore_mem>>)
    %dma_start3A_396 = arith.constant 22 : i32
    %dma_start3A_397 = arith.constant 22 : i32
    %dma_start3A_398 = arith.constant 0 : i32
    %dma_start3A_399 = arith.constant 0 : i32
    %dma_start3A_400 = tpu.memref_slice %arg6[%dma_start3A_397, %dma_start3A_398, %dma_start3A_399] : memref<25x8x128xi32, #tpu.memory_space<vmem>> -> memref<1x8x128xi32, #tpu.memory_space<vmem>>
    %dma_start3A_401 = tpu.memref_squeeze %dma_start3A_400 : memref<1x8x128xi32, #tpu.memory_space<vmem>> -> memref<8x128xi32, #tpu.memory_space<vmem>>
    %dma_start3A_402 = arith.constant 0 : i32
    %dma_start3A_403 = arith.constant 0 : i32
    %dma_start3A_404 = tpu.memref_slice %arg2[%dma_start3A_396, %add3A, %dma_start3A_402, %dma_start3A_403] : memref<25x32x8x128xi32, #tpu.memory_space<hbm>> -> memref<1x1x8x128xi32, #tpu.memory_space<hbm>>
    %dma_start3A_405 = tpu.memref_squeeze %dma_start3A_404 : memref<1x1x8x128xi32, #tpu.memory_space<hbm>> -> memref<8x128xi32, #tpu.memory_space<hbm>>
    %dma_start3A_406 = arith.constant 0 : i32
    %dma_start3A_407 = arith.constant 0 : i32
    %dma_start3A_408 = tpu.memref_slice %arg6[%dma_start3A_397, %dma_start3A_406, %dma_start3A_407] : memref<25x8x128xi32, #tpu.memory_space<vmem>> -> memref<1x8x128xi32, #tpu.memory_space<vmem>>
    %dma_start3A_409 = tpu.memref_squeeze %dma_start3A_408 : memref<1x8x128xi32, #tpu.memory_space<vmem>> -> memref<8x128xi32, #tpu.memory_space<vmem>>
    %dma_start3A_410 = arith.constant 0 : i32
    %dma_start3A_411 = arith.constant 0 : i32
    %dma_start3A_412 = tpu.memref_slice %arg2[%dma_start3A_396, %add3A, %dma_start3A_410, %dma_start3A_411] : memref<25x32x8x128xi32, #tpu.memory_space<hbm>> -> memref<1x1x8x128xi32, #tpu.memory_space<hbm>>
    %dma_start3A_413 = tpu.memref_squeeze %dma_start3A_412 : memref<1x1x8x128xi32, #tpu.memory_space<hbm>> -> memref<8x128xi32, #tpu.memory_space<hbm>>
    tpu.enqueue_dma source(%dma_start3A_413 : memref<8x128xi32, #tpu.memory_space<hbm>>) target(%dma_start3A_409 : memref<8x128xi32, #tpu.memory_space<vmem>>) target_semaphore(%arg24 : memref<!tpu.dma_semaphore, #tpu.memory_space<semaphore_mem>>)
    %dma_start3A_414 = arith.constant 23 : i32
    %dma_start3A_415 = arith.constant 23 : i32
    %dma_start3A_416 = arith.constant 0 : i32
    %dma_start3A_417 = arith.constant 0 : i32
    %dma_start3A_418 = tpu.memref_slice %arg6[%dma_start3A_415, %dma_start3A_416, %dma_start3A_417] : memref<25x8x128xi32, #tpu.memory_space<vmem>> -> memref<1x8x128xi32, #tpu.memory_space<vmem>>
    %dma_start3A_419 = tpu.memref_squeeze %dma_start3A_418 : memref<1x8x128xi32, #tpu.memory_space<vmem>> -> memref<8x128xi32, #tpu.memory_space<vmem>>
    %dma_start3A_420 = arith.constant 0 : i32
    %dma_start3A_421 = arith.constant 0 : i32
    %dma_start3A_422 = tpu.memref_slice %arg2[%dma_start3A_414, %add3A, %dma_start3A_420, %dma_start3A_421] : memref<25x32x8x128xi32, #tpu.memory_space<hbm>> -> memref<1x1x8x128xi32, #tpu.memory_space<hbm>>
    %dma_start3A_423 = tpu.memref_squeeze %dma_start3A_422 : memref<1x1x8x128xi32, #tpu.memory_space<hbm>> -> memref<8x128xi32, #tpu.memory_space<hbm>>
    %dma_start3A_424 = arith.constant 0 : i32
    %dma_start3A_425 = arith.constant 0 : i32
    %dma_start3A_426 = tpu.memref_slice %arg6[%dma_start3A_415, %dma_start3A_424, %dma_start3A_425] : memref<25x8x128xi32, #tpu.memory_space<vmem>> -> memref<1x8x128xi32, #tpu.memory_space<vmem>>
    %dma_start3A_427 = tpu.memref_squeeze %dma_start3A_426 : memref<1x8x128xi32, #tpu.memory_space<vmem>> -> memref<8x128xi32, #tpu.memory_space<vmem>>
    %dma_start3A_428 = arith.constant 0 : i32
    %dma_start3A_429 = arith.constant 0 : i32
    %dma_start3A_430 = tpu.memref_slice %arg2[%dma_start3A_414, %add3A, %dma_start3A_428, %dma_start3A_429] : memref<25x32x8x128xi32, #tpu.memory_space<hbm>> -> memref<1x1x8x128xi32, #tpu.memory_space<hbm>>
    %dma_start3A_431 = tpu.memref_squeeze %dma_start3A_430 : memref<1x1x8x128xi32, #tpu.memory_space<hbm>> -> memref<8x128xi32, #tpu.memory_space<hbm>>
    tpu.enqueue_dma source(%dma_start3A_431 : memref<8x128xi32, #tpu.memory_space<hbm>>) target(%dma_start3A_427 : memref<8x128xi32, #tpu.memory_space<vmem>>) target_semaphore(%arg24 : memref<!tpu.dma_semaphore, #tpu.memory_space<semaphore_mem>>)
    %dma_start3A_432 = arith.constant 24 : i32
    %dma_start3A_433 = arith.constant 24 : i32
    %dma_start3A_434 = arith.constant 0 : i32
    %dma_start3A_435 = arith.constant 0 : i32
    %dma_start3A_436 = tpu.memref_slice %arg6[%dma_start3A_433, %dma_start3A_434, %dma_start3A_435] : memref<25x8x128xi32, #tpu.memory_space<vmem>> -> memref<1x8x128xi32, #tpu.memory_space<vmem>>
    %dma_start3A_437 = tpu.memref_squeeze %dma_start3A_436 : memref<1x8x128xi32, #tpu.memory_space<vmem>> -> memref<8x128xi32, #tpu.memory_space<vmem>>
    %dma_start3A_438 = arith.constant 0 : i32
    %dma_start3A_439 = arith.constant 0 : i32
    %dma_start3A_440 = tpu.memref_slice %arg2[%dma_start3A_432, %add3A, %dma_start3A_438, %dma_start3A_439] : memref<25x32x8x128xi32, #tpu.memory_space<hbm>> -> memref<1x1x8x128xi32, #tpu.memory_space<hbm>>
    %dma_start3A_441 = tpu.memref_squeeze %dma_start3A_440 : memref<1x1x8x128xi32, #tpu.memory_space<hbm>> -> memref<8x128xi32, #tpu.memory_space<hbm>>
    %dma_start3A_442 = arith.constant 0 : i32
    %dma_start3A_443 = arith.constant 0 : i32
    %dma_start3A_444 = tpu.memref_slice %arg6[%dma_start3A_433, %dma_start3A_442, %dma_start3A_443] : memref<25x8x128xi32, #tpu.memory_space<vmem>> -> memref<1x8x128xi32, #tpu.memory_space<vmem>>
    %dma_start3A_445 = tpu.memref_squeeze %dma_start3A_444 : memref<1x8x128xi32, #tpu.memory_space<vmem>> -> memref<8x128xi32, #tpu.memory_space<vmem>>
    %dma_start3A_446 = arith.constant 0 : i32
    %dma_start3A_447 = arith.constant 0 : i32
    %dma_start3A_448 = tpu.memref_slice %arg2[%dma_start3A_432, %add3A, %dma_start3A_446, %dma_start3A_447] : memref<25x32x8x128xi32, #tpu.memory_space<hbm>> -> memref<1x1x8x128xi32, #tpu.memory_space<hbm>>
    %dma_start3A_449 = tpu.memref_squeeze %dma_start3A_448 : memref<1x1x8x128xi32, #tpu.memory_space<hbm>> -> memref<8x128xi32, #tpu.memory_space<hbm>>
    tpu.enqueue_dma source(%dma_start3A_449 : memref<8x128xi32, #tpu.memory_space<hbm>>) target(%dma_start3A_445 : memref<8x128xi32, #tpu.memory_space<vmem>>) target_semaphore(%arg24 : memref<!tpu.dma_semaphore, #tpu.memory_space<semaphore_mem>>)
    "tpu.region"() ({
      %run_scoped3A = tpu.sem_alloc : memref<!tpu.dma_semaphore, #tpu.memory_space<semaphore_mem>>
      tpu.enqueue_dma source(%arg4 : memref<200x64xf32, #tpu.memory_space<hbm>>) target(%arg15 : memref<200x64xf32, #tpu.memory_space<vmem>>) target_semaphore(%run_scoped3A : memref<!tpu.dma_semaphore, #tpu.memory_space<semaphore_mem>>)
      tpu.wait_dma2 semaphore(%run_scoped3A : memref<!tpu.dma_semaphore, #tpu.memory_space<semaphore_mem>>) src(%arg4 : memref<200x64xf32, #tpu.memory_space<hbm>>) dst(%arg15 : memref<200x64xf32, #tpu.memory_space<vmem>>)
      tpu.yield
    }) : () -> ()
    %dma_wait3A = arith.constant 0 : i32
    %dma_wait3A_450 = arith.constant 0 : i32
    %dma_wait3A_451 = arith.constant 0 : i32
    %dma_wait3A_452 = arith.constant 0 : i32
    %dma_wait3A_453 = tpu.memref_slice %arg6[%dma_wait3A_450, %dma_wait3A_451, %dma_wait3A_452] : memref<25x8x128xi32, #tpu.memory_space<vmem>> -> memref<1x8x128xi32, #tpu.memory_space<vmem>>
    %dma_wait3A_454 = tpu.memref_squeeze %dma_wait3A_453 : memref<1x8x128xi32, #tpu.memory_space<vmem>> -> memref<8x128xi32, #tpu.memory_space<vmem>>
    %dma_wait3A_455 = arith.constant 0 : i32
    %dma_wait3A_456 = arith.constant 0 : i32
    %dma_wait3A_457 = tpu.memref_slice %arg2[%dma_wait3A, %add3A, %dma_wait3A_455, %dma_wait3A_456] : memref<25x32x8x128xi32, #tpu.memory_space<hbm>> -> memref<1x1x8x128xi32, #tpu.memory_space<hbm>>
    %dma_wait3A_458 = tpu.memref_squeeze %dma_wait3A_457 : memref<1x1x8x128xi32, #tpu.memory_space<hbm>> -> memref<8x128xi32, #tpu.memory_space<hbm>>
    %dma_wait3A_459 = arith.constant 0 : i32
    %dma_wait3A_460 = arith.constant 0 : i32
    %dma_wait3A_461 = tpu.memref_slice %arg6[%dma_wait3A_450, %dma_wait3A_459, %dma_wait3A_460] : memref<25x8x128xi32, #tpu.memory_space<vmem>> -> memref<1x8x128xi32, #tpu.memory_space<vmem>>
    %dma_wait3A_462 = tpu.memref_squeeze %dma_wait3A_461 : memref<1x8x128xi32, #tpu.memory_space<vmem>> -> memref<8x128xi32, #tpu.memory_space<vmem>>
    %dma_wait3A_463 = arith.constant 0 : i32
    %dma_wait3A_464 = arith.constant 0 : i32
    %dma_wait3A_465 = tpu.memref_slice %arg2[%dma_wait3A, %add3A, %dma_wait3A_463, %dma_wait3A_464] : memref<25x32x8x128xi32, #tpu.memory_space<hbm>> -> memref<1x1x8x128xi32, #tpu.memory_space<hbm>>
    %dma_wait3A_466 = tpu.memref_squeeze %dma_wait3A_465 : memref<1x1x8x128xi32, #tpu.memory_space<hbm>> -> memref<8x128xi32, #tpu.memory_space<hbm>>
    tpu.wait_dma2 semaphore(%arg24 : memref<!tpu.dma_semaphore, #tpu.memory_space<semaphore_mem>>) src(%dma_wait3A_466 : memref<8x128xi32, #tpu.memory_space<hbm>>) dst(%dma_wait3A_462 : memref<8x128xi32, #tpu.memory_space<vmem>>)
    %dma_wait3A_467 = arith.constant 1 : i32
    %dma_wait3A_468 = arith.constant 1 : i32
    %dma_wait3A_469 = arith.constant 0 : i32
    %dma_wait3A_470 = arith.constant 0 : i32
    %dma_wait3A_471 = tpu.memref_slice %arg6[%dma_wait3A_468, %dma_wait3A_469, %dma_wait3A_470] : memref<25x8x128xi32, #tpu.memory_space<vmem>> -> memref<1x8x128xi32, #tpu.memory_space<vmem>>
    %dma_wait3A_472 = tpu.memref_squeeze %dma_wait3A_471 : memref<1x8x128xi32, #tpu.memory_space<vmem>> -> memref<8x128xi32, #tpu.memory_space<vmem>>
    %dma_wait3A_473 = arith.constant 0 : i32
    %dma_wait3A_474 = arith.constant 0 : i32
    %dma_wait3A_475 = tpu.memref_slice %arg2[%dma_wait3A_467, %add3A, %dma_wait3A_473, %dma_wait3A_474] : memref<25x32x8x128xi32, #tpu.memory_space<hbm>> -> memref<1x1x8x128xi32, #tpu.memory_space<hbm>>
    %dma_wait3A_476 = tpu.memref_squeeze %dma_wait3A_475 : memref<1x1x8x128xi32, #tpu.memory_space<hbm>> -> memref<8x128xi32, #tpu.memory_space<hbm>>
    %dma_wait3A_477 = arith.constant 0 : i32
    %dma_wait3A_478 = arith.constant 0 : i32
    %dma_wait3A_479 = tpu.memref_slice %arg6[%dma_wait3A_468, %dma_wait3A_477, %dma_wait3A_478] : memref<25x8x128xi32, #tpu.memory_space<vmem>> -> memref<1x8x128xi32, #tpu.memory_space<vmem>>
    %dma_wait3A_480 = tpu.memref_squeeze %dma_wait3A_479 : memref<1x8x128xi32, #tpu.memory_space<vmem>> -> memref<8x128xi32, #tpu.memory_space<vmem>>
    %dma_wait3A_481 = arith.constant 0 : i32
    %dma_wait3A_482 = arith.constant 0 : i32
    %dma_wait3A_483 = tpu.memref_slice %arg2[%dma_wait3A_467, %add3A, %dma_wait3A_481, %dma_wait3A_482] : memref<25x32x8x128xi32, #tpu.memory_space<hbm>> -> memref<1x1x8x128xi32, #tpu.memory_space<hbm>>
    %dma_wait3A_484 = tpu.memref_squeeze %dma_wait3A_483 : memref<1x1x8x128xi32, #tpu.memory_space<hbm>> -> memref<8x128xi32, #tpu.memory_space<hbm>>
    tpu.wait_dma2 semaphore(%arg24 : memref<!tpu.dma_semaphore, #tpu.memory_space<semaphore_mem>>) src(%dma_wait3A_484 : memref<8x128xi32, #tpu.memory_space<hbm>>) dst(%dma_wait3A_480 : memref<8x128xi32, #tpu.memory_space<vmem>>)
    %dma_wait3A_485 = arith.constant 2 : i32
    %dma_wait3A_486 = arith.constant 2 : i32
    %dma_wait3A_487 = arith.constant 0 : i32
    %dma_wait3A_488 = arith.constant 0 : i32
    %dma_wait3A_489 = tpu.memref_slice %arg6[%dma_wait3A_486, %dma_wait3A_487, %dma_wait3A_488] : memref<25x8x128xi32, #tpu.memory_space<vmem>> -> memref<1x8x128xi32, #tpu.memory_space<vmem>>
    %dma_wait3A_490 = tpu.memref_squeeze %dma_wait3A_489 : memref<1x8x128xi32, #tpu.memory_space<vmem>> -> memref<8x128xi32, #tpu.memory_space<vmem>>
    %dma_wait3A_491 = arith.constant 0 : i32
    %dma_wait3A_492 = arith.constant 0 : i32
    %dma_wait3A_493 = tpu.memref_slice %arg2[%dma_wait3A_485, %add3A, %dma_wait3A_491, %dma_wait3A_492] : memref<25x32x8x128xi32, #tpu.memory_space<hbm>> -> memref<1x1x8x128xi32, #tpu.memory_space<hbm>>
    %dma_wait3A_494 = tpu.memref_squeeze %dma_wait3A_493 : memref<1x1x8x128xi32, #tpu.memory_space<hbm>> -> memref<8x128xi32, #tpu.memory_space<hbm>>
    %dma_wait3A_495 = arith.constant 0 : i32
    %dma_wait3A_496 = arith.constant 0 : i32
    %dma_wait3A_497 = tpu.memref_slice %arg6[%dma_wait3A_486, %dma_wait3A_495, %dma_wait3A_496] : memref<25x8x128xi32, #tpu.memory_space<vmem>> -> memref<1x8x128xi32, #tpu.memory_space<vmem>>
    %dma_wait3A_498 = tpu.memref_squeeze %dma_wait3A_497 : memref<1x8x128xi32, #tpu.memory_space<vmem>> -> memref<8x128xi32, #tpu.memory_space<vmem>>
    %dma_wait3A_499 = arith.constant 0 : i32
    %dma_wait3A_500 = arith.constant 0 : i32
    %dma_wait3A_501 = tpu.memref_slice %arg2[%dma_wait3A_485, %add3A, %dma_wait3A_499, %dma_wait3A_500] : memref<25x32x8x128xi32, #tpu.memory_space<hbm>> -> memref<1x1x8x128xi32, #tpu.memory_space<hbm>>
    %dma_wait3A_502 = tpu.memref_squeeze %dma_wait3A_501 : memref<1x1x8x128xi32, #tpu.memory_space<hbm>> -> memref<8x128xi32, #tpu.memory_space<hbm>>
    tpu.wait_dma2 semaphore(%arg24 : memref<!tpu.dma_semaphore, #tpu.memory_space<semaphore_mem>>) src(%dma_wait3A_502 : memref<8x128xi32, #tpu.memory_space<hbm>>) dst(%dma_wait3A_498 : memref<8x128xi32, #tpu.memory_space<vmem>>)
    %dma_wait3A_503 = arith.constant 3 : i32
    %dma_wait3A_504 = arith.constant 3 : i32
    %dma_wait3A_505 = arith.constant 0 : i32
    %dma_wait3A_506 = arith.constant 0 : i32
    %dma_wait3A_507 = tpu.memref_slice %arg6[%dma_wait3A_504, %dma_wait3A_505, %dma_wait3A_506] : memref<25x8x128xi32, #tpu.memory_space<vmem>> -> memref<1x8x128xi32, #tpu.memory_space<vmem>>
    %dma_wait3A_508 = tpu.memref_squeeze %dma_wait3A_507 : memref<1x8x128xi32, #tpu.memory_space<vmem>> -> memref<8x128xi32, #tpu.memory_space<vmem>>
    %dma_wait3A_509 = arith.constant 0 : i32
    %dma_wait3A_510 = arith.constant 0 : i32
    %dma_wait3A_511 = tpu.memref_slice %arg2[%dma_wait3A_503, %add3A, %dma_wait3A_509, %dma_wait3A_510] : memref<25x32x8x128xi32, #tpu.memory_space<hbm>> -> memref<1x1x8x128xi32, #tpu.memory_space<hbm>>
    %dma_wait3A_512 = tpu.memref_squeeze %dma_wait3A_511 : memref<1x1x8x128xi32, #tpu.memory_space<hbm>> -> memref<8x128xi32, #tpu.memory_space<hbm>>
    %dma_wait3A_513 = arith.constant 0 : i32
    %dma_wait3A_514 = arith.constant 0 : i32
    %dma_wait3A_515 = tpu.memref_slice %arg6[%dma_wait3A_504, %dma_wait3A_513, %dma_wait3A_514] : memref<25x8x128xi32, #tpu.memory_space<vmem>> -> memref<1x8x128xi32, #tpu.memory_space<vmem>>
    %dma_wait3A_516 = tpu.memref_squeeze %dma_wait3A_515 : memref<1x8x128xi32, #tpu.memory_space<vmem>> -> memref<8x128xi32, #tpu.memory_space<vmem>>
    %dma_wait3A_517 = arith.constant 0 : i32
    %dma_wait3A_518 = arith.constant 0 : i32
    %dma_wait3A_519 = tpu.memref_slice %arg2[%dma_wait3A_503, %add3A, %dma_wait3A_517, %dma_wait3A_518] : memref<25x32x8x128xi32, #tpu.memory_space<hbm>> -> memref<1x1x8x128xi32, #tpu.memory_space<hbm>>
    %dma_wait3A_520 = tpu.memref_squeeze %dma_wait3A_519 : memref<1x1x8x128xi32, #tpu.memory_space<hbm>> -> memref<8x128xi32, #tpu.memory_space<hbm>>
    tpu.wait_dma2 semaphore(%arg24 : memref<!tpu.dma_semaphore, #tpu.memory_space<semaphore_mem>>) src(%dma_wait3A_520 : memref<8x128xi32, #tpu.memory_space<hbm>>) dst(%dma_wait3A_516 : memref<8x128xi32, #tpu.memory_space<vmem>>)
    %dma_wait3A_521 = arith.constant 4 : i32
    %dma_wait3A_522 = arith.constant 4 : i32
    %dma_wait3A_523 = arith.constant 0 : i32
    %dma_wait3A_524 = arith.constant 0 : i32
    %dma_wait3A_525 = tpu.memref_slice %arg6[%dma_wait3A_522, %dma_wait3A_523, %dma_wait3A_524] : memref<25x8x128xi32, #tpu.memory_space<vmem>> -> memref<1x8x128xi32, #tpu.memory_space<vmem>>
    %dma_wait3A_526 = tpu.memref_squeeze %dma_wait3A_525 : memref<1x8x128xi32, #tpu.memory_space<vmem>> -> memref<8x128xi32, #tpu.memory_space<vmem>>
    %dma_wait3A_527 = arith.constant 0 : i32
    %dma_wait3A_528 = arith.constant 0 : i32
    %dma_wait3A_529 = tpu.memref_slice %arg2[%dma_wait3A_521, %add3A, %dma_wait3A_527, %dma_wait3A_528] : memref<25x32x8x128xi32, #tpu.memory_space<hbm>> -> memref<1x1x8x128xi32, #tpu.memory_space<hbm>>
    %dma_wait3A_530 = tpu.memref_squeeze %dma_wait3A_529 : memref<1x1x8x128xi32, #tpu.memory_space<hbm>> -> memref<8x128xi32, #tpu.memory_space<hbm>>
    %dma_wait3A_531 = arith.constant 0 : i32
    %dma_wait3A_532 = arith.constant 0 : i32
    %dma_wait3A_533 = tpu.memref_slice %arg6[%dma_wait3A_522, %dma_wait3A_531, %dma_wait3A_532] : memref<25x8x128xi32, #tpu.memory_space<vmem>> -> memref<1x8x128xi32, #tpu.memory_space<vmem>>
    %dma_wait3A_534 = tpu.memref_squeeze %dma_wait3A_533 : memref<1x8x128xi32, #tpu.memory_space<vmem>> -> memref<8x128xi32, #tpu.memory_space<vmem>>
    %dma_wait3A_535 = arith.constant 0 : i32
    %dma_wait3A_536 = arith.constant 0 : i32
    %dma_wait3A_537 = tpu.memref_slice %arg2[%dma_wait3A_521, %add3A, %dma_wait3A_535, %dma_wait3A_536] : memref<25x32x8x128xi32, #tpu.memory_space<hbm>> -> memref<1x1x8x128xi32, #tpu.memory_space<hbm>>
    %dma_wait3A_538 = tpu.memref_squeeze %dma_wait3A_537 : memref<1x1x8x128xi32, #tpu.memory_space<hbm>> -> memref<8x128xi32, #tpu.memory_space<hbm>>
    tpu.wait_dma2 semaphore(%arg24 : memref<!tpu.dma_semaphore, #tpu.memory_space<semaphore_mem>>) src(%dma_wait3A_538 : memref<8x128xi32, #tpu.memory_space<hbm>>) dst(%dma_wait3A_534 : memref<8x128xi32, #tpu.memory_space<vmem>>)
    %dma_wait3A_539 = arith.constant 5 : i32
    %dma_wait3A_540 = arith.constant 5 : i32
    %dma_wait3A_541 = arith.constant 0 : i32
    %dma_wait3A_542 = arith.constant 0 : i32
    %dma_wait3A_543 = tpu.memref_slice %arg6[%dma_wait3A_540, %dma_wait3A_541, %dma_wait3A_542] : memref<25x8x128xi32, #tpu.memory_space<vmem>> -> memref<1x8x128xi32, #tpu.memory_space<vmem>>
    %dma_wait3A_544 = tpu.memref_squeeze %dma_wait3A_543 : memref<1x8x128xi32, #tpu.memory_space<vmem>> -> memref<8x128xi32, #tpu.memory_space<vmem>>
    %dma_wait3A_545 = arith.constant 0 : i32
    %dma_wait3A_546 = arith.constant 0 : i32
    %dma_wait3A_547 = tpu.memref_slice %arg2[%dma_wait3A_539, %add3A, %dma_wait3A_545, %dma_wait3A_546] : memref<25x32x8x128xi32, #tpu.memory_space<hbm>> -> memref<1x1x8x128xi32, #tpu.memory_space<hbm>>
    %dma_wait3A_548 = tpu.memref_squeeze %dma_wait3A_547 : memref<1x1x8x128xi32, #tpu.memory_space<hbm>> -> memref<8x128xi32, #tpu.memory_space<hbm>>
    %dma_wait3A_549 = arith.constant 0 : i32
    %dma_wait3A_550 = arith.constant 0 : i32
    %dma_wait3A_551 = tpu.memref_slice %arg6[%dma_wait3A_540, %dma_wait3A_549, %dma_wait3A_550] : memref<25x8x128xi32, #tpu.memory_space<vmem>> -> memref<1x8x128xi32, #tpu.memory_space<vmem>>
    %dma_wait3A_552 = tpu.memref_squeeze %dma_wait3A_551 : memref<1x8x128xi32, #tpu.memory_space<vmem>> -> memref<8x128xi32, #tpu.memory_space<vmem>>
    %dma_wait3A_553 = arith.constant 0 : i32
    %dma_wait3A_554 = arith.constant 0 : i32
    %dma_wait3A_555 = tpu.memref_slice %arg2[%dma_wait3A_539, %add3A, %dma_wait3A_553, %dma_wait3A_554] : memref<25x32x8x128xi32, #tpu.memory_space<hbm>> -> memref<1x1x8x128xi32, #tpu.memory_space<hbm>>
    %dma_wait3A_556 = tpu.memref_squeeze %dma_wait3A_555 : memref<1x1x8x128xi32, #tpu.memory_space<hbm>> -> memref<8x128xi32, #tpu.memory_space<hbm>>
    tpu.wait_dma2 semaphore(%arg24 : memref<!tpu.dma_semaphore, #tpu.memory_space<semaphore_mem>>) src(%dma_wait3A_556 : memref<8x128xi32, #tpu.memory_space<hbm>>) dst(%dma_wait3A_552 : memref<8x128xi32, #tpu.memory_space<vmem>>)
    %dma_wait3A_557 = arith.constant 6 : i32
    %dma_wait3A_558 = arith.constant 6 : i32
    %dma_wait3A_559 = arith.constant 0 : i32
    %dma_wait3A_560 = arith.constant 0 : i32
    %dma_wait3A_561 = tpu.memref_slice %arg6[%dma_wait3A_558, %dma_wait3A_559, %dma_wait3A_560] : memref<25x8x128xi32, #tpu.memory_space<vmem>> -> memref<1x8x128xi32, #tpu.memory_space<vmem>>
    %dma_wait3A_562 = tpu.memref_squeeze %dma_wait3A_561 : memref<1x8x128xi32, #tpu.memory_space<vmem>> -> memref<8x128xi32, #tpu.memory_space<vmem>>
    %dma_wait3A_563 = arith.constant 0 : i32
    %dma_wait3A_564 = arith.constant 0 : i32
    %dma_wait3A_565 = tpu.memref_slice %arg2[%dma_wait3A_557, %add3A, %dma_wait3A_563, %dma_wait3A_564] : memref<25x32x8x128xi32, #tpu.memory_space<hbm>> -> memref<1x1x8x128xi32, #tpu.memory_space<hbm>>
    %dma_wait3A_566 = tpu.memref_squeeze %dma_wait3A_565 : memref<1x1x8x128xi32, #tpu.memory_space<hbm>> -> memref<8x128xi32, #tpu.memory_space<hbm>>
    %dma_wait3A_567 = arith.constant 0 : i32
    %dma_wait3A_568 = arith.constant 0 : i32
    %dma_wait3A_569 = tpu.memref_slice %arg6[%dma_wait3A_558, %dma_wait3A_567, %dma_wait3A_568] : memref<25x8x128xi32, #tpu.memory_space<vmem>> -> memref<1x8x128xi32, #tpu.memory_space<vmem>>
    %dma_wait3A_570 = tpu.memref_squeeze %dma_wait3A_569 : memref<1x8x128xi32, #tpu.memory_space<vmem>> -> memref<8x128xi32, #tpu.memory_space<vmem>>
    %dma_wait3A_571 = arith.constant 0 : i32
    %dma_wait3A_572 = arith.constant 0 : i32
    %dma_wait3A_573 = tpu.memref_slice %arg2[%dma_wait3A_557, %add3A, %dma_wait3A_571, %dma_wait3A_572] : memref<25x32x8x128xi32, #tpu.memory_space<hbm>> -> memref<1x1x8x128xi32, #tpu.memory_space<hbm>>
    %dma_wait3A_574 = tpu.memref_squeeze %dma_wait3A_573 : memref<1x1x8x128xi32, #tpu.memory_space<hbm>> -> memref<8x128xi32, #tpu.memory_space<hbm>>
    tpu.wait_dma2 semaphore(%arg24 : memref<!tpu.dma_semaphore, #tpu.memory_space<semaphore_mem>>) src(%dma_wait3A_574 : memref<8x128xi32, #tpu.memory_space<hbm>>) dst(%dma_wait3A_570 : memref<8x128xi32, #tpu.memory_space<vmem>>)
    %dma_wait3A_575 = arith.constant 7 : i32
    %dma_wait3A_576 = arith.constant 7 : i32
    %dma_wait3A_577 = arith.constant 0 : i32
    %dma_wait3A_578 = arith.constant 0 : i32
    %dma_wait3A_579 = tpu.memref_slice %arg6[%dma_wait3A_576, %dma_wait3A_577, %dma_wait3A_578] : memref<25x8x128xi32, #tpu.memory_space<vmem>> -> memref<1x8x128xi32, #tpu.memory_space<vmem>>
    %dma_wait3A_580 = tpu.memref_squeeze %dma_wait3A_579 : memref<1x8x128xi32, #tpu.memory_space<vmem>> -> memref<8x128xi32, #tpu.memory_space<vmem>>
    %dma_wait3A_581 = arith.constant 0 : i32
    %dma_wait3A_582 = arith.constant 0 : i32
    %dma_wait3A_583 = tpu.memref_slice %arg2[%dma_wait3A_575, %add3A, %dma_wait3A_581, %dma_wait3A_582] : memref<25x32x8x128xi32, #tpu.memory_space<hbm>> -> memref<1x1x8x128xi32, #tpu.memory_space<hbm>>
    %dma_wait3A_584 = tpu.memref_squeeze %dma_wait3A_583 : memref<1x1x8x128xi32, #tpu.memory_space<hbm>> -> memref<8x128xi32, #tpu.memory_space<hbm>>
    %dma_wait3A_585 = arith.constant 0 : i32
    %dma_wait3A_586 = arith.constant 0 : i32
    %dma_wait3A_587 = tpu.memref_slice %arg6[%dma_wait3A_576, %dma_wait3A_585, %dma_wait3A_586] : memref<25x8x128xi32, #tpu.memory_space<vmem>> -> memref<1x8x128xi32, #tpu.memory_space<vmem>>
    %dma_wait3A_588 = tpu.memref_squeeze %dma_wait3A_587 : memref<1x8x128xi32, #tpu.memory_space<vmem>> -> memref<8x128xi32, #tpu.memory_space<vmem>>
    %dma_wait3A_589 = arith.constant 0 : i32
    %dma_wait3A_590 = arith.constant 0 : i32
    %dma_wait3A_591 = tpu.memref_slice %arg2[%dma_wait3A_575, %add3A, %dma_wait3A_589, %dma_wait3A_590] : memref<25x32x8x128xi32, #tpu.memory_space<hbm>> -> memref<1x1x8x128xi32, #tpu.memory_space<hbm>>
    %dma_wait3A_592 = tpu.memref_squeeze %dma_wait3A_591 : memref<1x1x8x128xi32, #tpu.memory_space<hbm>> -> memref<8x128xi32, #tpu.memory_space<hbm>>
    tpu.wait_dma2 semaphore(%arg24 : memref<!tpu.dma_semaphore, #tpu.memory_space<semaphore_mem>>) src(%dma_wait3A_592 : memref<8x128xi32, #tpu.memory_space<hbm>>) dst(%dma_wait3A_588 : memref<8x128xi32, #tpu.memory_space<vmem>>)
    %dma_wait3A_593 = arith.constant 8 : i32
    %dma_wait3A_594 = arith.constant 8 : i32
    %dma_wait3A_595 = arith.constant 0 : i32
    %dma_wait3A_596 = arith.constant 0 : i32
    %dma_wait3A_597 = tpu.memref_slice %arg6[%dma_wait3A_594, %dma_wait3A_595, %dma_wait3A_596] : memref<25x8x128xi32, #tpu.memory_space<vmem>> -> memref<1x8x128xi32, #tpu.memory_space<vmem>>
    %dma_wait3A_598 = tpu.memref_squeeze %dma_wait3A_597 : memref<1x8x128xi32, #tpu.memory_space<vmem>> -> memref<8x128xi32, #tpu.memory_space<vmem>>
    %dma_wait3A_599 = arith.constant 0 : i32
    %dma_wait3A_600 = arith.constant 0 : i32
    %dma_wait3A_601 = tpu.memref_slice %arg2[%dma_wait3A_593, %add3A, %dma_wait3A_599, %dma_wait3A_600] : memref<25x32x8x128xi32, #tpu.memory_space<hbm>> -> memref<1x1x8x128xi32, #tpu.memory_space<hbm>>
    %dma_wait3A_602 = tpu.memref_squeeze %dma_wait3A_601 : memref<1x1x8x128xi32, #tpu.memory_space<hbm>> -> memref<8x128xi32, #tpu.memory_space<hbm>>
    %dma_wait3A_603 = arith.constant 0 : i32
    %dma_wait3A_604 = arith.constant 0 : i32
    %dma_wait3A_605 = tpu.memref_slice %arg6[%dma_wait3A_594, %dma_wait3A_603, %dma_wait3A_604] : memref<25x8x128xi32, #tpu.memory_space<vmem>> -> memref<1x8x128xi32, #tpu.memory_space<vmem>>
    %dma_wait3A_606 = tpu.memref_squeeze %dma_wait3A_605 : memref<1x8x128xi32, #tpu.memory_space<vmem>> -> memref<8x128xi32, #tpu.memory_space<vmem>>
    %dma_wait3A_607 = arith.constant 0 : i32
    %dma_wait3A_608 = arith.constant 0 : i32
    %dma_wait3A_609 = tpu.memref_slice %arg2[%dma_wait3A_593, %add3A, %dma_wait3A_607, %dma_wait3A_608] : memref<25x32x8x128xi32, #tpu.memory_space<hbm>> -> memref<1x1x8x128xi32, #tpu.memory_space<hbm>>
    %dma_wait3A_610 = tpu.memref_squeeze %dma_wait3A_609 : memref<1x1x8x128xi32, #tpu.memory_space<hbm>> -> memref<8x128xi32, #tpu.memory_space<hbm>>
    tpu.wait_dma2 semaphore(%arg24 : memref<!tpu.dma_semaphore, #tpu.memory_space<semaphore_mem>>) src(%dma_wait3A_610 : memref<8x128xi32, #tpu.memory_space<hbm>>) dst(%dma_wait3A_606 : memref<8x128xi32, #tpu.memory_space<vmem>>)
    %dma_wait3A_611 = arith.constant 9 : i32
    %dma_wait3A_612 = arith.constant 9 : i32
    %dma_wait3A_613 = arith.constant 0 : i32
    %dma_wait3A_614 = arith.constant 0 : i32
    %dma_wait3A_615 = tpu.memref_slice %arg6[%dma_wait3A_612, %dma_wait3A_613, %dma_wait3A_614] : memref<25x8x128xi32, #tpu.memory_space<vmem>> -> memref<1x8x128xi32, #tpu.memory_space<vmem>>
    %dma_wait3A_616 = tpu.memref_squeeze %dma_wait3A_615 : memref<1x8x128xi32, #tpu.memory_space<vmem>> -> memref<8x128xi32, #tpu.memory_space<vmem>>
    %dma_wait3A_617 = arith.constant 0 : i32
    %dma_wait3A_618 = arith.constant 0 : i32
    %dma_wait3A_619 = tpu.memref_slice %arg2[%dma_wait3A_611, %add3A, %dma_wait3A_617, %dma_wait3A_618] : memref<25x32x8x128xi32, #tpu.memory_space<hbm>> -> memref<1x1x8x128xi32, #tpu.memory_space<hbm>>
    %dma_wait3A_620 = tpu.memref_squeeze %dma_wait3A_619 : memref<1x1x8x128xi32, #tpu.memory_space<hbm>> -> memref<8x128xi32, #tpu.memory_space<hbm>>
    %dma_wait3A_621 = arith.constant 0 : i32
    %dma_wait3A_622 = arith.constant 0 : i32
    %dma_wait3A_623 = tpu.memref_slice %arg6[%dma_wait3A_612, %dma_wait3A_621, %dma_wait3A_622] : memref<25x8x128xi32, #tpu.memory_space<vmem>> -> memref<1x8x128xi32, #tpu.memory_space<vmem>>
    %dma_wait3A_624 = tpu.memref_squeeze %dma_wait3A_623 : memref<1x8x128xi32, #tpu.memory_space<vmem>> -> memref<8x128xi32, #tpu.memory_space<vmem>>
    %dma_wait3A_625 = arith.constant 0 : i32
    %dma_wait3A_626 = arith.constant 0 : i32
    %dma_wait3A_627 = tpu.memref_slice %arg2[%dma_wait3A_611, %add3A, %dma_wait3A_625, %dma_wait3A_626] : memref<25x32x8x128xi32, #tpu.memory_space<hbm>> -> memref<1x1x8x128xi32, #tpu.memory_space<hbm>>
    %dma_wait3A_628 = tpu.memref_squeeze %dma_wait3A_627 : memref<1x1x8x128xi32, #tpu.memory_space<hbm>> -> memref<8x128xi32, #tpu.memory_space<hbm>>
    tpu.wait_dma2 semaphore(%arg24 : memref<!tpu.dma_semaphore, #tpu.memory_space<semaphore_mem>>) src(%dma_wait3A_628 : memref<8x128xi32, #tpu.memory_space<hbm>>) dst(%dma_wait3A_624 : memref<8x128xi32, #tpu.memory_space<vmem>>)
    %dma_wait3A_629 = arith.constant 10 : i32
    %dma_wait3A_630 = arith.constant 10 : i32
    %dma_wait3A_631 = arith.constant 0 : i32
    %dma_wait3A_632 = arith.constant 0 : i32
    %dma_wait3A_633 = tpu.memref_slice %arg6[%dma_wait3A_630, %dma_wait3A_631, %dma_wait3A_632] : memref<25x8x128xi32, #tpu.memory_space<vmem>> -> memref<1x8x128xi32, #tpu.memory_space<vmem>>
    %dma_wait3A_634 = tpu.memref_squeeze %dma_wait3A_633 : memref<1x8x128xi32, #tpu.memory_space<vmem>> -> memref<8x128xi32, #tpu.memory_space<vmem>>
    %dma_wait3A_635 = arith.constant 0 : i32
    %dma_wait3A_636 = arith.constant 0 : i32
    %dma_wait3A_637 = tpu.memref_slice %arg2[%dma_wait3A_629, %add3A, %dma_wait3A_635, %dma_wait3A_636] : memref<25x32x8x128xi32, #tpu.memory_space<hbm>> -> memref<1x1x8x128xi32, #tpu.memory_space<hbm>>
    %dma_wait3A_638 = tpu.memref_squeeze %dma_wait3A_637 : memref<1x1x8x128xi32, #tpu.memory_space<hbm>> -> memref<8x128xi32, #tpu.memory_space<hbm>>
    %dma_wait3A_639 = arith.constant 0 : i32
    %dma_wait3A_640 = arith.constant 0 : i32
    %dma_wait3A_641 = tpu.memref_slice %arg6[%dma_wait3A_630, %dma_wait3A_639, %dma_wait3A_640] : memref<25x8x128xi32, #tpu.memory_space<vmem>> -> memref<1x8x128xi32, #tpu.memory_space<vmem>>
    %dma_wait3A_642 = tpu.memref_squeeze %dma_wait3A_641 : memref<1x8x128xi32, #tpu.memory_space<vmem>> -> memref<8x128xi32, #tpu.memory_space<vmem>>
    %dma_wait3A_643 = arith.constant 0 : i32
    %dma_wait3A_644 = arith.constant 0 : i32
    %dma_wait3A_645 = tpu.memref_slice %arg2[%dma_wait3A_629, %add3A, %dma_wait3A_643, %dma_wait3A_644] : memref<25x32x8x128xi32, #tpu.memory_space<hbm>> -> memref<1x1x8x128xi32, #tpu.memory_space<hbm>>
    %dma_wait3A_646 = tpu.memref_squeeze %dma_wait3A_645 : memref<1x1x8x128xi32, #tpu.memory_space<hbm>> -> memref<8x128xi32, #tpu.memory_space<hbm>>
    tpu.wait_dma2 semaphore(%arg24 : memref<!tpu.dma_semaphore, #tpu.memory_space<semaphore_mem>>) src(%dma_wait3A_646 : memref<8x128xi32, #tpu.memory_space<hbm>>) dst(%dma_wait3A_642 : memref<8x128xi32, #tpu.memory_space<vmem>>)
    %dma_wait3A_647 = arith.constant 11 : i32
    %dma_wait3A_648 = arith.constant 11 : i32
    %dma_wait3A_649 = arith.constant 0 : i32
    %dma_wait3A_650 = arith.constant 0 : i32
    %dma_wait3A_651 = tpu.memref_slice %arg6[%dma_wait3A_648, %dma_wait3A_649, %dma_wait3A_650] : memref<25x8x128xi32, #tpu.memory_space<vmem>> -> memref<1x8x128xi32, #tpu.memory_space<vmem>>
    %dma_wait3A_652 = tpu.memref_squeeze %dma_wait3A_651 : memref<1x8x128xi32, #tpu.memory_space<vmem>> -> memref<8x128xi32, #tpu.memory_space<vmem>>
    %dma_wait3A_653 = arith.constant 0 : i32
    %dma_wait3A_654 = arith.constant 0 : i32
    %dma_wait3A_655 = tpu.memref_slice %arg2[%dma_wait3A_647, %add3A, %dma_wait3A_653, %dma_wait3A_654] : memref<25x32x8x128xi32, #tpu.memory_space<hbm>> -> memref<1x1x8x128xi32, #tpu.memory_space<hbm>>
    %dma_wait3A_656 = tpu.memref_squeeze %dma_wait3A_655 : memref<1x1x8x128xi32, #tpu.memory_space<hbm>> -> memref<8x128xi32, #tpu.memory_space<hbm>>
    %dma_wait3A_657 = arith.constant 0 : i32
    %dma_wait3A_658 = arith.constant 0 : i32
    %dma_wait3A_659 = tpu.memref_slice %arg6[%dma_wait3A_648, %dma_wait3A_657, %dma_wait3A_658] : memref<25x8x128xi32, #tpu.memory_space<vmem>> -> memref<1x8x128xi32, #tpu.memory_space<vmem>>
    %dma_wait3A_660 = tpu.memref_squeeze %dma_wait3A_659 : memref<1x8x128xi32, #tpu.memory_space<vmem>> -> memref<8x128xi32, #tpu.memory_space<vmem>>
    %dma_wait3A_661 = arith.constant 0 : i32
    %dma_wait3A_662 = arith.constant 0 : i32
    %dma_wait3A_663 = tpu.memref_slice %arg2[%dma_wait3A_647, %add3A, %dma_wait3A_661, %dma_wait3A_662] : memref<25x32x8x128xi32, #tpu.memory_space<hbm>> -> memref<1x1x8x128xi32, #tpu.memory_space<hbm>>
    %dma_wait3A_664 = tpu.memref_squeeze %dma_wait3A_663 : memref<1x1x8x128xi32, #tpu.memory_space<hbm>> -> memref<8x128xi32, #tpu.memory_space<hbm>>
    tpu.wait_dma2 semaphore(%arg24 : memref<!tpu.dma_semaphore, #tpu.memory_space<semaphore_mem>>) src(%dma_wait3A_664 : memref<8x128xi32, #tpu.memory_space<hbm>>) dst(%dma_wait3A_660 : memref<8x128xi32, #tpu.memory_space<vmem>>)
    %dma_wait3A_665 = arith.constant 12 : i32
    %dma_wait3A_666 = arith.constant 12 : i32
    %dma_wait3A_667 = arith.constant 0 : i32
    %dma_wait3A_668 = arith.constant 0 : i32
    %dma_wait3A_669 = tpu.memref_slice %arg6[%dma_wait3A_666, %dma_wait3A_667, %dma_wait3A_668] : memref<25x8x128xi32, #tpu.memory_space<vmem>> -> memref<1x8x128xi32, #tpu.memory_space<vmem>>
    %dma_wait3A_670 = tpu.memref_squeeze %dma_wait3A_669 : memref<1x8x128xi32, #tpu.memory_space<vmem>> -> memref<8x128xi32, #tpu.memory_space<vmem>>
    %dma_wait3A_671 = arith.constant 0 : i32
    %dma_wait3A_672 = arith.constant 0 : i32
    %dma_wait3A_673 = tpu.memref_slice %arg2[%dma_wait3A_665, %add3A, %dma_wait3A_671, %dma_wait3A_672] : memref<25x32x8x128xi32, #tpu.memory_space<hbm>> -> memref<1x1x8x128xi32, #tpu.memory_space<hbm>>
    %dma_wait3A_674 = tpu.memref_squeeze %dma_wait3A_673 : memref<1x1x8x128xi32, #tpu.memory_space<hbm>> -> memref<8x128xi32, #tpu.memory_space<hbm>>
    %dma_wait3A_675 = arith.constant 0 : i32
    %dma_wait3A_676 = arith.constant 0 : i32
    %dma_wait3A_677 = tpu.memref_slice %arg6[%dma_wait3A_666, %dma_wait3A_675, %dma_wait3A_676] : memref<25x8x128xi32, #tpu.memory_space<vmem>> -> memref<1x8x128xi32, #tpu.memory_space<vmem>>
    %dma_wait3A_678 = tpu.memref_squeeze %dma_wait3A_677 : memref<1x8x128xi32, #tpu.memory_space<vmem>> -> memref<8x128xi32, #tpu.memory_space<vmem>>
    %dma_wait3A_679 = arith.constant 0 : i32
    %dma_wait3A_680 = arith.constant 0 : i32
    %dma_wait3A_681 = tpu.memref_slice %arg2[%dma_wait3A_665, %add3A, %dma_wait3A_679, %dma_wait3A_680] : memref<25x32x8x128xi32, #tpu.memory_space<hbm>> -> memref<1x1x8x128xi32, #tpu.memory_space<hbm>>
    %dma_wait3A_682 = tpu.memref_squeeze %dma_wait3A_681 : memref<1x1x8x128xi32, #tpu.memory_space<hbm>> -> memref<8x128xi32, #tpu.memory_space<hbm>>
    tpu.wait_dma2 semaphore(%arg24 : memref<!tpu.dma_semaphore, #tpu.memory_space<semaphore_mem>>) src(%dma_wait3A_682 : memref<8x128xi32, #tpu.memory_space<hbm>>) dst(%dma_wait3A_678 : memref<8x128xi32, #tpu.memory_space<vmem>>)
    %dma_wait3A_683 = arith.constant 13 : i32
    %dma_wait3A_684 = arith.constant 13 : i32
    %dma_wait3A_685 = arith.constant 0 : i32
    %dma_wait3A_686 = arith.constant 0 : i32
    %dma_wait3A_687 = tpu.memref_slice %arg6[%dma_wait3A_684, %dma_wait3A_685, %dma_wait3A_686] : memref<25x8x128xi32, #tpu.memory_space<vmem>> -> memref<1x8x128xi32, #tpu.memory_space<vmem>>
    %dma_wait3A_688 = tpu.memref_squeeze %dma_wait3A_687 : memref<1x8x128xi32, #tpu.memory_space<vmem>> -> memref<8x128xi32, #tpu.memory_space<vmem>>
    %dma_wait3A_689 = arith.constant 0 : i32
    %dma_wait3A_690 = arith.constant 0 : i32
    %dma_wait3A_691 = tpu.memref_slice %arg2[%dma_wait3A_683, %add3A, %dma_wait3A_689, %dma_wait3A_690] : memref<25x32x8x128xi32, #tpu.memory_space<hbm>> -> memref<1x1x8x128xi32, #tpu.memory_space<hbm>>
    %dma_wait3A_692 = tpu.memref_squeeze %dma_wait3A_691 : memref<1x1x8x128xi32, #tpu.memory_space<hbm>> -> memref<8x128xi32, #tpu.memory_space<hbm>>
    %dma_wait3A_693 = arith.constant 0 : i32
    %dma_wait3A_694 = arith.constant 0 : i32
    %dma_wait3A_695 = tpu.memref_slice %arg6[%dma_wait3A_684, %dma_wait3A_693, %dma_wait3A_694] : memref<25x8x128xi32, #tpu.memory_space<vmem>> -> memref<1x8x128xi32, #tpu.memory_space<vmem>>
    %dma_wait3A_696 = tpu.memref_squeeze %dma_wait3A_695 : memref<1x8x128xi32, #tpu.memory_space<vmem>> -> memref<8x128xi32, #tpu.memory_space<vmem>>
    %dma_wait3A_697 = arith.constant 0 : i32
    %dma_wait3A_698 = arith.constant 0 : i32
    %dma_wait3A_699 = tpu.memref_slice %arg2[%dma_wait3A_683, %add3A, %dma_wait3A_697, %dma_wait3A_698] : memref<25x32x8x128xi32, #tpu.memory_space<hbm>> -> memref<1x1x8x128xi32, #tpu.memory_space<hbm>>
    %dma_wait3A_700 = tpu.memref_squeeze %dma_wait3A_699 : memref<1x1x8x128xi32, #tpu.memory_space<hbm>> -> memref<8x128xi32, #tpu.memory_space<hbm>>
    tpu.wait_dma2 semaphore(%arg24 : memref<!tpu.dma_semaphore, #tpu.memory_space<semaphore_mem>>) src(%dma_wait3A_700 : memref<8x128xi32, #tpu.memory_space<hbm>>) dst(%dma_wait3A_696 : memref<8x128xi32, #tpu.memory_space<vmem>>)
    %dma_wait3A_701 = arith.constant 14 : i32
    %dma_wait3A_702 = arith.constant 14 : i32
    %dma_wait3A_703 = arith.constant 0 : i32
    %dma_wait3A_704 = arith.constant 0 : i32
    %dma_wait3A_705 = tpu.memref_slice %arg6[%dma_wait3A_702, %dma_wait3A_703, %dma_wait3A_704] : memref<25x8x128xi32, #tpu.memory_space<vmem>> -> memref<1x8x128xi32, #tpu.memory_space<vmem>>
    %dma_wait3A_706 = tpu.memref_squeeze %dma_wait3A_705 : memref<1x8x128xi32, #tpu.memory_space<vmem>> -> memref<8x128xi32, #tpu.memory_space<vmem>>
    %dma_wait3A_707 = arith.constant 0 : i32
    %dma_wait3A_708 = arith.constant 0 : i32
    %dma_wait3A_709 = tpu.memref_slice %arg2[%dma_wait3A_701, %add3A, %dma_wait3A_707, %dma_wait3A_708] : memref<25x32x8x128xi32, #tpu.memory_space<hbm>> -> memref<1x1x8x128xi32, #tpu.memory_space<hbm>>
    %dma_wait3A_710 = tpu.memref_squeeze %dma_wait3A_709 : memref<1x1x8x128xi32, #tpu.memory_space<hbm>> -> memref<8x128xi32, #tpu.memory_space<hbm>>
    %dma_wait3A_711 = arith.constant 0 : i32
    %dma_wait3A_712 = arith.constant 0 : i32
    %dma_wait3A_713 = tpu.memref_slice %arg6[%dma_wait3A_702, %dma_wait3A_711, %dma_wait3A_712] : memref<25x8x128xi32, #tpu.memory_space<vmem>> -> memref<1x8x128xi32, #tpu.memory_space<vmem>>
    %dma_wait3A_714 = tpu.memref_squeeze %dma_wait3A_713 : memref<1x8x128xi32, #tpu.memory_space<vmem>> -> memref<8x128xi32, #tpu.memory_space<vmem>>
    %dma_wait3A_715 = arith.constant 0 : i32
    %dma_wait3A_716 = arith.constant 0 : i32
    %dma_wait3A_717 = tpu.memref_slice %arg2[%dma_wait3A_701, %add3A, %dma_wait3A_715, %dma_wait3A_716] : memref<25x32x8x128xi32, #tpu.memory_space<hbm>> -> memref<1x1x8x128xi32, #tpu.memory_space<hbm>>
    %dma_wait3A_718 = tpu.memref_squeeze %dma_wait3A_717 : memref<1x1x8x128xi32, #tpu.memory_space<hbm>> -> memref<8x128xi32, #tpu.memory_space<hbm>>
    tpu.wait_dma2 semaphore(%arg24 : memref<!tpu.dma_semaphore, #tpu.memory_space<semaphore_mem>>) src(%dma_wait3A_718 : memref<8x128xi32, #tpu.memory_space<hbm>>) dst(%dma_wait3A_714 : memref<8x128xi32, #tpu.memory_space<vmem>>)
    %dma_wait3A_719 = arith.constant 15 : i32
    %dma_wait3A_720 = arith.constant 15 : i32
    %dma_wait3A_721 = arith.constant 0 : i32
    %dma_wait3A_722 = arith.constant 0 : i32
    %dma_wait3A_723 = tpu.memref_slice %arg6[%dma_wait3A_720, %dma_wait3A_721, %dma_wait3A_722] : memref<25x8x128xi32, #tpu.memory_space<vmem>> -> memref<1x8x128xi32, #tpu.memory_space<vmem>>
    %dma_wait3A_724 = tpu.memref_squeeze %dma_wait3A_723 : memref<1x8x128xi32, #tpu.memory_space<vmem>> -> memref<8x128xi32, #tpu.memory_space<vmem>>
    %dma_wait3A_725 = arith.constant 0 : i32
    %dma_wait3A_726 = arith.constant 0 : i32
    %dma_wait3A_727 = tpu.memref_slice %arg2[%dma_wait3A_719, %add3A, %dma_wait3A_725, %dma_wait3A_726] : memref<25x32x8x128xi32, #tpu.memory_space<hbm>> -> memref<1x1x8x128xi32, #tpu.memory_space<hbm>>
    %dma_wait3A_728 = tpu.memref_squeeze %dma_wait3A_727 : memref<1x1x8x128xi32, #tpu.memory_space<hbm>> -> memref<8x128xi32, #tpu.memory_space<hbm>>
    %dma_wait3A_729 = arith.constant 0 : i32
    %dma_wait3A_730 = arith.constant 0 : i32
    %dma_wait3A_731 = tpu.memref_slice %arg6[%dma_wait3A_720, %dma_wait3A_729, %dma_wait3A_730] : memref<25x8x128xi32, #tpu.memory_space<vmem>> -> memref<1x8x128xi32, #tpu.memory_space<vmem>>
    %dma_wait3A_732 = tpu.memref_squeeze %dma_wait3A_731 : memref<1x8x128xi32, #tpu.memory_space<vmem>> -> memref<8x128xi32, #tpu.memory_space<vmem>>
    %dma_wait3A_733 = arith.constant 0 : i32
    %dma_wait3A_734 = arith.constant 0 : i32
    %dma_wait3A_735 = tpu.memref_slice %arg2[%dma_wait3A_719, %add3A, %dma_wait3A_733, %dma_wait3A_734] : memref<25x32x8x128xi32, #tpu.memory_space<hbm>> -> memref<1x1x8x128xi32, #tpu.memory_space<hbm>>
    %dma_wait3A_736 = tpu.memref_squeeze %dma_wait3A_735 : memref<1x1x8x128xi32, #tpu.memory_space<hbm>> -> memref<8x128xi32, #tpu.memory_space<hbm>>
    tpu.wait_dma2 semaphore(%arg24 : memref<!tpu.dma_semaphore, #tpu.memory_space<semaphore_mem>>) src(%dma_wait3A_736 : memref<8x128xi32, #tpu.memory_space<hbm>>) dst(%dma_wait3A_732 : memref<8x128xi32, #tpu.memory_space<vmem>>)
    %dma_wait3A_737 = arith.constant 16 : i32
    %dma_wait3A_738 = arith.constant 16 : i32
    %dma_wait3A_739 = arith.constant 0 : i32
    %dma_wait3A_740 = arith.constant 0 : i32
    %dma_wait3A_741 = tpu.memref_slice %arg6[%dma_wait3A_738, %dma_wait3A_739, %dma_wait3A_740] : memref<25x8x128xi32, #tpu.memory_space<vmem>> -> memref<1x8x128xi32, #tpu.memory_space<vmem>>
    %dma_wait3A_742 = tpu.memref_squeeze %dma_wait3A_741 : memref<1x8x128xi32, #tpu.memory_space<vmem>> -> memref<8x128xi32, #tpu.memory_space<vmem>>
    %dma_wait3A_743 = arith.constant 0 : i32
    %dma_wait3A_744 = arith.constant 0 : i32
    %dma_wait3A_745 = tpu.memref_slice %arg2[%dma_wait3A_737, %add3A, %dma_wait3A_743, %dma_wait3A_744] : memref<25x32x8x128xi32, #tpu.memory_space<hbm>> -> memref<1x1x8x128xi32, #tpu.memory_space<hbm>>
    %dma_wait3A_746 = tpu.memref_squeeze %dma_wait3A_745 : memref<1x1x8x128xi32, #tpu.memory_space<hbm>> -> memref<8x128xi32, #tpu.memory_space<hbm>>
    %dma_wait3A_747 = arith.constant 0 : i32
    %dma_wait3A_748 = arith.constant 0 : i32
    %dma_wait3A_749 = tpu.memref_slice %arg6[%dma_wait3A_738, %dma_wait3A_747, %dma_wait3A_748] : memref<25x8x128xi32, #tpu.memory_space<vmem>> -> memref<1x8x128xi32, #tpu.memory_space<vmem>>
    %dma_wait3A_750 = tpu.memref_squeeze %dma_wait3A_749 : memref<1x8x128xi32, #tpu.memory_space<vmem>> -> memref<8x128xi32, #tpu.memory_space<vmem>>
    %dma_wait3A_751 = arith.constant 0 : i32
    %dma_wait3A_752 = arith.constant 0 : i32
    %dma_wait3A_753 = tpu.memref_slice %arg2[%dma_wait3A_737, %add3A, %dma_wait3A_751, %dma_wait3A_752] : memref<25x32x8x128xi32, #tpu.memory_space<hbm>> -> memref<1x1x8x128xi32, #tpu.memory_space<hbm>>
    %dma_wait3A_754 = tpu.memref_squeeze %dma_wait3A_753 : memref<1x1x8x128xi32, #tpu.memory_space<hbm>> -> memref<8x128xi32, #tpu.memory_space<hbm>>
    tpu.wait_dma2 semaphore(%arg24 : memref<!tpu.dma_semaphore, #tpu.memory_space<semaphore_mem>>) src(%dma_wait3A_754 : memref<8x128xi32, #tpu.memory_space<hbm>>) dst(%dma_wait3A_750 : memref<8x128xi32, #tpu.memory_space<vmem>>)
    %dma_wait3A_755 = arith.constant 17 : i32
    %dma_wait3A_756 = arith.constant 17 : i32
    %dma_wait3A_757 = arith.constant 0 : i32
    %dma_wait3A_758 = arith.constant 0 : i32
    %dma_wait3A_759 = tpu.memref_slice %arg6[%dma_wait3A_756, %dma_wait3A_757, %dma_wait3A_758] : memref<25x8x128xi32, #tpu.memory_space<vmem>> -> memref<1x8x128xi32, #tpu.memory_space<vmem>>
    %dma_wait3A_760 = tpu.memref_squeeze %dma_wait3A_759 : memref<1x8x128xi32, #tpu.memory_space<vmem>> -> memref<8x128xi32, #tpu.memory_space<vmem>>
    %dma_wait3A_761 = arith.constant 0 : i32
    %dma_wait3A_762 = arith.constant 0 : i32
    %dma_wait3A_763 = tpu.memref_slice %arg2[%dma_wait3A_755, %add3A, %dma_wait3A_761, %dma_wait3A_762] : memref<25x32x8x128xi32, #tpu.memory_space<hbm>> -> memref<1x1x8x128xi32, #tpu.memory_space<hbm>>
    %dma_wait3A_764 = tpu.memref_squeeze %dma_wait3A_763 : memref<1x1x8x128xi32, #tpu.memory_space<hbm>> -> memref<8x128xi32, #tpu.memory_space<hbm>>
    %dma_wait3A_765 = arith.constant 0 : i32
    %dma_wait3A_766 = arith.constant 0 : i32
    %dma_wait3A_767 = tpu.memref_slice %arg6[%dma_wait3A_756, %dma_wait3A_765, %dma_wait3A_766] : memref<25x8x128xi32, #tpu.memory_space<vmem>> -> memref<1x8x128xi32, #tpu.memory_space<vmem>>
    %dma_wait3A_768 = tpu.memref_squeeze %dma_wait3A_767 : memref<1x8x128xi32, #tpu.memory_space<vmem>> -> memref<8x128xi32, #tpu.memory_space<vmem>>
    %dma_wait3A_769 = arith.constant 0 : i32
    %dma_wait3A_770 = arith.constant 0 : i32
    %dma_wait3A_771 = tpu.memref_slice %arg2[%dma_wait3A_755, %add3A, %dma_wait3A_769, %dma_wait3A_770] : memref<25x32x8x128xi32, #tpu.memory_space<hbm>> -> memref<1x1x8x128xi32, #tpu.memory_space<hbm>>
    %dma_wait3A_772 = tpu.memref_squeeze %dma_wait3A_771 : memref<1x1x8x128xi32, #tpu.memory_space<hbm>> -> memref<8x128xi32, #tpu.memory_space<hbm>>
    tpu.wait_dma2 semaphore(%arg24 : memref<!tpu.dma_semaphore, #tpu.memory_space<semaphore_mem>>) src(%dma_wait3A_772 : memref<8x128xi32, #tpu.memory_space<hbm>>) dst(%dma_wait3A_768 : memref<8x128xi32, #tpu.memory_space<vmem>>)
    %dma_wait3A_773 = arith.constant 18 : i32
    %dma_wait3A_774 = arith.constant 18 : i32
    %dma_wait3A_775 = arith.constant 0 : i32
    %dma_wait3A_776 = arith.constant 0 : i32
    %dma_wait3A_777 = tpu.memref_slice %arg6[%dma_wait3A_774, %dma_wait3A_775, %dma_wait3A_776] : memref<25x8x128xi32, #tpu.memory_space<vmem>> -> memref<1x8x128xi32, #tpu.memory_space<vmem>>
    %dma_wait3A_778 = tpu.memref_squeeze %dma_wait3A_777 : memref<1x8x128xi32, #tpu.memory_space<vmem>> -> memref<8x128xi32, #tpu.memory_space<vmem>>
    %dma_wait3A_779 = arith.constant 0 : i32
    %dma_wait3A_780 = arith.constant 0 : i32
    %dma_wait3A_781 = tpu.memref_slice %arg2[%dma_wait3A_773, %add3A, %dma_wait3A_779, %dma_wait3A_780] : memref<25x32x8x128xi32, #tpu.memory_space<hbm>> -> memref<1x1x8x128xi32, #tpu.memory_space<hbm>>
    %dma_wait3A_782 = tpu.memref_squeeze %dma_wait3A_781 : memref<1x1x8x128xi32, #tpu.memory_space<hbm>> -> memref<8x128xi32, #tpu.memory_space<hbm>>
    %dma_wait3A_783 = arith.constant 0 : i32
    %dma_wait3A_784 = arith.constant 0 : i32
    %dma_wait3A_785 = tpu.memref_slice %arg6[%dma_wait3A_774, %dma_wait3A_783, %dma_wait3A_784] : memref<25x8x128xi32, #tpu.memory_space<vmem>> -> memref<1x8x128xi32, #tpu.memory_space<vmem>>
    %dma_wait3A_786 = tpu.memref_squeeze %dma_wait3A_785 : memref<1x8x128xi32, #tpu.memory_space<vmem>> -> memref<8x128xi32, #tpu.memory_space<vmem>>
    %dma_wait3A_787 = arith.constant 0 : i32
    %dma_wait3A_788 = arith.constant 0 : i32
    %dma_wait3A_789 = tpu.memref_slice %arg2[%dma_wait3A_773, %add3A, %dma_wait3A_787, %dma_wait3A_788] : memref<25x32x8x128xi32, #tpu.memory_space<hbm>> -> memref<1x1x8x128xi32, #tpu.memory_space<hbm>>
    %dma_wait3A_790 = tpu.memref_squeeze %dma_wait3A_789 : memref<1x1x8x128xi32, #tpu.memory_space<hbm>> -> memref<8x128xi32, #tpu.memory_space<hbm>>
    tpu.wait_dma2 semaphore(%arg24 : memref<!tpu.dma_semaphore, #tpu.memory_space<semaphore_mem>>) src(%dma_wait3A_790 : memref<8x128xi32, #tpu.memory_space<hbm>>) dst(%dma_wait3A_786 : memref<8x128xi32, #tpu.memory_space<vmem>>)
    %dma_wait3A_791 = arith.constant 19 : i32
    %dma_wait3A_792 = arith.constant 19 : i32
    %dma_wait3A_793 = arith.constant 0 : i32
    %dma_wait3A_794 = arith.constant 0 : i32
    %dma_wait3A_795 = tpu.memref_slice %arg6[%dma_wait3A_792, %dma_wait3A_793, %dma_wait3A_794] : memref<25x8x128xi32, #tpu.memory_space<vmem>> -> memref<1x8x128xi32, #tpu.memory_space<vmem>>
    %dma_wait3A_796 = tpu.memref_squeeze %dma_wait3A_795 : memref<1x8x128xi32, #tpu.memory_space<vmem>> -> memref<8x128xi32, #tpu.memory_space<vmem>>
    %dma_wait3A_797 = arith.constant 0 : i32
    %dma_wait3A_798 = arith.constant 0 : i32
    %dma_wait3A_799 = tpu.memref_slice %arg2[%dma_wait3A_791, %add3A, %dma_wait3A_797, %dma_wait3A_798] : memref<25x32x8x128xi32, #tpu.memory_space<hbm>> -> memref<1x1x8x128xi32, #tpu.memory_space<hbm>>
    %dma_wait3A_800 = tpu.memref_squeeze %dma_wait3A_799 : memref<1x1x8x128xi32, #tpu.memory_space<hbm>> -> memref<8x128xi32, #tpu.memory_space<hbm>>
    %dma_wait3A_801 = arith.constant 0 : i32
    %dma_wait3A_802 = arith.constant 0 : i32
    %dma_wait3A_803 = tpu.memref_slice %arg6[%dma_wait3A_792, %dma_wait3A_801, %dma_wait3A_802] : memref<25x8x128xi32, #tpu.memory_space<vmem>> -> memref<1x8x128xi32, #tpu.memory_space<vmem>>
    %dma_wait3A_804 = tpu.memref_squeeze %dma_wait3A_803 : memref<1x8x128xi32, #tpu.memory_space<vmem>> -> memref<8x128xi32, #tpu.memory_space<vmem>>
    %dma_wait3A_805 = arith.constant 0 : i32
    %dma_wait3A_806 = arith.constant 0 : i32
    %dma_wait3A_807 = tpu.memref_slice %arg2[%dma_wait3A_791, %add3A, %dma_wait3A_805, %dma_wait3A_806] : memref<25x32x8x128xi32, #tpu.memory_space<hbm>> -> memref<1x1x8x128xi32, #tpu.memory_space<hbm>>
    %dma_wait3A_808 = tpu.memref_squeeze %dma_wait3A_807 : memref<1x1x8x128xi32, #tpu.memory_space<hbm>> -> memref<8x128xi32, #tpu.memory_space<hbm>>
    tpu.wait_dma2 semaphore(%arg24 : memref<!tpu.dma_semaphore, #tpu.memory_space<semaphore_mem>>) src(%dma_wait3A_808 : memref<8x128xi32, #tpu.memory_space<hbm>>) dst(%dma_wait3A_804 : memref<8x128xi32, #tpu.memory_space<vmem>>)
    %dma_wait3A_809 = arith.constant 20 : i32
    %dma_wait3A_810 = arith.constant 20 : i32
    %dma_wait3A_811 = arith.constant 0 : i32
    %dma_wait3A_812 = arith.constant 0 : i32
    %dma_wait3A_813 = tpu.memref_slice %arg6[%dma_wait3A_810, %dma_wait3A_811, %dma_wait3A_812] : memref<25x8x128xi32, #tpu.memory_space<vmem>> -> memref<1x8x128xi32, #tpu.memory_space<vmem>>
    %dma_wait3A_814 = tpu.memref_squeeze %dma_wait3A_813 : memref<1x8x128xi32, #tpu.memory_space<vmem>> -> memref<8x128xi32, #tpu.memory_space<vmem>>
    %dma_wait3A_815 = arith.constant 0 : i32
    %dma_wait3A_816 = arith.constant 0 : i32
    %dma_wait3A_817 = tpu.memref_slice %arg2[%dma_wait3A_809, %add3A, %dma_wait3A_815, %dma_wait3A_816] : memref<25x32x8x128xi32, #tpu.memory_space<hbm>> -> memref<1x1x8x128xi32, #tpu.memory_space<hbm>>
    %dma_wait3A_818 = tpu.memref_squeeze %dma_wait3A_817 : memref<1x1x8x128xi32, #tpu.memory_space<hbm>> -> memref<8x128xi32, #tpu.memory_space<hbm>>
    %dma_wait3A_819 = arith.constant 0 : i32
    %dma_wait3A_820 = arith.constant 0 : i32
    %dma_wait3A_821 = tpu.memref_slice %arg6[%dma_wait3A_810, %dma_wait3A_819, %dma_wait3A_820] : memref<25x8x128xi32, #tpu.memory_space<vmem>> -> memref<1x8x128xi32, #tpu.memory_space<vmem>>
    %dma_wait3A_822 = tpu.memref_squeeze %dma_wait3A_821 : memref<1x8x128xi32, #tpu.memory_space<vmem>> -> memref<8x128xi32, #tpu.memory_space<vmem>>
    %dma_wait3A_823 = arith.constant 0 : i32
    %dma_wait3A_824 = arith.constant 0 : i32
    %dma_wait3A_825 = tpu.memref_slice %arg2[%dma_wait3A_809, %add3A, %dma_wait3A_823, %dma_wait3A_824] : memref<25x32x8x128xi32, #tpu.memory_space<hbm>> -> memref<1x1x8x128xi32, #tpu.memory_space<hbm>>
    %dma_wait3A_826 = tpu.memref_squeeze %dma_wait3A_825 : memref<1x1x8x128xi32, #tpu.memory_space<hbm>> -> memref<8x128xi32, #tpu.memory_space<hbm>>
    tpu.wait_dma2 semaphore(%arg24 : memref<!tpu.dma_semaphore, #tpu.memory_space<semaphore_mem>>) src(%dma_wait3A_826 : memref<8x128xi32, #tpu.memory_space<hbm>>) dst(%dma_wait3A_822 : memref<8x128xi32, #tpu.memory_space<vmem>>)
    %dma_wait3A_827 = arith.constant 21 : i32
    %dma_wait3A_828 = arith.constant 21 : i32
    %dma_wait3A_829 = arith.constant 0 : i32
    %dma_wait3A_830 = arith.constant 0 : i32
    %dma_wait3A_831 = tpu.memref_slice %arg6[%dma_wait3A_828, %dma_wait3A_829, %dma_wait3A_830] : memref<25x8x128xi32, #tpu.memory_space<vmem>> -> memref<1x8x128xi32, #tpu.memory_space<vmem>>
    %dma_wait3A_832 = tpu.memref_squeeze %dma_wait3A_831 : memref<1x8x128xi32, #tpu.memory_space<vmem>> -> memref<8x128xi32, #tpu.memory_space<vmem>>
    %dma_wait3A_833 = arith.constant 0 : i32
    %dma_wait3A_834 = arith.constant 0 : i32
    %dma_wait3A_835 = tpu.memref_slice %arg2[%dma_wait3A_827, %add3A, %dma_wait3A_833, %dma_wait3A_834] : memref<25x32x8x128xi32, #tpu.memory_space<hbm>> -> memref<1x1x8x128xi32, #tpu.memory_space<hbm>>
    %dma_wait3A_836 = tpu.memref_squeeze %dma_wait3A_835 : memref<1x1x8x128xi32, #tpu.memory_space<hbm>> -> memref<8x128xi32, #tpu.memory_space<hbm>>
    %dma_wait3A_837 = arith.constant 0 : i32
    %dma_wait3A_838 = arith.constant 0 : i32
    %dma_wait3A_839 = tpu.memref_slice %arg6[%dma_wait3A_828, %dma_wait3A_837, %dma_wait3A_838] : memref<25x8x128xi32, #tpu.memory_space<vmem>> -> memref<1x8x128xi32, #tpu.memory_space<vmem>>
    %dma_wait3A_840 = tpu.memref_squeeze %dma_wait3A_839 : memref<1x8x128xi32, #tpu.memory_space<vmem>> -> memref<8x128xi32, #tpu.memory_space<vmem>>
    %dma_wait3A_841 = arith.constant 0 : i32
    %dma_wait3A_842 = arith.constant 0 : i32
    %dma_wait3A_843 = tpu.memref_slice %arg2[%dma_wait3A_827, %add3A, %dma_wait3A_841, %dma_wait3A_842] : memref<25x32x8x128xi32, #tpu.memory_space<hbm>> -> memref<1x1x8x128xi32, #tpu.memory_space<hbm>>
    %dma_wait3A_844 = tpu.memref_squeeze %dma_wait3A_843 : memref<1x1x8x128xi32, #tpu.memory_space<hbm>> -> memref<8x128xi32, #tpu.memory_space<hbm>>
    tpu.wait_dma2 semaphore(%arg24 : memref<!tpu.dma_semaphore, #tpu.memory_space<semaphore_mem>>) src(%dma_wait3A_844 : memref<8x128xi32, #tpu.memory_space<hbm>>) dst(%dma_wait3A_840 : memref<8x128xi32, #tpu.memory_space<vmem>>)
    %dma_wait3A_845 = arith.constant 22 : i32
    %dma_wait3A_846 = arith.constant 22 : i32
    %dma_wait3A_847 = arith.constant 0 : i32
    %dma_wait3A_848 = arith.constant 0 : i32
    %dma_wait3A_849 = tpu.memref_slice %arg6[%dma_wait3A_846, %dma_wait3A_847, %dma_wait3A_848] : memref<25x8x128xi32, #tpu.memory_space<vmem>> -> memref<1x8x128xi32, #tpu.memory_space<vmem>>
    %dma_wait3A_850 = tpu.memref_squeeze %dma_wait3A_849 : memref<1x8x128xi32, #tpu.memory_space<vmem>> -> memref<8x128xi32, #tpu.memory_space<vmem>>
    %dma_wait3A_851 = arith.constant 0 : i32
    %dma_wait3A_852 = arith.constant 0 : i32
    %dma_wait3A_853 = tpu.memref_slice %arg2[%dma_wait3A_845, %add3A, %dma_wait3A_851, %dma_wait3A_852] : memref<25x32x8x128xi32, #tpu.memory_space<hbm>> -> memref<1x1x8x128xi32, #tpu.memory_space<hbm>>
    %dma_wait3A_854 = tpu.memref_squeeze %dma_wait3A_853 : memref<1x1x8x128xi32, #tpu.memory_space<hbm>> -> memref<8x128xi32, #tpu.memory_space<hbm>>
    %dma_wait3A_855 = arith.constant 0 : i32
    %dma_wait3A_856 = arith.constant 0 : i32
    %dma_wait3A_857 = tpu.memref_slice %arg6[%dma_wait3A_846, %dma_wait3A_855, %dma_wait3A_856] : memref<25x8x128xi32, #tpu.memory_space<vmem>> -> memref<1x8x128xi32, #tpu.memory_space<vmem>>
    %dma_wait3A_858 = tpu.memref_squeeze %dma_wait3A_857 : memref<1x8x128xi32, #tpu.memory_space<vmem>> -> memref<8x128xi32, #tpu.memory_space<vmem>>
    %dma_wait3A_859 = arith.constant 0 : i32
    %dma_wait3A_860 = arith.constant 0 : i32
    %dma_wait3A_861 = tpu.memref_slice %arg2[%dma_wait3A_845, %add3A, %dma_wait3A_859, %dma_wait3A_860] : memref<25x32x8x128xi32, #tpu.memory_space<hbm>> -> memref<1x1x8x128xi32, #tpu.memory_space<hbm>>
    %dma_wait3A_862 = tpu.memref_squeeze %dma_wait3A_861 : memref<1x1x8x128xi32, #tpu.memory_space<hbm>> -> memref<8x128xi32, #tpu.memory_space<hbm>>
    tpu.wait_dma2 semaphore(%arg24 : memref<!tpu.dma_semaphore, #tpu.memory_space<semaphore_mem>>) src(%dma_wait3A_862 : memref<8x128xi32, #tpu.memory_space<hbm>>) dst(%dma_wait3A_858 : memref<8x128xi32, #tpu.memory_space<vmem>>)
    %dma_wait3A_863 = arith.constant 23 : i32
    %dma_wait3A_864 = arith.constant 23 : i32
    %dma_wait3A_865 = arith.constant 0 : i32
    %dma_wait3A_866 = arith.constant 0 : i32
    %dma_wait3A_867 = tpu.memref_slice %arg6[%dma_wait3A_864, %dma_wait3A_865, %dma_wait3A_866] : memref<25x8x128xi32, #tpu.memory_space<vmem>> -> memref<1x8x128xi32, #tpu.memory_space<vmem>>
    %dma_wait3A_868 = tpu.memref_squeeze %dma_wait3A_867 : memref<1x8x128xi32, #tpu.memory_space<vmem>> -> memref<8x128xi32, #tpu.memory_space<vmem>>
    %dma_wait3A_869 = arith.constant 0 : i32
    %dma_wait3A_870 = arith.constant 0 : i32
    %dma_wait3A_871 = tpu.memref_slice %arg2[%dma_wait3A_863, %add3A, %dma_wait3A_869, %dma_wait3A_870] : memref<25x32x8x128xi32, #tpu.memory_space<hbm>> -> memref<1x1x8x128xi32, #tpu.memory_space<hbm>>
    %dma_wait3A_872 = tpu.memref_squeeze %dma_wait3A_871 : memref<1x1x8x128xi32, #tpu.memory_space<hbm>> -> memref<8x128xi32, #tpu.memory_space<hbm>>
    %dma_wait3A_873 = arith.constant 0 : i32
    %dma_wait3A_874 = arith.constant 0 : i32
    %dma_wait3A_875 = tpu.memref_slice %arg6[%dma_wait3A_864, %dma_wait3A_873, %dma_wait3A_874] : memref<25x8x128xi32, #tpu.memory_space<vmem>> -> memref<1x8x128xi32, #tpu.memory_space<vmem>>
    %dma_wait3A_876 = tpu.memref_squeeze %dma_wait3A_875 : memref<1x8x128xi32, #tpu.memory_space<vmem>> -> memref<8x128xi32, #tpu.memory_space<vmem>>
    %dma_wait3A_877 = arith.constant 0 : i32
    %dma_wait3A_878 = arith.constant 0 : i32
    %dma_wait3A_879 = tpu.memref_slice %arg2[%dma_wait3A_863, %add3A, %dma_wait3A_877, %dma_wait3A_878] : memref<25x32x8x128xi32, #tpu.memory_space<hbm>> -> memref<1x1x8x128xi32, #tpu.memory_space<hbm>>
    %dma_wait3A_880 = tpu.memref_squeeze %dma_wait3A_879 : memref<1x1x8x128xi32, #tpu.memory_space<hbm>> -> memref<8x128xi32, #tpu.memory_space<hbm>>
    tpu.wait_dma2 semaphore(%arg24 : memref<!tpu.dma_semaphore, #tpu.memory_space<semaphore_mem>>) src(%dma_wait3A_880 : memref<8x128xi32, #tpu.memory_space<hbm>>) dst(%dma_wait3A_876 : memref<8x128xi32, #tpu.memory_space<vmem>>)
    %dma_wait3A_881 = arith.constant 24 : i32
    %dma_wait3A_882 = arith.constant 24 : i32
    %dma_wait3A_883 = arith.constant 0 : i32
    %dma_wait3A_884 = arith.constant 0 : i32
    %dma_wait3A_885 = tpu.memref_slice %arg6[%dma_wait3A_882, %dma_wait3A_883, %dma_wait3A_884] : memref<25x8x128xi32, #tpu.memory_space<vmem>> -> memref<1x8x128xi32, #tpu.memory_space<vmem>>
    %dma_wait3A_886 = tpu.memref_squeeze %dma_wait3A_885 : memref<1x8x128xi32, #tpu.memory_space<vmem>> -> memref<8x128xi32, #tpu.memory_space<vmem>>
    %dma_wait3A_887 = arith.constant 0 : i32
    %dma_wait3A_888 = arith.constant 0 : i32
    %dma_wait3A_889 = tpu.memref_slice %arg2[%dma_wait3A_881, %add3A, %dma_wait3A_887, %dma_wait3A_888] : memref<25x32x8x128xi32, #tpu.memory_space<hbm>> -> memref<1x1x8x128xi32, #tpu.memory_space<hbm>>
    %dma_wait3A_890 = tpu.memref_squeeze %dma_wait3A_889 : memref<1x1x8x128xi32, #tpu.memory_space<hbm>> -> memref<8x128xi32, #tpu.memory_space<hbm>>
    %dma_wait3A_891 = arith.constant 0 : i32
    %dma_wait3A_892 = arith.constant 0 : i32
    %dma_wait3A_893 = tpu.memref_slice %arg6[%dma_wait3A_882, %dma_wait3A_891, %dma_wait3A_892] : memref<25x8x128xi32, #tpu.memory_space<vmem>> -> memref<1x8x128xi32, #tpu.memory_space<vmem>>
    %dma_wait3A_894 = tpu.memref_squeeze %dma_wait3A_893 : memref<1x8x128xi32, #tpu.memory_space<vmem>> -> memref<8x128xi32, #tpu.memory_space<vmem>>
    %dma_wait3A_895 = arith.constant 0 : i32
    %dma_wait3A_896 = arith.constant 0 : i32
    %dma_wait3A_897 = tpu.memref_slice %arg2[%dma_wait3A_881, %add3A, %dma_wait3A_895, %dma_wait3A_896] : memref<25x32x8x128xi32, #tpu.memory_space<hbm>> -> memref<1x1x8x128xi32, #tpu.memory_space<hbm>>
    %dma_wait3A_898 = tpu.memref_squeeze %dma_wait3A_897 : memref<1x1x8x128xi32, #tpu.memory_space<hbm>> -> memref<8x128xi32, #tpu.memory_space<hbm>>
    tpu.wait_dma2 semaphore(%arg24 : memref<!tpu.dma_semaphore, #tpu.memory_space<semaphore_mem>>) src(%dma_wait3A_898 : memref<8x128xi32, #tpu.memory_space<hbm>>) dst(%dma_wait3A_894 : memref<8x128xi32, #tpu.memory_space<vmem>>)
    %dma_start3A_899 = arith.constant 0 : i32
    %dma_start3A_900 = arith.constant 0 : i32
    %dma_start3A_901 = arith.constant 0 : i32
    %dma_start3A_902 = tpu.memref_slice %arg6[%dma_start3A_899, %dma_start3A_900, %dma_start3A_901] : memref<25x8x128xi32, #tpu.memory_space<vmem>> -> memref<1x1x128xi32, #tpu.memory_space<vmem>>
    %dma_start3A_903 = tpu.memref_squeeze %dma_start3A_902 : memref<1x1x128xi32, #tpu.memory_space<vmem>> -> memref<128xi32, #tpu.memory_space<vmem>>
    %dma_start3A_904 = arith.constant 0 : i32
    %dma_start3A_905 = arith.constant 0 : i32
    %dma_start3A_906 = tpu.memref_slice %arg3[%dma_start3A_904, %dma_start3A_905] : memref<100000x64xf32, #tpu.memory_space<hbm>> -> memref<100000x64xf32, #tpu.memory_space<hbm>>
    tpu.enqueue_indirect_dma source(%dma_start3A_906 : memref<100000x64xf32, #tpu.memory_space<hbm>>) target(%arg7 : memref<128x64xf32, #tpu.memory_space<vmem>>) offsets(%dma_start3A_903 : memref<128xi32, #tpu.memory_space<vmem>>) semaphore(%arg16 : memref<!tpu.dma_semaphore, #tpu.memory_space<semaphore_mem>>)
    %dma_start3A_907 = arith.constant 0 : i32
    %dma_start3A_908 = arith.constant 1 : i32
    %dma_start3A_909 = arith.constant 0 : i32
    %dma_start3A_910 = tpu.memref_slice %arg6[%dma_start3A_907, %dma_start3A_908, %dma_start3A_909] : memref<25x8x128xi32, #tpu.memory_space<vmem>> -> memref<1x1x128xi32, #tpu.memory_space<vmem>>
    %dma_start3A_911 = tpu.memref_squeeze %dma_start3A_910 : memref<1x1x128xi32, #tpu.memory_space<vmem>> -> memref<128xi32, #tpu.memory_space<vmem>>
    %dma_start3A_912 = arith.constant 0 : i32
    %dma_start3A_913 = arith.constant 0 : i32
    %dma_start3A_914 = tpu.memref_slice %arg3[%dma_start3A_912, %dma_start3A_913] : memref<100000x64xf32, #tpu.memory_space<hbm>> -> memref<100000x64xf32, #tpu.memory_space<hbm>>
    tpu.enqueue_indirect_dma source(%dma_start3A_914 : memref<100000x64xf32, #tpu.memory_space<hbm>>) target(%arg8 : memref<128x64xf32, #tpu.memory_space<vmem>>) offsets(%dma_start3A_911 : memref<128xi32, #tpu.memory_space<vmem>>) semaphore(%arg17 : memref<!tpu.dma_semaphore, #tpu.memory_space<semaphore_mem>>)
    %dma_start3A_915 = arith.constant 0 : i32
    %dma_start3A_916 = arith.constant 2 : i32
    %dma_start3A_917 = arith.constant 0 : i32
    %dma_start3A_918 = tpu.memref_slice %arg6[%dma_start3A_915, %dma_start3A_916, %dma_start3A_917] : memref<25x8x128xi32, #tpu.memory_space<vmem>> -> memref<1x1x128xi32, #tpu.memory_space<vmem>>
    %dma_start3A_919 = tpu.memref_squeeze %dma_start3A_918 : memref<1x1x128xi32, #tpu.memory_space<vmem>> -> memref<128xi32, #tpu.memory_space<vmem>>
    %dma_start3A_920 = arith.constant 0 : i32
    %dma_start3A_921 = arith.constant 0 : i32
    %dma_start3A_922 = tpu.memref_slice %arg3[%dma_start3A_920, %dma_start3A_921] : memref<100000x64xf32, #tpu.memory_space<hbm>> -> memref<100000x64xf32, #tpu.memory_space<hbm>>
    tpu.enqueue_indirect_dma source(%dma_start3A_922 : memref<100000x64xf32, #tpu.memory_space<hbm>>) target(%arg9 : memref<128x64xf32, #tpu.memory_space<vmem>>) offsets(%dma_start3A_919 : memref<128xi32, #tpu.memory_space<vmem>>) semaphore(%arg18 : memref<!tpu.dma_semaphore, #tpu.memory_space<semaphore_mem>>)
    %scan3A = arith.constant 0 : i32
    %scan3A_923 = arith.constant 0 : i32
    %scan3A_924 = arith.constant 50 : i32
    %scan3A_925 = arith.addi %scan3A_923, %scan3A_924 : i32
    %scan3A_926 = arith.constant 1 : i32
    scf.for %scan3A_960 = %scan3A_923 to %scan3A_925 step %scan3A_926  : i32 {
      %mul3A_961 = arith.constant 4 : i32
      %mul3A_962 = arith.muli %scan3A_960, %mul3A_961 : i32
      %add3A_963 = arith.constant 0 : i32
      %add3A_964 = arith.addi %mul3A_962, %add3A_963 : i32
      %gt3A = arith.constant 0 : i32
      %gt3A_965 = arith.cmpi sgt, %scan3A_960, %gt3A : i32
      %convert_element_type3A = arith.extui %gt3A_965 : i1 to i32
      %cond3A = arith.constant 0 : i32
      %cond3A_966 = arith.cmpi ne, %convert_element_type3A, %cond3A : i32
      scf.if %cond3A_966 {
        %dma_wait3A_1642 = arith.constant 0 : i32
        %dma_wait3A_1643 = arith.constant 0 : i32
        %dma_wait3A_1644 = arith.constant 0 : i32
        %dma_wait3A_1645 = tpu.memref_slice %arg6[%dma_wait3A_1642, %dma_wait3A_1643, %dma_wait3A_1644] : memref<25x8x128xi32, #tpu.memory_space<vmem>> -> memref<1x1x128xi32, #tpu.memory_space<vmem>>
        %dma_wait3A_1646 = tpu.memref_squeeze %dma_wait3A_1645 : memref<1x1x128xi32, #tpu.memory_space<vmem>> -> memref<128xi32, #tpu.memory_space<vmem>>
        %dma_wait3A_1647 = arith.constant 0 : i32
        %dma_wait3A_1648 = arith.constant 0 : i32
        %dma_wait3A_1649 = tpu.memref_slice %arg3[%dma_wait3A_1647, %dma_wait3A_1648] : memref<100000x64xf32, #tpu.memory_space<hbm>> -> memref<100000x64xf32, #tpu.memory_space<hbm>>
        tpu.wait_indirect_dma semaphore(%arg20 : memref<!tpu.dma_semaphore, #tpu.memory_space<semaphore_mem>>) src(%dma_wait3A_1649 : memref<100000x64xf32, #tpu.memory_space<hbm>>) dst(%arg7 : memref<128x64xf32, #tpu.memory_space<vmem>>)
      } else {
      }
      %dma_wait3A_967 = arith.constant 0 : i32
      %dma_wait3A_968 = arith.constant 0 : i32
      %dma_wait3A_969 = arith.constant 0 : i32
      %dma_wait3A_970 = tpu.memref_slice %arg6[%dma_wait3A_967, %dma_wait3A_968, %dma_wait3A_969] : memref<25x8x128xi32, #tpu.memory_space<vmem>> -> memref<1x1x128xi32, #tpu.memory_space<vmem>>
      %dma_wait3A_971 = tpu.memref_squeeze %dma_wait3A_970 : memref<1x1x128xi32, #tpu.memory_space<vmem>> -> memref<128xi32, #tpu.memory_space<vmem>>
      %dma_wait3A_972 = arith.constant 0 : i32
      %dma_wait3A_973 = arith.constant 0 : i32
      %dma_wait3A_974 = tpu.memref_slice %arg3[%dma_wait3A_972, %dma_wait3A_973] : memref<100000x64xf32, #tpu.memory_space<hbm>> -> memref<100000x64xf32, #tpu.memory_space<hbm>>
      tpu.wait_indirect_dma semaphore(%arg16 : memref<!tpu.dma_semaphore, #tpu.memory_space<semaphore_mem>>) src(%dma_wait3A_974 : memref<100000x64xf32, #tpu.memory_space<hbm>>) dst(%arg7 : memref<128x64xf32, #tpu.memory_space<vmem>>)
      %add3A_975 = arith.constant 3 : i32
      %add3A_976 = arith.addi %add3A_964, %add3A_975 : i32
      %lt3A = arith.constant 200 : i32
      %lt3A_977 = arith.cmpi slt, %add3A_976, %lt3A : i32
      %convert_element_type3A_978 = arith.extui %lt3A_977 : i1 to i32
      %cond3A_979 = arith.constant 0 : i32
      %cond3A_980 = arith.cmpi ne, %convert_element_type3A_978, %cond3A_979 : i32
      scf.if %cond3A_980 {
        %add3A_1642 = arith.constant 3 : i32
        %add3A_1643 = arith.addi %add3A_964, %add3A_1642 : i32
        %jit3A = arith.constant 8 : i32
        %div3A = arith.divsi %add3A_1643, %jit3A : i32
        %sign3A = arith.constant 0 : i32
        %sign3A_1644 = arith.cmpi sgt, %add3A_1643, %sign3A : i32
        %sign3A_1645 = arith.extui %sign3A_1644 : i1 to i32
        %sign3A_1646 = arith.constant 0 : i32
        %sign3A_1647 = arith.cmpi slt, %add3A_1643, %sign3A_1646 : i32
        %sign3A_1648 = arith.extui %sign3A_1647 : i1 to i32
        %sign3A_1649 = arith.subi %sign3A_1645, %sign3A_1648 : i32
        %sign3A_1650 = arith.constant 0 : i32
        %sign3A_1651 = arith.cmpi sgt, %jit3A, %sign3A_1650 : i32
        %sign3A_1652 = arith.extui %sign3A_1651 : i1 to i32
        %sign3A_1653 = arith.constant 0 : i32
        %sign3A_1654 = arith.cmpi slt, %jit3A, %sign3A_1653 : i32
        %sign3A_1655 = arith.extui %sign3A_1654 : i1 to i32
        %sign3A_1656 = arith.subi %sign3A_1652, %sign3A_1655 : i32
        %ne3A = arith.cmpi ne, %sign3A_1649, %sign3A_1656 : i32
        %rem3A = arith.remsi %add3A_1643, %jit3A : i32
        %ne3A_1657 = arith.constant 0 : i32
        %ne3A_1658 = arith.cmpi ne, %rem3A, %ne3A_1657 : i32
        %and3A = arith.andi %ne3A, %ne3A_1658 : i1
        %sub3A = arith.constant 1 : i32
        %sub3A_1659 = arith.subi %div3A, %sub3A : i32
        %select_n3A = arith.select %and3A, %sub3A_1659, %div3A : i32
        %jit3A_1660 = arith.constant 8 : i32
        %eq3A = arith.constant 0 : i32
        %eq3A_1661 = arith.cmpi eq, %jit3A_1660, %eq3A : i32
        %jit3A_1662 = arith.constant 1 : i32
        %select_n3A_1663 = arith.select %eq3A_1661, %jit3A_1662, %jit3A_1660 : i32
        %rem3A_1664 = arith.remsi %add3A_1643, %select_n3A_1663 : i32
        %ne3A_1665 = arith.constant 0 : i32
        %ne3A_1666 = arith.cmpi ne, %rem3A_1664, %ne3A_1665 : i32
        %lt3A_1667 = arith.constant 0 : i32
        %lt3A_1668 = arith.cmpi slt, %rem3A_1664, %lt3A_1667 : i32
        %lt3A_1669 = arith.constant 0 : i32
        %lt3A_1670 = arith.cmpi slt, %select_n3A_1663, %lt3A_1669 : i32
        %ne3A_1671 = arith.xori %lt3A_1668, %lt3A_1670 : i1
        %and3A_1672 = arith.andi %ne3A_1671, %ne3A_1666 : i1
        %add3A_1673 = arith.addi %rem3A_1664, %select_n3A_1663 : i32
        %select_n3A_1674 = arith.select %and3A_1672, %add3A_1673, %rem3A_1664 : i32
        %dma_start3A_1675 = arith.constant 0 : i32
        %dma_start3A_1676 = tpu.memref_slice %arg6[%select_n3A, %select_n3A_1674, %dma_start3A_1675] : memref<25x8x128xi32, #tpu.memory_space<vmem>> -> memref<1x1x128xi32, #tpu.memory_space<vmem>>
        %dma_start3A_1677 = tpu.memref_squeeze %dma_start3A_1676 : memref<1x1x128xi32, #tpu.memory_space<vmem>> -> memref<128xi32, #tpu.memory_space<vmem>>
        %dma_start3A_1678 = arith.constant 0 : i32
        %dma_start3A_1679 = arith.constant 0 : i32
        %dma_start3A_1680 = tpu.memref_slice %arg3[%dma_start3A_1678, %dma_start3A_1679] : memref<100000x64xf32, #tpu.memory_space<hbm>> -> memref<100000x64xf32, #tpu.memory_space<hbm>>
        tpu.enqueue_indirect_dma source(%dma_start3A_1680 : memref<100000x64xf32, #tpu.memory_space<hbm>>) target(%arg10 : memref<128x64xf32, #tpu.memory_space<vmem>>) offsets(%dma_start3A_1677 : memref<128xi32, #tpu.memory_space<vmem>>) semaphore(%arg19 : memref<!tpu.dma_semaphore, #tpu.memory_space<semaphore_mem>>)
      } else {
      }
      %get3A = arith.index_cast %add3A_964 : i32 to index
      %get3A_981 = arith.constant 0 : index
      %get3A_982 = tpu.vector_load %arg15[%get3A, %get3A_981] {strides = array<i32>} : memref<200x64xf32, #tpu.memory_space<vmem>>, vector<16xf32>,
      %get3A_983 = arith.index_cast %add3A_964 : i32 to index
      %get3A_984 = arith.constant 16 : index
      %get3A_985 = tpu.vector_load %arg15[%get3A_983, %get3A_984] {strides = array<i32>} : memref<200x64xf32, #tpu.memory_space<vmem>>, vector<16xf32>,
      %get3A_986 = arith.index_cast %add3A_964 : i32 to index
      %get3A_987 = arith.constant 32 : index
      %get3A_988 = tpu.vector_load %arg15[%get3A_986, %get3A_987] {strides = array<i32>} : memref<200x64xf32, #tpu.memory_space<vmem>>, vector<16xf32>,
      %get3A_989 = arith.index_cast %add3A_964 : i32 to index
      %get3A_990 = arith.constant 48 : index
      %get3A_991 = tpu.vector_load %arg15[%get3A_989, %get3A_990] {strides = array<i32>} : memref<200x64xf32, #tpu.memory_space<vmem>>, vector<16xf32>,
      %iota3A = tpu.iota {dimensions = array<i32: 0>} : vector<16xi32>
      %iota3A_992 = tpu.iota {dimensions = array<i32: 0>} : vector<16xi32>
      %add3A_993 = arith.constant 16 : i32
      %add3A_994 = vector.broadcast %add3A_993 : i32 to vector<16xi32>
      %add3A_995 = arith.addi %add3A_994, %iota3A_992 : vector<16xi32>
      %iota3A_996 = tpu.iota {dimensions = array<i32: 0>} : vector<16xi32>
      %add3A_997 = arith.constant 32 : i32
      %add3A_998 = vector.broadcast %add3A_997 : i32 to vector<16xi32>
      %add3A_999 = arith.addi %add3A_998, %iota3A_996 : vector<16xi32>
      %iota3A_1000 = tpu.iota {dimensions = array<i32: 0>} : vector<16xi32>
      %add3A_1001 = arith.constant 48 : i32
      %add3A_1002 = vector.broadcast %add3A_1001 : i32 to vector<16xi32>
      %add3A_1003 = arith.addi %add3A_1002, %iota3A_1000 : vector<16xi32>
      %parallel_loop3A = arith.constant 0 : i32
      %parallel_loop3A_1004 = arith.constant 128 : i32
      %parallel_loop3A_1005 = arith.constant 1 : i32
      scf.for %parallel_loop3A_1642 = %parallel_loop3A to %parallel_loop3A_1004 step %parallel_loop3A_1005  : i32 {
        %parallel_loop3A_1643 = vector.broadcast %parallel_loop3A_1642 : i32 to vector<16xi32>
        %parallel_loop3A_1644 = arith.index_cast %parallel_loop3A_1642 : i32 to index
        %parallel_loop3A_1645 = arith.constant 0 : index
        %parallel_loop3A_1646 = tpu.vector_load %arg7[%parallel_loop3A_1644, %parallel_loop3A_1645] {strides = array<i32>} : memref<128x64xf32, #tpu.memory_space<vmem>>, vector<16xf32>,
        %parallel_loop3A_1647 = arith.addf %parallel_loop3A_1646, %get3A_982 : vector<16xf32>
        tpu.vector_store_idx %arg11[%iota3A, %parallel_loop3A_1643], %parallel_loop3A_1647 : memref<64x129xf32, #tpu.memory_space<vmem>>[vector<16xi32>, vector<16xi32>], vector<16xf32>,
        %parallel_loop3A_1648 = arith.index_cast %parallel_loop3A_1642 : i32 to index
        %parallel_loop3A_1649 = arith.constant 16 : index
        %parallel_loop3A_1650 = tpu.vector_load %arg7[%parallel_loop3A_1648, %parallel_loop3A_1649] {strides = array<i32>} : memref<128x64xf32, #tpu.memory_space<vmem>>, vector<16xf32>,
        %parallel_loop3A_1651 = arith.addf %parallel_loop3A_1650, %get3A_985 : vector<16xf32>
        tpu.vector_store_idx %arg11[%add3A_995, %parallel_loop3A_1643], %parallel_loop3A_1651 : memref<64x129xf32, #tpu.memory_space<vmem>>[vector<16xi32>, vector<16xi32>], vector<16xf32>,
        %parallel_loop3A_1652 = arith.index_cast %parallel_loop3A_1642 : i32 to index
        %parallel_loop3A_1653 = arith.constant 32 : index
        %parallel_loop3A_1654 = tpu.vector_load %arg7[%parallel_loop3A_1652, %parallel_loop3A_1653] {strides = array<i32>} : memref<128x64xf32, #tpu.memory_space<vmem>>, vector<16xf32>,
        %parallel_loop3A_1655 = arith.addf %parallel_loop3A_1654, %get3A_988 : vector<16xf32>
        tpu.vector_store_idx %arg11[%add3A_999, %parallel_loop3A_1643], %parallel_loop3A_1655 : memref<64x129xf32, #tpu.memory_space<vmem>>[vector<16xi32>, vector<16xi32>], vector<16xf32>,
        %parallel_loop3A_1656 = arith.index_cast %parallel_loop3A_1642 : i32 to index
        %parallel_loop3A_1657 = arith.constant 48 : index
        %parallel_loop3A_1658 = tpu.vector_load %arg7[%parallel_loop3A_1656, %parallel_loop3A_1657] {strides = array<i32>} : memref<128x64xf32, #tpu.memory_space<vmem>>, vector<16xf32>,
        %parallel_loop3A_1659 = arith.addf %parallel_loop3A_1658, %get3A_991 : vector<16xf32>
        tpu.vector_store_idx %arg11[%add3A_1003, %parallel_loop3A_1643], %parallel_loop3A_1659 : memref<64x129xf32, #tpu.memory_space<vmem>>[vector<16xi32>, vector<16xi32>], vector<16xf32>,
      } {sc.loop_unroll_factor = 4 : i64, sc.parallel_access}
      %dma_start3A_1006 = arith.constant 0 : i32
      %dma_start3A_1007 = arith.constant 0 : i32
      %dma_start3A_1008 = arith.constant 0 : i32
      %dma_start3A_1009 = tpu.memref_slice %arg11[%dma_start3A_1007, %dma_start3A_1008] : memref<64x129xf32, #tpu.memory_space<vmem>> -> memref<8x128xf32, #tpu.memory_space<vmem>>
      %dma_start3A_1010 = arith.constant 0 : i32
      %dma_start3A_1011 = arith.constant 0 : i32
      %dma_start3A_1012 = tpu.memref_slice %arg5[%add3A_964, %dma_start3A_1006, %add3A, %dma_start3A_1010, %dma_start3A_1011] : memref<200x8x32x8x128xf32, #tpu.memory_space<hbm>> -> memref<1x1x1x8x128xf32, #tpu.memory_space<hbm>>
      %dma_start3A_1013 = tpu.memref_squeeze %dma_start3A_1012 : memref<1x1x1x8x128xf32, #tpu.memory_space<hbm>> -> memref<8x128xf32, #tpu.memory_space<hbm>>
      %dma_start3A_1014 = arith.constant 0 : i32
      %dma_start3A_1015 = arith.constant 0 : i32
      %dma_start3A_1016 = tpu.memref_slice %arg5[%add3A_964, %dma_start3A_1006, %add3A, %dma_start3A_1014, %dma_start3A_1015] : memref<200x8x32x8x128xf32, #tpu.memory_space<hbm>> -> memref<1x1x1x8x128xf32, #tpu.memory_space<hbm>>
      %dma_start3A_1017 = tpu.memref_squeeze %dma_start3A_1016 : memref<1x1x1x8x128xf32, #tpu.memory_space<hbm>> -> memref<8x128xf32, #tpu.memory_space<hbm>>
      %dma_start3A_1018 = arith.constant 0 : i32
      %dma_start3A_1019 = arith.constant 0 : i32
      %dma_start3A_1020 = tpu.memref_slice %arg11[%dma_start3A_1018, %dma_start3A_1019] : memref<64x129xf32, #tpu.memory_space<vmem>> -> memref<8x128xf32, #tpu.memory_space<vmem>>
      tpu.enqueue_dma source(%dma_start3A_1020 : memref<8x128xf32, #tpu.memory_space<vmem>>) target(%dma_start3A_1017 : memref<8x128xf32, #tpu.memory_space<hbm>>) target_semaphore(%arg20 : memref<!tpu.dma_semaphore, #tpu.memory_space<semaphore_mem>>)
      %dma_start3A_1021 = arith.constant 1 : i32
      %dma_start3A_1022 = arith.constant 8 : i32
      %dma_start3A_1023 = arith.constant 0 : i32
      %dma_start3A_1024 = tpu.memref_slice %arg11[%dma_start3A_1022, %dma_start3A_1023] : memref<64x129xf32, #tpu.memory_space<vmem>> -> memref<8x128xf32, #tpu.memory_space<vmem>>
      %dma_start3A_1025 = arith.constant 0 : i32
      %dma_start3A_1026 = arith.constant 0 : i32
      %dma_start3A_1027 = tpu.memref_slice %arg5[%add3A_964, %dma_start3A_1021, %add3A, %dma_start3A_1025, %dma_start3A_1026] : memref<200x8x32x8x128xf32, #tpu.memory_space<hbm>> -> memref<1x1x1x8x128xf32, #tpu.memory_space<hbm>>
      %dma_start3A_1028 = tpu.memref_squeeze %dma_start3A_1027 : memref<1x1x1x8x128xf32, #tpu.memory_space<hbm>> -> memref<8x128xf32, #tpu.memory_space<hbm>>
      %dma_start3A_1029 = arith.constant 0 : i32
      %dma_start3A_1030 = arith.constant 0 : i32
      %dma_start3A_1031 = tpu.memref_slice %arg5[%add3A_964, %dma_start3A_1021, %add3A, %dma_start3A_1029, %dma_start3A_1030] : memref<200x8x32x8x128xf32, #tpu.memory_space<hbm>> -> memref<1x1x1x8x128xf32, #tpu.memory_space<hbm>>
      %dma_start3A_1032 = tpu.memref_squeeze %dma_start3A_1031 : memref<1x1x1x8x128xf32, #tpu.memory_space<hbm>> -> memref<8x128xf32, #tpu.memory_space<hbm>>
      %dma_start3A_1033 = arith.constant 8 : i32
      %dma_start3A_1034 = arith.constant 0 : i32
      %dma_start3A_1035 = tpu.memref_slice %arg11[%dma_start3A_1033, %dma_start3A_1034] : memref<64x129xf32, #tpu.memory_space<vmem>> -> memref<8x128xf32, #tpu.memory_space<vmem>>
      tpu.enqueue_dma source(%dma_start3A_1035 : memref<8x128xf32, #tpu.memory_space<vmem>>) target(%dma_start3A_1032 : memref<8x128xf32, #tpu.memory_space<hbm>>) target_semaphore(%arg20 : memref<!tpu.dma_semaphore, #tpu.memory_space<semaphore_mem>>)
      %dma_start3A_1036 = arith.constant 2 : i32
      %dma_start3A_1037 = arith.constant 16 : i32
      %dma_start3A_1038 = arith.constant 0 : i32
      %dma_start3A_1039 = tpu.memref_slice %arg11[%dma_start3A_1037, %dma_start3A_1038] : memref<64x129xf32, #tpu.memory_space<vmem>> -> memref<8x128xf32, #tpu.memory_space<vmem>>
      %dma_start3A_1040 = arith.constant 0 : i32
      %dma_start3A_1041 = arith.constant 0 : i32
      %dma_start3A_1042 = tpu.memref_slice %arg5[%add3A_964, %dma_start3A_1036, %add3A, %dma_start3A_1040, %dma_start3A_1041] : memref<200x8x32x8x128xf32, #tpu.memory_space<hbm>> -> memref<1x1x1x8x128xf32, #tpu.memory_space<hbm>>
      %dma_start3A_1043 = tpu.memref_squeeze %dma_start3A_1042 : memref<1x1x1x8x128xf32, #tpu.memory_space<hbm>> -> memref<8x128xf32, #tpu.memory_space<hbm>>
      %dma_start3A_1044 = arith.constant 0 : i32
      %dma_start3A_1045 = arith.constant 0 : i32
      %dma_start3A_1046 = tpu.memref_slice %arg5[%add3A_964, %dma_start3A_1036, %add3A, %dma_start3A_1044, %dma_start3A_1045] : memref<200x8x32x8x128xf32, #tpu.memory_space<hbm>> -> memref<1x1x1x8x128xf32, #tpu.memory_space<hbm>>
      %dma_start3A_1047 = tpu.memref_squeeze %dma_start3A_1046 : memref<1x1x1x8x128xf32, #tpu.memory_space<hbm>> -> memref<8x128xf32, #tpu.memory_space<hbm>>
      %dma_start3A_1048 = arith.constant 16 : i32
      %dma_start3A_1049 = arith.constant 0 : i32
      %dma_start3A_1050 = tpu.memref_slice %arg11[%dma_start3A_1048, %dma_start3A_1049] : memref<64x129xf32, #tpu.memory_space<vmem>> -> memref<8x128xf32, #tpu.memory_space<vmem>>
      tpu.enqueue_dma source(%dma_start3A_1050 : memref<8x128xf32, #tpu.memory_space<vmem>>) target(%dma_start3A_1047 : memref<8x128xf32, #tpu.memory_space<hbm>>) target_semaphore(%arg20 : memref<!tpu.dma_semaphore, #tpu.memory_space<semaphore_mem>>)
      %dma_start3A_1051 = arith.constant 3 : i32
      %dma_start3A_1052 = arith.constant 24 : i32
      %dma_start3A_1053 = arith.constant 0 : i32
      %dma_start3A_1054 = tpu.memref_slice %arg11[%dma_start3A_1052, %dma_start3A_1053] : memref<64x129xf32, #tpu.memory_space<vmem>> -> memref<8x128xf32, #tpu.memory_space<vmem>>
      %dma_start3A_1055 = arith.constant 0 : i32
      %dma_start3A_1056 = arith.constant 0 : i32
      %dma_start3A_1057 = tpu.memref_slice %arg5[%add3A_964, %dma_start3A_1051, %add3A, %dma_start3A_1055, %dma_start3A_1056] : memref<200x8x32x8x128xf32, #tpu.memory_space<hbm>> -> memref<1x1x1x8x128xf32, #tpu.memory_space<hbm>>
      %dma_start3A_1058 = tpu.memref_squeeze %dma_start3A_1057 : memref<1x1x1x8x128xf32, #tpu.memory_space<hbm>> -> memref<8x128xf32, #tpu.memory_space<hbm>>
      %dma_start3A_1059 = arith.constant 0 : i32
      %dma_start3A_1060 = arith.constant 0 : i32
      %dma_start3A_1061 = tpu.memref_slice %arg5[%add3A_964, %dma_start3A_1051, %add3A, %dma_start3A_1059, %dma_start3A_1060] : memref<200x8x32x8x128xf32, #tpu.memory_space<hbm>> -> memref<1x1x1x8x128xf32, #tpu.memory_space<hbm>>
      %dma_start3A_1062 = tpu.memref_squeeze %dma_start3A_1061 : memref<1x1x1x8x128xf32, #tpu.memory_space<hbm>> -> memref<8x128xf32, #tpu.memory_space<hbm>>
      %dma_start3A_1063 = arith.constant 24 : i32
      %dma_start3A_1064 = arith.constant 0 : i32
      %dma_start3A_1065 = tpu.memref_slice %arg11[%dma_start3A_1063, %dma_start3A_1064] : memref<64x129xf32, #tpu.memory_space<vmem>> -> memref<8x128xf32, #tpu.memory_space<vmem>>
      tpu.enqueue_dma source(%dma_start3A_1065 : memref<8x128xf32, #tpu.memory_space<vmem>>) target(%dma_start3A_1062 : memref<8x128xf32, #tpu.memory_space<hbm>>) target_semaphore(%arg20 : memref<!tpu.dma_semaphore, #tpu.memory_space<semaphore_mem>>)
      %dma_start3A_1066 = arith.constant 4 : i32
      %dma_start3A_1067 = arith.constant 32 : i32
      %dma_start3A_1068 = arith.constant 0 : i32
      %dma_start3A_1069 = tpu.memref_slice %arg11[%dma_start3A_1067, %dma_start3A_1068] : memref<64x129xf32, #tpu.memory_space<vmem>> -> memref<8x128xf32, #tpu.memory_space<vmem>>
      %dma_start3A_1070 = arith.constant 0 : i32
      %dma_start3A_1071 = arith.constant 0 : i32
      %dma_start3A_1072 = tpu.memref_slice %arg5[%add3A_964, %dma_start3A_1066, %add3A, %dma_start3A_1070, %dma_start3A_1071] : memref<200x8x32x8x128xf32, #tpu.memory_space<hbm>> -> memref<1x1x1x8x128xf32, #tpu.memory_space<hbm>>
      %dma_start3A_1073 = tpu.memref_squeeze %dma_start3A_1072 : memref<1x1x1x8x128xf32, #tpu.memory_space<hbm>> -> memref<8x128xf32, #tpu.memory_space<hbm>>
      %dma_start3A_1074 = arith.constant 0 : i32
      %dma_start3A_1075 = arith.constant 0 : i32
      %dma_start3A_1076 = tpu.memref_slice %arg5[%add3A_964, %dma_start3A_1066, %add3A, %dma_start3A_1074, %dma_start3A_1075] : memref<200x8x32x8x128xf32, #tpu.memory_space<hbm>> -> memref<1x1x1x8x128xf32, #tpu.memory_space<hbm>>
      %dma_start3A_1077 = tpu.memref_squeeze %dma_start3A_1076 : memref<1x1x1x8x128xf32, #tpu.memory_space<hbm>> -> memref<8x128xf32, #tpu.memory_space<hbm>>
      %dma_start3A_1078 = arith.constant 32 : i32
      %dma_start3A_1079 = arith.constant 0 : i32
      %dma_start3A_1080 = tpu.memref_slice %arg11[%dma_start3A_1078, %dma_start3A_1079] : memref<64x129xf32, #tpu.memory_space<vmem>> -> memref<8x128xf32, #tpu.memory_space<vmem>>
      tpu.enqueue_dma source(%dma_start3A_1080 : memref<8x128xf32, #tpu.memory_space<vmem>>) target(%dma_start3A_1077 : memref<8x128xf32, #tpu.memory_space<hbm>>) target_semaphore(%arg20 : memref<!tpu.dma_semaphore, #tpu.memory_space<semaphore_mem>>)
      %dma_start3A_1081 = arith.constant 5 : i32
      %dma_start3A_1082 = arith.constant 40 : i32
      %dma_start3A_1083 = arith.constant 0 : i32
      %dma_start3A_1084 = tpu.memref_slice %arg11[%dma_start3A_1082, %dma_start3A_1083] : memref<64x129xf32, #tpu.memory_space<vmem>> -> memref<8x128xf32, #tpu.memory_space<vmem>>
      %dma_start3A_1085 = arith.constant 0 : i32
      %dma_start3A_1086 = arith.constant 0 : i32
      %dma_start3A_1087 = tpu.memref_slice %arg5[%add3A_964, %dma_start3A_1081, %add3A, %dma_start3A_1085, %dma_start3A_1086] : memref<200x8x32x8x128xf32, #tpu.memory_space<hbm>> -> memref<1x1x1x8x128xf32, #tpu.memory_space<hbm>>
      %dma_start3A_1088 = tpu.memref_squeeze %dma_start3A_1087 : memref<1x1x1x8x128xf32, #tpu.memory_space<hbm>> -> memref<8x128xf32, #tpu.memory_space<hbm>>
      %dma_start3A_1089 = arith.constant 0 : i32
      %dma_start3A_1090 = arith.constant 0 : i32
      %dma_start3A_1091 = tpu.memref_slice %arg5[%add3A_964, %dma_start3A_1081, %add3A, %dma_start3A_1089, %dma_start3A_1090] : memref<200x8x32x8x128xf32, #tpu.memory_space<hbm>> -> memref<1x1x1x8x128xf32, #tpu.memory_space<hbm>>
      %dma_start3A_1092 = tpu.memref_squeeze %dma_start3A_1091 : memref<1x1x1x8x128xf32, #tpu.memory_space<hbm>> -> memref<8x128xf32, #tpu.memory_space<hbm>>
      %dma_start3A_1093 = arith.constant 40 : i32
      %dma_start3A_1094 = arith.constant 0 : i32
      %dma_start3A_1095 = tpu.memref_slice %arg11[%dma_start3A_1093, %dma_start3A_1094] : memref<64x129xf32, #tpu.memory_space<vmem>> -> memref<8x128xf32, #tpu.memory_space<vmem>>
      tpu.enqueue_dma source(%dma_start3A_1095 : memref<8x128xf32, #tpu.memory_space<vmem>>) target(%dma_start3A_1092 : memref<8x128xf32, #tpu.memory_space<hbm>>) target_semaphore(%arg20 : memref<!tpu.dma_semaphore, #tpu.memory_space<semaphore_mem>>)
      %dma_start3A_1096 = arith.constant 6 : i32
      %dma_start3A_1097 = arith.constant 48 : i32
      %dma_start3A_1098 = arith.constant 0 : i32
      %dma_start3A_1099 = tpu.memref_slice %arg11[%dma_start3A_1097, %dma_start3A_1098] : memref<64x129xf32, #tpu.memory_space<vmem>> -> memref<8x128xf32, #tpu.memory_space<vmem>>
      %dma_start3A_1100 = arith.constant 0 : i32
      %dma_start3A_1101 = arith.constant 0 : i32
      %dma_start3A_1102 = tpu.memref_slice %arg5[%add3A_964, %dma_start3A_1096, %add3A, %dma_start3A_1100, %dma_start3A_1101] : memref<200x8x32x8x128xf32, #tpu.memory_space<hbm>> -> memref<1x1x1x8x128xf32, #tpu.memory_space<hbm>>
      %dma_start3A_1103 = tpu.memref_squeeze %dma_start3A_1102 : memref<1x1x1x8x128xf32, #tpu.memory_space<hbm>> -> memref<8x128xf32, #tpu.memory_space<hbm>>
      %dma_start3A_1104 = arith.constant 0 : i32
      %dma_start3A_1105 = arith.constant 0 : i32
      %dma_start3A_1106 = tpu.memref_slice %arg5[%add3A_964, %dma_start3A_1096, %add3A, %dma_start3A_1104, %dma_start3A_1105] : memref<200x8x32x8x128xf32, #tpu.memory_space<hbm>> -> memref<1x1x1x8x128xf32, #tpu.memory_space<hbm>>
      %dma_start3A_1107 = tpu.memref_squeeze %dma_start3A_1106 : memref<1x1x1x8x128xf32, #tpu.memory_space<hbm>> -> memref<8x128xf32, #tpu.memory_space<hbm>>
      %dma_start3A_1108 = arith.constant 48 : i32
      %dma_start3A_1109 = arith.constant 0 : i32
      %dma_start3A_1110 = tpu.memref_slice %arg11[%dma_start3A_1108, %dma_start3A_1109] : memref<64x129xf32, #tpu.memory_space<vmem>> -> memref<8x128xf32, #tpu.memory_space<vmem>>
      tpu.enqueue_dma source(%dma_start3A_1110 : memref<8x128xf32, #tpu.memory_space<vmem>>) target(%dma_start3A_1107 : memref<8x128xf32, #tpu.memory_space<hbm>>) target_semaphore(%arg20 : memref<!tpu.dma_semaphore, #tpu.memory_space<semaphore_mem>>)
      %dma_start3A_1111 = arith.constant 7 : i32
      %dma_start3A_1112 = arith.constant 56 : i32
      %dma_start3A_1113 = arith.constant 0 : i32
      %dma_start3A_1114 = tpu.memref_slice %arg11[%dma_start3A_1112, %dma_start3A_1113] : memref<64x129xf32, #tpu.memory_space<vmem>> -> memref<8x128xf32, #tpu.memory_space<vmem>>
      %dma_start3A_1115 = arith.constant 0 : i32
      %dma_start3A_1116 = arith.constant 0 : i32
      %dma_start3A_1117 = tpu.memref_slice %arg5[%add3A_964, %dma_start3A_1111, %add3A, %dma_start3A_1115, %dma_start3A_1116] : memref<200x8x32x8x128xf32, #tpu.memory_space<hbm>> -> memref<1x1x1x8x128xf32, #tpu.memory_space<hbm>>
      %dma_start3A_1118 = tpu.memref_squeeze %dma_start3A_1117 : memref<1x1x1x8x128xf32, #tpu.memory_space<hbm>> -> memref<8x128xf32, #tpu.memory_space<hbm>>
      %dma_start3A_1119 = arith.constant 0 : i32
      %dma_start3A_1120 = arith.constant 0 : i32
      %dma_start3A_1121 = tpu.memref_slice %arg5[%add3A_964, %dma_start3A_1111, %add3A, %dma_start3A_1119, %dma_start3A_1120] : memref<200x8x32x8x128xf32, #tpu.memory_space<hbm>> -> memref<1x1x1x8x128xf32, #tpu.memory_space<hbm>>
      %dma_start3A_1122 = tpu.memref_squeeze %dma_start3A_1121 : memref<1x1x1x8x128xf32, #tpu.memory_space<hbm>> -> memref<8x128xf32, #tpu.memory_space<hbm>>
      %dma_start3A_1123 = arith.constant 56 : i32
      %dma_start3A_1124 = arith.constant 0 : i32
      %dma_start3A_1125 = tpu.memref_slice %arg11[%dma_start3A_1123, %dma_start3A_1124] : memref<64x129xf32, #tpu.memory_space<vmem>> -> memref<8x128xf32, #tpu.memory_space<vmem>>
      tpu.enqueue_dma source(%dma_start3A_1125 : memref<8x128xf32, #tpu.memory_space<vmem>>) target(%dma_start3A_1122 : memref<8x128xf32, #tpu.memory_space<hbm>>) target_semaphore(%arg20 : memref<!tpu.dma_semaphore, #tpu.memory_space<semaphore_mem>>)
      %mul3A_1126 = arith.constant 4 : i32
      %mul3A_1127 = arith.muli %scan3A_960, %mul3A_1126 : i32
      %add3A_1128 = arith.constant 1 : i32
      %add3A_1129 = arith.addi %mul3A_1127, %add3A_1128 : i32
      %gt3A_1130 = arith.constant 0 : i32
      %gt3A_1131 = arith.cmpi sgt, %scan3A_960, %gt3A_1130 : i32
      %convert_element_type3A_1132 = arith.extui %gt3A_1131 : i1 to i32
      %cond3A_1133 = arith.constant 0 : i32
      %cond3A_1134 = arith.cmpi ne, %convert_element_type3A_1132, %cond3A_1133 : i32
      scf.if %cond3A_1134 {
        %dma_wait3A_1642 = arith.constant 0 : i32
        %dma_wait3A_1643 = arith.constant 0 : i32
        %dma_wait3A_1644 = arith.constant 0 : i32
        %dma_wait3A_1645 = tpu.memref_slice %arg6[%dma_wait3A_1642, %dma_wait3A_1643, %dma_wait3A_1644] : memref<25x8x128xi32, #tpu.memory_space<vmem>> -> memref<1x1x128xi32, #tpu.memory_space<vmem>>
        %dma_wait3A_1646 = tpu.memref_squeeze %dma_wait3A_1645 : memref<1x1x128xi32, #tpu.memory_space<vmem>> -> memref<128xi32, #tpu.memory_space<vmem>>
        %dma_wait3A_1647 = arith.constant 0 : i32
        %dma_wait3A_1648 = arith.constant 0 : i32
        %dma_wait3A_1649 = tpu.memref_slice %arg3[%dma_wait3A_1647, %dma_wait3A_1648] : memref<100000x64xf32, #tpu.memory_space<hbm>> -> memref<100000x64xf32, #tpu.memory_space<hbm>>
        tpu.wait_indirect_dma semaphore(%arg21 : memref<!tpu.dma_semaphore, #tpu.memory_space<semaphore_mem>>) src(%dma_wait3A_1649 : memref<100000x64xf32, #tpu.memory_space<hbm>>) dst(%arg7 : memref<128x64xf32, #tpu.memory_space<vmem>>)
      } else {
      }
      %dma_wait3A_1135 = arith.constant 0 : i32
      %dma_wait3A_1136 = arith.constant 0 : i32
      %dma_wait3A_1137 = arith.constant 0 : i32
      %dma_wait3A_1138 = tpu.memref_slice %arg6[%dma_wait3A_1135, %dma_wait3A_1136, %dma_wait3A_1137] : memref<25x8x128xi32, #tpu.memory_space<vmem>> -> memref<1x1x128xi32, #tpu.memory_space<vmem>>
      %dma_wait3A_1139 = tpu.memref_squeeze %dma_wait3A_1138 : memref<1x1x128xi32, #tpu.memory_space<vmem>> -> memref<128xi32, #tpu.memory_space<vmem>>
      %dma_wait3A_1140 = arith.constant 0 : i32
      %dma_wait3A_1141 = arith.constant 0 : i32
      %dma_wait3A_1142 = tpu.memref_slice %arg3[%dma_wait3A_1140, %dma_wait3A_1141] : memref<100000x64xf32, #tpu.memory_space<hbm>> -> memref<100000x64xf32, #tpu.memory_space<hbm>>
      tpu.wait_indirect_dma semaphore(%arg17 : memref<!tpu.dma_semaphore, #tpu.memory_space<semaphore_mem>>) src(%dma_wait3A_1142 : memref<100000x64xf32, #tpu.memory_space<hbm>>) dst(%arg8 : memref<128x64xf32, #tpu.memory_space<vmem>>)
      %add3A_1143 = arith.constant 3 : i32
      %add3A_1144 = arith.addi %add3A_1129, %add3A_1143 : i32
      %lt3A_1145 = arith.constant 200 : i32
      %lt3A_1146 = arith.cmpi slt, %add3A_1144, %lt3A_1145 : i32
      %convert_element_type3A_1147 = arith.extui %lt3A_1146 : i1 to i32
      %cond3A_1148 = arith.constant 0 : i32
      %cond3A_1149 = arith.cmpi ne, %convert_element_type3A_1147, %cond3A_1148 : i32
      scf.if %cond3A_1149 {
        %add3A_1642 = arith.constant 3 : i32
        %add3A_1643 = arith.addi %add3A_1129, %add3A_1642 : i32
        %jit3A = arith.constant 8 : i32
        %div3A = arith.divsi %add3A_1643, %jit3A : i32
        %sign3A = arith.constant 0 : i32
        %sign3A_1644 = arith.cmpi sgt, %add3A_1643, %sign3A : i32
        %sign3A_1645 = arith.extui %sign3A_1644 : i1 to i32
        %sign3A_1646 = arith.constant 0 : i32
        %sign3A_1647 = arith.cmpi slt, %add3A_1643, %sign3A_1646 : i32
        %sign3A_1648 = arith.extui %sign3A_1647 : i1 to i32
        %sign3A_1649 = arith.subi %sign3A_1645, %sign3A_1648 : i32
        %sign3A_1650 = arith.constant 0 : i32
        %sign3A_1651 = arith.cmpi sgt, %jit3A, %sign3A_1650 : i32
        %sign3A_1652 = arith.extui %sign3A_1651 : i1 to i32
        %sign3A_1653 = arith.constant 0 : i32
        %sign3A_1654 = arith.cmpi slt, %jit3A, %sign3A_1653 : i32
        %sign3A_1655 = arith.extui %sign3A_1654 : i1 to i32
        %sign3A_1656 = arith.subi %sign3A_1652, %sign3A_1655 : i32
        %ne3A = arith.cmpi ne, %sign3A_1649, %sign3A_1656 : i32
        %rem3A = arith.remsi %add3A_1643, %jit3A : i32
        %ne3A_1657 = arith.constant 0 : i32
        %ne3A_1658 = arith.cmpi ne, %rem3A, %ne3A_1657 : i32
        %and3A = arith.andi %ne3A, %ne3A_1658 : i1
        %sub3A = arith.constant 1 : i32
        %sub3A_1659 = arith.subi %div3A, %sub3A : i32
        %select_n3A = arith.select %and3A, %sub3A_1659, %div3A : i32
        %jit3A_1660 = arith.constant 8 : i32
        %eq3A = arith.constant 0 : i32
        %eq3A_1661 = arith.cmpi eq, %jit3A_1660, %eq3A : i32
        %jit3A_1662 = arith.constant 1 : i32
        %select_n3A_1663 = arith.select %eq3A_1661, %jit3A_1662, %jit3A_1660 : i32
        %rem3A_1664 = arith.remsi %add3A_1643, %select_n3A_1663 : i32
        %ne3A_1665 = arith.constant 0 : i32
        %ne3A_1666 = arith.cmpi ne, %rem3A_1664, %ne3A_1665 : i32
        %lt3A_1667 = arith.constant 0 : i32
        %lt3A_1668 = arith.cmpi slt, %rem3A_1664, %lt3A_1667 : i32
        %lt3A_1669 = arith.constant 0 : i32
        %lt3A_1670 = arith.cmpi slt, %select_n3A_1663, %lt3A_1669 : i32
        %ne3A_1671 = arith.xori %lt3A_1668, %lt3A_1670 : i1
        %and3A_1672 = arith.andi %ne3A_1671, %ne3A_1666 : i1
        %add3A_1673 = arith.addi %rem3A_1664, %select_n3A_1663 : i32
        %select_n3A_1674 = arith.select %and3A_1672, %add3A_1673, %rem3A_1664 : i32
        %dma_start3A_1675 = arith.constant 0 : i32
        %dma_start3A_1676 = tpu.memref_slice %arg6[%select_n3A, %select_n3A_1674, %dma_start3A_1675] : memref<25x8x128xi32, #tpu.memory_space<vmem>> -> memref<1x1x128xi32, #tpu.memory_space<vmem>>
        %dma_start3A_1677 = tpu.memref_squeeze %dma_start3A_1676 : memref<1x1x128xi32, #tpu.memory_space<vmem>> -> memref<128xi32, #tpu.memory_space<vmem>>
        %dma_start3A_1678 = arith.constant 0 : i32
        %dma_start3A_1679 = arith.constant 0 : i32
        %dma_start3A_1680 = tpu.memref_slice %arg3[%dma_start3A_1678, %dma_start3A_1679] : memref<100000x64xf32, #tpu.memory_space<hbm>> -> memref<100000x64xf32, #tpu.memory_space<hbm>>
        tpu.enqueue_indirect_dma source(%dma_start3A_1680 : memref<100000x64xf32, #tpu.memory_space<hbm>>) target(%arg7 : memref<128x64xf32, #tpu.memory_space<vmem>>) offsets(%dma_start3A_1677 : memref<128xi32, #tpu.memory_space<vmem>>) semaphore(%arg16 : memref<!tpu.dma_semaphore, #tpu.memory_space<semaphore_mem>>)
      } else {
      }
      %get3A_1150 = arith.index_cast %add3A_1129 : i32 to index
      %get3A_1151 = arith.constant 0 : index
      %get3A_1152 = tpu.vector_load %arg15[%get3A_1150, %get3A_1151] {strides = array<i32>} : memref<200x64xf32, #tpu.memory_space<vmem>>, vector<16xf32>,
      %get3A_1153 = arith.index_cast %add3A_1129 : i32 to index
      %get3A_1154 = arith.constant 16 : index
      %get3A_1155 = tpu.vector_load %arg15[%get3A_1153, %get3A_1154] {strides = array<i32>} : memref<200x64xf32, #tpu.memory_space<vmem>>, vector<16xf32>,
      %get3A_1156 = arith.index_cast %add3A_1129 : i32 to index
      %get3A_1157 = arith.constant 32 : index
      %get3A_1158 = tpu.vector_load %arg15[%get3A_1156, %get3A_1157] {strides = array<i32>} : memref<200x64xf32, #tpu.memory_space<vmem>>, vector<16xf32>,
      %get3A_1159 = arith.index_cast %add3A_1129 : i32 to index
      %get3A_1160 = arith.constant 48 : index
      %get3A_1161 = tpu.vector_load %arg15[%get3A_1159, %get3A_1160] {strides = array<i32>} : memref<200x64xf32, #tpu.memory_space<vmem>>, vector<16xf32>,
      %iota3A_1162 = tpu.iota {dimensions = array<i32: 0>} : vector<16xi32>
      %iota3A_1163 = tpu.iota {dimensions = array<i32: 0>} : vector<16xi32>
      %add3A_1164 = arith.constant 16 : i32
      %add3A_1165 = vector.broadcast %add3A_1164 : i32 to vector<16xi32>
      %add3A_1166 = arith.addi %add3A_1165, %iota3A_1163 : vector<16xi32>
      %iota3A_1167 = tpu.iota {dimensions = array<i32: 0>} : vector<16xi32>
      %add3A_1168 = arith.constant 32 : i32
      %add3A_1169 = vector.broadcast %add3A_1168 : i32 to vector<16xi32>
      %add3A_1170 = arith.addi %add3A_1169, %iota3A_1167 : vector<16xi32>
      %iota3A_1171 = tpu.iota {dimensions = array<i32: 0>} : vector<16xi32>
      %add3A_1172 = arith.constant 48 : i32
      %add3A_1173 = vector.broadcast %add3A_1172 : i32 to vector<16xi32>
      %add3A_1174 = arith.addi %add3A_1173, %iota3A_1171 : vector<16xi32>
      %parallel_loop3A_1175 = arith.constant 0 : i32
      %parallel_loop3A_1176 = arith.constant 128 : i32
      %parallel_loop3A_1177 = arith.constant 1 : i32
      scf.for %parallel_loop3A_1642 = %parallel_loop3A_1175 to %parallel_loop3A_1176 step %parallel_loop3A_1177  : i32 {
        %parallel_loop3A_1643 = vector.broadcast %parallel_loop3A_1642 : i32 to vector<16xi32>
        %parallel_loop3A_1644 = arith.index_cast %parallel_loop3A_1642 : i32 to index
        %parallel_loop3A_1645 = arith.constant 0 : index
        %parallel_loop3A_1646 = tpu.vector_load %arg8[%parallel_loop3A_1644, %parallel_loop3A_1645] {strides = array<i32>} : memref<128x64xf32, #tpu.memory_space<vmem>>, vector<16xf32>,
        %parallel_loop3A_1647 = arith.addf %parallel_loop3A_1646, %get3A_1152 : vector<16xf32>
        tpu.vector_store_idx %arg12[%iota3A_1162, %parallel_loop3A_1643], %parallel_loop3A_1647 : memref<64x129xf32, #tpu.memory_space<vmem>>[vector<16xi32>, vector<16xi32>], vector<16xf32>,
        %parallel_loop3A_1648 = arith.index_cast %parallel_loop3A_1642 : i32 to index
        %parallel_loop3A_1649 = arith.constant 16 : index
        %parallel_loop3A_1650 = tpu.vector_load %arg8[%parallel_loop3A_1648, %parallel_loop3A_1649] {strides = array<i32>} : memref<128x64xf32, #tpu.memory_space<vmem>>, vector<16xf32>,
        %parallel_loop3A_1651 = arith.addf %parallel_loop3A_1650, %get3A_1155 : vector<16xf32>
        tpu.vector_store_idx %arg12[%add3A_1166, %parallel_loop3A_1643], %parallel_loop3A_1651 : memref<64x129xf32, #tpu.memory_space<vmem>>[vector<16xi32>, vector<16xi32>], vector<16xf32>,
        %parallel_loop3A_1652 = arith.index_cast %parallel_loop3A_1642 : i32 to index
        %parallel_loop3A_1653 = arith.constant 32 : index
        %parallel_loop3A_1654 = tpu.vector_load %arg8[%parallel_loop3A_1652, %parallel_loop3A_1653] {strides = array<i32>} : memref<128x64xf32, #tpu.memory_space<vmem>>, vector<16xf32>,
        %parallel_loop3A_1655 = arith.addf %parallel_loop3A_1654, %get3A_1158 : vector<16xf32>
        tpu.vector_store_idx %arg12[%add3A_1170, %parallel_loop3A_1643], %parallel_loop3A_1655 : memref<64x129xf32, #tpu.memory_space<vmem>>[vector<16xi32>, vector<16xi32>], vector<16xf32>,
        %parallel_loop3A_1656 = arith.index_cast %parallel_loop3A_1642 : i32 to index
        %parallel_loop3A_1657 = arith.constant 48 : index
        %parallel_loop3A_1658 = tpu.vector_load %arg8[%parallel_loop3A_1656, %parallel_loop3A_1657] {strides = array<i32>} : memref<128x64xf32, #tpu.memory_space<vmem>>, vector<16xf32>,
        %parallel_loop3A_1659 = arith.addf %parallel_loop3A_1658, %get3A_1161 : vector<16xf32>
        tpu.vector_store_idx %arg12[%add3A_1174, %parallel_loop3A_1643], %parallel_loop3A_1659 : memref<64x129xf32, #tpu.memory_space<vmem>>[vector<16xi32>, vector<16xi32>], vector<16xf32>,
      } {sc.loop_unroll_factor = 4 : i64, sc.parallel_access}
      %dma_start3A_1178 = arith.constant 0 : i32
      %dma_start3A_1179 = arith.constant 0 : i32
      %dma_start3A_1180 = arith.constant 0 : i32
      %dma_start3A_1181 = tpu.memref_slice %arg12[%dma_start3A_1179, %dma_start3A_1180] : memref<64x129xf32, #tpu.memory_space<vmem>> -> memref<8x128xf32, #tpu.memory_space<vmem>>
      %dma_start3A_1182 = arith.constant 0 : i32
      %dma_start3A_1183 = arith.constant 0 : i32
      %dma_start3A_1184 = tpu.memref_slice %arg5[%add3A_1129, %dma_start3A_1178, %add3A, %dma_start3A_1182, %dma_start3A_1183] : memref<200x8x32x8x128xf32, #tpu.memory_space<hbm>> -> memref<1x1x1x8x128xf32, #tpu.memory_space<hbm>>
      %dma_start3A_1185 = tpu.memref_squeeze %dma_start3A_1184 : memref<1x1x1x8x128xf32, #tpu.memory_space<hbm>> -> memref<8x128xf32, #tpu.memory_space<hbm>>
      %dma_start3A_1186 = arith.constant 0 : i32
      %dma_start3A_1187 = arith.constant 0 : i32
      %dma_start3A_1188 = tpu.memref_slice %arg5[%add3A_1129, %dma_start3A_1178, %add3A, %dma_start3A_1186, %dma_start3A_1187] : memref<200x8x32x8x128xf32, #tpu.memory_space<hbm>> -> memref<1x1x1x8x128xf32, #tpu.memory_space<hbm>>
      %dma_start3A_1189 = tpu.memref_squeeze %dma_start3A_1188 : memref<1x1x1x8x128xf32, #tpu.memory_space<hbm>> -> memref<8x128xf32, #tpu.memory_space<hbm>>
      %dma_start3A_1190 = arith.constant 0 : i32
      %dma_start3A_1191 = arith.constant 0 : i32
      %dma_start3A_1192 = tpu.memref_slice %arg12[%dma_start3A_1190, %dma_start3A_1191] : memref<64x129xf32, #tpu.memory_space<vmem>> -> memref<8x128xf32, #tpu.memory_space<vmem>>
      tpu.enqueue_dma source(%dma_start3A_1192 : memref<8x128xf32, #tpu.memory_space<vmem>>) target(%dma_start3A_1189 : memref<8x128xf32, #tpu.memory_space<hbm>>) target_semaphore(%arg21 : memref<!tpu.dma_semaphore, #tpu.memory_space<semaphore_mem>>)
      %dma_start3A_1193 = arith.constant 1 : i32
      %dma_start3A_1194 = arith.constant 8 : i32
      %dma_start3A_1195 = arith.constant 0 : i32
      %dma_start3A_1196 = tpu.memref_slice %arg12[%dma_start3A_1194, %dma_start3A_1195] : memref<64x129xf32, #tpu.memory_space<vmem>> -> memref<8x128xf32, #tpu.memory_space<vmem>>
      %dma_start3A_1197 = arith.constant 0 : i32
      %dma_start3A_1198 = arith.constant 0 : i32
      %dma_start3A_1199 = tpu.memref_slice %arg5[%add3A_1129, %dma_start3A_1193, %add3A, %dma_start3A_1197, %dma_start3A_1198] : memref<200x8x32x8x128xf32, #tpu.memory_space<hbm>> -> memref<1x1x1x8x128xf32, #tpu.memory_space<hbm>>
      %dma_start3A_1200 = tpu.memref_squeeze %dma_start3A_1199 : memref<1x1x1x8x128xf32, #tpu.memory_space<hbm>> -> memref<8x128xf32, #tpu.memory_space<hbm>>
      %dma_start3A_1201 = arith.constant 0 : i32
      %dma_start3A_1202 = arith.constant 0 : i32
      %dma_start3A_1203 = tpu.memref_slice %arg5[%add3A_1129, %dma_start3A_1193, %add3A, %dma_start3A_1201, %dma_start3A_1202] : memref<200x8x32x8x128xf32, #tpu.memory_space<hbm>> -> memref<1x1x1x8x128xf32, #tpu.memory_space<hbm>>
      %dma_start3A_1204 = tpu.memref_squeeze %dma_start3A_1203 : memref<1x1x1x8x128xf32, #tpu.memory_space<hbm>> -> memref<8x128xf32, #tpu.memory_space<hbm>>
      %dma_start3A_1205 = arith.constant 8 : i32
      %dma_start3A_1206 = arith.constant 0 : i32
      %dma_start3A_1207 = tpu.memref_slice %arg12[%dma_start3A_1205, %dma_start3A_1206] : memref<64x129xf32, #tpu.memory_space<vmem>> -> memref<8x128xf32, #tpu.memory_space<vmem>>
      tpu.enqueue_dma source(%dma_start3A_1207 : memref<8x128xf32, #tpu.memory_space<vmem>>) target(%dma_start3A_1204 : memref<8x128xf32, #tpu.memory_space<hbm>>) target_semaphore(%arg21 : memref<!tpu.dma_semaphore, #tpu.memory_space<semaphore_mem>>)
      %dma_start3A_1208 = arith.constant 2 : i32
      %dma_start3A_1209 = arith.constant 16 : i32
      %dma_start3A_1210 = arith.constant 0 : i32
      %dma_start3A_1211 = tpu.memref_slice %arg12[%dma_start3A_1209, %dma_start3A_1210] : memref<64x129xf32, #tpu.memory_space<vmem>> -> memref<8x128xf32, #tpu.memory_space<vmem>>
      %dma_start3A_1212 = arith.constant 0 : i32
      %dma_start3A_1213 = arith.constant 0 : i32
      %dma_start3A_1214 = tpu.memref_slice %arg5[%add3A_1129, %dma_start3A_1208, %add3A, %dma_start3A_1212, %dma_start3A_1213] : memref<200x8x32x8x128xf32, #tpu.memory_space<hbm>> -> memref<1x1x1x8x128xf32, #tpu.memory_space<hbm>>
      %dma_start3A_1215 = tpu.memref_squeeze %dma_start3A_1214 : memref<1x1x1x8x128xf32, #tpu.memory_space<hbm>> -> memref<8x128xf32, #tpu.memory_space<hbm>>
      %dma_start3A_1216 = arith.constant 0 : i32
      %dma_start3A_1217 = arith.constant 0 : i32
      %dma_start3A_1218 = tpu.memref_slice %arg5[%add3A_1129, %dma_start3A_1208, %add3A, %dma_start3A_1216, %dma_start3A_1217] : memref<200x8x32x8x128xf32, #tpu.memory_space<hbm>> -> memref<1x1x1x8x128xf32, #tpu.memory_space<hbm>>
      %dma_start3A_1219 = tpu.memref_squeeze %dma_start3A_1218 : memref<1x1x1x8x128xf32, #tpu.memory_space<hbm>> -> memref<8x128xf32, #tpu.memory_space<hbm>>
      %dma_start3A_1220 = arith.constant 16 : i32
      %dma_start3A_1221 = arith.constant 0 : i32
      %dma_start3A_1222 = tpu.memref_slice %arg12[%dma_start3A_1220, %dma_start3A_1221] : memref<64x129xf32, #tpu.memory_space<vmem>> -> memref<8x128xf32, #tpu.memory_space<vmem>>
      tpu.enqueue_dma source(%dma_start3A_1222 : memref<8x128xf32, #tpu.memory_space<vmem>>) target(%dma_start3A_1219 : memref<8x128xf32, #tpu.memory_space<hbm>>) target_semaphore(%arg21 : memref<!tpu.dma_semaphore, #tpu.memory_space<semaphore_mem>>)
      %dma_start3A_1223 = arith.constant 3 : i32
      %dma_start3A_1224 = arith.constant 24 : i32
      %dma_start3A_1225 = arith.constant 0 : i32
      %dma_start3A_1226 = tpu.memref_slice %arg12[%dma_start3A_1224, %dma_start3A_1225] : memref<64x129xf32, #tpu.memory_space<vmem>> -> memref<8x128xf32, #tpu.memory_space<vmem>>
      %dma_start3A_1227 = arith.constant 0 : i32
      %dma_start3A_1228 = arith.constant 0 : i32
      %dma_start3A_1229 = tpu.memref_slice %arg5[%add3A_1129, %dma_start3A_1223, %add3A, %dma_start3A_1227, %dma_start3A_1228] : memref<200x8x32x8x128xf32, #tpu.memory_space<hbm>> -> memref<1x1x1x8x128xf32, #tpu.memory_space<hbm>>
      %dma_start3A_1230 = tpu.memref_squeeze %dma_start3A_1229 : memref<1x1x1x8x128xf32, #tpu.memory_space<hbm>> -> memref<8x128xf32, #tpu.memory_space<hbm>>
      %dma_start3A_1231 = arith.constant 0 : i32
      %dma_start3A_1232 = arith.constant 0 : i32
      %dma_start3A_1233 = tpu.memref_slice %arg5[%add3A_1129, %dma_start3A_1223, %add3A, %dma_start3A_1231, %dma_start3A_1232] : memref<200x8x32x8x128xf32, #tpu.memory_space<hbm>> -> memref<1x1x1x8x128xf32, #tpu.memory_space<hbm>>
      %dma_start3A_1234 = tpu.memref_squeeze %dma_start3A_1233 : memref<1x1x1x8x128xf32, #tpu.memory_space<hbm>> -> memref<8x128xf32, #tpu.memory_space<hbm>>
      %dma_start3A_1235 = arith.constant 24 : i32
      %dma_start3A_1236 = arith.constant 0 : i32
      %dma_start3A_1237 = tpu.memref_slice %arg12[%dma_start3A_1235, %dma_start3A_1236] : memref<64x129xf32, #tpu.memory_space<vmem>> -> memref<8x128xf32, #tpu.memory_space<vmem>>
      tpu.enqueue_dma source(%dma_start3A_1237 : memref<8x128xf32, #tpu.memory_space<vmem>>) target(%dma_start3A_1234 : memref<8x128xf32, #tpu.memory_space<hbm>>) target_semaphore(%arg21 : memref<!tpu.dma_semaphore, #tpu.memory_space<semaphore_mem>>)
      %dma_start3A_1238 = arith.constant 4 : i32
      %dma_start3A_1239 = arith.constant 32 : i32
      %dma_start3A_1240 = arith.constant 0 : i32
      %dma_start3A_1241 = tpu.memref_slice %arg12[%dma_start3A_1239, %dma_start3A_1240] : memref<64x129xf32, #tpu.memory_space<vmem>> -> memref<8x128xf32, #tpu.memory_space<vmem>>
      %dma_start3A_1242 = arith.constant 0 : i32
      %dma_start3A_1243 = arith.constant 0 : i32
      %dma_start3A_1244 = tpu.memref_slice %arg5[%add3A_1129, %dma_start3A_1238, %add3A, %dma_start3A_1242, %dma_start3A_1243] : memref<200x8x32x8x128xf32, #tpu.memory_space<hbm>> -> memref<1x1x1x8x128xf32, #tpu.memory_space<hbm>>
      %dma_start3A_1245 = tpu.memref_squeeze %dma_start3A_1244 : memref<1x1x1x8x128xf32, #tpu.memory_space<hbm>> -> memref<8x128xf32, #tpu.memory_space<hbm>>
      %dma_start3A_1246 = arith.constant 0 : i32
      %dma_start3A_1247 = arith.constant 0 : i32
      %dma_start3A_1248 = tpu.memref_slice %arg5[%add3A_1129, %dma_start3A_1238, %add3A, %dma_start3A_1246, %dma_start3A_1247] : memref<200x8x32x8x128xf32, #tpu.memory_space<hbm>> -> memref<1x1x1x8x128xf32, #tpu.memory_space<hbm>>
      %dma_start3A_1249 = tpu.memref_squeeze %dma_start3A_1248 : memref<1x1x1x8x128xf32, #tpu.memory_space<hbm>> -> memref<8x128xf32, #tpu.memory_space<hbm>>
      %dma_start3A_1250 = arith.constant 32 : i32
      %dma_start3A_1251 = arith.constant 0 : i32
      %dma_start3A_1252 = tpu.memref_slice %arg12[%dma_start3A_1250, %dma_start3A_1251] : memref<64x129xf32, #tpu.memory_space<vmem>> -> memref<8x128xf32, #tpu.memory_space<vmem>>
      tpu.enqueue_dma source(%dma_start3A_1252 : memref<8x128xf32, #tpu.memory_space<vmem>>) target(%dma_start3A_1249 : memref<8x128xf32, #tpu.memory_space<hbm>>) target_semaphore(%arg21 : memref<!tpu.dma_semaphore, #tpu.memory_space<semaphore_mem>>)
      %dma_start3A_1253 = arith.constant 5 : i32
      %dma_start3A_1254 = arith.constant 40 : i32
      %dma_start3A_1255 = arith.constant 0 : i32
      %dma_start3A_1256 = tpu.memref_slice %arg12[%dma_start3A_1254, %dma_start3A_1255] : memref<64x129xf32, #tpu.memory_space<vmem>> -> memref<8x128xf32, #tpu.memory_space<vmem>>
      %dma_start3A_1257 = arith.constant 0 : i32
      %dma_start3A_1258 = arith.constant 0 : i32
      %dma_start3A_1259 = tpu.memref_slice %arg5[%add3A_1129, %dma_start3A_1253, %add3A, %dma_start3A_1257, %dma_start3A_1258] : memref<200x8x32x8x128xf32, #tpu.memory_space<hbm>> -> memref<1x1x1x8x128xf32, #tpu.memory_space<hbm>>
      %dma_start3A_1260 = tpu.memref_squeeze %dma_start3A_1259 : memref<1x1x1x8x128xf32, #tpu.memory_space<hbm>> -> memref<8x128xf32, #tpu.memory_space<hbm>>
      %dma_start3A_1261 = arith.constant 0 : i32
      %dma_start3A_1262 = arith.constant 0 : i32
      %dma_start3A_1263 = tpu.memref_slice %arg5[%add3A_1129, %dma_start3A_1253, %add3A, %dma_start3A_1261, %dma_start3A_1262] : memref<200x8x32x8x128xf32, #tpu.memory_space<hbm>> -> memref<1x1x1x8x128xf32, #tpu.memory_space<hbm>>
      %dma_start3A_1264 = tpu.memref_squeeze %dma_start3A_1263 : memref<1x1x1x8x128xf32, #tpu.memory_space<hbm>> -> memref<8x128xf32, #tpu.memory_space<hbm>>
      %dma_start3A_1265 = arith.constant 40 : i32
      %dma_start3A_1266 = arith.constant 0 : i32
      %dma_start3A_1267 = tpu.memref_slice %arg12[%dma_start3A_1265, %dma_start3A_1266] : memref<64x129xf32, #tpu.memory_space<vmem>> -> memref<8x128xf32, #tpu.memory_space<vmem>>
      tpu.enqueue_dma source(%dma_start3A_1267 : memref<8x128xf32, #tpu.memory_space<vmem>>) target(%dma_start3A_1264 : memref<8x128xf32, #tpu.memory_space<hbm>>) target_semaphore(%arg21 : memref<!tpu.dma_semaphore, #tpu.memory_space<semaphore_mem>>)
      %dma_start3A_1268 = arith.constant 6 : i32
      %dma_start3A_1269 = arith.constant 48 : i32
      %dma_start3A_1270 = arith.constant 0 : i32
      %dma_start3A_1271 = tpu.memref_slice %arg12[%dma_start3A_1269, %dma_start3A_1270] : memref<64x129xf32, #tpu.memory_space<vmem>> -> memref<8x128xf32, #tpu.memory_space<vmem>>
      %dma_start3A_1272 = arith.constant 0 : i32
      %dma_start3A_1273 = arith.constant 0 : i32
      %dma_start3A_1274 = tpu.memref_slice %arg5[%add3A_1129, %dma_start3A_1268, %add3A, %dma_start3A_1272, %dma_start3A_1273] : memref<200x8x32x8x128xf32, #tpu.memory_space<hbm>> -> memref<1x1x1x8x128xf32, #tpu.memory_space<hbm>>
      %dma_start3A_1275 = tpu.memref_squeeze %dma_start3A_1274 : memref<1x1x1x8x128xf32, #tpu.memory_space<hbm>> -> memref<8x128xf32, #tpu.memory_space<hbm>>
      %dma_start3A_1276 = arith.constant 0 : i32
      %dma_start3A_1277 = arith.constant 0 : i32
      %dma_start3A_1278 = tpu.memref_slice %arg5[%add3A_1129, %dma_start3A_1268, %add3A, %dma_start3A_1276, %dma_start3A_1277] : memref<200x8x32x8x128xf32, #tpu.memory_space<hbm>> -> memref<1x1x1x8x128xf32, #tpu.memory_space<hbm>>
      %dma_start3A_1279 = tpu.memref_squeeze %dma_start3A_1278 : memref<1x1x1x8x128xf32, #tpu.memory_space<hbm>> -> memref<8x128xf32, #tpu.memory_space<hbm>>
      %dma_start3A_1280 = arith.constant 48 : i32
      %dma_start3A_1281 = arith.constant 0 : i32
      %dma_start3A_1282 = tpu.memref_slice %arg12[%dma_start3A_1280, %dma_start3A_1281] : memref<64x129xf32, #tpu.memory_space<vmem>> -> memref<8x128xf32, #tpu.memory_space<vmem>>
      tpu.enqueue_dma source(%dma_start3A_1282 : memref<8x128xf32, #tpu.memory_space<vmem>>) target(%dma_start3A_1279 : memref<8x128xf32, #tpu.memory_space<hbm>>) target_semaphore(%arg21 : memref<!tpu.dma_semaphore, #tpu.memory_space<semaphore_mem>>)
      %dma_start3A_1283 = arith.constant 7 : i32
      %dma_start3A_1284 = arith.constant 56 : i32
      %dma_start3A_1285 = arith.constant 0 : i32
      %dma_start3A_1286 = tpu.memref_slice %arg12[%dma_start3A_1284, %dma_start3A_1285] : memref<64x129xf32, #tpu.memory_space<vmem>> -> memref<8x128xf32, #tpu.memory_space<vmem>>
      %dma_start3A_1287 = arith.constant 0 : i32
      %dma_start3A_1288 = arith.constant 0 : i32
      %dma_start3A_1289 = tpu.memref_slice %arg5[%add3A_1129, %dma_start3A_1283, %add3A, %dma_start3A_1287, %dma_start3A_1288] : memref<200x8x32x8x128xf32, #tpu.memory_space<hbm>> -> memref<1x1x1x8x128xf32, #tpu.memory_space<hbm>>
      %dma_start3A_1290 = tpu.memref_squeeze %dma_start3A_1289 : memref<1x1x1x8x128xf32, #tpu.memory_space<hbm>> -> memref<8x128xf32, #tpu.memory_space<hbm>>
      %dma_start3A_1291 = arith.constant 0 : i32
      %dma_start3A_1292 = arith.constant 0 : i32
      %dma_start3A_1293 = tpu.memref_slice %arg5[%add3A_1129, %dma_start3A_1283, %add3A, %dma_start3A_1291, %dma_start3A_1292] : memref<200x8x32x8x128xf32, #tpu.memory_space<hbm>> -> memref<1x1x1x8x128xf32, #tpu.memory_space<hbm>>
      %dma_start3A_1294 = tpu.memref_squeeze %dma_start3A_1293 : memref<1x1x1x8x128xf32, #tpu.memory_space<hbm>> -> memref<8x128xf32, #tpu.memory_space<hbm>>
      %dma_start3A_1295 = arith.constant 56 : i32
      %dma_start3A_1296 = arith.constant 0 : i32
      %dma_start3A_1297 = tpu.memref_slice %arg12[%dma_start3A_1295, %dma_start3A_1296] : memref<64x129xf32, #tpu.memory_space<vmem>> -> memref<8x128xf32, #tpu.memory_space<vmem>>
      tpu.enqueue_dma source(%dma_start3A_1297 : memref<8x128xf32, #tpu.memory_space<vmem>>) target(%dma_start3A_1294 : memref<8x128xf32, #tpu.memory_space<hbm>>) target_semaphore(%arg21 : memref<!tpu.dma_semaphore, #tpu.memory_space<semaphore_mem>>)
      %mul3A_1298 = arith.constant 4 : i32
      %mul3A_1299 = arith.muli %scan3A_960, %mul3A_1298 : i32
      %add3A_1300 = arith.constant 2 : i32
      %add3A_1301 = arith.addi %mul3A_1299, %add3A_1300 : i32
      %gt3A_1302 = arith.constant 0 : i32
      %gt3A_1303 = arith.cmpi sgt, %scan3A_960, %gt3A_1302 : i32
      %convert_element_type3A_1304 = arith.extui %gt3A_1303 : i1 to i32
      %cond3A_1305 = arith.constant 0 : i32
      %cond3A_1306 = arith.cmpi ne, %convert_element_type3A_1304, %cond3A_1305 : i32
      scf.if %cond3A_1306 {
        %dma_wait3A_1642 = arith.constant 0 : i32
        %dma_wait3A_1643 = arith.constant 0 : i32
        %dma_wait3A_1644 = arith.constant 0 : i32
        %dma_wait3A_1645 = tpu.memref_slice %arg6[%dma_wait3A_1642, %dma_wait3A_1643, %dma_wait3A_1644] : memref<25x8x128xi32, #tpu.memory_space<vmem>> -> memref<1x1x128xi32, #tpu.memory_space<vmem>>
        %dma_wait3A_1646 = tpu.memref_squeeze %dma_wait3A_1645 : memref<1x1x128xi32, #tpu.memory_space<vmem>> -> memref<128xi32, #tpu.memory_space<vmem>>
        %dma_wait3A_1647 = arith.constant 0 : i32
        %dma_wait3A_1648 = arith.constant 0 : i32
        %dma_wait3A_1649 = tpu.memref_slice %arg3[%dma_wait3A_1647, %dma_wait3A_1648] : memref<100000x64xf32, #tpu.memory_space<hbm>> -> memref<100000x64xf32, #tpu.memory_space<hbm>>
        tpu.wait_indirect_dma semaphore(%arg22 : memref<!tpu.dma_semaphore, #tpu.memory_space<semaphore_mem>>) src(%dma_wait3A_1649 : memref<100000x64xf32, #tpu.memory_space<hbm>>) dst(%arg7 : memref<128x64xf32, #tpu.memory_space<vmem>>)
      } else {
      }
      %dma_wait3A_1307 = arith.constant 0 : i32
      %dma_wait3A_1308 = arith.constant 0 : i32
      %dma_wait3A_1309 = arith.constant 0 : i32
      %dma_wait3A_1310 = tpu.memref_slice %arg6[%dma_wait3A_1307, %dma_wait3A_1308, %dma_wait3A_1309] : memref<25x8x128xi32, #tpu.memory_space<vmem>> -> memref<1x1x128xi32, #tpu.memory_space<vmem>>
      %dma_wait3A_1311 = tpu.memref_squeeze %dma_wait3A_1310 : memref<1x1x128xi32, #tpu.memory_space<vmem>> -> memref<128xi32, #tpu.memory_space<vmem>>
      %dma_wait3A_1312 = arith.constant 0 : i32
      %dma_wait3A_1313 = arith.constant 0 : i32
      %dma_wait3A_1314 = tpu.memref_slice %arg3[%dma_wait3A_1312, %dma_wait3A_1313] : memref<100000x64xf32, #tpu.memory_space<hbm>> -> memref<100000x64xf32, #tpu.memory_space<hbm>>
      tpu.wait_indirect_dma semaphore(%arg18 : memref<!tpu.dma_semaphore, #tpu.memory_space<semaphore_mem>>) src(%dma_wait3A_1314 : memref<100000x64xf32, #tpu.memory_space<hbm>>) dst(%arg9 : memref<128x64xf32, #tpu.memory_space<vmem>>)
      %add3A_1315 = arith.constant 3 : i32
      %add3A_1316 = arith.addi %add3A_1301, %add3A_1315 : i32
      %lt3A_1317 = arith.constant 200 : i32
      %lt3A_1318 = arith.cmpi slt, %add3A_1316, %lt3A_1317 : i32
      %convert_element_type3A_1319 = arith.extui %lt3A_1318 : i1 to i32
      %cond3A_1320 = arith.constant 0 : i32
      %cond3A_1321 = arith.cmpi ne, %convert_element_type3A_1319, %cond3A_1320 : i32
      scf.if %cond3A_1321 {
        %add3A_1642 = arith.constant 3 : i32
        %add3A_1643 = arith.addi %add3A_1301, %add3A_1642 : i32
        %jit3A = arith.constant 8 : i32
        %div3A = arith.divsi %add3A_1643, %jit3A : i32
        %sign3A = arith.constant 0 : i32
        %sign3A_1644 = arith.cmpi sgt, %add3A_1643, %sign3A : i32
        %sign3A_1645 = arith.extui %sign3A_1644 : i1 to i32
        %sign3A_1646 = arith.constant 0 : i32
        %sign3A_1647 = arith.cmpi slt, %add3A_1643, %sign3A_1646 : i32
        %sign3A_1648 = arith.extui %sign3A_1647 : i1 to i32
        %sign3A_1649 = arith.subi %sign3A_1645, %sign3A_1648 : i32
        %sign3A_1650 = arith.constant 0 : i32
        %sign3A_1651 = arith.cmpi sgt, %jit3A, %sign3A_1650 : i32
        %sign3A_1652 = arith.extui %sign3A_1651 : i1 to i32
        %sign3A_1653 = arith.constant 0 : i32
        %sign3A_1654 = arith.cmpi slt, %jit3A, %sign3A_1653 : i32
        %sign3A_1655 = arith.extui %sign3A_1654 : i1 to i32
        %sign3A_1656 = arith.subi %sign3A_1652, %sign3A_1655 : i32
        %ne3A = arith.cmpi ne, %sign3A_1649, %sign3A_1656 : i32
        %rem3A = arith.remsi %add3A_1643, %jit3A : i32
        %ne3A_1657 = arith.constant 0 : i32
        %ne3A_1658 = arith.cmpi ne, %rem3A, %ne3A_1657 : i32
        %and3A = arith.andi %ne3A, %ne3A_1658 : i1
        %sub3A = arith.constant 1 : i32
        %sub3A_1659 = arith.subi %div3A, %sub3A : i32
        %select_n3A = arith.select %and3A, %sub3A_1659, %div3A : i32
        %jit3A_1660 = arith.constant 8 : i32
        %eq3A = arith.constant 0 : i32
        %eq3A_1661 = arith.cmpi eq, %jit3A_1660, %eq3A : i32
        %jit3A_1662 = arith.constant 1 : i32
        %select_n3A_1663 = arith.select %eq3A_1661, %jit3A_1662, %jit3A_1660 : i32
        %rem3A_1664 = arith.remsi %add3A_1643, %select_n3A_1663 : i32
        %ne3A_1665 = arith.constant 0 : i32
        %ne3A_1666 = arith.cmpi ne, %rem3A_1664, %ne3A_1665 : i32
        %lt3A_1667 = arith.constant 0 : i32
        %lt3A_1668 = arith.cmpi slt, %rem3A_1664, %lt3A_1667 : i32
        %lt3A_1669 = arith.constant 0 : i32
        %lt3A_1670 = arith.cmpi slt, %select_n3A_1663, %lt3A_1669 : i32
        %ne3A_1671 = arith.xori %lt3A_1668, %lt3A_1670 : i1
        %and3A_1672 = arith.andi %ne3A_1671, %ne3A_1666 : i1
        %add3A_1673 = arith.addi %rem3A_1664, %select_n3A_1663 : i32
        %select_n3A_1674 = arith.select %and3A_1672, %add3A_1673, %rem3A_1664 : i32
        %dma_start3A_1675 = arith.constant 0 : i32
        %dma_start3A_1676 = tpu.memref_slice %arg6[%select_n3A, %select_n3A_1674, %dma_start3A_1675] : memref<25x8x128xi32, #tpu.memory_space<vmem>> -> memref<1x1x128xi32, #tpu.memory_space<vmem>>
        %dma_start3A_1677 = tpu.memref_squeeze %dma_start3A_1676 : memref<1x1x128xi32, #tpu.memory_space<vmem>> -> memref<128xi32, #tpu.memory_space<vmem>>
        %dma_start3A_1678 = arith.constant 0 : i32
        %dma_start3A_1679 = arith.constant 0 : i32
        %dma_start3A_1680 = tpu.memref_slice %arg3[%dma_start3A_1678, %dma_start3A_1679] : memref<100000x64xf32, #tpu.memory_space<hbm>> -> memref<100000x64xf32, #tpu.memory_space<hbm>>
        tpu.enqueue_indirect_dma source(%dma_start3A_1680 : memref<100000x64xf32, #tpu.memory_space<hbm>>) target(%arg8 : memref<128x64xf32, #tpu.memory_space<vmem>>) offsets(%dma_start3A_1677 : memref<128xi32, #tpu.memory_space<vmem>>) semaphore(%arg17 : memref<!tpu.dma_semaphore, #tpu.memory_space<semaphore_mem>>)
      } else {
      }
      %get3A_1322 = arith.index_cast %add3A_1301 : i32 to index
      %get3A_1323 = arith.constant 0 : index
      %get3A_1324 = tpu.vector_load %arg15[%get3A_1322, %get3A_1323] {strides = array<i32>} : memref<200x64xf32, #tpu.memory_space<vmem>>, vector<16xf32>,
      %get3A_1325 = arith.index_cast %add3A_1301 : i32 to index
      %get3A_1326 = arith.constant 16 : index
      %get3A_1327 = tpu.vector_load %arg15[%get3A_1325, %get3A_1326] {strides = array<i32>} : memref<200x64xf32, #tpu.memory_space<vmem>>, vector<16xf32>,
      %get3A_1328 = arith.index_cast %add3A_1301 : i32 to index
      %get3A_1329 = arith.constant 32 : index
      %get3A_1330 = tpu.vector_load %arg15[%get3A_1328, %get3A_1329] {strides = array<i32>} : memref<200x64xf32, #tpu.memory_space<vmem>>, vector<16xf32>,
      %get3A_1331 = arith.index_cast %add3A_1301 : i32 to index
      %get3A_1332 = arith.constant 48 : index
      %get3A_1333 = tpu.vector_load %arg15[%get3A_1331, %get3A_1332] {strides = array<i32>} : memref<200x64xf32, #tpu.memory_space<vmem>>, vector<16xf32>,
      %iota3A_1334 = tpu.iota {dimensions = array<i32: 0>} : vector<16xi32>
      %iota3A_1335 = tpu.iota {dimensions = array<i32: 0>} : vector<16xi32>
      %add3A_1336 = arith.constant 16 : i32
      %add3A_1337 = vector.broadcast %add3A_1336 : i32 to vector<16xi32>
      %add3A_1338 = arith.addi %add3A_1337, %iota3A_1335 : vector<16xi32>
      %iota3A_1339 = tpu.iota {dimensions = array<i32: 0>} : vector<16xi32>
      %add3A_1340 = arith.constant 32 : i32
      %add3A_1341 = vector.broadcast %add3A_1340 : i32 to vector<16xi32>
      %add3A_1342 = arith.addi %add3A_1341, %iota3A_1339 : vector<16xi32>
      %iota3A_1343 = tpu.iota {dimensions = array<i32: 0>} : vector<16xi32>
      %add3A_1344 = arith.constant 48 : i32
      %add3A_1345 = vector.broadcast %add3A_1344 : i32 to vector<16xi32>
      %add3A_1346 = arith.addi %add3A_1345, %iota3A_1343 : vector<16xi32>
      %parallel_loop3A_1347 = arith.constant 0 : i32
      %parallel_loop3A_1348 = arith.constant 128 : i32
      %parallel_loop3A_1349 = arith.constant 1 : i32
      scf.for %parallel_loop3A_1642 = %parallel_loop3A_1347 to %parallel_loop3A_1348 step %parallel_loop3A_1349  : i32 {
        %parallel_loop3A_1643 = vector.broadcast %parallel_loop3A_1642 : i32 to vector<16xi32>
        %parallel_loop3A_1644 = arith.index_cast %parallel_loop3A_1642 : i32 to index
        %parallel_loop3A_1645 = arith.constant 0 : index
        %parallel_loop3A_1646 = tpu.vector_load %arg9[%parallel_loop3A_1644, %parallel_loop3A_1645] {strides = array<i32>} : memref<128x64xf32, #tpu.memory_space<vmem>>, vector<16xf32>,
        %parallel_loop3A_1647 = arith.addf %parallel_loop3A_1646, %get3A_1324 : vector<16xf32>
        tpu.vector_store_idx %arg13[%iota3A_1334, %parallel_loop3A_1643], %parallel_loop3A_1647 : memref<64x129xf32, #tpu.memory_space<vmem>>[vector<16xi32>, vector<16xi32>], vector<16xf32>,
        %parallel_loop3A_1648 = arith.index_cast %parallel_loop3A_1642 : i32 to index
        %parallel_loop3A_1649 = arith.constant 16 : index
        %parallel_loop3A_1650 = tpu.vector_load %arg9[%parallel_loop3A_1648, %parallel_loop3A_1649] {strides = array<i32>} : memref<128x64xf32, #tpu.memory_space<vmem>>, vector<16xf32>,
        %parallel_loop3A_1651 = arith.addf %parallel_loop3A_1650, %get3A_1327 : vector<16xf32>
        tpu.vector_store_idx %arg13[%add3A_1338, %parallel_loop3A_1643], %parallel_loop3A_1651 : memref<64x129xf32, #tpu.memory_space<vmem>>[vector<16xi32>, vector<16xi32>], vector<16xf32>,
        %parallel_loop3A_1652 = arith.index_cast %parallel_loop3A_1642 : i32 to index
        %parallel_loop3A_1653 = arith.constant 32 : index
        %parallel_loop3A_1654 = tpu.vector_load %arg9[%parallel_loop3A_1652, %parallel_loop3A_1653] {strides = array<i32>} : memref<128x64xf32, #tpu.memory_space<vmem>>, vector<16xf32>,
        %parallel_loop3A_1655 = arith.addf %parallel_loop3A_1654, %get3A_1330 : vector<16xf32>
        tpu.vector_store_idx %arg13[%add3A_1342, %parallel_loop3A_1643], %parallel_loop3A_1655 : memref<64x129xf32, #tpu.memory_space<vmem>>[vector<16xi32>, vector<16xi32>], vector<16xf32>,
        %parallel_loop3A_1656 = arith.index_cast %parallel_loop3A_1642 : i32 to index
        %parallel_loop3A_1657 = arith.constant 48 : index
        %parallel_loop3A_1658 = tpu.vector_load %arg9[%parallel_loop3A_1656, %parallel_loop3A_1657] {strides = array<i32>} : memref<128x64xf32, #tpu.memory_space<vmem>>, vector<16xf32>,
        %parallel_loop3A_1659 = arith.addf %parallel_loop3A_1658, %get3A_1333 : vector<16xf32>
        tpu.vector_store_idx %arg13[%add3A_1346, %parallel_loop3A_1643], %parallel_loop3A_1659 : memref<64x129xf32, #tpu.memory_space<vmem>>[vector<16xi32>, vector<16xi32>], vector<16xf32>,
      } {sc.loop_unroll_factor = 4 : i64, sc.parallel_access}
      %dma_start3A_1350 = arith.constant 0 : i32
      %dma_start3A_1351 = arith.constant 0 : i32
      %dma_start3A_1352 = arith.constant 0 : i32
      %dma_start3A_1353 = tpu.memref_slice %arg13[%dma_start3A_1351, %dma_start3A_1352] : memref<64x129xf32, #tpu.memory_space<vmem>> -> memref<8x128xf32, #tpu.memory_space<vmem>>
      %dma_start3A_1354 = arith.constant 0 : i32
      %dma_start3A_1355 = arith.constant 0 : i32
      %dma_start3A_1356 = tpu.memref_slice %arg5[%add3A_1301, %dma_start3A_1350, %add3A, %dma_start3A_1354, %dma_start3A_1355] : memref<200x8x32x8x128xf32, #tpu.memory_space<hbm>> -> memref<1x1x1x8x128xf32, #tpu.memory_space<hbm>>
      %dma_start3A_1357 = tpu.memref_squeeze %dma_start3A_1356 : memref<1x1x1x8x128xf32, #tpu.memory_space<hbm>> -> memref<8x128xf32, #tpu.memory_space<hbm>>
      %dma_start3A_1358 = arith.constant 0 : i32
      %dma_start3A_1359 = arith.constant 0 : i32
      %dma_start3A_1360 = tpu.memref_slice %arg5[%add3A_1301, %dma_start3A_1350, %add3A, %dma_start3A_1358, %dma_start3A_1359] : memref<200x8x32x8x128xf32, #tpu.memory_space<hbm>> -> memref<1x1x1x8x128xf32, #tpu.memory_space<hbm>>
      %dma_start3A_1361 = tpu.memref_squeeze %dma_start3A_1360 : memref<1x1x1x8x128xf32, #tpu.memory_space<hbm>> -> memref<8x128xf32, #tpu.memory_space<hbm>>
      %dma_start3A_1362 = arith.constant 0 : i32
      %dma_start3A_1363 = arith.constant 0 : i32
      %dma_start3A_1364 = tpu.memref_slice %arg13[%dma_start3A_1362, %dma_start3A_1363] : memref<64x129xf32, #tpu.memory_space<vmem>> -> memref<8x128xf32, #tpu.memory_space<vmem>>
      tpu.enqueue_dma source(%dma_start3A_1364 : memref<8x128xf32, #tpu.memory_space<vmem>>) target(%dma_start3A_1361 : memref<8x128xf32, #tpu.memory_space<hbm>>) target_semaphore(%arg22 : memref<!tpu.dma_semaphore, #tpu.memory_space<semaphore_mem>>)
      %dma_start3A_1365 = arith.constant 1 : i32
      %dma_start3A_1366 = arith.constant 8 : i32
      %dma_start3A_1367 = arith.constant 0 : i32
      %dma_start3A_1368 = tpu.memref_slice %arg13[%dma_start3A_1366, %dma_start3A_1367] : memref<64x129xf32, #tpu.memory_space<vmem>> -> memref<8x128xf32, #tpu.memory_space<vmem>>
      %dma_start3A_1369 = arith.constant 0 : i32
      %dma_start3A_1370 = arith.constant 0 : i32
      %dma_start3A_1371 = tpu.memref_slice %arg5[%add3A_1301, %dma_start3A_1365, %add3A, %dma_start3A_1369, %dma_start3A_1370] : memref<200x8x32x8x128xf32, #tpu.memory_space<hbm>> -> memref<1x1x1x8x128xf32, #tpu.memory_space<hbm>>
      %dma_start3A_1372 = tpu.memref_squeeze %dma_start3A_1371 : memref<1x1x1x8x128xf32, #tpu.memory_space<hbm>> -> memref<8x128xf32, #tpu.memory_space<hbm>>
      %dma_start3A_1373 = arith.constant 0 : i32
      %dma_start3A_1374 = arith.constant 0 : i32
      %dma_start3A_1375 = tpu.memref_slice %arg5[%add3A_1301, %dma_start3A_1365, %add3A, %dma_start3A_1373, %dma_start3A_1374] : memref<200x8x32x8x128xf32, #tpu.memory_space<hbm>> -> memref<1x1x1x8x128xf32, #tpu.memory_space<hbm>>
      %dma_start3A_1376 = tpu.memref_squeeze %dma_start3A_1375 : memref<1x1x1x8x128xf32, #tpu.memory_space<hbm>> -> memref<8x128xf32, #tpu.memory_space<hbm>>
      %dma_start3A_1377 = arith.constant 8 : i32
      %dma_start3A_1378 = arith.constant 0 : i32
      %dma_start3A_1379 = tpu.memref_slice %arg13[%dma_start3A_1377, %dma_start3A_1378] : memref<64x129xf32, #tpu.memory_space<vmem>> -> memref<8x128xf32, #tpu.memory_space<vmem>>
      tpu.enqueue_dma source(%dma_start3A_1379 : memref<8x128xf32, #tpu.memory_space<vmem>>) target(%dma_start3A_1376 : memref<8x128xf32, #tpu.memory_space<hbm>>) target_semaphore(%arg22 : memref<!tpu.dma_semaphore, #tpu.memory_space<semaphore_mem>>)
      %dma_start3A_1380 = arith.constant 2 : i32
      %dma_start3A_1381 = arith.constant 16 : i32
      %dma_start3A_1382 = arith.constant 0 : i32
      %dma_start3A_1383 = tpu.memref_slice %arg13[%dma_start3A_1381, %dma_start3A_1382] : memref<64x129xf32, #tpu.memory_space<vmem>> -> memref<8x128xf32, #tpu.memory_space<vmem>>
      %dma_start3A_1384 = arith.constant 0 : i32
      %dma_start3A_1385 = arith.constant 0 : i32
      %dma_start3A_1386 = tpu.memref_slice %arg5[%add3A_1301, %dma_start3A_1380, %add3A, %dma_start3A_1384, %dma_start3A_1385] : memref<200x8x32x8x128xf32, #tpu.memory_space<hbm>> -> memref<1x1x1x8x128xf32, #tpu.memory_space<hbm>>
      %dma_start3A_1387 = tpu.memref_squeeze %dma_start3A_1386 : memref<1x1x1x8x128xf32, #tpu.memory_space<hbm>> -> memref<8x128xf32, #tpu.memory_space<hbm>>
      %dma_start3A_1388 = arith.constant 0 : i32
      %dma_start3A_1389 = arith.constant 0 : i32
      %dma_start3A_1390 = tpu.memref_slice %arg5[%add3A_1301, %dma_start3A_1380, %add3A, %dma_start3A_1388, %dma_start3A_1389] : memref<200x8x32x8x128xf32, #tpu.memory_space<hbm>> -> memref<1x1x1x8x128xf32, #tpu.memory_space<hbm>>
      %dma_start3A_1391 = tpu.memref_squeeze %dma_start3A_1390 : memref<1x1x1x8x128xf32, #tpu.memory_space<hbm>> -> memref<8x128xf32, #tpu.memory_space<hbm>>
      %dma_start3A_1392 = arith.constant 16 : i32
      %dma_start3A_1393 = arith.constant 0 : i32
      %dma_start3A_1394 = tpu.memref_slice %arg13[%dma_start3A_1392, %dma_start3A_1393] : memref<64x129xf32, #tpu.memory_space<vmem>> -> memref<8x128xf32, #tpu.memory_space<vmem>>
      tpu.enqueue_dma source(%dma_start3A_1394 : memref<8x128xf32, #tpu.memory_space<vmem>>) target(%dma_start3A_1391 : memref<8x128xf32, #tpu.memory_space<hbm>>) target_semaphore(%arg22 : memref<!tpu.dma_semaphore, #tpu.memory_space<semaphore_mem>>)
      %dma_start3A_1395 = arith.constant 3 : i32
      %dma_start3A_1396 = arith.constant 24 : i32
      %dma_start3A_1397 = arith.constant 0 : i32
      %dma_start3A_1398 = tpu.memref_slice %arg13[%dma_start3A_1396, %dma_start3A_1397] : memref<64x129xf32, #tpu.memory_space<vmem>> -> memref<8x128xf32, #tpu.memory_space<vmem>>
      %dma_start3A_1399 = arith.constant 0 : i32
      %dma_start3A_1400 = arith.constant 0 : i32
      %dma_start3A_1401 = tpu.memref_slice %arg5[%add3A_1301, %dma_start3A_1395, %add3A, %dma_start3A_1399, %dma_start3A_1400] : memref<200x8x32x8x128xf32, #tpu.memory_space<hbm>> -> memref<1x1x1x8x128xf32, #tpu.memory_space<hbm>>
      %dma_start3A_1402 = tpu.memref_squeeze %dma_start3A_1401 : memref<1x1x1x8x128xf32, #tpu.memory_space<hbm>> -> memref<8x128xf32, #tpu.memory_space<hbm>>
      %dma_start3A_1403 = arith.constant 0 : i32
      %dma_start3A_1404 = arith.constant 0 : i32
      %dma_start3A_1405 = tpu.memref_slice %arg5[%add3A_1301, %dma_start3A_1395, %add3A, %dma_start3A_1403, %dma_start3A_1404] : memref<200x8x32x8x128xf32, #tpu.memory_space<hbm>> -> memref<1x1x1x8x128xf32, #tpu.memory_space<hbm>>
      %dma_start3A_1406 = tpu.memref_squeeze %dma_start3A_1405 : memref<1x1x1x8x128xf32, #tpu.memory_space<hbm>> -> memref<8x128xf32, #tpu.memory_space<hbm>>
      %dma_start3A_1407 = arith.constant 24 : i32
      %dma_start3A_1408 = arith.constant 0 : i32
      %dma_start3A_1409 = tpu.memref_slice %arg13[%dma_start3A_1407, %dma_start3A_1408] : memref<64x129xf32, #tpu.memory_space<vmem>> -> memref<8x128xf32, #tpu.memory_space<vmem>>
      tpu.enqueue_dma source(%dma_start3A_1409 : memref<8x128xf32, #tpu.memory_space<vmem>>) target(%dma_start3A_1406 : memref<8x128xf32, #tpu.memory_space<hbm>>) target_semaphore(%arg22 : memref<!tpu.dma_semaphore, #tpu.memory_space<semaphore_mem>>)
      %dma_start3A_1410 = arith.constant 4 : i32
      %dma_start3A_1411 = arith.constant 32 : i32
      %dma_start3A_1412 = arith.constant 0 : i32
      %dma_start3A_1413 = tpu.memref_slice %arg13[%dma_start3A_1411, %dma_start3A_1412] : memref<64x129xf32, #tpu.memory_space<vmem>> -> memref<8x128xf32, #tpu.memory_space<vmem>>
      %dma_start3A_1414 = arith.constant 0 : i32
      %dma_start3A_1415 = arith.constant 0 : i32
      %dma_start3A_1416 = tpu.memref_slice %arg5[%add3A_1301, %dma_start3A_1410, %add3A, %dma_start3A_1414, %dma_start3A_1415] : memref<200x8x32x8x128xf32, #tpu.memory_space<hbm>> -> memref<1x1x1x8x128xf32, #tpu.memory_space<hbm>>
      %dma_start3A_1417 = tpu.memref_squeeze %dma_start3A_1416 : memref<1x1x1x8x128xf32, #tpu.memory_space<hbm>> -> memref<8x128xf32, #tpu.memory_space<hbm>>
      %dma_start3A_1418 = arith.constant 0 : i32
      %dma_start3A_1419 = arith.constant 0 : i32
      %dma_start3A_1420 = tpu.memref_slice %arg5[%add3A_1301, %dma_start3A_1410, %add3A, %dma_start3A_1418, %dma_start3A_1419] : memref<200x8x32x8x128xf32, #tpu.memory_space<hbm>> -> memref<1x1x1x8x128xf32, #tpu.memory_space<hbm>>
      %dma_start3A_1421 = tpu.memref_squeeze %dma_start3A_1420 : memref<1x1x1x8x128xf32, #tpu.memory_space<hbm>> -> memref<8x128xf32, #tpu.memory_space<hbm>>
      %dma_start3A_1422 = arith.constant 32 : i32
      %dma_start3A_1423 = arith.constant 0 : i32
      %dma_start3A_1424 = tpu.memref_slice %arg13[%dma_start3A_1422, %dma_start3A_1423] : memref<64x129xf32, #tpu.memory_space<vmem>> -> memref<8x128xf32, #tpu.memory_space<vmem>>
      tpu.enqueue_dma source(%dma_start3A_1424 : memref<8x128xf32, #tpu.memory_space<vmem>>) target(%dma_start3A_1421 : memref<8x128xf32, #tpu.memory_space<hbm>>) target_semaphore(%arg22 : memref<!tpu.dma_semaphore, #tpu.memory_space<semaphore_mem>>)
      %dma_start3A_1425 = arith.constant 5 : i32
      %dma_start3A_1426 = arith.constant 40 : i32
      %dma_start3A_1427 = arith.constant 0 : i32
      %dma_start3A_1428 = tpu.memref_slice %arg13[%dma_start3A_1426, %dma_start3A_1427] : memref<64x129xf32, #tpu.memory_space<vmem>> -> memref<8x128xf32, #tpu.memory_space<vmem>>
      %dma_start3A_1429 = arith.constant 0 : i32
      %dma_start3A_1430 = arith.constant 0 : i32
      %dma_start3A_1431 = tpu.memref_slice %arg5[%add3A_1301, %dma_start3A_1425, %add3A, %dma_start3A_1429, %dma_start3A_1430] : memref<200x8x32x8x128xf32, #tpu.memory_space<hbm>> -> memref<1x1x1x8x128xf32, #tpu.memory_space<hbm>>
      %dma_start3A_1432 = tpu.memref_squeeze %dma_start3A_1431 : memref<1x1x1x8x128xf32, #tpu.memory_space<hbm>> -> memref<8x128xf32, #tpu.memory_space<hbm>>
      %dma_start3A_1433 = arith.constant 0 : i32
      %dma_start3A_1434 = arith.constant 0 : i32
      %dma_start3A_1435 = tpu.memref_slice %arg5[%add3A_1301, %dma_start3A_1425, %add3A, %dma_start3A_1433, %dma_start3A_1434] : memref<200x8x32x8x128xf32, #tpu.memory_space<hbm>> -> memref<1x1x1x8x128xf32, #tpu.memory_space<hbm>>
      %dma_start3A_1436 = tpu.memref_squeeze %dma_start3A_1435 : memref<1x1x1x8x128xf32, #tpu.memory_space<hbm>> -> memref<8x128xf32, #tpu.memory_space<hbm>>
      %dma_start3A_1437 = arith.constant 40 : i32
      %dma_start3A_1438 = arith.constant 0 : i32
      %dma_start3A_1439 = tpu.memref_slice %arg13[%dma_start3A_1437, %dma_start3A_1438] : memref<64x129xf32, #tpu.memory_space<vmem>> -> memref<8x128xf32, #tpu.memory_space<vmem>>
      tpu.enqueue_dma source(%dma_start3A_1439 : memref<8x128xf32, #tpu.memory_space<vmem>>) target(%dma_start3A_1436 : memref<8x128xf32, #tpu.memory_space<hbm>>) target_semaphore(%arg22 : memref<!tpu.dma_semaphore, #tpu.memory_space<semaphore_mem>>)
      %dma_start3A_1440 = arith.constant 6 : i32
      %dma_start3A_1441 = arith.constant 48 : i32
      %dma_start3A_1442 = arith.constant 0 : i32
      %dma_start3A_1443 = tpu.memref_slice %arg13[%dma_start3A_1441, %dma_start3A_1442] : memref<64x129xf32, #tpu.memory_space<vmem>> -> memref<8x128xf32, #tpu.memory_space<vmem>>
      %dma_start3A_1444 = arith.constant 0 : i32
      %dma_start3A_1445 = arith.constant 0 : i32
      %dma_start3A_1446 = tpu.memref_slice %arg5[%add3A_1301, %dma_start3A_1440, %add3A, %dma_start3A_1444, %dma_start3A_1445] : memref<200x8x32x8x128xf32, #tpu.memory_space<hbm>> -> memref<1x1x1x8x128xf32, #tpu.memory_space<hbm>>
      %dma_start3A_1447 = tpu.memref_squeeze %dma_start3A_1446 : memref<1x1x1x8x128xf32, #tpu.memory_space<hbm>> -> memref<8x128xf32, #tpu.memory_space<hbm>>
      %dma_start3A_1448 = arith.constant 0 : i32
      %dma_start3A_1449 = arith.constant 0 : i32
      %dma_start3A_1450 = tpu.memref_slice %arg5[%add3A_1301, %dma_start3A_1440, %add3A, %dma_start3A_1448, %dma_start3A_1449] : memref<200x8x32x8x128xf32, #tpu.memory_space<hbm>> -> memref<1x1x1x8x128xf32, #tpu.memory_space<hbm>>
      %dma_start3A_1451 = tpu.memref_squeeze %dma_start3A_1450 : memref<1x1x1x8x128xf32, #tpu.memory_space<hbm>> -> memref<8x128xf32, #tpu.memory_space<hbm>>
      %dma_start3A_1452 = arith.constant 48 : i32
      %dma_start3A_1453 = arith.constant 0 : i32
      %dma_start3A_1454 = tpu.memref_slice %arg13[%dma_start3A_1452, %dma_start3A_1453] : memref<64x129xf32, #tpu.memory_space<vmem>> -> memref<8x128xf32, #tpu.memory_space<vmem>>
      tpu.enqueue_dma source(%dma_start3A_1454 : memref<8x128xf32, #tpu.memory_space<vmem>>) target(%dma_start3A_1451 : memref<8x128xf32, #tpu.memory_space<hbm>>) target_semaphore(%arg22 : memref<!tpu.dma_semaphore, #tpu.memory_space<semaphore_mem>>)
      %dma_start3A_1455 = arith.constant 7 : i32
      %dma_start3A_1456 = arith.constant 56 : i32
      %dma_start3A_1457 = arith.constant 0 : i32
      %dma_start3A_1458 = tpu.memref_slice %arg13[%dma_start3A_1456, %dma_start3A_1457] : memref<64x129xf32, #tpu.memory_space<vmem>> -> memref<8x128xf32, #tpu.memory_space<vmem>>
      %dma_start3A_1459 = arith.constant 0 : i32
      %dma_start3A_1460 = arith.constant 0 : i32
      %dma_start3A_1461 = tpu.memref_slice %arg5[%add3A_1301, %dma_start3A_1455, %add3A, %dma_start3A_1459, %dma_start3A_1460] : memref<200x8x32x8x128xf32, #tpu.memory_space<hbm>> -> memref<1x1x1x8x128xf32, #tpu.memory_space<hbm>>
      %dma_start3A_1462 = tpu.memref_squeeze %dma_start3A_1461 : memref<1x1x1x8x128xf32, #tpu.memory_space<hbm>> -> memref<8x128xf32, #tpu.memory_space<hbm>>
      %dma_start3A_1463 = arith.constant 0 : i32
      %dma_start3A_1464 = arith.constant 0 : i32
      %dma_start3A_1465 = tpu.memref_slice %arg5[%add3A_1301, %dma_start3A_1455, %add3A, %dma_start3A_1463, %dma_start3A_1464] : memref<200x8x32x8x128xf32, #tpu.memory_space<hbm>> -> memref<1x1x1x8x128xf32, #tpu.memory_space<hbm>>
      %dma_start3A_1466 = tpu.memref_squeeze %dma_start3A_1465 : memref<1x1x1x8x128xf32, #tpu.memory_space<hbm>> -> memref<8x128xf32, #tpu.memory_space<hbm>>
      %dma_start3A_1467 = arith.constant 56 : i32
      %dma_start3A_1468 = arith.constant 0 : i32
      %dma_start3A_1469 = tpu.memref_slice %arg13[%dma_start3A_1467, %dma_start3A_1468] : memref<64x129xf32, #tpu.memory_space<vmem>> -> memref<8x128xf32, #tpu.memory_space<vmem>>
      tpu.enqueue_dma source(%dma_start3A_1469 : memref<8x128xf32, #tpu.memory_space<vmem>>) target(%dma_start3A_1466 : memref<8x128xf32, #tpu.memory_space<hbm>>) target_semaphore(%arg22 : memref<!tpu.dma_semaphore, #tpu.memory_space<semaphore_mem>>)
      %mul3A_1470 = arith.constant 4 : i32
      %mul3A_1471 = arith.muli %scan3A_960, %mul3A_1470 : i32
      %add3A_1472 = arith.constant 3 : i32
      %add3A_1473 = arith.addi %mul3A_1471, %add3A_1472 : i32
      %gt3A_1474 = arith.constant 0 : i32
      %gt3A_1475 = arith.cmpi sgt, %scan3A_960, %gt3A_1474 : i32
      %convert_element_type3A_1476 = arith.extui %gt3A_1475 : i1 to i32
      %cond3A_1477 = arith.constant 0 : i32
      %cond3A_1478 = arith.cmpi ne, %convert_element_type3A_1476, %cond3A_1477 : i32
      scf.if %cond3A_1478 {
        %dma_wait3A_1642 = arith.constant 0 : i32
        %dma_wait3A_1643 = arith.constant 0 : i32
        %dma_wait3A_1644 = arith.constant 0 : i32
        %dma_wait3A_1645 = tpu.memref_slice %arg6[%dma_wait3A_1642, %dma_wait3A_1643, %dma_wait3A_1644] : memref<25x8x128xi32, #tpu.memory_space<vmem>> -> memref<1x1x128xi32, #tpu.memory_space<vmem>>
        %dma_wait3A_1646 = tpu.memref_squeeze %dma_wait3A_1645 : memref<1x1x128xi32, #tpu.memory_space<vmem>> -> memref<128xi32, #tpu.memory_space<vmem>>
        %dma_wait3A_1647 = arith.constant 0 : i32
        %dma_wait3A_1648 = arith.constant 0 : i32
        %dma_wait3A_1649 = tpu.memref_slice %arg3[%dma_wait3A_1647, %dma_wait3A_1648] : memref<100000x64xf32, #tpu.memory_space<hbm>> -> memref<100000x64xf32, #tpu.memory_space<hbm>>
        tpu.wait_indirect_dma semaphore(%arg23 : memref<!tpu.dma_semaphore, #tpu.memory_space<semaphore_mem>>) src(%dma_wait3A_1649 : memref<100000x64xf32, #tpu.memory_space<hbm>>) dst(%arg7 : memref<128x64xf32, #tpu.memory_space<vmem>>)
      } else {
      }
      %dma_wait3A_1479 = arith.constant 0 : i32
      %dma_wait3A_1480 = arith.constant 0 : i32
      %dma_wait3A_1481 = arith.constant 0 : i32
      %dma_wait3A_1482 = tpu.memref_slice %arg6[%dma_wait3A_1479, %dma_wait3A_1480, %dma_wait3A_1481] : memref<25x8x128xi32, #tpu.memory_space<vmem>> -> memref<1x1x128xi32, #tpu.memory_space<vmem>>
      %dma_wait3A_1483 = tpu.memref_squeeze %dma_wait3A_1482 : memref<1x1x128xi32, #tpu.memory_space<vmem>> -> memref<128xi32, #tpu.memory_space<vmem>>
      %dma_wait3A_1484 = arith.constant 0 : i32
      %dma_wait3A_1485 = arith.constant 0 : i32
      %dma_wait3A_1486 = tpu.memref_slice %arg3[%dma_wait3A_1484, %dma_wait3A_1485] : memref<100000x64xf32, #tpu.memory_space<hbm>> -> memref<100000x64xf32, #tpu.memory_space<hbm>>
      tpu.wait_indirect_dma semaphore(%arg19 : memref<!tpu.dma_semaphore, #tpu.memory_space<semaphore_mem>>) src(%dma_wait3A_1486 : memref<100000x64xf32, #tpu.memory_space<hbm>>) dst(%arg10 : memref<128x64xf32, #tpu.memory_space<vmem>>)
      %add3A_1487 = arith.constant 3 : i32
      %add3A_1488 = arith.addi %add3A_1473, %add3A_1487 : i32
      %lt3A_1489 = arith.constant 200 : i32
      %lt3A_1490 = arith.cmpi slt, %add3A_1488, %lt3A_1489 : i32
      %convert_element_type3A_1491 = arith.extui %lt3A_1490 : i1 to i32
      %cond3A_1492 = arith.constant 0 : i32
      %cond3A_1493 = arith.cmpi ne, %convert_element_type3A_1491, %cond3A_1492 : i32
      scf.if %cond3A_1493 {
        %add3A_1642 = arith.constant 3 : i32
        %add3A_1643 = arith.addi %add3A_1473, %add3A_1642 : i32
        %jit3A = arith.constant 8 : i32
        %div3A = arith.divsi %add3A_1643, %jit3A : i32
        %sign3A = arith.constant 0 : i32
        %sign3A_1644 = arith.cmpi sgt, %add3A_1643, %sign3A : i32
        %sign3A_1645 = arith.extui %sign3A_1644 : i1 to i32
        %sign3A_1646 = arith.constant 0 : i32
        %sign3A_1647 = arith.cmpi slt, %add3A_1643, %sign3A_1646 : i32
        %sign3A_1648 = arith.extui %sign3A_1647 : i1 to i32
        %sign3A_1649 = arith.subi %sign3A_1645, %sign3A_1648 : i32
        %sign3A_1650 = arith.constant 0 : i32
        %sign3A_1651 = arith.cmpi sgt, %jit3A, %sign3A_1650 : i32
        %sign3A_1652 = arith.extui %sign3A_1651 : i1 to i32
        %sign3A_1653 = arith.constant 0 : i32
        %sign3A_1654 = arith.cmpi slt, %jit3A, %sign3A_1653 : i32
        %sign3A_1655 = arith.extui %sign3A_1654 : i1 to i32
        %sign3A_1656 = arith.subi %sign3A_1652, %sign3A_1655 : i32
        %ne3A = arith.cmpi ne, %sign3A_1649, %sign3A_1656 : i32
        %rem3A = arith.remsi %add3A_1643, %jit3A : i32
        %ne3A_1657 = arith.constant 0 : i32
        %ne3A_1658 = arith.cmpi ne, %rem3A, %ne3A_1657 : i32
        %and3A = arith.andi %ne3A, %ne3A_1658 : i1
        %sub3A = arith.constant 1 : i32
        %sub3A_1659 = arith.subi %div3A, %sub3A : i32
        %select_n3A = arith.select %and3A, %sub3A_1659, %div3A : i32
        %jit3A_1660 = arith.constant 8 : i32
        %eq3A = arith.constant 0 : i32
        %eq3A_1661 = arith.cmpi eq, %jit3A_1660, %eq3A : i32
        %jit3A_1662 = arith.constant 1 : i32
        %select_n3A_1663 = arith.select %eq3A_1661, %jit3A_1662, %jit3A_1660 : i32
        %rem3A_1664 = arith.remsi %add3A_1643, %select_n3A_1663 : i32
        %ne3A_1665 = arith.constant 0 : i32
        %ne3A_1666 = arith.cmpi ne, %rem3A_1664, %ne3A_1665 : i32
        %lt3A_1667 = arith.constant 0 : i32
        %lt3A_1668 = arith.cmpi slt, %rem3A_1664, %lt3A_1667 : i32
        %lt3A_1669 = arith.constant 0 : i32
        %lt3A_1670 = arith.cmpi slt, %select_n3A_1663, %lt3A_1669 : i32
        %ne3A_1671 = arith.xori %lt3A_1668, %lt3A_1670 : i1
        %and3A_1672 = arith.andi %ne3A_1671, %ne3A_1666 : i1
        %add3A_1673 = arith.addi %rem3A_1664, %select_n3A_1663 : i32
        %select_n3A_1674 = arith.select %and3A_1672, %add3A_1673, %rem3A_1664 : i32
        %dma_start3A_1675 = arith.constant 0 : i32
        %dma_start3A_1676 = tpu.memref_slice %arg6[%select_n3A, %select_n3A_1674, %dma_start3A_1675] : memref<25x8x128xi32, #tpu.memory_space<vmem>> -> memref<1x1x128xi32, #tpu.memory_space<vmem>>
        %dma_start3A_1677 = tpu.memref_squeeze %dma_start3A_1676 : memref<1x1x128xi32, #tpu.memory_space<vmem>> -> memref<128xi32, #tpu.memory_space<vmem>>
        %dma_start3A_1678 = arith.constant 0 : i32
        %dma_start3A_1679 = arith.constant 0 : i32
        %dma_start3A_1680 = tpu.memref_slice %arg3[%dma_start3A_1678, %dma_start3A_1679] : memref<100000x64xf32, #tpu.memory_space<hbm>> -> memref<100000x64xf32, #tpu.memory_space<hbm>>
        tpu.enqueue_indirect_dma source(%dma_start3A_1680 : memref<100000x64xf32, #tpu.memory_space<hbm>>) target(%arg9 : memref<128x64xf32, #tpu.memory_space<vmem>>) offsets(%dma_start3A_1677 : memref<128xi32, #tpu.memory_space<vmem>>) semaphore(%arg18 : memref<!tpu.dma_semaphore, #tpu.memory_space<semaphore_mem>>)
      } else {
      }
      %get3A_1494 = arith.index_cast %add3A_1473 : i32 to index
      %get3A_1495 = arith.constant 0 : index
      %get3A_1496 = tpu.vector_load %arg15[%get3A_1494, %get3A_1495] {strides = array<i32>} : memref<200x64xf32, #tpu.memory_space<vmem>>, vector<16xf32>,
      %get3A_1497 = arith.index_cast %add3A_1473 : i32 to index
      %get3A_1498 = arith.constant 16 : index
      %get3A_1499 = tpu.vector_load %arg15[%get3A_1497, %get3A_1498] {strides = array<i32>} : memref<200x64xf32, #tpu.memory_space<vmem>>, vector<16xf32>,
      %get3A_1500 = arith.index_cast %add3A_1473 : i32 to index
      %get3A_1501 = arith.constant 32 : index
      %get3A_1502 = tpu.vector_load %arg15[%get3A_1500, %get3A_1501] {strides = array<i32>} : memref<200x64xf32, #tpu.memory_space<vmem>>, vector<16xf32>,
      %get3A_1503 = arith.index_cast %add3A_1473 : i32 to index
      %get3A_1504 = arith.constant 48 : index
      %get3A_1505 = tpu.vector_load %arg15[%get3A_1503, %get3A_1504] {strides = array<i32>} : memref<200x64xf32, #tpu.memory_space<vmem>>, vector<16xf32>,
      %iota3A_1506 = tpu.iota {dimensions = array<i32: 0>} : vector<16xi32>
      %iota3A_1507 = tpu.iota {dimensions = array<i32: 0>} : vector<16xi32>
      %add3A_1508 = arith.constant 16 : i32
      %add3A_1509 = vector.broadcast %add3A_1508 : i32 to vector<16xi32>
      %add3A_1510 = arith.addi %add3A_1509, %iota3A_1507 : vector<16xi32>
      %iota3A_1511 = tpu.iota {dimensions = array<i32: 0>} : vector<16xi32>
      %add3A_1512 = arith.constant 32 : i32
      %add3A_1513 = vector.broadcast %add3A_1512 : i32 to vector<16xi32>
      %add3A_1514 = arith.addi %add3A_1513, %iota3A_1511 : vector<16xi32>
      %iota3A_1515 = tpu.iota {dimensions = array<i32: 0>} : vector<16xi32>
      %add3A_1516 = arith.constant 48 : i32
      %add3A_1517 = vector.broadcast %add3A_1516 : i32 to vector<16xi32>
      %add3A_1518 = arith.addi %add3A_1517, %iota3A_1515 : vector<16xi32>
      %parallel_loop3A_1519 = arith.constant 0 : i32
      %parallel_loop3A_1520 = arith.constant 128 : i32
      %parallel_loop3A_1521 = arith.constant 1 : i32
      scf.for %parallel_loop3A_1642 = %parallel_loop3A_1519 to %parallel_loop3A_1520 step %parallel_loop3A_1521  : i32 {
        %parallel_loop3A_1643 = vector.broadcast %parallel_loop3A_1642 : i32 to vector<16xi32>
        %parallel_loop3A_1644 = arith.index_cast %parallel_loop3A_1642 : i32 to index
        %parallel_loop3A_1645 = arith.constant 0 : index
        %parallel_loop3A_1646 = tpu.vector_load %arg10[%parallel_loop3A_1644, %parallel_loop3A_1645] {strides = array<i32>} : memref<128x64xf32, #tpu.memory_space<vmem>>, vector<16xf32>,
        %parallel_loop3A_1647 = arith.addf %parallel_loop3A_1646, %get3A_1496 : vector<16xf32>
        tpu.vector_store_idx %arg14[%iota3A_1506, %parallel_loop3A_1643], %parallel_loop3A_1647 : memref<64x129xf32, #tpu.memory_space<vmem>>[vector<16xi32>, vector<16xi32>], vector<16xf32>,
        %parallel_loop3A_1648 = arith.index_cast %parallel_loop3A_1642 : i32 to index
        %parallel_loop3A_1649 = arith.constant 16 : index
        %parallel_loop3A_1650 = tpu.vector_load %arg10[%parallel_loop3A_1648, %parallel_loop3A_1649] {strides = array<i32>} : memref<128x64xf32, #tpu.memory_space<vmem>>, vector<16xf32>,
        %parallel_loop3A_1651 = arith.addf %parallel_loop3A_1650, %get3A_1499 : vector<16xf32>
        tpu.vector_store_idx %arg14[%add3A_1510, %parallel_loop3A_1643], %parallel_loop3A_1651 : memref<64x129xf32, #tpu.memory_space<vmem>>[vector<16xi32>, vector<16xi32>], vector<16xf32>,
        %parallel_loop3A_1652 = arith.index_cast %parallel_loop3A_1642 : i32 to index
        %parallel_loop3A_1653 = arith.constant 32 : index
        %parallel_loop3A_1654 = tpu.vector_load %arg10[%parallel_loop3A_1652, %parallel_loop3A_1653] {strides = array<i32>} : memref<128x64xf32, #tpu.memory_space<vmem>>, vector<16xf32>,
        %parallel_loop3A_1655 = arith.addf %parallel_loop3A_1654, %get3A_1502 : vector<16xf32>
        tpu.vector_store_idx %arg14[%add3A_1514, %parallel_loop3A_1643], %parallel_loop3A_1655 : memref<64x129xf32, #tpu.memory_space<vmem>>[vector<16xi32>, vector<16xi32>], vector<16xf32>,
        %parallel_loop3A_1656 = arith.index_cast %parallel_loop3A_1642 : i32 to index
        %parallel_loop3A_1657 = arith.constant 48 : index
        %parallel_loop3A_1658 = tpu.vector_load %arg10[%parallel_loop3A_1656, %parallel_loop3A_1657] {strides = array<i32>} : memref<128x64xf32, #tpu.memory_space<vmem>>, vector<16xf32>,
        %parallel_loop3A_1659 = arith.addf %parallel_loop3A_1658, %get3A_1505 : vector<16xf32>
        tpu.vector_store_idx %arg14[%add3A_1518, %parallel_loop3A_1643], %parallel_loop3A_1659 : memref<64x129xf32, #tpu.memory_space<vmem>>[vector<16xi32>, vector<16xi32>], vector<16xf32>,
      } {sc.loop_unroll_factor = 4 : i64, sc.parallel_access}
      %dma_start3A_1522 = arith.constant 0 : i32
      %dma_start3A_1523 = arith.constant 0 : i32
      %dma_start3A_1524 = arith.constant 0 : i32
      %dma_start3A_1525 = tpu.memref_slice %arg14[%dma_start3A_1523, %dma_start3A_1524] : memref<64x129xf32, #tpu.memory_space<vmem>> -> memref<8x128xf32, #tpu.memory_space<vmem>>
      %dma_start3A_1526 = arith.constant 0 : i32
      %dma_start3A_1527 = arith.constant 0 : i32
      %dma_start3A_1528 = tpu.memref_slice %arg5[%add3A_1473, %dma_start3A_1522, %add3A, %dma_start3A_1526, %dma_start3A_1527] : memref<200x8x32x8x128xf32, #tpu.memory_space<hbm>> -> memref<1x1x1x8x128xf32, #tpu.memory_space<hbm>>
      %dma_start3A_1529 = tpu.memref_squeeze %dma_start3A_1528 : memref<1x1x1x8x128xf32, #tpu.memory_space<hbm>> -> memref<8x128xf32, #tpu.memory_space<hbm>>
      %dma_start3A_1530 = arith.constant 0 : i32
      %dma_start3A_1531 = arith.constant 0 : i32
      %dma_start3A_1532 = tpu.memref_slice %arg5[%add3A_1473, %dma_start3A_1522, %add3A, %dma_start3A_1530, %dma_start3A_1531] : memref<200x8x32x8x128xf32, #tpu.memory_space<hbm>> -> memref<1x1x1x8x128xf32, #tpu.memory_space<hbm>>
      %dma_start3A_1533 = tpu.memref_squeeze %dma_start3A_1532 : memref<1x1x1x8x128xf32, #tpu.memory_space<hbm>> -> memref<8x128xf32, #tpu.memory_space<hbm>>
      %dma_start3A_1534 = arith.constant 0 : i32
      %dma_start3A_1535 = arith.constant 0 : i32
      %dma_start3A_1536 = tpu.memref_slice %arg14[%dma_start3A_1534, %dma_start3A_1535] : memref<64x129xf32, #tpu.memory_space<vmem>> -> memref<8x128xf32, #tpu.memory_space<vmem>>
      tpu.enqueue_dma source(%dma_start3A_1536 : memref<8x128xf32, #tpu.memory_space<vmem>>) target(%dma_start3A_1533 : memref<8x128xf32, #tpu.memory_space<hbm>>) target_semaphore(%arg23 : memref<!tpu.dma_semaphore, #tpu.memory_space<semaphore_mem>>)
      %dma_start3A_1537 = arith.constant 1 : i32
      %dma_start3A_1538 = arith.constant 8 : i32
      %dma_start3A_1539 = arith.constant 0 : i32
      %dma_start3A_1540 = tpu.memref_slice %arg14[%dma_start3A_1538, %dma_start3A_1539] : memref<64x129xf32, #tpu.memory_space<vmem>> -> memref<8x128xf32, #tpu.memory_space<vmem>>
      %dma_start3A_1541 = arith.constant 0 : i32
      %dma_start3A_1542 = arith.constant 0 : i32
      %dma_start3A_1543 = tpu.memref_slice %arg5[%add3A_1473, %dma_start3A_1537, %add3A, %dma_start3A_1541, %dma_start3A_1542] : memref<200x8x32x8x128xf32, #tpu.memory_space<hbm>> -> memref<1x1x1x8x128xf32, #tpu.memory_space<hbm>>
      %dma_start3A_1544 = tpu.memref_squeeze %dma_start3A_1543 : memref<1x1x1x8x128xf32, #tpu.memory_space<hbm>> -> memref<8x128xf32, #tpu.memory_space<hbm>>
      %dma_start3A_1545 = arith.constant 0 : i32
      %dma_start3A_1546 = arith.constant 0 : i32
      %dma_start3A_1547 = tpu.memref_slice %arg5[%add3A_1473, %dma_start3A_1537, %add3A, %dma_start3A_1545, %dma_start3A_1546] : memref<200x8x32x8x128xf32, #tpu.memory_space<hbm>> -> memref<1x1x1x8x128xf32, #tpu.memory_space<hbm>>
      %dma_start3A_1548 = tpu.memref_squeeze %dma_start3A_1547 : memref<1x1x1x8x128xf32, #tpu.memory_space<hbm>> -> memref<8x128xf32, #tpu.memory_space<hbm>>
      %dma_start3A_1549 = arith.constant 8 : i32
      %dma_start3A_1550 = arith.constant 0 : i32
      %dma_start3A_1551 = tpu.memref_slice %arg14[%dma_start3A_1549, %dma_start3A_1550] : memref<64x129xf32, #tpu.memory_space<vmem>> -> memref<8x128xf32, #tpu.memory_space<vmem>>
      tpu.enqueue_dma source(%dma_start3A_1551 : memref<8x128xf32, #tpu.memory_space<vmem>>) target(%dma_start3A_1548 : memref<8x128xf32, #tpu.memory_space<hbm>>) target_semaphore(%arg23 : memref<!tpu.dma_semaphore, #tpu.memory_space<semaphore_mem>>)
      %dma_start3A_1552 = arith.constant 2 : i32
      %dma_start3A_1553 = arith.constant 16 : i32
      %dma_start3A_1554 = arith.constant 0 : i32
      %dma_start3A_1555 = tpu.memref_slice %arg14[%dma_start3A_1553, %dma_start3A_1554] : memref<64x129xf32, #tpu.memory_space<vmem>> -> memref<8x128xf32, #tpu.memory_space<vmem>>
      %dma_start3A_1556 = arith.constant 0 : i32
      %dma_start3A_1557 = arith.constant 0 : i32
      %dma_start3A_1558 = tpu.memref_slice %arg5[%add3A_1473, %dma_start3A_1552, %add3A, %dma_start3A_1556, %dma_start3A_1557] : memref<200x8x32x8x128xf32, #tpu.memory_space<hbm>> -> memref<1x1x1x8x128xf32, #tpu.memory_space<hbm>>
      %dma_start3A_1559 = tpu.memref_squeeze %dma_start3A_1558 : memref<1x1x1x8x128xf32, #tpu.memory_space<hbm>> -> memref<8x128xf32, #tpu.memory_space<hbm>>
      %dma_start3A_1560 = arith.constant 0 : i32
      %dma_start3A_1561 = arith.constant 0 : i32
      %dma_start3A_1562 = tpu.memref_slice %arg5[%add3A_1473, %dma_start3A_1552, %add3A, %dma_start3A_1560, %dma_start3A_1561] : memref<200x8x32x8x128xf32, #tpu.memory_space<hbm>> -> memref<1x1x1x8x128xf32, #tpu.memory_space<hbm>>
      %dma_start3A_1563 = tpu.memref_squeeze %dma_start3A_1562 : memref<1x1x1x8x128xf32, #tpu.memory_space<hbm>> -> memref<8x128xf32, #tpu.memory_space<hbm>>
      %dma_start3A_1564 = arith.constant 16 : i32
      %dma_start3A_1565 = arith.constant 0 : i32
      %dma_start3A_1566 = tpu.memref_slice %arg14[%dma_start3A_1564, %dma_start3A_1565] : memref<64x129xf32, #tpu.memory_space<vmem>> -> memref<8x128xf32, #tpu.memory_space<vmem>>
      tpu.enqueue_dma source(%dma_start3A_1566 : memref<8x128xf32, #tpu.memory_space<vmem>>) target(%dma_start3A_1563 : memref<8x128xf32, #tpu.memory_space<hbm>>) target_semaphore(%arg23 : memref<!tpu.dma_semaphore, #tpu.memory_space<semaphore_mem>>)
      %dma_start3A_1567 = arith.constant 3 : i32
      %dma_start3A_1568 = arith.constant 24 : i32
      %dma_start3A_1569 = arith.constant 0 : i32
      %dma_start3A_1570 = tpu.memref_slice %arg14[%dma_start3A_1568, %dma_start3A_1569] : memref<64x129xf32, #tpu.memory_space<vmem>> -> memref<8x128xf32, #tpu.memory_space<vmem>>
      %dma_start3A_1571 = arith.constant 0 : i32
      %dma_start3A_1572 = arith.constant 0 : i32
      %dma_start3A_1573 = tpu.memref_slice %arg5[%add3A_1473, %dma_start3A_1567, %add3A, %dma_start3A_1571, %dma_start3A_1572] : memref<200x8x32x8x128xf32, #tpu.memory_space<hbm>> -> memref<1x1x1x8x128xf32, #tpu.memory_space<hbm>>
      %dma_start3A_1574 = tpu.memref_squeeze %dma_start3A_1573 : memref<1x1x1x8x128xf32, #tpu.memory_space<hbm>> -> memref<8x128xf32, #tpu.memory_space<hbm>>
      %dma_start3A_1575 = arith.constant 0 : i32
      %dma_start3A_1576 = arith.constant 0 : i32
      %dma_start3A_1577 = tpu.memref_slice %arg5[%add3A_1473, %dma_start3A_1567, %add3A, %dma_start3A_1575, %dma_start3A_1576] : memref<200x8x32x8x128xf32, #tpu.memory_space<hbm>> -> memref<1x1x1x8x128xf32, #tpu.memory_space<hbm>>
      %dma_start3A_1578 = tpu.memref_squeeze %dma_start3A_1577 : memref<1x1x1x8x128xf32, #tpu.memory_space<hbm>> -> memref<8x128xf32, #tpu.memory_space<hbm>>
      %dma_start3A_1579 = arith.constant 24 : i32
      %dma_start3A_1580 = arith.constant 0 : i32
      %dma_start3A_1581 = tpu.memref_slice %arg14[%dma_start3A_1579, %dma_start3A_1580] : memref<64x129xf32, #tpu.memory_space<vmem>> -> memref<8x128xf32, #tpu.memory_space<vmem>>
      tpu.enqueue_dma source(%dma_start3A_1581 : memref<8x128xf32, #tpu.memory_space<vmem>>) target(%dma_start3A_1578 : memref<8x128xf32, #tpu.memory_space<hbm>>) target_semaphore(%arg23 : memref<!tpu.dma_semaphore, #tpu.memory_space<semaphore_mem>>)
      %dma_start3A_1582 = arith.constant 4 : i32
      %dma_start3A_1583 = arith.constant 32 : i32
      %dma_start3A_1584 = arith.constant 0 : i32
      %dma_start3A_1585 = tpu.memref_slice %arg14[%dma_start3A_1583, %dma_start3A_1584] : memref<64x129xf32, #tpu.memory_space<vmem>> -> memref<8x128xf32, #tpu.memory_space<vmem>>
      %dma_start3A_1586 = arith.constant 0 : i32
      %dma_start3A_1587 = arith.constant 0 : i32
      %dma_start3A_1588 = tpu.memref_slice %arg5[%add3A_1473, %dma_start3A_1582, %add3A, %dma_start3A_1586, %dma_start3A_1587] : memref<200x8x32x8x128xf32, #tpu.memory_space<hbm>> -> memref<1x1x1x8x128xf32, #tpu.memory_space<hbm>>
      %dma_start3A_1589 = tpu.memref_squeeze %dma_start3A_1588 : memref<1x1x1x8x128xf32, #tpu.memory_space<hbm>> -> memref<8x128xf32, #tpu.memory_space<hbm>>
      %dma_start3A_1590 = arith.constant 0 : i32
      %dma_start3A_1591 = arith.constant 0 : i32
      %dma_start3A_1592 = tpu.memref_slice %arg5[%add3A_1473, %dma_start3A_1582, %add3A, %dma_start3A_1590, %dma_start3A_1591] : memref<200x8x32x8x128xf32, #tpu.memory_space<hbm>> -> memref<1x1x1x8x128xf32, #tpu.memory_space<hbm>>
      %dma_start3A_1593 = tpu.memref_squeeze %dma_start3A_1592 : memref<1x1x1x8x128xf32, #tpu.memory_space<hbm>> -> memref<8x128xf32, #tpu.memory_space<hbm>>
      %dma_start3A_1594 = arith.constant 32 : i32
      %dma_start3A_1595 = arith.constant 0 : i32
      %dma_start3A_1596 = tpu.memref_slice %arg14[%dma_start3A_1594, %dma_start3A_1595] : memref<64x129xf32, #tpu.memory_space<vmem>> -> memref<8x128xf32, #tpu.memory_space<vmem>>
      tpu.enqueue_dma source(%dma_start3A_1596 : memref<8x128xf32, #tpu.memory_space<vmem>>) target(%dma_start3A_1593 : memref<8x128xf32, #tpu.memory_space<hbm>>) target_semaphore(%arg23 : memref<!tpu.dma_semaphore, #tpu.memory_space<semaphore_mem>>)
      %dma_start3A_1597 = arith.constant 5 : i32
      %dma_start3A_1598 = arith.constant 40 : i32
      %dma_start3A_1599 = arith.constant 0 : i32
      %dma_start3A_1600 = tpu.memref_slice %arg14[%dma_start3A_1598, %dma_start3A_1599] : memref<64x129xf32, #tpu.memory_space<vmem>> -> memref<8x128xf32, #tpu.memory_space<vmem>>
      %dma_start3A_1601 = arith.constant 0 : i32
      %dma_start3A_1602 = arith.constant 0 : i32
      %dma_start3A_1603 = tpu.memref_slice %arg5[%add3A_1473, %dma_start3A_1597, %add3A, %dma_start3A_1601, %dma_start3A_1602] : memref<200x8x32x8x128xf32, #tpu.memory_space<hbm>> -> memref<1x1x1x8x128xf32, #tpu.memory_space<hbm>>
      %dma_start3A_1604 = tpu.memref_squeeze %dma_start3A_1603 : memref<1x1x1x8x128xf32, #tpu.memory_space<hbm>> -> memref<8x128xf32, #tpu.memory_space<hbm>>
      %dma_start3A_1605 = arith.constant 0 : i32
      %dma_start3A_1606 = arith.constant 0 : i32
      %dma_start3A_1607 = tpu.memref_slice %arg5[%add3A_1473, %dma_start3A_1597, %add3A, %dma_start3A_1605, %dma_start3A_1606] : memref<200x8x32x8x128xf32, #tpu.memory_space<hbm>> -> memref<1x1x1x8x128xf32, #tpu.memory_space<hbm>>
      %dma_start3A_1608 = tpu.memref_squeeze %dma_start3A_1607 : memref<1x1x1x8x128xf32, #tpu.memory_space<hbm>> -> memref<8x128xf32, #tpu.memory_space<hbm>>
      %dma_start3A_1609 = arith.constant 40 : i32
      %dma_start3A_1610 = arith.constant 0 : i32
      %dma_start3A_1611 = tpu.memref_slice %arg14[%dma_start3A_1609, %dma_start3A_1610] : memref<64x129xf32, #tpu.memory_space<vmem>> -> memref<8x128xf32, #tpu.memory_space<vmem>>
      tpu.enqueue_dma source(%dma_start3A_1611 : memref<8x128xf32, #tpu.memory_space<vmem>>) target(%dma_start3A_1608 : memref<8x128xf32, #tpu.memory_space<hbm>>) target_semaphore(%arg23 : memref<!tpu.dma_semaphore, #tpu.memory_space<semaphore_mem>>)
      %dma_start3A_1612 = arith.constant 6 : i32
      %dma_start3A_1613 = arith.constant 48 : i32
      %dma_start3A_1614 = arith.constant 0 : i32
      %dma_start3A_1615 = tpu.memref_slice %arg14[%dma_start3A_1613, %dma_start3A_1614] : memref<64x129xf32, #tpu.memory_space<vmem>> -> memref<8x128xf32, #tpu.memory_space<vmem>>
      %dma_start3A_1616 = arith.constant 0 : i32
      %dma_start3A_1617 = arith.constant 0 : i32
      %dma_start3A_1618 = tpu.memref_slice %arg5[%add3A_1473, %dma_start3A_1612, %add3A, %dma_start3A_1616, %dma_start3A_1617] : memref<200x8x32x8x128xf32, #tpu.memory_space<hbm>> -> memref<1x1x1x8x128xf32, #tpu.memory_space<hbm>>
      %dma_start3A_1619 = tpu.memref_squeeze %dma_start3A_1618 : memref<1x1x1x8x128xf32, #tpu.memory_space<hbm>> -> memref<8x128xf32, #tpu.memory_space<hbm>>
      %dma_start3A_1620 = arith.constant 0 : i32
      %dma_start3A_1621 = arith.constant 0 : i32
      %dma_start3A_1622 = tpu.memref_slice %arg5[%add3A_1473, %dma_start3A_1612, %add3A, %dma_start3A_1620, %dma_start3A_1621] : memref<200x8x32x8x128xf32, #tpu.memory_space<hbm>> -> memref<1x1x1x8x128xf32, #tpu.memory_space<hbm>>
      %dma_start3A_1623 = tpu.memref_squeeze %dma_start3A_1622 : memref<1x1x1x8x128xf32, #tpu.memory_space<hbm>> -> memref<8x128xf32, #tpu.memory_space<hbm>>
      %dma_start3A_1624 = arith.constant 48 : i32
      %dma_start3A_1625 = arith.constant 0 : i32
      %dma_start3A_1626 = tpu.memref_slice %arg14[%dma_start3A_1624, %dma_start3A_1625] : memref<64x129xf32, #tpu.memory_space<vmem>> -> memref<8x128xf32, #tpu.memory_space<vmem>>
      tpu.enqueue_dma source(%dma_start3A_1626 : memref<8x128xf32, #tpu.memory_space<vmem>>) target(%dma_start3A_1623 : memref<8x128xf32, #tpu.memory_space<hbm>>) target_semaphore(%arg23 : memref<!tpu.dma_semaphore, #tpu.memory_space<semaphore_mem>>)
      %dma_start3A_1627 = arith.constant 7 : i32
      %dma_start3A_1628 = arith.constant 56 : i32
      %dma_start3A_1629 = arith.constant 0 : i32
      %dma_start3A_1630 = tpu.memref_slice %arg14[%dma_start3A_1628, %dma_start3A_1629] : memref<64x129xf32, #tpu.memory_space<vmem>> -> memref<8x128xf32, #tpu.memory_space<vmem>>
      %dma_start3A_1631 = arith.constant 0 : i32
      %dma_start3A_1632 = arith.constant 0 : i32
      %dma_start3A_1633 = tpu.memref_slice %arg5[%add3A_1473, %dma_start3A_1627, %add3A, %dma_start3A_1631, %dma_start3A_1632] : memref<200x8x32x8x128xf32, #tpu.memory_space<hbm>> -> memref<1x1x1x8x128xf32, #tpu.memory_space<hbm>>
      %dma_start3A_1634 = tpu.memref_squeeze %dma_start3A_1633 : memref<1x1x1x8x128xf32, #tpu.memory_space<hbm>> -> memref<8x128xf32, #tpu.memory_space<hbm>>
      %dma_start3A_1635 = arith.constant 0 : i32
      %dma_start3A_1636 = arith.constant 0 : i32
      %dma_start3A_1637 = tpu.memref_slice %arg5[%add3A_1473, %dma_start3A_1627, %add3A, %dma_start3A_1635, %dma_start3A_1636] : memref<200x8x32x8x128xf32, #tpu.memory_space<hbm>> -> memref<1x1x1x8x128xf32, #tpu.memory_space<hbm>>
      %dma_start3A_1638 = tpu.memref_squeeze %dma_start3A_1637 : memref<1x1x1x8x128xf32, #tpu.memory_space<hbm>> -> memref<8x128xf32, #tpu.memory_space<hbm>>
      %dma_start3A_1639 = arith.constant 56 : i32
      %dma_start3A_1640 = arith.constant 0 : i32
      %dma_start3A_1641 = tpu.memref_slice %arg14[%dma_start3A_1639, %dma_start3A_1640] : memref<64x129xf32, #tpu.memory_space<vmem>> -> memref<8x128xf32, #tpu.memory_space<vmem>>
      tpu.enqueue_dma source(%dma_start3A_1641 : memref<8x128xf32, #tpu.memory_space<vmem>>) target(%dma_start3A_1638 : memref<8x128xf32, #tpu.memory_space<hbm>>) target_semaphore(%arg23 : memref<!tpu.dma_semaphore, #tpu.memory_space<semaphore_mem>>)
    }
    %scan3A_927 = arith.constant 50 : i32
    %dma_wait3A_928 = arith.constant 0 : i32
    %dma_wait3A_929 = arith.constant 0 : i32
    %dma_wait3A_930 = arith.constant 0 : i32
    %dma_wait3A_931 = tpu.memref_slice %arg6[%dma_wait3A_928, %dma_wait3A_929, %dma_wait3A_930] : memref<25x8x128xi32, #tpu.memory_space<vmem>> -> memref<1x1x128xi32, #tpu.memory_space<vmem>>
    %dma_wait3A_932 = tpu.memref_squeeze %dma_wait3A_931 : memref<1x1x128xi32, #tpu.memory_space<vmem>> -> memref<128xi32, #tpu.memory_space<vmem>>
    %dma_wait3A_933 = arith.constant 0 : i32
    %dma_wait3A_934 = arith.constant 0 : i32
    %dma_wait3A_935 = tpu.memref_slice %arg3[%dma_wait3A_933, %dma_wait3A_934] : memref<100000x64xf32, #tpu.memory_space<hbm>> -> memref<100000x64xf32, #tpu.memory_space<hbm>>
    tpu.wait_indirect_dma semaphore(%arg20 : memref<!tpu.dma_semaphore, #tpu.memory_space<semaphore_mem>>) src(%dma_wait3A_935 : memref<100000x64xf32, #tpu.memory_space<hbm>>) dst(%arg7 : memref<128x64xf32, #tpu.memory_space<vmem>>)
    %dma_wait3A_936 = arith.constant 0 : i32
    %dma_wait3A_937 = arith.constant 0 : i32
    %dma_wait3A_938 = arith.constant 0 : i32
    %dma_wait3A_939 = tpu.memref_slice %arg6[%dma_wait3A_936, %dma_wait3A_937, %dma_wait3A_938] : memref<25x8x128xi32, #tpu.memory_space<vmem>> -> memref<1x1x128xi32, #tpu.memory_space<vmem>>
    %dma_wait3A_940 = tpu.memref_squeeze %dma_wait3A_939 : memref<1x1x128xi32, #tpu.memory_space<vmem>> -> memref<128xi32, #tpu.memory_space<vmem>>
    %dma_wait3A_941 = arith.constant 0 : i32
    %dma_wait3A_942 = arith.constant 0 : i32
    %dma_wait3A_943 = tpu.memref_slice %arg3[%dma_wait3A_941, %dma_wait3A_942] : memref<100000x64xf32, #tpu.memory_space<hbm>> -> memref<100000x64xf32, #tpu.memory_space<hbm>>
    tpu.wait_indirect_dma semaphore(%arg21 : memref<!tpu.dma_semaphore, #tpu.memory_space<semaphore_mem>>) src(%dma_wait3A_943 : memref<100000x64xf32, #tpu.memory_space<hbm>>) dst(%arg7 : memref<128x64xf32, #tpu.memory_space<vmem>>)
    %dma_wait3A_944 = arith.constant 0 : i32
    %dma_wait3A_945 = arith.constant 0 : i32
    %dma_wait3A_946 = arith.constant 0 : i32
    %dma_wait3A_947 = tpu.memref_slice %arg6[%dma_wait3A_944, %dma_wait3A_945, %dma_wait3A_946] : memref<25x8x128xi32, #tpu.memory_space<vmem>> -> memref<1x1x128xi32, #tpu.memory_space<vmem>>
    %dma_wait3A_948 = tpu.memref_squeeze %dma_wait3A_947 : memref<1x1x128xi32, #tpu.memory_space<vmem>> -> memref<128xi32, #tpu.memory_space<vmem>>
    %dma_wait3A_949 = arith.constant 0 : i32
    %dma_wait3A_950 = arith.constant 0 : i32
    %dma_wait3A_951 = tpu.memref_slice %arg3[%dma_wait3A_949, %dma_wait3A_950] : memref<100000x64xf32, #tpu.memory_space<hbm>> -> memref<100000x64xf32, #tpu.memory_space<hbm>>
    tpu.wait_indirect_dma semaphore(%arg22 : memref<!tpu.dma_semaphore, #tpu.memory_space<semaphore_mem>>) src(%dma_wait3A_951 : memref<100000x64xf32, #tpu.memory_space<hbm>>) dst(%arg7 : memref<128x64xf32, #tpu.memory_space<vmem>>)
    %dma_wait3A_952 = arith.constant 0 : i32
    %dma_wait3A_953 = arith.constant 0 : i32
    %dma_wait3A_954 = arith.constant 0 : i32
    %dma_wait3A_955 = tpu.memref_slice %arg6[%dma_wait3A_952, %dma_wait3A_953, %dma_wait3A_954] : memref<25x8x128xi32, #tpu.memory_space<vmem>> -> memref<1x1x128xi32, #tpu.memory_space<vmem>>
    %dma_wait3A_956 = tpu.memref_squeeze %dma_wait3A_955 : memref<1x1x128xi32, #tpu.memory_space<vmem>> -> memref<128xi32, #tpu.memory_space<vmem>>
    %dma_wait3A_957 = arith.constant 0 : i32
    %dma_wait3A_958 = arith.constant 0 : i32
    %dma_wait3A_959 = tpu.memref_slice %arg3[%dma_wait3A_957, %dma_wait3A_958] : memref<100000x64xf32, #tpu.memory_space<hbm>> -> memref<100000x64xf32, #tpu.memory_space<hbm>>
    tpu.wait_indirect_dma semaphore(%arg23 : memref<!tpu.dma_semaphore, #tpu.memory_space<semaphore_mem>>) src(%dma_wait3A_959 : memref<100000x64xf32, #tpu.memory_space<hbm>>) dst(%arg7 : memref<128x64xf32, #tpu.memory_space<vmem>>)
    return
  }
}

</mosaic_0001>

<sc_bundles>
// kernel: kernel.3.cloned.1.call-start
scs
__scs_entry_jumppad:
0x0: {  	(pc) =	sbr.rel $0x88, $3  }
0x1: {  	(tag) =	ssettag $0x0;
	lr =	simm.s32 $0x1  }
0x2: {  	[smem:$0x3F9E] =	sst lr;
	_ =	strace $0xD0000000  }
0x3: {  	_ = 	snop  }
0x4: {  	_ = 	snop  }
0x5: {  	_ = 	snop  }
0x6: {  	_ = 	snop  }
0x7: {  	_ = 	snop  }
__scs_overlays_trampoline_lowered:
0x8: {  	[smem:$0x3FAD] =	sst s0  }
0x9: {  	[smem:$0x3FAE] =	sst s1  }
0xa: {  	[smem:$0x3FAF] =	sst s2  }
0xb: {  	[smem:$0x3FB0] =	sst s3  }
0xc: {  	[smem:$0x3FB1] =	sst s4  }
0xd: {  	[smem:$0x3FB2] =	sst s5  }
0xe: {  	[smem:$0x3FB3] =	sst s6  }
0xf: {  	[smem:$0x3FB4] =	sst s7  }
0x10: {  	[smem:$0x3FB5] =	sst s8  }
0x11: {  	[smem:$0x3FB6] =	sst s9;
	s0 =	simm.s32 @!p0 $0x0  }
0x12: {  	s1 =	sld [smem:$0x3F9C];
	s0 =	simm.s32 @p0 $0x1  }
0x13: {  	[smem:$0x3FB7] =	sst s0;
	s0 =	simm.s32 @!p1 $0x0  }
0x14: {  	s2 =	sld [smem:$0x3F9B];
	s0 =	simm.s32 @p1 $0x1  }
0x15: {  	[smem:$0x3FB8] =	sst s0;
	s0 =	simm.s32 @!p2 $0x0  }
0x16: {  	s3 =	sld [smem:$0x3FDB];
	s0 =	simm.s32 @p2 $0x1  }
0x17: {  	s4 =	simm.s32 $0x1BF5;
	[smem:$0x3FBA] =	sst s0  }
0x18: {  	s0 =	sld [smem:$0x3F9D];
	_ =	swait.ge [sflag:s4], $0x0  }
0x19: {  	s7 =	sld [smem:$0x3F9E]  }
0x1a: {  	s8 =	sadd.s32 $0xFFFFE003, lr  }
0x1b: {  	s9 =	sadd.s32 $0xFFFFFEF7, lr;
	s5 =	simm.s32 $0xFFFFFFFF;
	p2 =	slt.u32 s8, $0xFFFFF086  }
0x1c: {  	p1 =	slt.u32 s9, $0xF7A;
	s5 =	simm.s32 @!p2 $0x0  }
0x1d: {  	s5 =	simm.s32 @p1 $0x1;
	p0 =	seq.s32 s7, s2  }
0x1e: {  	s7 =	smul.u32 @!p0 $0xF7A, s2;
	p2 =	seq.s32 @!p0 s5, $0x0  }
0x1f: {  	s9 =	smul.u32 $0xF7A, s1;
	s8 =	simm.s32 @!p0 $0x1BF5;
	p2 =	por !p2, p0  }
0x20: {  	[sflag:s8] =	ssyncset.s32 @!p0 $0xFFFFF086;
	s6 =	sadd.s32 @!p0 s3, s7;
	s7 =	simm.s32 @!p0 $0x108  }
0x21: {  	s3 =	sadd.s32 s3, s9;
	s6 =	sadd.s32 @!p0 $0x88, s6;
	s7 =	simm.s32 @p2 $0x1082  }
0x22: {  	[simem:s7], [sflag:s8] =	dma.local @!p0 [hbm:s6], $0xF7A  }
0x23: {  	s9 =	sor.u32 $0xD0000000, s2;
	s6 =	simm.s32 $0x108;
	_ =	swait.ge @!p0 [sflag:s8], $0x0  }
0x24: {  	s3 =	sadd.s32 $0x88, s3;
	s6 =	simm.s32 @!p1 $0x1082;
	[sflag:s4] =	ssyncset.s32 $0xFFFFF086  }
0x25: {  	[simem:s6], [sflag:s4] =	dma.local [hbm:s3], $0xF7A  }
0x26: {  	[smem:$0x3F9E] =	sst s1;
	(tag) =	ssettag s2;
	_ =	strace s9  }
0x27: {  	s1 =	sld [smem:$0x3FAE]  }
0x28: {  	s2 =	sld [smem:$0x3FAF]  }
0x29: {  	s4 =	sld [smem:$0x3FB1]  }
0x2a: {  	p0 =	seq.s32 s5, $0x0;
	s5 =	sld [smem:$0x3FB2]  }
0x2b: {  	s6 =	sld [smem:$0x3FB3]  }
0x2c: {  	s7 =	sld [smem:$0x3FB4]  }
0x2d: {  	s3 =	simm.s32 $0x108;
	s8 =	sld [smem:$0x3FB5]  }
0x2e: {  	s3 =	simm.s32 @!p0 $0x1082;
	s9 =	sld [smem:$0x3FB6]  }
0x2f: {  	lr =	sadd.s32 s0, s3;
	s0 =	sld [smem:$0x3FAD]  }
0x30: {  	s3 =	sld [smem:$0x3FB0]  }
0x31: {  	[smem:$0x3FB9] =	sst s10  }
0x32: {  	s10 =	sld [smem:$0x3FB7];
	_ =	sdelay $0x3  }
0x33: {  	p0 =	seq.s32 s10, $0x1;
	s10 =	sld [smem:$0x3FB9];
	_ =	sdelay $0x3  }
0x34: {  	[smem:$0x3FB9] =	sst s10  }
0x35: {  	s10 =	sld [smem:$0x3FB8];
	_ =	sdelay $0x3  }
0x36: {  	p1 =	seq.s32 s10, $0x1;
	s10 =	sld [smem:$0x3FB9];
	_ =	sdelay $0x3  }
0x37: {  	[smem:$0x3FB9] =	sst s10  }
0x38: {  	s10 =	sld [smem:$0x3FBA]  }
0x39: {  	_ = 	snop;
	(pc) =	sbr.ind lr, $3  }
0x3a: {  	_ = 	snop  }
0x3b: {  	_ = 	snop  }
0x3c: {  	p2 =	seq.s32 s10, $0x1;
	s10 =	sld [smem:$0x3FB9]  }
0x3d: {  	_ =	shalt  }
0x3e: {  	_ =	shalt  }
0x3f: {  	_ =	shalt  }
0x40: {  	_ =	shalt  }
0x41: {  	_ =	shalt  }
0x42: {  	_ =	shalt  }
0x43: {  	_ =	shalt  }
0x44: {  	_ =	shalt  }
0x45: {  	_ =	shalt  }
0x46: {  	_ =	shalt  }
0x47: {  	_ =	shalt  }
0x48: {  	_ =	shalt  }
0x49: {  	_ =	shalt  }
0x4a: {  	_ =	shalt  }
0x4b: {  	_ =	shalt  }
0x4c: {  	_ =	shalt  }
0x4d: {  	_ =	shalt  }
0x4e: {  	_ =	shalt  }
0x4f: {  	_ =	shalt  }
0x50: {  	_ =	shalt  }
0x51: {  	_ =	shalt  }
0x52: {  	_ =	shalt  }
0x53: {  	_ =	shalt  }
0x54: {  	_ =	shalt  }
0x55: {  	_ =	shalt  }
0x56: {  	_ =	shalt  }
0x57: {  	_ =	shalt  }
0x58: {  	_ =	shalt  }
0x59: {  	_ =	shalt  }
0x5a: {  	_ =	shalt  }
0x5b: {  	_ =	shalt  }
0x5c: {  	_ =	shalt  }
0x5d: {  	_ =	shalt  }
0x5e: {  	_ =	shalt  }
0x5f: {  	_ =	shalt  }
0x60: {  	_ =	shalt  }
0x61: {  	_ =	shalt  }
0x62: {  	_ =	shalt  }
0x63: {  	_ =	shalt  }
0x64: {  	_ =	shalt  }
0x65: {  	_ =	shalt  }
0x66: {  	_ =	shalt  }
0x67: {  	_ =	shalt  }
0x68: {  	_ =	shalt  }
0x69: {  	_ =	shalt  }
0x6a: {  	_ =	shalt  }
0x6b: {  	_ =	shalt  }
0x6c: {  	_ =	shalt  }
0x6d: {  	_ =	shalt  }
0x6e: {  	_ =	shalt  }
0x6f: {  	_ =	shalt  }
0x70: {  	_ =	shalt  }
0x71: {  	_ =	shalt  }
0x72: {  	_ =	shalt  }
0x73: {  	_ =	shalt  }
0x74: {  	_ =	shalt  }
0x75: {  	_ =	shalt  }
0x76: {  	_ =	shalt  }
0x77: {  	_ =	shalt  }
0x78: {  	_ =	shalt  }
0x79: {  	_ =	shalt  }
0x7a: {  	_ =	shalt  }
0x7b: {  	_ =	shalt  }
0x7c: {  	_ =	shalt  }
0x7d: {  	_ =	shalt  }
0x7e: {  	_ =	shalt  }
0x7f: {  	_ =	shalt  }
0x80: {  	_ =	shalt  }
0x81: {  	_ =	shalt  }
0x82: {  	_ =	shalt  }
0x83: {  	_ =	shalt  }
0x84: {  	_ =	shalt  }
0x85: {  	_ =	shalt  }
0x86: {  	_ =	shalt  }
0x87: {  	_ =	shalt  }
.Lfunc_end0:
.L_simem_size_0:
called_computation_lowered:
.L_overlay_start_0:
0x88: {  	s2 =	sld [smem:$0x3FD9]  }
0x89: {  	s3 =	sld [smem:$0x3FFE];
	_ =	sdelay $0x1  }
0x8a: {  	s1 =	srdreg.scid  }
0x8b: {  	s0 =	sand.u32 $0x1, s1  }
0x8c: {  	s17 =	sshll.u32 s0, $0xA;
	s2 =	sadd.s32 s3, s2  }
0x8d: {  	s2 =	sadd.s32 s2, s17  }
0x8e: {  	[smem:$0x3FC5] =	sst s2  }
0x8f: {  	_ = 	snop  }
0x90: {  	s2 =	sld [smem:$0x3FC9]  }
0x91: {  	s18 =	sld [smem:$0x3FD0];
	(tm) =	ssettm $0x1  }
0x92: {  	s4 =	sld [smem:$0x3FFB];
	_ =	sdelay $0x3  }
0x93: {  	_ =	strace s4  }
0x94: {  	s4 =	sld [smem:$0x3FFC];
	_ =	sdelay $0x3  }
0x95: {  	_ =	strace s4  }
0x96: {  	s4 =	sld [smem:$0x3FFD];
	_ =	sdelay $0x3  }
0x97: {  	_ =	strace s4  }
0x98: {  	_ =	strace $0x8FFFFFFF  }
0x99: {  	s19 =	sld [smem:$0x3FDB];
	_ =	sdelay $0x1  }
0x9a: {  	s5 =	simm.s32 $_scs_section_size  }
0x9b: {  	s6 =	simm.s32 $_size__tile_overlayer_lowered;
	s7 =	simm.s32 $_tile_overlayer_lowered  }
0x9c: {  	s22 =	simm.s32 $0x1BFF;
	s21 =	sshll.u32 s7, $0x1;
	s4 =	sadd.s32 s5, s19  }
0x9d: {  	s8 =	simm.s32 $0x0;
	s20 =	sshll.u32 s6, $0x1;
	s6 =	sadd.s32 s21, s4  }
0x9e: {  	[timem:s8], [sflag:s22] =	dma.local [hbm:s6], s20  }
0x9f: {  	_ =	swait.ge [sflag:s22], s20  }
0xa0: {  	s5 =	ssub.s32 $0x0, s20;
	[sflag:s22] =	ssyncset.done $0x0  }
0xa1: {  	[sflag:s22] =	ssyncadd.s32 s5;
	_ =	sdelay $0x1  }
0xa2: {  	s23 =	simm.s32 $0x1B8B  }
0xa3: {  	_ =	swait.ge [sflag:s23], $0x1  }
0xa4: {  	[sflag:s23] =	ssyncset.done $0x0  }
0xa5: {  	s25 =	simm.s32 $0x1B8E;
	s24 =	sld [smem:$0x3FFE];
	[sflag:s23] =	ssyncadd.s32 $0xFFFFFFFF  }
0xa6: {  	s26 =	simm.s32 $execute0_lowered;
	[smem:$0x3FD2] =	sst s25  }
0xa7: {  	s6 =	sshll.u32 s26, $0x1;
	_ =	strace $0x80000046;
	[dreg:$0x1] =	wrdreg $0xFFFFFFFF  }
0xa8: {  	s28 =	simm.s32 $_size_execute0_lowered;
	s4 =	sadd.s32 s4, s6;
	[dreg:$0x0] =	wrdreg $0x0  }
0xa9: {  	s6 =	sshll.u32 s28, $0x1;
	[dreg:$0x2] =	wrdreg s4  }
0xaa: {  	[dreg:$0x3] =	wrdreg s6  }
0xab: {  	[dreg:$0x4] =	wrdreg $0xC0  }
0xac: {  	_ =	task [dreg:s8], $0x5FFFF  }
0xad: {  	[dreg:$0x1] =	wrdreg $0xFFFFFFFF  }
0xae: {  	[dreg:$0x0] =	wrdreg $0x60  }
0xaf: {  	[dreg:$0x2] =	wrdreg s2  }
0xb0: {  	[dreg:$0x3] =	wrdreg s24  }
0xb1: {  	[dreg:$0x4] =	wrdreg s18  }
0xb2: {  	[dreg:$0x5] =	wrdreg $0x9  }
0xb3: {  	_ =	task.clear_ibuf [dreg:s8], $0x6FFFF;
	_ =	strace $0x90000046  }
0xb4: {  	s29 =	simm.s32 $0x9;
	_ =	strace $0x80000048  }
0xb5: {  	_ =	swait.ge [sflag:s29], $0x1  }
0xb6: {  	[sflag:s29] =	ssyncadd.s32 $0xFFFFFFFF  }
0xb7: {  	_ =	strace $0x90000048  }
0xb8: {  	_ =	sfence  }
0xb9: {  	s30 =	sld [smem:$0x0];
	_ =	sdelay $0x2  }
0xba: {  	s31 =	sshll.u32 s1, $0xD;
	s1 =	sshrl.u32 s1, $0x2  }
0xbb: {  	s3 =	sand.u32 $0x4000, s31;
	s1 =	sadd.s32 s1, s30  }
0xbc: {  	s0 =	sor.u32 s3, s0;
	s1 =	sshll.u32 s1, $0x11  }
0xbd: {  	s0 =	sor.u32 s1, s0  }
0xbe: {  	s0 =	sadd.s32 $0x8F2B, s0  }
0xbf: {  	[sflag:s0] =	ssyncadd.remote.s32 $0x1  }
0xc0: {  	_ =	sfence.sel $0xFFFF  }
0xc1: {  	[dreg:$0x0] =	wrdreg $0xFFFFFFFF;
	(pc) =	sbr.abs _section_cstart, $3  }
0xc2: {  	[dreg:$0x1] =	wrdreg $0xFFFFFFFF  }
0xc3: {  	_ =	task.clear_ibuf [dreg:s8], $0x2FFFF;
	_ =	strace $0x9FFFFFFF  }
0xc4: {  	(tm) =	ssettm $0x7FFFFFFF  }
0xc5: {  	_ =	shalt  }
tec
execute0_lowered:
.L_overlay_start_1:
0x0: {  	(tag) =	ssettag $0x1  }
0x1: {  	s0 =	rddreg [dreg:$0x0]  }
0x2: {  	s1 =	rddreg [dreg:$0x1]  }
0x3: {  	s2 =	rddreg [dreg:$0x2];
	s4 =	srdreg.scid;
	s3 =	simm.s32 $0x0  }
0x4: {  	s5 =	stileid.u32;
	s4 =	sand.u32 $0x1, s4;
	[smem:$0x7FF] =	sst s3  }
0x5: {  	s5 =	sshll.u32 s5, $0xB;
	s6 =	sshll.u32 s4, $0xA;
	s7 =	ssub.s32 $0x2, s4  }
0x6: {  	_ =	strace $0x80000047;
	s4 =	sor.u32 s6, s5;
	s26 =	sshrl.u32 s7, $0x1  }
0x7: {  	s5 =	sadd.s32 $0xC00, s1;
	s1 =	sadd.s32 $0x400, s1;
	s29 =	ssub.s32 s7, s26  }
0x8: {  	s8 =	sshrl.u32 s4, $0x3;
	[dreg:$0x4] =	wrdreg s1;
	s1 =	smax.u32 s29, $0x1  }
0x9: {  	s0 =	sadd.s32 s0, s8;
	[dreg:$0x17] =	wrdreg s1  }
0xa: {  	s30 =	sadd.s32 $0x1000, s0;
	[dreg:$0x5] =	wrdreg s0  }
0xb: {  	s7 =	sadd.s32 $0x2000, s0;
	[dreg:$0x6] =	wrdreg s30  }
0xc: {  	s8 =	sadd.s32 $0x3000, s0;
	[dreg:$0x7] =	wrdreg s7  }
0xd: {  	s9 =	sadd.s32 $0x4000, s0;
	[dreg:$0x8] =	wrdreg s8  }
0xe: {  	s10 =	sadd.s32 $0x5000, s0;
	[dreg:$0x9] =	wrdreg s9  }
0xf: {  	s11 =	sadd.s32 $0x6000, s0;
	[dreg:$0xa] =	wrdreg s10  }
0x10: {  	s12 =	sadd.s32 $0x7000, s0;
	[dreg:$0xb] =	wrdreg s11  }
0x11: {  	s13 =	sadd.s32 $0x8000, s0;
	[dreg:$0xc] =	wrdreg s12  }
0x12: {  	s14 =	sadd.s32 $0x9000, s0;
	[dreg:$0xd] =	wrdreg s13  }
0x13: {  	s15 =	sadd.s32 $0xA000, s0;
	[dreg:$0xe] =	wrdreg s14  }
0x14: {  	s16 =	sadd.s32 $0xB000, s0;
	[dreg:$0xf] =	wrdreg s15  }
0x15: {  	s17 =	sadd.s32 $0xC000, s0;
	[dreg:$0x10] =	wrdreg s16  }
0x16: {  	s18 =	sadd.s32 $0xD000, s0;
	[dreg:$0x11] =	wrdreg s17  }
0x17: {  	s19 =	sadd.s32 $0xE000, s0;
	[dreg:$0x12] =	wrdreg s18  }
0x18: {  	s20 =	sadd.s32 $0xF000, s0;
	[dreg:$0x13] =	wrdreg s19  }
0x19: {  	s21 =	sadd.s32 $0x10000, s0;
	[dreg:$0x14] =	wrdreg s20  }
0x1a: {  	s22 =	sadd.s32 $0x11000, s0;
	[dreg:$0x15] =	wrdreg s21  }
0x1b: {  	s23 =	sadd.s32 $0x12000, s0;
	[dreg:$0x16] =	wrdreg s22  }
0x1c: {  	s24 =	sadd.s32 $0x13000, s0;
	[dreg:$0x18] =	wrdreg s23  }
0x1d: {  	s31 =	simm.s32 $0x3;
	s25 =	sadd.s32 $0x14000, s0;
	[dreg:$0x19] =	wrdreg s24  }
0x1e: {  	s28 =	simm.s32 $0x8;
	s26 =	sadd.s32 $0x15000, s0;
	[dreg:$0x1a] =	wrdreg s25  }
0x1f: {  	s6 =	sadd.s32 $0x1000, s2;
	s29 =	sadd.s32 $0x16000, s0;
	[dreg:$0x1b] =	wrdreg s26  }
0x20: {  	[dreg:$0x1c] =	wrdreg s29;
	s30 =	sadd.s32 $0x17000, s0;
	s0 =	sadd.s32 $0x18000, s0  }
0x21: {  	s8 =	sadd.s32 $0x2000, s2;
	s9 =	sadd.s32 $0x3000, s2;
	s10 =	sadd.s32 $0x4000, s2  }
0x22: {  	s11 =	sadd.s32 $0x5000, s2;
	s12 =	sadd.s32 $0x6000, s2;
	s13 =	sadd.s32 $0x7000, s2  }
0x23: {  	v0 =	vlaneseq.u32;
	s15 =	simm.s32 $0x9;
	s16 =	simm.s32 $0x80;
	s19 =	simm.s32 $0x1  }
0x24: {  	v0 =	vmul.u32 $0x88, v0;
	s21 =	simm.s32 $0xE400;
	s20 =	simm.s32 $0x2;
	s22 =	simm.s32 $0x10600  }
0x25: {  	s17 =	simm.s32 $0x4;
	s18 =	simm.s32 $0x14A00;
	[dreg:$0x1d] =	wrdreg s30  }
0x26: {  	v1 =	vadd.s32 $0x880, v0;
	v2 =	vadd.s32 $0x1100, v0;
	v3 =	vadd.s32 $0x1980, v0;
	s7 =	simm.s32 $0x0;
	[dreg:$0x1e] =	wrdreg s0;
	s0 =	simm.s32 $0x12800  }
.LBB2_1:
0x27: {  	[dreg:$0x1f] =	wrdreg s7  }
0x28: {  	s1 =	rddreg [dreg:$0x5]  }
0x29: {  	[tilespmem:s3], [sflag:$0x9] =	stream.linear.gather [hbm4b:s1+s3], $0x400, $0x38;
	[tilespmem:$0x19E00] =	vst v63  }
0x2a: {  	s14 =	rddreg [dreg:$0x6];
	s23 =	simm.s32 $0x400  }
0x2b: {  	[tilespmem:s23], [sflag:$0x9] =	stream.linear.gather [hbm4b:s14+s3], $0x400, $0x38;
	[tilespmem:$0x19E00] =	vst v63  }
0x2c: {  	s24 =	rddreg [dreg:$0x7];
	s25 =	simm.s32 $0x800  }
0x2d: {  	[tilespmem:s25], [sflag:$0x9] =	stream.linear.gather [hbm4b:s24+s3], $0x400, $0x38;
	[tilespmem:$0x19E00] =	vst v63  }
0x2e: {  	s26 =	rddreg [dreg:$0x8];
	s30 =	simm.s32 $0xC00  }
0x2f: {  	[tilespmem:s30], [sflag:$0x9] =	stream.linear.gather [hbm4b:s26+s3], $0x400, $0x38;
	[tilespmem:$0x19E00] =	vst v63  }
0x30: {  	s14 =	rddreg [dreg:$0x9];
	s23 =	simm.s32 $0x1000  }
0x31: {  	[tilespmem:s23], [sflag:$0x9] =	stream.linear.gather [hbm4b:s14+s3], $0x400, $0x38;
	[tilespmem:$0x19E00] =	vst v63  }
0x32: {  	s24 =	rddreg [dreg:$0xa];
	s25 =	simm.s32 $0x1400  }
0x33: {  	[tilespmem:s25], [sflag:$0x9] =	stream.linear.gather [hbm4b:s24+s3], $0x400, $0x38;
	[tilespmem:$0x19E00] =	vst v63  }
0x34: {  	s26 =	rddreg [dreg:$0xb];
	s30 =	simm.s32 $0x1800  }
0x35: {  	[tilespmem:s30], [sflag:$0x9] =	stream.linear.gather [hbm4b:s26+s3], $0x400, $0x38;
	[tilespmem:$0x19E00] =	vst v63  }
0x36: {  	s14 =	rddreg [dreg:$0xc];
	s23 =	simm.s32 $0x1C00  }
0x37: {  	[tilespmem:s23], [sflag:$0x9] =	stream.linear.gather [hbm4b:s14+s3], $0x400, $0x38;
	[tilespmem:$0x19E00] =	vst v63  }
0x38: {  	s24 =	rddreg [dreg:$0xd];
	s25 =	simm.s32 $0x2000  }
0x39: {  	[tilespmem:s25], [sflag:$0x9] =	stream.linear.gather [hbm4b:s24+s3], $0x400, $0x38;
	[tilespmem:$0x19E00] =	vst v63  }
0x3a: {  	s26 =	rddreg [dreg:$0xe];
	s30 =	simm.s32 $0x2400  }
0x3b: {  	[tilespmem:s30], [sflag:$0x9] =	stream.linear.gather [hbm4b:s26+s3], $0x400, $0x38;
	[tilespmem:$0x19E00] =	vst v63  }
0x3c: {  	s14 =	rddreg [dreg:$0xf];
	s23 =	simm.s32 $0x2800  }
0x3d: {  	[tilespmem:s23], [sflag:$0x9] =	stream.linear.gather [hbm4b:s14+s3], $0x400, $0x38;
	[tilespmem:$0x19E00] =	vst v63  }
0x3e: {  	s24 =	rddreg [dreg:$0x10];
	s25 =	simm.s32 $0x2C00  }
0x3f: {  	[tilespmem:s25], [sflag:$0x9] =	stream.linear.gather [hbm4b:s24+s3], $0x400, $0x38;
	[tilespmem:$0x19E00] =	vst v63  }
0x40: {  	s26 =	rddreg [dreg:$0x11];
	s30 =	simm.s32 $0x3000  }
0x41: {  	[tilespmem:s30], [sflag:$0x9] =	stream.linear.gather [hbm4b:s26+s3], $0x400, $0x38;
	[tilespmem:$0x19E00] =	vst v63  }
0x42: {  	s14 =	rddreg [dreg:$0x12];
	s23 =	simm.s32 $0x3400  }
0x43: {  	[tilespmem:s23], [sflag:$0x9] =	stream.linear.gather [hbm4b:s14+s3], $0x400, $0x38;
	[tilespmem:$0x19E00] =	vst v63  }
0x44: {  	s24 =	rddreg [dreg:$0x13];
	s25 =	simm.s32 $0x3800  }
0x45: {  	[tilespmem:s25], [sflag:$0x9] =	stream.linear.gather [hbm4b:s24+s3], $0x400, $0x38;
	[tilespmem:$0x19E00] =	vst v63  }
0x46: {  	s26 =	rddreg [dreg:$0x14];
	s30 =	simm.s32 $0x3C00  }
0x47: {  	[tilespmem:s30], [sflag:$0x9] =	stream.linear.gather [hbm4b:s26+s3], $0x400, $0x38;
	[tilespmem:$0x19E00] =	vst v63  }
0x48: {  	s14 =	rddreg [dreg:$0x15];
	s23 =	simm.s32 $0x4000  }
0x49: {  	[tilespmem:s23], [sflag:$0x9] =	stream.linear.gather [hbm4b:s14+s3], $0x400, $0x38;
	[tilespmem:$0x19E00] =	vst v63  }
0x4a: {  	s24 =	rddreg [dreg:$0x16];
	s25 =	simm.s32 $0x4400  }
0x4b: {  	[tilespmem:s25], [sflag:$0x9] =	stream.linear.gather [hbm4b:s24+s3], $0x400, $0x38;
	[tilespmem:$0x19E00] =	vst v63  }
0x4c: {  	s26 =	rddreg [dreg:$0x18];
	s30 =	simm.s32 $0x4800  }
0x4d: {  	[tilespmem:s30], [sflag:$0x9] =	stream.linear.gather [hbm4b:s26+s3], $0x400, $0x38;
	[tilespmem:$0x19E00] =	vst v63  }
0x4e: {  	s14 =	rddreg [dreg:$0x19];
	s23 =	simm.s32 $0x4C00  }
0x4f: {  	[tilespmem:s23], [sflag:$0x9] =	stream.linear.gather [hbm4b:s14+s3], $0x400, $0x38;
	[tilespmem:$0x19E00] =	vst v63  }
0x50: {  	s24 =	rddreg [dreg:$0x1a];
	s25 =	simm.s32 $0x5000  }
0x51: {  	[tilespmem:s25], [sflag:$0x9] =	stream.linear.gather [hbm4b:s24+s3], $0x400, $0x38;
	[tilespmem:$0x19E00] =	vst v63  }
0x52: {  	s26 =	rddreg [dreg:$0x1b];
	s30 =	simm.s32 $0x5400  }
0x53: {  	[tilespmem:s30], [sflag:$0x9] =	stream.linear.gather [hbm4b:s26+s3], $0x400, $0x38;
	[tilespmem:$0x19E00] =	vst v63  }
0x54: {  	s14 =	rddreg [dreg:$0x1c];
	s23 =	simm.s32 $0x5800  }
0x55: {  	[tilespmem:s23], [sflag:$0x9] =	stream.linear.gather [hbm4b:s14+s3], $0x400, $0x38;
	[tilespmem:$0x19E00] =	vst v63  }
0x56: {  	s24 =	rddreg [dreg:$0x1d];
	s25 =	simm.s32 $0x5C00  }
0x57: {  	[tilespmem:s25], [sflag:$0x9] =	stream.linear.gather [hbm4b:s24+s3], $0x400, $0x38;
	[tilespmem:$0x19E00] =	vst v63  }
0x58: {  	s26 =	rddreg [dreg:$0x1e];
	s30 =	simm.s32 $0x6000  }
0x59: {  	[tilespmem:s30], [sflag:$0x9] =	stream.linear.gather [hbm4b:s26+s3], $0x400, $0x38;
	[tilespmem:$0x19E00] =	vst v63  }
0x5a: {  	s7 =	rddreg [dreg:$0x4];
	s14 =	simm.s32 $0x16C00;
	s23 =	simm.s32 $0xA  }
0x5b: {  	[tilespmem:s14], [sflag:$0xA] =	stream.linear.gather [hbm4b:s7+s3], $0x3200, $0x38;
	[tilespmem:$0x19E00] =	vst v63  }
0x5c: {  	_ =	swait.ge [sflag:s23], $0x3200  }
0x5d: {  	[sflag:s23] =	ssyncset.done $0x0  }
0x5e: {  	[sflag:s23] =	ssyncadd.s32 $0xFFFFCE00  }
0x5f: {  	_ =	swait.ge [sflag:s15], $0x400  }
0x60: {  	[sflag:s15] =	ssyncset.done $0x0  }
0x61: {  	[sflag:s15] =	ssyncadd.s32 $0xFFFFFC00  }
0x62: {  	_ =	swait.ge [sflag:s15], $0x400  }
0x63: {  	[sflag:s15] =	ssyncset.done $0x0  }
0x64: {  	[sflag:s15] =	ssyncadd.s32 $0xFFFFFC00  }
0x65: {  	_ =	swait.ge [sflag:s15], $0x400  }
0x66: {  	[sflag:s15] =	ssyncset.done $0x0  }
0x67: {  	[sflag:s15] =	ssyncadd.s32 $0xFFFFFC00  }
0x68: {  	_ =	swait.ge [sflag:s15], $0x400  }
0x69: {  	[sflag:s15] =	ssyncset.done $0x0  }
0x6a: {  	[sflag:s15] =	ssyncadd.s32 $0xFFFFFC00  }
0x6b: {  	_ =	swait.ge [sflag:s15], $0x400  }
0x6c: {  	[sflag:s15] =	ssyncset.done $0x0  }
0x6d: {  	[sflag:s15] =	ssyncadd.s32 $0xFFFFFC00  }
0x6e: {  	_ =	swait.ge [sflag:s15], $0x400  }
0x6f: {  	[sflag:s15] =	ssyncset.done $0x0  }
0x70: {  	[sflag:s15] =	ssyncadd.s32 $0xFFFFFC00  }
0x71: {  	_ =	swait.ge [sflag:s15], $0x400  }
0x72: {  	[sflag:s15] =	ssyncset.done $0x0  }
0x73: {  	[sflag:s15] =	ssyncadd.s32 $0xFFFFFC00  }
0x74: {  	_ =	swait.ge [sflag:s15], $0x400  }
0x75: {  	[sflag:s15] =	ssyncset.done $0x0  }
0x76: {  	[sflag:s15] =	ssyncadd.s32 $0xFFFFFC00  }
0x77: {  	_ =	swait.ge [sflag:s15], $0x400  }
0x78: {  	[sflag:s15] =	ssyncset.done $0x0  }
0x79: {  	[sflag:s15] =	ssyncadd.s32 $0xFFFFFC00  }
0x7a: {  	_ =	swait.ge [sflag:s15], $0x400  }
0x7b: {  	[sflag:s15] =	ssyncset.done $0x0  }
0x7c: {  	[sflag:s15] =	ssyncadd.s32 $0xFFFFFC00  }
0x7d: {  	_ =	swait.ge [sflag:s15], $0x400  }
0x7e: {  	[sflag:s15] =	ssyncset.done $0x0  }
0x7f: {  	[sflag:s15] =	ssyncadd.s32 $0xFFFFFC00  }
0x80: {  	_ =	swait.ge [sflag:s15], $0x400  }
0x81: {  	[sflag:s15] =	ssyncset.done $0x0  }
0x82: {  	[sflag:s15] =	ssyncadd.s32 $0xFFFFFC00  }
0x83: {  	_ =	swait.ge [sflag:s15], $0x400  }
0x84: {  	[sflag:s15] =	ssyncset.done $0x0  }
0x85: {  	[sflag:s15] =	ssyncadd.s32 $0xFFFFFC00  }
0x86: {  	_ =	swait.ge [sflag:s15], $0x400  }
0x87: {  	[sflag:s15] =	ssyncset.done $0x0  }
0x88: {  	[sflag:s15] =	ssyncadd.s32 $0xFFFFFC00  }
0x89: {  	_ =	swait.ge [sflag:s15], $0x400  }
0x8a: {  	[sflag:s15] =	ssyncset.done $0x0  }
0x8b: {  	[sflag:s15] =	ssyncadd.s32 $0xFFFFFC00  }
0x8c: {  	_ =	swait.ge [sflag:s15], $0x400  }
0x8d: {  	[sflag:s15] =	ssyncset.done $0x0  }
0x8e: {  	[sflag:s15] =	ssyncadd.s32 $0xFFFFFC00  }
0x8f: {  	_ =	swait.ge [sflag:s15], $0x400  }
0x90: {  	[sflag:s15] =	ssyncset.done $0x0  }
0x91: {  	[sflag:s15] =	ssyncadd.s32 $0xFFFFFC00  }
0x92: {  	_ =	swait.ge [sflag:s15], $0x400  }
0x93: {  	[sflag:s15] =	ssyncset.done $0x0  }
0x94: {  	[sflag:s15] =	ssyncadd.s32 $0xFFFFFC00  }
0x95: {  	_ =	swait.ge [sflag:s15], $0x400  }
0x96: {  	[sflag:s15] =	ssyncset.done $0x0  }
0x97: {  	[sflag:s15] =	ssyncadd.s32 $0xFFFFFC00  }
0x98: {  	_ =	swait.ge [sflag:s15], $0x400  }
0x99: {  	[sflag:s15] =	ssyncset.done $0x0  }
0x9a: {  	[sflag:s15] =	ssyncadd.s32 $0xFFFFFC00  }
0x9b: {  	_ =	swait.ge [sflag:s15], $0x400  }
0x9c: {  	[sflag:s15] =	ssyncset.done $0x0  }
0x9d: {  	[sflag:s15] =	ssyncadd.s32 $0xFFFFFC00  }
0x9e: {  	_ =	swait.ge [sflag:s15], $0x400  }
0x9f: {  	[sflag:s15] =	ssyncset.done $0x0  }
0xa0: {  	[sflag:s15] =	ssyncadd.s32 $0xFFFFFC00  }
0xa1: {  	_ =	swait.ge [sflag:s15], $0x400  }
0xa2: {  	[sflag:s15] =	ssyncset.done $0x0  }
0xa3: {  	[sflag:s15] =	ssyncadd.s32 $0xFFFFFC00  }
0xa4: {  	_ =	swait.ge [sflag:s15], $0x400  }
0xa5: {  	[sflag:s15] =	ssyncset.done $0x0  }
0xa6: {  	[sflag:s15] =	ssyncadd.s32 $0xFFFFFC00  }
0xa7: {  	_ =	swait.ge [sflag:s15], $0x400  }
0xa8: {  	[sflag:s15] =	ssyncset.done $0x0  }
0xa9: {  	s24 =	simm.s32 $0x6400;
	[sflag:s15] =	ssyncadd.s32 $0xFFFFFC00  }
0xaa: {  	[tilespmem:s24], [sflag:$0x1] =	stream.indirect.gather [hbm4b:s5+s16], $0x40, s3, s16, $0xb8;
	[tilespmem:$0x19E00] =	vst v63  }
0xab: {  	s25 =	simm.s32 $0x8400  }
0xac: {  	[tilespmem:s25], [sflag:$0x2] =	stream.indirect.gather [hbm4b:s5+s16], $0x40, s16, s16, $0xb8;
	[tilespmem:$0x19E00] =	vst v63  }
0xad: {  	s29 =	simm.s32 $0x0;
	s26 =	simm.s32 $0x100;
	s30 =	simm.s32 $0xA400  }
0xae: {  	[tilespmem:s30], [sflag:$0x3] =	stream.indirect.gather [hbm4b:s5+s16], $0x40, s26, s16, $0xb8;
	[tilespmem:$0x19E00] =	vst v63  }
.LBB2_2:
0xaf: {  	p0 =	seq.s32 s29, $0x0  }
0xb0: {  	s7 =	simm.s32 @!p0 $0x5  }
0xb1: {  	_ =	swait.ge @!p0 [sflag:s7], $0x2000  }
0xb2: {  	s1 =	sshll.u32 s29, $0x2;
	[sflag:s7] =	ssyncset.done @!p0 $0x0  }
0xb3: {  	s14 =	sshll.u32 s29, $0x9;
	s30 =	sor.u32 $0x3, s1;
	[sflag:s7] =	ssyncadd.s32 @!p0 $0xFFFFE000  }
0xb4: {  	s26 =	simm.s32 $0xC400;
	s25 =	sshll.u32 s30, $0x7;
	_ =	swait.ge [sflag:s19], $0x2000  }
0xb5: {  	s14 =	sand.u32 $0x7C00, s14;
	s7 =	sand.u32 $0x380, s25;
	[sflag:s19] =	ssyncset.done $0x0  }
0xb6: {  	s7 =	sor.u32 s7, s14;
	s14 =	sshll.u32 s29, $0x8;
	[sflag:s19] =	ssyncadd.s32 $0xFFFFE000  }
0xb7: {  	[tilespmem:s26], [sflag:$0x4] =	stream.indirect.gather [hbm4b:s5+s16], $0x40, s7, s16, $0xb8;
	[tilespmem:$0x19E00] =	vst v63  }
0xb8: {  	s7 =	sand.u32 $0x3FFFFF00, s14  }
0xb9: {  	s24 =	simm.s32 $0x6480;
	s23 =	simm.s32 $0x3;
	v9 =	vld [tilespmem:s7+$0x16C00]  }
0xba: {  	v4 =	vmov s23;
	v7 =	vld [tilespmem:s24+$0x40]  }
0xbb: {  	v13 =	vand.u32 $0x7F, v4  }
0xbc: {  	v8 =	vadd.s32 v0, v13;
	s25 =	simm.s32 $0x0;
	v6 =	vld [tilespmem:s7+$0x16C10]  }
0xbd: {  	s23 =	simm.s32 $0x2;
	v4 =	vmov s25;
	s26 =	simm.s32 $0x1;
	v10 =	vld [tilespmem:s24+$0xFFFFFF80]  }
0xbe: {  	v14 =	vmov s23;
	v12 =	vand.u32 $0x7C, v4;
	v4 =	vmov s26;
	v11 =	vld [tilespmem:s24+$0xFFFFFFC0]  }
0xbf: {  	v15 =	vadd.s32 v0, v12;
	v16 =	vld [tilespmem:s24+$0x0];
	v19 =	vand.u32 $0x7D, v4;
	v7 =	vadd.f32 v7, v9  }
0xc0: {  	v20 =	vand.u32 $0x7E, v14;
	v5 =	vld [tilespmem:s7+$0x16C20];
	v17 =	vadd.s32 v0, v19  }
0xc1: {  	v14 =	vadd.s32 v0, v20;
	v4 =	vld [tilespmem:s7+$0x16C30];
	[tilespmem:v8+s21+$0x0] =	vst.idx.msk $0xffff, v7  }
0xc2: {  	v7 =	vadd.f32 v10, v9;
	v8 =	vld [tilespmem:s24+$0x50]  }
0xc3: {  	v10 =	vadd.f32 v11, v9  }
0xc4: {  	v11 =	vadd.s32 v1, v13;
	[tilespmem:v15+s21+$0x0] =	vst.idx.msk $0xffff, v7;
	v7 =	vadd.f32 v16, v9  }
0xc5: {  	[tilespmem:v17+s21+$0x0] =	vst.idx.msk $0xffff, v10;
	v15 =	vld [tilespmem:s24+$0xFFFFFF90]  }
0xc6: {  	v10 =	vld [tilespmem:s24+$0xFFFFFFD0];
	[tilespmem:v14+s21+$0x0] =	vst.idx.msk $0xffff, v7  }
0xc7: {  	v14 =	vld [tilespmem:s24+$0x10];
	v7 =	vadd.f32 v8, v6  }
0xc8: {  	s14 =	simm.s32 $0x6580;
	s26 =	simm.s32 $0x7;
	v16 =	vadd.s32 v1, v19  }
0xc9: {  	v26 =	vadd.s32 v2, v13;
	s25 =	simm.s32 $0x4;
	v18 =	vld [tilespmem:s14+$0x40];
	v17 =	vadd.s32 v1, v20;
	[tilespmem:v11+s21+$0x0] =	vst.idx.msk $0xffff, v7;
	v7 =	vmov s26  }
0xca: {  	v21 =	vadd.s32 v1, v12;
	v8 =	vmov s25;
	v7 =	vand.u32 $0x7F, v7;
	v22 =	vld [tilespmem:s24+$0x60]  }
0xcb: {  	v23 =	vld [tilespmem:s14+$0xFFFFFF80];
	s25 =	simm.s32 $0x5;
	v8 =	vand.u32 $0x7C, v8;
	v10 =	vadd.f32 v10, v6;
	v24 =	vadd.s32 v0, v7  }
0xcc: {  	v25 =	vld [tilespmem:s14+$0xFFFFFFC0];
	v15 =	vadd.f32 v15, v6;
	s26 =	simm.s32 $0x6;
	v11 =	vadd.f32 v14, v6;
	v14 =	vmov s25  }
0xcd: {  	v27 =	vadd.s32 v0, v8;
	[tilespmem:v16+s21+$0x0] =	vst.idx.msk $0xffff, v10;
	v16 =	vmov s26;
	v10 =	vand.u32 $0x7D, v14;
	v14 =	vld [tilespmem:s14+$0x0]  }
0xce: {  	[tilespmem:v17+s21+$0x0] =	vst.idx.msk $0xffff, v11;
	v17 =	vadd.s32 v0, v10;
	v11 =	vand.u32 $0x7E, v16;
	v16 =	vadd.f32 v18, v9;
	v18 =	vld [tilespmem:s24+$0xFFFFFFE0]  }
0xcf: {  	[tilespmem:v21+s21+$0x0] =	vst.idx.msk $0xffff, v15;
	v15 =	vadd.s32 v0, v11;
	v21 =	vld [tilespmem:s24+$0x20];
	v22 =	vadd.f32 v22, v5  }
0xd0: {  	v23 =	vadd.f32 v23, v9;
	[tilespmem:v24+s21+$0x0] =	vst.idx.msk $0xffff, v16;
	v16 =	vld [tilespmem:s24+$0xFFFFFFA0];
	v24 =	vadd.s32 v2, v19  }
0xd1: {  	v29 =	vadd.s32 v2, v20;
	v25 =	vadd.f32 v25, v9;
	v28 =	vld [tilespmem:s14+$0x50];
	[tilespmem:v26+s21+$0x0] =	vst.idx.msk $0xffff, v22  }
0xd2: {  	[tilespmem:v27+s21+$0x0] =	vst.idx.msk $0xffff, v23;
	v23 =	vadd.s32 v2, v12;
	v14 =	vadd.f32 v14, v9;
	v26 =	vld [tilespmem:s24+$0x70]  }
0xd3: {  	v27 =	vld [tilespmem:s14+$0xFFFFFF90];
	[tilespmem:v17+s21+$0x0] =	vst.idx.msk $0xffff, v25;
	v25 =	vadd.s32 v1, v7;
	v18 =	vadd.f32 v18, v5  }
0xd4: {  	v31 =	vadd.s32 v3, v13;
	v30 =	vld [tilespmem:s14+$0xFFFFFFD0];
	[tilespmem:v15+s21+$0x0] =	vst.idx.msk $0xffff, v14;
	v14 =	vadd.f32 v21, v5  }
0xd5: {  	v22 =	vadd.s32 v1, v8;
	v17 =	vld [tilespmem:s14+$0x10];
	v13 =	vadd.f32 v16, v5;
	[tilespmem:v24+s21+$0x0] =	vst.idx.msk $0xffff, v18  }
0xd6: {  	s23 =	simm.s32 $0x8;
	v21 =	vadd.s32 v1, v10;
	[tilespmem:v29+s21+$0x0] =	vst.idx.msk $0xffff, v14;
	v18 =	vadd.f32 v28, v6;
	v16 =	vld [tilespmem:s24+$0xFFFFFFF0]  }
0xd7: {  	v24 =	vmov s23;
	v14 =	vadd.s32 v1, v11;
	v15 =	vld [tilespmem:s24+$0x30];
	[tilespmem:v23+s21+$0x0] =	vst.idx.msk $0xffff, v13;
	v63 =	vadd.f32 v26, v4  }
0xd8: {  	s7 =	simm.s32 $0x6680;
	s25 =	simm.s32 $0xB;
	v19 =	vadd.s32 v3, v19;
	v13 =	vand.u32 $0x7C, v24;
	v24 =	vadd.f32 v27, v6;
	[tilespmem:v25+s21+$0x0] =	vst.idx.msk $0xffff, v18;
	v18 =	vld [tilespmem:s24+$0xFFFFFFB0]  }
0xd9: {  	v20 =	vadd.s32 v3, v20;
	v26 =	vmov s25;
	v23 =	vld [tilespmem:s7+$0x40];
	s24 =	simm.s32 $0xC;
	v25 =	vadd.f32 v30, v6;
	[tilespmem:v31+s21+$0x0] =	vst.idx.msk $0xffff, v63  }
.LBB2_3:
0xda: {  	p1 =	slt.u32 s24, $0x7C;
	s25 =	sadd.s32 $0x1, s23;
	v26 =	vand.u32 $0x7F, v26;
	[tilespmem:v22+s21+$0x0] =	vst.idx.msk $0xffff, v24;
	v17 =	vadd.f32 v17, v6;
	v22 =	vld [tilespmem:s14+$0x60];
	v24 =	vadd.s32 v3, v12  }
0xdb: {  	v30 =	vmovc v11;
	v27 =	vld [tilespmem:s7+$0xFFFFFF80];
	v28 =	vmov s25;
	s25 =	sadd.s32 $0x2, s23;
	v29 =	vadd.s32 v0, v26;
	[tilespmem:v21+s21+$0x0] =	vst.idx.msk $0xffff, v25;
	v16 =	vadd.f32 v16, v4;
	s23 =	smov.u32 s24  }
0xdc: {  	v12 =	vmovc v8;
	v21 =	vld [tilespmem:s7+$0xFFFFFFC0];
	v11 =	vmov s25;
	[tilespmem:v14+s21+$0x0] =	vst.idx.msk $0xffff, v17;
	v14 =	vadd.s32 v2, v7;
	v15 =	vadd.f32 v15, v4  }
0xdd: {  	v17 =	vadd.s32 v0, v13;
	v28 =	vand.u32 $0x7D, v28;
	v25 =	vld [tilespmem:s7+$0x0];
	v31 =	vadd.f32 v18, v4;
	[tilespmem:v19+s21+$0x0] =	vst.idx.msk $0xffff, v16  }
0xde: {  	v16 =	vadd.s32 v0, v28;
	v11 =	vand.u32 $0x7E, v11;
	v18 =	vadd.f32 v23, v9;
	v19 =	vld [tilespmem:s14+$0xFFFFFFE0];
	[tilespmem:v20+s21+$0x0] =	vst.idx.msk $0xffff, v15  }
0xdf: {  	v8 =	vmov v13;
	v15 =	vadd.s32 v0, v11;
	v20 =	vld [tilespmem:s14+$0x20];
	v22 =	vadd.f32 v22, v5;
	[tilespmem:v24+s21+$0x0] =	vst.idx.msk $0xffff, v31  }
0xe0: {  	v23 =	vadd.s32 v2, v10;
	v13 =	vadd.f32 v27, v9;
	[tilespmem:v29+s21+$0x0] =	vst.idx.msk $0xffff, v18;
	v18 =	vld [tilespmem:s14+$0xFFFFFFA0]  }
0xe1: {  	v27 =	vadd.s32 v2, v30;
	v21 =	vadd.f32 v21, v9;
	v24 =	vld [tilespmem:s7+$0x50];
	[tilespmem:v14+s21+$0x0] =	vst.idx.msk $0xffff, v22  }
0xe2: {  	[tilespmem:v17+s21+$0x0] =	vst.idx.msk $0xffff, v13;
	v13 =	vadd.f32 v25, v9;
	v25 =	vadd.s32 v2, v12;
	v29 =	vld [tilespmem:s14+$0x70]  }
0xe3: {  	v32 =	vadd.s32 v1, v26;
	v31 =	vld [tilespmem:s7+$0xFFFFFF90];
	[tilespmem:v16+s21+$0x0] =	vst.idx.msk $0xffff, v21;
	v14 =	vadd.f32 v19, v5  }
0xe4: {  	v34 =	vadd.s32 v3, v7;
	v7 =	vmov v26;
	v33 =	vld [tilespmem:s7+$0xFFFFFFD0];
	[tilespmem:v15+s21+$0x0] =	vst.idx.msk $0xffff, v13;
	v13 =	vadd.f32 v20, v5  }
.Ltmp0:
0xe5: {  	v22 =	vadd.s32 v1, v8;
	v17 =	vld [tilespmem:s7+$0x10];
	v15 =	vadd.f32 v18, v5;
	[tilespmem:v23+s21+$0x0] =	vst.idx.msk $0xffff, v14;
	(pc) =	sbr.rel @p1 .LBB2_3-.Ltmp0, $4  }
0xe6: {  	v21 =	vadd.s32 v1, v28;
	v18 =	vadd.f32 v24, v6;
	v16 =	vld [tilespmem:s14+$0xFFFFFFF0];
	[tilespmem:v27+s21+$0x0] =	vst.idx.msk $0xffff, v13  }
0xe7: {  	v14 =	vadd.s32 v1, v11;
	v13 =	vmov s24;
	[tilespmem:v25+s21+$0x0] =	vst.idx.msk $0xffff, v15;
	v15 =	vld [tilespmem:s14+$0x30];
	v27 =	vadd.f32 v29, v4  }
0xe8: {  	s25 =	sadd.s32 $0x3, s24;
	v19 =	vadd.s32 v3, v10;
	v13 =	vand.u32 $0x7C, v13;
	v24 =	vadd.f32 v31, v6;
	[tilespmem:v32+s21+$0x0] =	vst.idx.msk $0xffff, v18;
	v18 =	vld [tilespmem:s14+$0xFFFFFFB0];
	s14 =	smov.u32 s7;
	s7 =	sadd.s32 $0x100, s7  }
0xe9: {  	v26 =	vmov s25;
	v10 =	vmovc v28;
	v20 =	vadd.s32 v3, v30;
	s24 =	sadd.s32 $0x4, s24;
	v23 =	vld [tilespmem:s7+$0x40];
	v25 =	vadd.f32 v33, v6;
	[tilespmem:v34+s21+$0x0] =	vst.idx.msk $0xffff, v27  }
0xea: {  	s24 =	sadd.s32 $0x1, s23  }
0xeb: {  	v26 =	vand.u32 $0x7F, v26;
	s26 =	sadd.s32 $0x2, s23;
	v28 =	vld [tilespmem:s7+$0xFFFFFFC0];
	v27 =	vmov s24  }
0xec: {  	v31 =	vld [tilespmem:s7+$0x0];
	v29 =	vadd.s32 v0, v26;
	v30 =	vmov s26;
	v27 =	vand.u32 $0x7D, v27  }
0xed: {  	v32 =	vld [tilespmem:s7+$0xFFFFFF80];
	v30 =	vand.u32 $0x7E, v30;
	v33 =	vadd.s32 v0, v27  }
0xee: {  	v34 =	vadd.s32 v0, v30  }
0xef: {  	[tilespmem:v22+s21+$0x0] =	vst.idx.msk $0xffff, v24;
	v22 =	vadd.s32 v0, v13;
	v23 =	vadd.f32 v23, v9  }
0xf0: {  	[tilespmem:v21+s21+$0x0] =	vst.idx.msk $0xffff, v25;
	v21 =	vadd.f32 v28, v9  }
0xf1: {  	[tilespmem:v29+s21+$0x0] =	vst.idx.msk $0xffff, v23;
	v23 =	vadd.f32 v31, v9  }
0xf2: {  	v9 =	vadd.f32 v32, v9;
	v24 =	vld [tilespmem:s7+$0x50];
	[tilespmem:v33+s21+$0x0] =	vst.idx.msk $0xffff, v21  }
0xf3: {  	v17 =	vadd.f32 v17, v6;
	v12 =	vadd.s32 v3, v12;
	[tilespmem:v34+s21+$0x0] =	vst.idx.msk $0xffff, v23;
	v21 =	vld [tilespmem:s7+$0xFFFFFFD0]  }
0xf4: {  	v16 =	vadd.f32 v16, v4;
	[tilespmem:v22+s21+$0x0] =	vst.idx.msk $0xffff, v9;
	v9 =	vadd.s32 v1, v26;
	v22 =	vld [tilespmem:s7+$0x10]  }
0xf5: {  	[tilespmem:v14+s21+$0x0] =	vst.idx.msk $0xffff, v17;
	v14 =	vadd.f32 v15, v4;
	v17 =	vadd.s32 v1, v27;
	v15 =	vld [tilespmem:s7+$0xFFFFFF90]  }
0xf6: {  	v18 =	vadd.f32 v18, v4;
	[tilespmem:v19+s21+$0x0] =	vst.idx.msk $0xffff, v16;
	v16 =	vadd.s32 v1, v30;
	v23 =	vld [tilespmem:s14+$0x60]  }
0xf7: {  	v19 =	vld [tilespmem:s14+$0xFFFFFFE0];
	[tilespmem:v20+s21+$0x0] =	vst.idx.msk $0xffff, v14;
	v14 =	vadd.s32 v1, v13;
	v20 =	vadd.f32 v24, v6  }
0xf8: {  	v25 =	vld [tilespmem:s14+$0x20];
	[tilespmem:v12+s21+$0x0] =	vst.idx.msk $0xffff, v18;
	v24 =	vadd.s32 v2, v7;
	v12 =	vadd.f32 v21, v6  }
0xf9: {  	v18 =	vld [tilespmem:s14+$0xFFFFFFA0];
	v21 =	vadd.s32 v2, v10;
	[tilespmem:v9+s21+$0x0] =	vst.idx.msk $0xffff, v20;
	v9 =	vadd.f32 v22, v6  }
0xfa: {  	v20 =	vadd.s32 v2, v11;
	v6 =	vadd.f32 v15, v6;
	v15 =	vld [tilespmem:s7+$0x60];
	[tilespmem:v17+s21+$0x0] =	vst.idx.msk $0xffff, v12  }
0xfb: {  	v12 =	vadd.f32 v23, v5;
	v17 =	vadd.s32 v2, v8;
	[tilespmem:v16+s21+$0x0] =	vst.idx.msk $0xffff, v9;
	v9 =	vld [tilespmem:s7+$0xFFFFFFE0]  }
0xfc: {  	v16 =	vadd.f32 v19, v5;
	[tilespmem:v14+s21+$0x0] =	vst.idx.msk $0xffff, v6;
	v6 =	vadd.s32 v2, v26;
	v14 =	vld [tilespmem:s7+$0x20]  }
0xfd: {  	v22 =	vadd.s32 v2, v27;
	v19 =	vld [tilespmem:s7+$0xFFFFFFA0];
	[tilespmem:v24+s21+$0x0] =	vst.idx.msk $0xffff, v12;
	v12 =	vadd.f32 v25, v5  }
0xfe: {  	v18 =	vadd.f32 v18, v5;
	v23 =	vld [tilespmem:s14+$0x70];
	[tilespmem:v21+s21+$0x0] =	vst.idx.msk $0xffff, v16;
	v16 =	vadd.s32 v2, v30  }
0xff: {  	v21 =	vld [tilespmem:s14+$0xFFFFFFF0];
	[tilespmem:v20+s21+$0x0] =	vst.idx.msk $0xffff, v12;
	v12 =	vadd.f32 v15, v5;
	v15 =	vadd.s32 v2, v13  }
0x100: {  	v7 =	vadd.s32 v3, v7;
	[tilespmem:v17+s21+$0x0] =	vst.idx.msk $0xffff, v18;
	v17 =	vld [tilespmem:s14+$0x30];
	v9 =	vadd.f32 v9, v5  }
0x101: {  	v10 =	vadd.s32 v3, v10;
	v18 =	vld [tilespmem:s14+$0xFFFFFFB0];
	[tilespmem:v6+s21+$0x0] =	vst.idx.msk $0xffff, v12;
	v6 =	vadd.f32 v14, v5  }
0x102: {  	v11 =	vadd.s32 v3, v11;
	v5 =	vadd.f32 v19, v5;
	v12 =	vld [tilespmem:s7+$0x70];
	[tilespmem:v22+s21+$0x0] =	vst.idx.msk $0xffff, v9  }
0x103: {  	v8 =	vadd.s32 v3, v8;
	v9 =	vadd.f32 v23, v4;
	[tilespmem:v16+s21+$0x0] =	vst.idx.msk $0xffff, v6;
	v14 =	vld [tilespmem:s7+$0xFFFFFFF0]  }
0x104: {  	v16 =	vadd.s32 v3, v26;
	v6 =	vadd.f32 v21, v4;
	[tilespmem:v15+s21+$0x0] =	vst.idx.msk $0xffff, v5;
	v5 =	vld [tilespmem:s7+$0x30]  }
0x105: {  	v15 =	vadd.s32 v3, v27;
	[tilespmem:v7+s21+$0x0] =	vst.idx.msk $0xffff, v9;
	v7 =	vadd.f32 v17, v4;
	v9 =	vld [tilespmem:s7+$0xFFFFFFB0]  }
0x106: {  	v17 =	vadd.f32 v18, v4;
	[tilespmem:v10+s21+$0x0] =	vst.idx.msk $0xffff, v6;
	v6 =	vadd.s32 v3, v30  }
0x107: {  	v10 =	vadd.s32 v3, v13;
	[tilespmem:v11+s21+$0x0] =	vst.idx.msk $0xffff, v7;
	v7 =	vadd.f32 v12, v4  }
0x108: {  	[tilespmem:v8+s21+$0x0] =	vst.idx.msk $0xffff, v17;
	v8 =	vadd.f32 v14, v4  }
0x109: {  	s24 =	sshll.u32 s29, $0x14;
	[tilespmem:v16+s21+$0x0] =	vst.idx.msk $0xffff, v7;
	v5 =	vadd.f32 v5, v4  }
0x10a: {  	s7 =	sor.u32 s4, s24;
	v4 =	vadd.f32 v9, v4;
	[tilespmem:v15+s21+$0x0] =	vst.idx.msk $0xffff, v8  }
0x10b: {  	s7 =	sshrl.u32 s7, $0x3;
	[tilespmem:v6+s21+$0x0] =	vst.idx.msk $0xffff, v5  }
0x10c: {  	s14 =	sadd.s32 s2, s7;
	[tilespmem:v10+s21+$0x0] =	vst.idx.msk $0xffff, v4  }
0x10d: {  	[hbm4b:s14+s3] =	stream.linear.scatter [tilespmem:s21], [sflag:$0x5], $0x80, $0x38;
	[tilespmem:$0x19E00] =	vst v63  }
0x10e: {  	s26 =	simm.s32 $0xE488;
	s25 =	sadd.s32 $0x10, s14  }
0x10f: {  	[hbm4b:s25+s3] =	stream.linear.scatter [tilespmem:s26], [sflag:$0x5], $0x80, $0x38;
	[tilespmem:$0x19E00] =	vst v63  }
0x110: {  	s25 =	sadd.s32 $0x20, s14;
	s26 =	simm.s32 $0xE510  }
0x111: {  	[hbm4b:s25+s3] =	stream.linear.scatter [tilespmem:s26], [sflag:$0x5], $0x80, $0x38;
	[tilespmem:$0x19E00] =	vst v63  }
0x112: {  	s25 =	sadd.s32 $0x30, s14;
	s26 =	simm.s32 $0xE598  }
0x113: {  	[hbm4b:s25+s3] =	stream.linear.scatter [tilespmem:s26], [sflag:$0x5], $0x80, $0x38;
	[tilespmem:$0x19E00] =	vst v63  }
0x114: {  	s25 =	sadd.s32 $0x40, s14;
	s26 =	simm.s32 $0xE620  }
0x115: {  	[hbm4b:s25+s3] =	stream.linear.scatter [tilespmem:s26], [sflag:$0x5], $0x80, $0x38;
	[tilespmem:$0x19E00] =	vst v63  }
0x116: {  	s25 =	sadd.s32 $0x50, s14;
	s26 =	simm.s32 $0xE6A8  }
0x117: {  	[hbm4b:s25+s3] =	stream.linear.scatter [tilespmem:s26], [sflag:$0x5], $0x80, $0x38;
	[tilespmem:$0x19E00] =	vst v63  }
0x118: {  	s24 =	sadd.s32 $0x60, s14;
	s25 =	simm.s32 $0xE730  }
0x119: {  	[hbm4b:s24+s3] =	stream.linear.scatter [tilespmem:s25], [sflag:$0x5], $0x80, $0x38;
	[tilespmem:$0x19E00] =	vst v63  }
0x11a: {  	s14 =	sadd.s32 $0x70, s14;
	s26 =	simm.s32 $0xE7B8  }
0x11b: {  	[hbm4b:s14+s3] =	stream.linear.scatter [tilespmem:s26], [sflag:$0x5], $0x80, $0x38;
	[tilespmem:$0x19E00] =	vst v63  }
0x11c: {  	s24 =	simm.s32 $0xE840;
	s14 =	sadd.s32 s7, s6  }
0x11d: {  	[hbm4b:s14+s3] =	stream.linear.scatter [tilespmem:s24], [sflag:$0x5], $0x80, $0x38;
	[tilespmem:$0x19E00] =	vst v63  }
0x11e: {  	s26 =	simm.s32 $0xE8C8;
	s25 =	sadd.s32 $0x10, s14  }
0x11f: {  	[hbm4b:s25+s3] =	stream.linear.scatter [tilespmem:s26], [sflag:$0x5], $0x80, $0x38;
	[tilespmem:$0x19E00] =	vst v63  }
0x120: {  	s25 =	sadd.s32 $0x20, s14;
	s26 =	simm.s32 $0xE950  }
0x121: {  	[hbm4b:s25+s3] =	stream.linear.scatter [tilespmem:s26], [sflag:$0x5], $0x80, $0x38;
	[tilespmem:$0x19E00] =	vst v63  }
0x122: {  	s25 =	sadd.s32 $0x30, s14;
	s26 =	simm.s32 $0xE9D8  }
0x123: {  	[hbm4b:s25+s3] =	stream.linear.scatter [tilespmem:s26], [sflag:$0x5], $0x80, $0x38;
	[tilespmem:$0x19E00] =	vst v63  }
0x124: {  	s25 =	sadd.s32 $0x40, s14;
	s26 =	simm.s32 $0xEA60  }
0x125: {  	[hbm4b:s25+s3] =	stream.linear.scatter [tilespmem:s26], [sflag:$0x5], $0x80, $0x38;
	[tilespmem:$0x19E00] =	vst v63  }
0x126: {  	s25 =	sadd.s32 $0x50, s14;
	s26 =	simm.s32 $0xEAE8  }
0x127: {  	[hbm4b:s25+s3] =	stream.linear.scatter [tilespmem:s26], [sflag:$0x5], $0x80, $0x38;
	[tilespmem:$0x19E00] =	vst v63  }
0x128: {  	s24 =	sadd.s32 $0x60, s14;
	s25 =	simm.s32 $0xEB70  }
0x129: {  	[hbm4b:s24+s3] =	stream.linear.scatter [tilespmem:s25], [sflag:$0x5], $0x80, $0x38;
	[tilespmem:$0x19E00] =	vst v63  }
0x12a: {  	s14 =	sadd.s32 $0x70, s14;
	s26 =	simm.s32 $0xEBF8  }
0x12b: {  	[hbm4b:s14+s3] =	stream.linear.scatter [tilespmem:s26], [sflag:$0x5], $0x80, $0x38;
	[tilespmem:$0x19E00] =	vst v63  }
0x12c: {  	s24 =	simm.s32 $0xEC80;
	s14 =	sadd.s32 s7, s8  }
0x12d: {  	[hbm4b:s14+s3] =	stream.linear.scatter [tilespmem:s24], [sflag:$0x5], $0x80, $0x38;
	[tilespmem:$0x19E00] =	vst v63  }
0x12e: {  	s26 =	simm.s32 $0xED08;
	s25 =	sadd.s32 $0x10, s14  }
0x12f: {  	[hbm4b:s25+s3] =	stream.linear.scatter [tilespmem:s26], [sflag:$0x5], $0x80, $0x38;
	[tilespmem:$0x19E00] =	vst v63  }
0x130: {  	s25 =	sadd.s32 $0x20, s14;
	s26 =	simm.s32 $0xED90  }
0x131: {  	[hbm4b:s25+s3] =	stream.linear.scatter [tilespmem:s26], [sflag:$0x5], $0x80, $0x38;
	[tilespmem:$0x19E00] =	vst v63  }
0x132: {  	s25 =	sadd.s32 $0x30, s14;
	s26 =	simm.s32 $0xEE18  }
0x133: {  	[hbm4b:s25+s3] =	stream.linear.scatter [tilespmem:s26], [sflag:$0x5], $0x80, $0x38;
	[tilespmem:$0x19E00] =	vst v63  }
0x134: {  	s25 =	sadd.s32 $0x40, s14;
	s26 =	simm.s32 $0xEEA0  }
0x135: {  	[hbm4b:s25+s3] =	stream.linear.scatter [tilespmem:s26], [sflag:$0x5], $0x80, $0x38;
	[tilespmem:$0x19E00] =	vst v63  }
0x136: {  	s25 =	sadd.s32 $0x50, s14;
	s26 =	simm.s32 $0xEF28  }
0x137: {  	[hbm4b:s25+s3] =	stream.linear.scatter [tilespmem:s26], [sflag:$0x5], $0x80, $0x38;
	[tilespmem:$0x19E00] =	vst v63  }
0x138: {  	s24 =	sadd.s32 $0x60, s14;
	s25 =	simm.s32 $0xEFB0  }
0x139: {  	[hbm4b:s24+s3] =	stream.linear.scatter [tilespmem:s25], [sflag:$0x5], $0x80, $0x38;
	[tilespmem:$0x19E00] =	vst v63  }
0x13a: {  	s14 =	sadd.s32 $0x70, s14;
	s26 =	simm.s32 $0xF038  }
0x13b: {  	[hbm4b:s14+s3] =	stream.linear.scatter [tilespmem:s26], [sflag:$0x5], $0x80, $0x38;
	[tilespmem:$0x19E00] =	vst v63  }
0x13c: {  	s24 =	simm.s32 $0xF0C0;
	s14 =	sadd.s32 s7, s9  }
0x13d: {  	[hbm4b:s14+s3] =	stream.linear.scatter [tilespmem:s24], [sflag:$0x5], $0x80, $0x38;
	[tilespmem:$0x19E00] =	vst v63  }
0x13e: {  	s26 =	simm.s32 $0xF148;
	s25 =	sadd.s32 $0x10, s14  }
0x13f: {  	[hbm4b:s25+s3] =	stream.linear.scatter [tilespmem:s26], [sflag:$0x5], $0x80, $0x38;
	[tilespmem:$0x19E00] =	vst v63  }
0x140: {  	s25 =	sadd.s32 $0x20, s14;
	s26 =	simm.s32 $0xF1D0  }
0x141: {  	[hbm4b:s25+s3] =	stream.linear.scatter [tilespmem:s26], [sflag:$0x5], $0x80, $0x38;
	[tilespmem:$0x19E00] =	vst v63  }
0x142: {  	s25 =	sadd.s32 $0x30, s14;
	s26 =	simm.s32 $0xF258  }
0x143: {  	[hbm4b:s25+s3] =	stream.linear.scatter [tilespmem:s26], [sflag:$0x5], $0x80, $0x38;
	[tilespmem:$0x19E00] =	vst v63  }
0x144: {  	s25 =	sadd.s32 $0x40, s14;
	s26 =	simm.s32 $0xF2E0  }
0x145: {  	[hbm4b:s25+s3] =	stream.linear.scatter [tilespmem:s26], [sflag:$0x5], $0x80, $0x38;
	[tilespmem:$0x19E00] =	vst v63  }
0x146: {  	s25 =	sadd.s32 $0x50, s14;
	s26 =	simm.s32 $0xF368  }
0x147: {  	[hbm4b:s25+s3] =	stream.linear.scatter [tilespmem:s26], [sflag:$0x5], $0x80, $0x38;
	[tilespmem:$0x19E00] =	vst v63  }
0x148: {  	s24 =	sadd.s32 $0x60, s14;
	s25 =	simm.s32 $0xF3F0  }
0x149: {  	[hbm4b:s24+s3] =	stream.linear.scatter [tilespmem:s25], [sflag:$0x5], $0x80, $0x38;
	[tilespmem:$0x19E00] =	vst v63  }
0x14a: {  	s14 =	sadd.s32 $0x70, s14;
	s26 =	simm.s32 $0xF478  }
0x14b: {  	[hbm4b:s14+s3] =	stream.linear.scatter [tilespmem:s26], [sflag:$0x5], $0x80, $0x38;
	[tilespmem:$0x19E00] =	vst v63  }
0x14c: {  	s24 =	simm.s32 $0xF500;
	s14 =	sadd.s32 s7, s10  }
0x14d: {  	[hbm4b:s14+s3] =	stream.linear.scatter [tilespmem:s24], [sflag:$0x5], $0x80, $0x38;
	[tilespmem:$0x19E00] =	vst v63  }
0x14e: {  	s26 =	simm.s32 $0xF588;
	s25 =	sadd.s32 $0x10, s14  }
0x14f: {  	[hbm4b:s25+s3] =	stream.linear.scatter [tilespmem:s26], [sflag:$0x5], $0x80, $0x38;
	[tilespmem:$0x19E00] =	vst v63  }
0x150: {  	s25 =	sadd.s32 $0x20, s14;
	s26 =	simm.s32 $0xF610  }
0x151: {  	[hbm4b:s25+s3] =	stream.linear.scatter [tilespmem:s26], [sflag:$0x5], $0x80, $0x38;
	[tilespmem:$0x19E00] =	vst v63  }
0x152: {  	s25 =	sadd.s32 $0x30, s14;
	s26 =	simm.s32 $0xF698  }
0x153: {  	[hbm4b:s25+s3] =	stream.linear.scatter [tilespmem:s26], [sflag:$0x5], $0x80, $0x38;
	[tilespmem:$0x19E00] =	vst v63  }
0x154: {  	s25 =	sadd.s32 $0x40, s14;
	s26 =	simm.s32 $0xF720  }
0x155: {  	[hbm4b:s25+s3] =	stream.linear.scatter [tilespmem:s26], [sflag:$0x5], $0x80, $0x38;
	[tilespmem:$0x19E00] =	vst v63  }
0x156: {  	s25 =	sadd.s32 $0x50, s14;
	s26 =	simm.s32 $0xF7A8  }
0x157: {  	[hbm4b:s25+s3] =	stream.linear.scatter [tilespmem:s26], [sflag:$0x5], $0x80, $0x38;
	[tilespmem:$0x19E00] =	vst v63  }
0x158: {  	s24 =	sadd.s32 $0x60, s14;
	s25 =	simm.s32 $0xF830  }
0x159: {  	[hbm4b:s24+s3] =	stream.linear.scatter [tilespmem:s25], [sflag:$0x5], $0x80, $0x38;
	[tilespmem:$0x19E00] =	vst v63  }
0x15a: {  	s14 =	sadd.s32 $0x70, s14;
	s26 =	simm.s32 $0xF8B8  }
0x15b: {  	[hbm4b:s14+s3] =	stream.linear.scatter [tilespmem:s26], [sflag:$0x5], $0x80, $0x38;
	[tilespmem:$0x19E00] =	vst v63  }
0x15c: {  	s24 =	simm.s32 $0xF940;
	s14 =	sadd.s32 s7, s11  }
0x15d: {  	[hbm4b:s14+s3] =	stream.linear.scatter [tilespmem:s24], [sflag:$0x5], $0x80, $0x38;
	[tilespmem:$0x19E00] =	vst v63  }
0x15e: {  	s26 =	simm.s32 $0xF9C8;
	s25 =	sadd.s32 $0x10, s14  }
0x15f: {  	[hbm4b:s25+s3] =	stream.linear.scatter [tilespmem:s26], [sflag:$0x5], $0x80, $0x38;
	[tilespmem:$0x19E00] =	vst v63  }
0x160: {  	s25 =	sadd.s32 $0x20, s14;
	s26 =	simm.s32 $0xFA50  }
0x161: {  	[hbm4b:s25+s3] =	stream.linear.scatter [tilespmem:s26], [sflag:$0x5], $0x80, $0x38;
	[tilespmem:$0x19E00] =	vst v63  }
0x162: {  	s25 =	sadd.s32 $0x30, s14;
	s26 =	simm.s32 $0xFAD8  }
0x163: {  	[hbm4b:s25+s3] =	stream.linear.scatter [tilespmem:s26], [sflag:$0x5], $0x80, $0x38;
	[tilespmem:$0x19E00] =	vst v63  }
0x164: {  	s25 =	sadd.s32 $0x40, s14;
	s26 =	simm.s32 $0xFB60  }
0x165: {  	[hbm4b:s25+s3] =	stream.linear.scatter [tilespmem:s26], [sflag:$0x5], $0x80, $0x38;
	[tilespmem:$0x19E00] =	vst v63  }
0x166: {  	s25 =	sadd.s32 $0x50, s14;
	s26 =	simm.s32 $0xFBE8  }
0x167: {  	[hbm4b:s25+s3] =	stream.linear.scatter [tilespmem:s26], [sflag:$0x5], $0x80, $0x38;
	[tilespmem:$0x19E00] =	vst v63  }
0x168: {  	s24 =	sadd.s32 $0x60, s14;
	s25 =	simm.s32 $0xFC70  }
0x169: {  	[hbm4b:s24+s3] =	stream.linear.scatter [tilespmem:s25], [sflag:$0x5], $0x80, $0x38;
	[tilespmem:$0x19E00] =	vst v63  }
0x16a: {  	s14 =	sadd.s32 $0x70, s14;
	s26 =	simm.s32 $0xFCF8  }
0x16b: {  	[hbm4b:s14+s3] =	stream.linear.scatter [tilespmem:s26], [sflag:$0x5], $0x80, $0x38;
	[tilespmem:$0x19E00] =	vst v63  }
0x16c: {  	s24 =	simm.s32 $0xFD80;
	s14 =	sadd.s32 s7, s12  }
0x16d: {  	[hbm4b:s14+s3] =	stream.linear.scatter [tilespmem:s24], [sflag:$0x5], $0x80, $0x38;
	[tilespmem:$0x19E00] =	vst v63  }
0x16e: {  	s26 =	simm.s32 $0xFE08;
	s25 =	sadd.s32 $0x10, s14  }
0x16f: {  	[hbm4b:s25+s3] =	stream.linear.scatter [tilespmem:s26], [sflag:$0x5], $0x80, $0x38;
	[tilespmem:$0x19E00] =	vst v63  }
0x170: {  	s25 =	sadd.s32 $0x20, s14;
	s26 =	simm.s32 $0xFE90  }
0x171: {  	[hbm4b:s25+s3] =	stream.linear.scatter [tilespmem:s26], [sflag:$0x5], $0x80, $0x38;
	[tilespmem:$0x19E00] =	vst v63  }
0x172: {  	s25 =	sadd.s32 $0x30, s14;
	s26 =	simm.s32 $0xFF18  }
0x173: {  	[hbm4b:s25+s3] =	stream.linear.scatter [tilespmem:s26], [sflag:$0x5], $0x80, $0x38;
	[tilespmem:$0x19E00] =	vst v63  }
0x174: {  	s25 =	sadd.s32 $0x40, s14;
	s26 =	simm.s32 $0xFFA0  }
0x175: {  	[hbm4b:s25+s3] =	stream.linear.scatter [tilespmem:s26], [sflag:$0x5], $0x80, $0x38;
	[tilespmem:$0x19E00] =	vst v63  }
0x176: {  	s25 =	sadd.s32 $0x50, s14;
	s26 =	simm.s32 $0x10028  }
0x177: {  	[hbm4b:s25+s3] =	stream.linear.scatter [tilespmem:s26], [sflag:$0x5], $0x80, $0x38;
	[tilespmem:$0x19E00] =	vst v63  }
0x178: {  	s25 =	sadd.s32 $0x60, s14;
	s26 =	simm.s32 $0x100B0  }
0x179: {  	[hbm4b:s25+s3] =	stream.linear.scatter [tilespmem:s26], [sflag:$0x5], $0x80, $0x38;
	[tilespmem:$0x19E00] =	vst v63  }
0x17a: {  	s14 =	sadd.s32 $0x70, s14;
	s25 =	simm.s32 $0x10138  }
0x17b: {  	[hbm4b:s14+s3] =	stream.linear.scatter [tilespmem:s25], [sflag:$0x5], $0x80, $0x38;
	[tilespmem:$0x19E00] =	vst v63  }
0x17c: {  	s7 =	sadd.s32 s7, s13;
	s26 =	simm.s32 $0x101C0  }
0x17d: {  	[hbm4b:s7+s3] =	stream.linear.scatter [tilespmem:s26], [sflag:$0x5], $0x80, $0x38;
	[tilespmem:$0x19E00] =	vst v63  }
0x17e: {  	s23 =	sadd.s32 $0x10, s7;
	s24 =	simm.s32 $0x10248  }
0x17f: {  	[hbm4b:s23+s3] =	stream.linear.scatter [tilespmem:s24], [sflag:$0x5], $0x80, $0x38;
	[tilespmem:$0x19E00] =	vst v63  }
0x180: {  	s25 =	sadd.s32 $0x20, s7;
	s26 =	simm.s32 $0x102D0  }
0x181: {  	[hbm4b:s25+s3] =	stream.linear.scatter [tilespmem:s26], [sflag:$0x5], $0x80, $0x38;
	[tilespmem:$0x19E00] =	vst v63  }
0x182: {  	s23 =	sadd.s32 $0x30, s7;
	s24 =	simm.s32 $0x10358  }
0x183: {  	[hbm4b:s23+s3] =	stream.linear.scatter [tilespmem:s24], [sflag:$0x5], $0x80, $0x38;
	[tilespmem:$0x19E00] =	vst v63  }
0x184: {  	s25 =	sadd.s32 $0x40, s7;
	s26 =	simm.s32 $0x103E0  }
0x185: {  	[hbm4b:s25+s3] =	stream.linear.scatter [tilespmem:s26], [sflag:$0x5], $0x80, $0x38;
	[tilespmem:$0x19E00] =	vst v63  }
0x186: {  	s23 =	sadd.s32 $0x50, s7;
	s24 =	simm.s32 $0x10468  }
0x187: {  	[hbm4b:s23+s3] =	stream.linear.scatter [tilespmem:s24], [sflag:$0x5], $0x80, $0x38;
	[tilespmem:$0x19E00] =	vst v63  }
0x188: {  	s25 =	sadd.s32 $0x60, s7;
	s26 =	simm.s32 $0x104F0  }
0x189: {  	[hbm4b:s25+s3] =	stream.linear.scatter [tilespmem:s26], [sflag:$0x5], $0x80, $0x38;
	[tilespmem:$0x19E00] =	vst v63  }
0x18a: {  	s7 =	sadd.s32 $0x70, s7;
	s24 =	simm.s32 $0x10578  }
0x18b: {  	[hbm4b:s7+s3] =	stream.linear.scatter [tilespmem:s24], [sflag:$0x5], $0x80, $0x38;
	[tilespmem:$0x19E00] =	vst v63  }
0x18c: {  	s7 =	simm.s32 @!p0 $0x6  }
0x18d: {  	_ =	swait.ge @!p0 [sflag:s7], $0x2000  }
0x18e: {  	[sflag:s7] =	ssyncset.done @!p0 $0x0  }
0x18f: {  	s14 =	sor.u32 $0x1, s1;
	[sflag:s7] =	ssyncadd.s32 @!p0 $0xFFFFE000;
	p0 =	seq.s32 s29, $0x31  }
0x190: {  	s25 =	sshll.u32 s14, $0x6;
	_ =	swait.ge [sflag:s20], $0x2000;
	s7 =	sshll.u32 @!p0 s1, $0x7  }
0x191: {  	s23 =	simm.s32 @!p0 $0x80;
	[sflag:s20] =	ssyncset.done $0x0;
	s7 =	sadd.s32 @!p0 $0x200, s7  }
0x192: {  	s24 =	simm.s32 @!p0 $0x6400;
	[sflag:s20] =	ssyncadd.s32 $0xFFFFE000;
	s7 =	sand.u32 @!p0 $0xFE00, s7  }
0x193: {  	[tilespmem:s24], [sflag:$0x1] =	stream.indirect.gather @!p0 [hbm4b:s5+s23], $0x40, s7, s23, $0xb8;
	[tilespmem:$0x19E00] =	vst v63  }
0x194: {  	s7 =	sand.u32 $0x3FFFFFC0, s25  }
0x195: {  	s26 =	simm.s32 $0x3;
	s23 =	simm.s32 $0x8480;
	v9 =	vld [tilespmem:s7+$0x16C00]  }
0x196: {  	v4 =	vmov s26;
	v7 =	vld [tilespmem:s23+$0x40]  }
0x197: {  	v13 =	vand.u32 $0x7F, v4  }
0x198: {  	v8 =	vadd.s32 v0, v13;
	s25 =	simm.s32 $0x0;
	v6 =	vld [tilespmem:s7+$0x16C10]  }
0x199: {  	s26 =	simm.s32 $0x1;
	v4 =	vmov s25;
	v10 =	vld [tilespmem:s23+$0xFFFFFF80];
	s25 =	simm.s32 $0x2  }
0x19a: {  	v11 =	vld [tilespmem:s23+$0xFFFFFFC0];
	v12 =	vand.u32 $0x7C, v4;
	v4 =	vmov s26;
	v14 =	vmov s25  }
0x19b: {  	v16 =	vld [tilespmem:s23+$0x0];
	v15 =	vadd.s32 v0, v12;
	v19 =	vand.u32 $0x7D, v4;
	v7 =	vadd.f32 v7, v9  }
0x19c: {  	v5 =	vld [tilespmem:s7+$0x16C20];
	v20 =	vand.u32 $0x7E, v14;
	v17 =	vadd.s32 v0, v19  }
0x19d: {  	v4 =	vld [tilespmem:s7+$0x16C30];
	v14 =	vadd.s32 v0, v20;
	[tilespmem:v8+s22+$0x0] =	vst.idx.msk $0xffff, v7  }
0x19e: {  	v7 =	vadd.f32 v10, v9;
	v8 =	vld [tilespmem:s23+$0x50]  }
0x19f: {  	v10 =	vadd.f32 v11, v9  }
0x1a0: {  	v11 =	vadd.s32 v1, v13;
	[tilespmem:v15+s22+$0x0] =	vst.idx.msk $0xffff, v7;
	v7 =	vadd.f32 v16, v9  }
0x1a1: {  	[tilespmem:v17+s22+$0x0] =	vst.idx.msk $0xffff, v10;
	v15 =	vld [tilespmem:s23+$0xFFFFFF90]  }
0x1a2: {  	v10 =	vld [tilespmem:s23+$0xFFFFFFD0];
	[tilespmem:v14+s22+$0x0] =	vst.idx.msk $0xffff, v7  }
0x1a3: {  	v14 =	vld [tilespmem:s23+$0x10];
	v7 =	vadd.f32 v8, v6  }
0x1a4: {  	s26 =	simm.s32 $0x7;
	s7 =	simm.s32 $0x8580;
	v16 =	vadd.s32 v1, v19  }
0x1a5: {  	v26 =	vadd.s32 v2, v13;
	s25 =	simm.s32 $0x4;
	v18 =	vld [tilespmem:s7+$0x40];
	v17 =	vadd.s32 v1, v20;
	[tilespmem:v11+s22+$0x0] =	vst.idx.msk $0xffff, v7;
	v7 =	vmov s26  }
0x1a6: {  	v21 =	vadd.s32 v1, v12;
	v8 =	vmov s25;
	v7 =	vand.u32 $0x7F, v7;
	v22 =	vld [tilespmem:s23+$0x60]  }
0x1a7: {  	v23 =	vld [tilespmem:s7+$0xFFFFFF80];
	v8 =	vand.u32 $0x7C, v8;
	v10 =	vadd.f32 v10, v6;
	s26 =	simm.s32 $0x5;
	v24 =	vadd.s32 v0, v7  }
0x1a8: {  	v25 =	vld [tilespmem:s7+$0xFFFFFFC0];
	s25 =	simm.s32 $0x6;
	v15 =	vadd.f32 v15, v6;
	v11 =	vadd.f32 v14, v6;
	v14 =	vmov s26  }
0x1a9: {  	v27 =	vadd.s32 v0, v8;
	[tilespmem:v16+s22+$0x0] =	vst.idx.msk $0xffff, v10;
	v16 =	vmov s25;
	v10 =	vand.u32 $0x7D, v14;
	v14 =	vld [tilespmem:s7+$0x0]  }
0x1aa: {  	[tilespmem:v17+s22+$0x0] =	vst.idx.msk $0xffff, v11;
	v17 =	vadd.s32 v0, v10;
	v11 =	vand.u32 $0x7E, v16;
	v16 =	vadd.f32 v18, v9;
	v18 =	vld [tilespmem:s23+$0xFFFFFFE0]  }
0x1ab: {  	[tilespmem:v21+s22+$0x0] =	vst.idx.msk $0xffff, v15;
	v15 =	vadd.s32 v0, v11;
	v21 =	vld [tilespmem:s23+$0x20];
	v22 =	vadd.f32 v22, v5  }
0x1ac: {  	v23 =	vadd.f32 v23, v9;
	[tilespmem:v24+s22+$0x0] =	vst.idx.msk $0xffff, v16;
	v16 =	vld [tilespmem:s23+$0xFFFFFFA0];
	v24 =	vadd.s32 v2, v19  }
0x1ad: {  	v60 =	vadd.s32 v2, v20;
	v25 =	vadd.f32 v25, v9;
	v59 =	vld [tilespmem:s7+$0x50];
	[tilespmem:v26+s22+$0x0] =	vst.idx.msk $0xffff, v22  }
0x1ae: {  	[tilespmem:v27+s22+$0x0] =	vst.idx.msk $0xffff, v23;
	v23 =	vadd.s32 v2, v12;
	v14 =	vadd.f32 v14, v9;
	v26 =	vld [tilespmem:s23+$0x70]  }
0x1af: {  	v27 =	vld [tilespmem:s7+$0xFFFFFF90];
	[tilespmem:v17+s22+$0x0] =	vst.idx.msk $0xffff, v25;
	v25 =	vadd.s32 v1, v7;
	v18 =	vadd.f32 v18, v5  }
0x1b0: {  	v62 =	vadd.s32 v3, v13;
	v61 =	vld [tilespmem:s7+$0xFFFFFFD0];
	[tilespmem:v15+s22+$0x0] =	vst.idx.msk $0xffff, v14;
	v14 =	vadd.f32 v21, v5  }
0x1b1: {  	v22 =	vadd.s32 v1, v8;
	v17 =	vld [tilespmem:s7+$0x10];
	v13 =	vadd.f32 v16, v5;
	[tilespmem:v24+s22+$0x0] =	vst.idx.msk $0xffff, v18  }
0x1b2: {  	s24 =	simm.s32 $0x8;
	v21 =	vadd.s32 v1, v10;
	[tilespmem:v60+s22+$0x0] =	vst.idx.msk $0xffff, v14;
	v18 =	vadd.f32 v59, v6;
	v16 =	vld [tilespmem:s23+$0xFFFFFFF0]  }
0x1b3: {  	v24 =	vmov s24;
	v14 =	vadd.s32 v1, v11;
	v15 =	vld [tilespmem:s23+$0x30];
	[tilespmem:v23+s22+$0x0] =	vst.idx.msk $0xffff, v13;
	v63 =	vadd.f32 v26, v4  }
0x1b4: {  	s26 =	simm.s32 $0xB;
	v19 =	vadd.s32 v3, v19;
	v13 =	vand.u32 $0x7C, v24;
	v24 =	vadd.f32 v27, v6;
	[tilespmem:v25+s22+$0x0] =	vst.idx.msk $0xffff, v18;
	v18 =	vld [tilespmem:s23+$0xFFFFFFB0];
	s23 =	simm.s32 $0x8680  }
0x1b5: {  	v20 =	vadd.s32 v3, v20;
	s25 =	simm.s32 $0xC;
	v26 =	vmov s26;
	v25 =	vadd.f32 v61, v6;
	v23 =	vld [tilespmem:s23+$0x40];
	[tilespmem:v62+s22+$0x0] =	vst.idx.msk $0xffff, v63  }
.LBB2_5:
0x1b6: {  	p1 =	slt.u32 s25, $0x7C;
	s26 =	sadd.s32 $0x1, s24;
	v26 =	vand.u32 $0x7F, v26;
	[tilespmem:v22+s22+$0x0] =	vst.idx.msk $0xffff, v24;
	v17 =	vadd.f32 v17, v6;
	v22 =	vld [tilespmem:s7+$0x60];
	v24 =	vadd.s32 v3, v12  }
0x1b7: {  	v30 =	vmovc v11;
	v27 =	vld [tilespmem:s23+$0xFFFFFF80];
	v28 =	vmov s26;
	s26 =	sadd.s32 $0x2, s24;
	v29 =	vadd.s32 v0, v26;
	[tilespmem:v21+s22+$0x0] =	vst.idx.msk $0xffff, v25;
	v16 =	vadd.f32 v16, v4;
	s24 =	smov.u32 s25  }
0x1b8: {  	v12 =	vmovc v8;
	v21 =	vld [tilespmem:s23+$0xFFFFFFC0];
	v11 =	vmov s26;
	[tilespmem:v14+s22+$0x0] =	vst.idx.msk $0xffff, v17;
	v14 =	vadd.s32 v2, v7;
	v15 =	vadd.f32 v15, v4  }
0x1b9: {  	v17 =	vadd.s32 v0, v13;
	v28 =	vand.u32 $0x7D, v28;
	v25 =	vld [tilespmem:s23+$0x0];
	v31 =	vadd.f32 v18, v4;
	[tilespmem:v19+s22+$0x0] =	vst.idx.msk $0xffff, v16  }
0x1ba: {  	v16 =	vadd.s32 v0, v28;
	v11 =	vand.u32 $0x7E, v11;
	v18 =	vadd.f32 v23, v9;
	v19 =	vld [tilespmem:s7+$0xFFFFFFE0];
	[tilespmem:v20+s22+$0x0] =	vst.idx.msk $0xffff, v15  }
0x1bb: {  	v8 =	vmov v13;
	v15 =	vadd.s32 v0, v11;
	v20 =	vld [tilespmem:s7+$0x20];
	v22 =	vadd.f32 v22, v5;
	[tilespmem:v24+s22+$0x0] =	vst.idx.msk $0xffff, v31  }
0x1bc: {  	v23 =	vadd.s32 v2, v10;
	v13 =	vadd.f32 v27, v9;
	[tilespmem:v29+s22+$0x0] =	vst.idx.msk $0xffff, v18;
	v18 =	vld [tilespmem:s7+$0xFFFFFFA0]  }
0x1bd: {  	v27 =	vadd.s32 v2, v30;
	v21 =	vadd.f32 v21, v9;
	v24 =	vld [tilespmem:s23+$0x50];
	[tilespmem:v14+s22+$0x0] =	vst.idx.msk $0xffff, v22  }
0x1be: {  	[tilespmem:v17+s22+$0x0] =	vst.idx.msk $0xffff, v13;
	v13 =	vadd.f32 v25, v9;
	v25 =	vadd.s32 v2, v12;
	v29 =	vld [tilespmem:s7+$0x70]  }
0x1bf: {  	v32 =	vadd.s32 v1, v26;
	v31 =	vld [tilespmem:s23+$0xFFFFFF90];
	[tilespmem:v16+s22+$0x0] =	vst.idx.msk $0xffff, v21;
	v14 =	vadd.f32 v19, v5  }
0x1c0: {  	v34 =	vadd.s32 v3, v7;
	v7 =	vmov v26;
	v33 =	vld [tilespmem:s23+$0xFFFFFFD0];
	[tilespmem:v15+s22+$0x0] =	vst.idx.msk $0xffff, v13;
	v13 =	vadd.f32 v20, v5  }
.Ltmp1:
0x1c1: {  	v22 =	vadd.s32 v1, v8;
	v17 =	vld [tilespmem:s23+$0x10];
	v15 =	vadd.f32 v18, v5;
	[tilespmem:v23+s22+$0x0] =	vst.idx.msk $0xffff, v14;
	(pc) =	sbr.rel @p1 .LBB2_5-.Ltmp1, $4  }
0x1c2: {  	v21 =	vadd.s32 v1, v28;
	v18 =	vadd.f32 v24, v6;
	v16 =	vld [tilespmem:s7+$0xFFFFFFF0];
	[tilespmem:v27+s22+$0x0] =	vst.idx.msk $0xffff, v13  }
0x1c3: {  	v14 =	vadd.s32 v1, v11;
	v13 =	vmov s25;
	[tilespmem:v25+s22+$0x0] =	vst.idx.msk $0xffff, v15;
	v15 =	vld [tilespmem:s7+$0x30];
	v27 =	vadd.f32 v29, v4  }
0x1c4: {  	s26 =	sadd.s32 $0x3, s25;
	v19 =	vadd.s32 v3, v10;
	v13 =	vand.u32 $0x7C, v13;
	v24 =	vadd.f32 v31, v6;
	[tilespmem:v32+s22+$0x0] =	vst.idx.msk $0xffff, v18;
	v18 =	vld [tilespmem:s7+$0xFFFFFFB0];
	s7 =	smov.u32 s23;
	s23 =	sadd.s32 $0x100, s23  }
0x1c5: {  	v26 =	vmov s26;
	v10 =	vmovc v28;
	v20 =	vadd.s32 v3, v30;
	s25 =	sadd.s32 $0x4, s25;
	v23 =	vld [tilespmem:s23+$0x40];
	v25 =	vadd.f32 v33, v6;
	[tilespmem:v34+s22+$0x0] =	vst.idx.msk $0xffff, v27  }
0x1c6: {  	s25 =	sadd.s32 $0x1, s24  }
0x1c7: {  	v26 =	vand.u32 $0x7F, v26;
	s26 =	sadd.s32 $0x2, s24;
	v28 =	vld [tilespmem:s23+$0xFFFFFFC0];
	v27 =	vmov s25  }
0x1c8: {  	v31 =	vld [tilespmem:s23+$0x0];
	v29 =	vmov s26;
	v30 =	vadd.s32 v0, v26;
	v27 =	vand.u32 $0x7D, v27  }
0x1c9: {  	v32 =	vld [tilespmem:s23+$0xFFFFFF80];
	v29 =	vand.u32 $0x7E, v29;
	v33 =	vadd.s32 v0, v27  }
0x1ca: {  	v34 =	vadd.s32 v0, v29  }
0x1cb: {  	[tilespmem:v22+s22+$0x0] =	vst.idx.msk $0xffff, v24;
	v44 =	vadd.s32 v0, v13;
	v23 =	vadd.f32 v23, v9  }
0x1cc: {  	[tilespmem:v21+s22+$0x0] =	vst.idx.msk $0xffff, v25;
	v45 =	vadd.f32 v28, v9  }
0x1cd: {  	v46 =	vadd.f32 v31, v9;
	[tilespmem:v30+s22+$0x0] =	vst.idx.msk $0xffff, v23  }
0x1ce: {  	v47 =	vadd.f32 v32, v9;
	v48 =	vld [tilespmem:s23+$0x50];
	[tilespmem:v33+s22+$0x0] =	vst.idx.msk $0xffff, v45  }
0x1cf: {  	v17 =	vadd.f32 v17, v6;
	v12 =	vadd.s32 v3, v12;
	[tilespmem:v34+s22+$0x0] =	vst.idx.msk $0xffff, v46;
	v21 =	vld [tilespmem:s23+$0xFFFFFFD0]  }
0x1d0: {  	v16 =	vadd.f32 v16, v4;
	v49 =	vadd.s32 v1, v26;
	[tilespmem:v44+s22+$0x0] =	vst.idx.msk $0xffff, v47;
	v50 =	vld [tilespmem:s23+$0x10]  }
0x1d1: {  	[tilespmem:v14+s22+$0x0] =	vst.idx.msk $0xffff, v17;
	v51 =	vadd.f32 v15, v4;
	v53 =	vadd.s32 v1, v27;
	v52 =	vld [tilespmem:s23+$0xFFFFFF90]  }
0x1d2: {  	v54 =	vld [tilespmem:s7+$0x60];
	v18 =	vadd.f32 v18, v4;
	[tilespmem:v19+s22+$0x0] =	vst.idx.msk $0xffff, v16;
	v55 =	vadd.s32 v1, v29  }
0x1d3: {  	v57 =	vadd.s32 v1, v13;
	v60 =	vld [tilespmem:s7+$0x20];
	[tilespmem:v20+s22+$0x0] =	vst.idx.msk $0xffff, v51;
	v58 =	vadd.f32 v48, v6  }
0x1d4: {  	v59 =	vadd.s32 v2, v7;
	v56 =	vld [tilespmem:s7+$0xFFFFFFE0];
	[tilespmem:v12+s22+$0x0] =	vst.idx.msk $0xffff, v18;
	v61 =	vadd.f32 v21, v6  }
0x1d5: {  	v62 =	vld [tilespmem:s7+$0xFFFFFFA0];
	v30 =	vadd.s32 v2, v11;
	[tilespmem:v49+s22+$0x0] =	vst.idx.msk $0xffff, v58;
	v28 =	vadd.f32 v50, v6  }
0x1d6: {  	v63 =	vadd.s32 v2, v10;
	v31 =	vadd.f32 v52, v6;
	v32 =	vld [tilespmem:s23+$0x60];
	[tilespmem:v53+s22+$0x0] =	vst.idx.msk $0xffff, v61  }
0x1d7: {  	v33 =	vadd.f32 v54, v5;
	v34 =	vadd.s32 v2, v8;
	[tilespmem:v55+s22+$0x0] =	vst.idx.msk $0xffff, v28;
	v35 =	vld [tilespmem:s23+$0xFFFFFFE0]  }
0x1d8: {  	v37 =	vadd.s32 v2, v26;
	v39 =	vadd.f32 v60, v5;
	[tilespmem:v57+s22+$0x0] =	vst.idx.msk $0xffff, v31;
	v38 =	vld [tilespmem:s23+$0x20]  }
0x1d9: {  	v41 =	vadd.s32 v2, v27;
	v36 =	vadd.f32 v56, v5;
	[tilespmem:v59+s22+$0x0] =	vst.idx.msk $0xffff, v33;
	v40 =	vld [tilespmem:s23+$0xFFFFFFA0]  }
0x1da: {  	v43 =	vadd.s32 v2, v29;
	v18 =	vadd.f32 v62, v5;
	v42 =	vld [tilespmem:s7+$0x70];
	[tilespmem:v30+s22+$0x0] =	vst.idx.msk $0xffff, v39  }
0x1db: {  	v45 =	vadd.s32 v2, v13;
	[tilespmem:v63+s22+$0x0] =	vst.idx.msk $0xffff, v36;
	v47 =	vld [tilespmem:s7+$0x30];
	v44 =	vadd.f32 v32, v5  }
0x1dc: {  	v46 =	vadd.s32 v3, v7;
	[tilespmem:v34+s22+$0x0] =	vst.idx.msk $0xffff, v18;
	v21 =	vld [tilespmem:s7+$0xFFFFFFF0];
	v9 =	vadd.f32 v35, v5  }
0x1dd: {  	v18 =	vld [tilespmem:s7+$0xFFFFFFB0];
	v50 =	vadd.s32 v3, v11;
	[tilespmem:v37+s22+$0x0] =	vst.idx.msk $0xffff, v44;
	v49 =	vadd.f32 v38, v5  }
0x1de: {  	v48 =	vadd.s32 v3, v10;
	v5 =	vadd.f32 v40, v5;
	v12 =	vld [tilespmem:s23+$0x70];
	[tilespmem:v41+s22+$0x0] =	vst.idx.msk $0xffff, v9  }
0x1df: {  	v52 =	vadd.s32 v3, v8;
	v51 =	vadd.f32 v42, v4;
	[tilespmem:v43+s22+$0x0] =	vst.idx.msk $0xffff, v49;
	v53 =	vld [tilespmem:s23+$0xFFFFFFF0]  }
0x1e0: {  	v55 =	vadd.s32 v3, v26;
	v56 =	vadd.f32 v47, v4;
	[tilespmem:v45+s22+$0x0] =	vst.idx.msk $0xffff, v5;
	v5 =	vld [tilespmem:s23+$0x30]  }
0x1e1: {  	v58 =	vadd.s32 v3, v27;
	[tilespmem:v46+s22+$0x0] =	vst.idx.msk $0xffff, v51;
	v54 =	vadd.f32 v21, v4;
	v57 =	vld [tilespmem:s23+$0xFFFFFFB0]  }
0x1e2: {  	v60 =	vadd.s32 v3, v29;
	v59 =	vadd.f32 v18, v4;
	[tilespmem:v50+s22+$0x0] =	vst.idx.msk $0xffff, v56  }
0x1e3: {  	v62 =	vadd.s32 v3, v13;
	[tilespmem:v48+s22+$0x0] =	vst.idx.msk $0xffff, v54;
	v61 =	vadd.f32 v12, v4  }
0x1e4: {  	[tilespmem:v52+s22+$0x0] =	vst.idx.msk $0xffff, v59;
	v63 =	vadd.f32 v53, v4  }
0x1e5: {  	s24 =	sshll.u32 s14, $0x12;
	[tilespmem:v55+s22+$0x0] =	vst.idx.msk $0xffff, v61;
	v5 =	vadd.f32 v5, v4  }
0x1e6: {  	s7 =	sor.u32 s4, s24;
	v4 =	vadd.f32 v57, v4;
	[tilespmem:v58+s22+$0x0] =	vst.idx.msk $0xffff, v63  }
0x1e7: {  	s7 =	sshrl.u32 s7, $0x3;
	[tilespmem:v60+s22+$0x0] =	vst.idx.msk $0xffff, v5  }
0x1e8: {  	s14 =	sadd.s32 s2, s7;
	[tilespmem:v62+s22+$0x0] =	vst.idx.msk $0xffff, v4  }
0x1e9: {  	[hbm4b:s14+s3] =	stream.linear.scatter [tilespmem:s22], [sflag:$0x6], $0x80, $0x38;
	[tilespmem:$0x19E00] =	vst v63  }
0x1ea: {  	s26 =	simm.s32 $0x10688;
	s25 =	sadd.s32 $0x10, s14  }
0x1eb: {  	[hbm4b:s25+s3] =	stream.linear.scatter [tilespmem:s26], [sflag:$0x6], $0x80, $0x38;
	[tilespmem:$0x19E00] =	vst v63  }
0x1ec: {  	s25 =	sadd.s32 $0x20, s14;
	s26 =	simm.s32 $0x10710  }
0x1ed: {  	[hbm4b:s25+s3] =	stream.linear.scatter [tilespmem:s26], [sflag:$0x6], $0x80, $0x38;
	[tilespmem:$0x19E00] =	vst v63  }
0x1ee: {  	s25 =	sadd.s32 $0x30, s14;
	s26 =	simm.s32 $0x10798  }
0x1ef: {  	[hbm4b:s25+s3] =	stream.linear.scatter [tilespmem:s26], [sflag:$0x6], $0x80, $0x38;
	[tilespmem:$0x19E00] =	vst v63  }
0x1f0: {  	s25 =	sadd.s32 $0x40, s14;
	s26 =	simm.s32 $0x10820  }
0x1f1: {  	[hbm4b:s25+s3] =	stream.linear.scatter [tilespmem:s26], [sflag:$0x6], $0x80, $0x38;
	[tilespmem:$0x19E00] =	vst v63  }
0x1f2: {  	s25 =	sadd.s32 $0x50, s14;
	s26 =	simm.s32 $0x108A8  }
0x1f3: {  	[hbm4b:s25+s3] =	stream.linear.scatter [tilespmem:s26], [sflag:$0x6], $0x80, $0x38;
	[tilespmem:$0x19E00] =	vst v63  }
0x1f4: {  	s24 =	sadd.s32 $0x60, s14;
	s25 =	simm.s32 $0x10930  }
0x1f5: {  	[hbm4b:s24+s3] =	stream.linear.scatter [tilespmem:s25], [sflag:$0x6], $0x80, $0x38;
	[tilespmem:$0x19E00] =	vst v63  }
0x1f6: {  	s14 =	sadd.s32 $0x70, s14;
	s26 =	simm.s32 $0x109B8  }
0x1f7: {  	[hbm4b:s14+s3] =	stream.linear.scatter [tilespmem:s26], [sflag:$0x6], $0x80, $0x38;
	[tilespmem:$0x19E00] =	vst v63  }
0x1f8: {  	s24 =	simm.s32 $0x10A40;
	s14 =	sadd.s32 s7, s6  }
0x1f9: {  	[hbm4b:s14+s3] =	stream.linear.scatter [tilespmem:s24], [sflag:$0x6], $0x80, $0x38;
	[tilespmem:$0x19E00] =	vst v63  }
0x1fa: {  	s26 =	simm.s32 $0x10AC8;
	s25 =	sadd.s32 $0x10, s14  }
0x1fb: {  	[hbm4b:s25+s3] =	stream.linear.scatter [tilespmem:s26], [sflag:$0x6], $0x80, $0x38;
	[tilespmem:$0x19E00] =	vst v63  }
0x1fc: {  	s25 =	sadd.s32 $0x20, s14;
	s26 =	simm.s32 $0x10B50  }
0x1fd: {  	[hbm4b:s25+s3] =	stream.linear.scatter [tilespmem:s26], [sflag:$0x6], $0x80, $0x38;
	[tilespmem:$0x19E00] =	vst v63  }
0x1fe: {  	s25 =	sadd.s32 $0x30, s14;
	s26 =	simm.s32 $0x10BD8  }
0x1ff: {  	[hbm4b:s25+s3] =	stream.linear.scatter [tilespmem:s26], [sflag:$0x6], $0x80, $0x38;
	[tilespmem:$0x19E00] =	vst v63  }
0x200: {  	s25 =	sadd.s32 $0x40, s14;
	s26 =	simm.s32 $0x10C60  }
0x201: {  	[hbm4b:s25+s3] =	stream.linear.scatter [tilespmem:s26], [sflag:$0x6], $0x80, $0x38;
	[tilespmem:$0x19E00] =	vst v63  }
0x202: {  	s25 =	sadd.s32 $0x50, s14;
	s26 =	simm.s32 $0x10CE8  }
0x203: {  	[hbm4b:s25+s3] =	stream.linear.scatter [tilespmem:s26], [sflag:$0x6], $0x80, $0x38;
	[tilespmem:$0x19E00] =	vst v63  }
0x204: {  	s24 =	sadd.s32 $0x60, s14;
	s25 =	simm.s32 $0x10D70  }
0x205: {  	[hbm4b:s24+s3] =	stream.linear.scatter [tilespmem:s25], [sflag:$0x6], $0x80, $0x38;
	[tilespmem:$0x19E00] =	vst v63  }
0x206: {  	s14 =	sadd.s32 $0x70, s14;
	s26 =	simm.s32 $0x10DF8  }
0x207: {  	[hbm4b:s14+s3] =	stream.linear.scatter [tilespmem:s26], [sflag:$0x6], $0x80, $0x38;
	[tilespmem:$0x19E00] =	vst v63  }
0x208: {  	s24 =	simm.s32 $0x10E80;
	s14 =	sadd.s32 s7, s8  }
0x209: {  	[hbm4b:s14+s3] =	stream.linear.scatter [tilespmem:s24], [sflag:$0x6], $0x80, $0x38;
	[tilespmem:$0x19E00] =	vst v63  }
0x20a: {  	s26 =	simm.s32 $0x10F08;
	s25 =	sadd.s32 $0x10, s14  }
0x20b: {  	[hbm4b:s25+s3] =	stream.linear.scatter [tilespmem:s26], [sflag:$0x6], $0x80, $0x38;
	[tilespmem:$0x19E00] =	vst v63  }
0x20c: {  	s25 =	sadd.s32 $0x20, s14;
	s26 =	simm.s32 $0x10F90  }
0x20d: {  	[hbm4b:s25+s3] =	stream.linear.scatter [tilespmem:s26], [sflag:$0x6], $0x80, $0x38;
	[tilespmem:$0x19E00] =	vst v63  }
0x20e: {  	s25 =	sadd.s32 $0x30, s14;
	s26 =	simm.s32 $0x11018  }
0x20f: {  	[hbm4b:s25+s3] =	stream.linear.scatter [tilespmem:s26], [sflag:$0x6], $0x80, $0x38;
	[tilespmem:$0x19E00] =	vst v63  }
0x210: {  	s25 =	sadd.s32 $0x40, s14;
	s26 =	simm.s32 $0x110A0  }
0x211: {  	[hbm4b:s25+s3] =	stream.linear.scatter [tilespmem:s26], [sflag:$0x6], $0x80, $0x38;
	[tilespmem:$0x19E00] =	vst v63  }
0x212: {  	s25 =	sadd.s32 $0x50, s14;
	s26 =	simm.s32 $0x11128  }
0x213: {  	[hbm4b:s25+s3] =	stream.linear.scatter [tilespmem:s26], [sflag:$0x6], $0x80, $0x38;
	[tilespmem:$0x19E00] =	vst v63  }
0x214: {  	s24 =	sadd.s32 $0x60, s14;
	s25 =	simm.s32 $0x111B0  }
0x215: {  	[hbm4b:s24+s3] =	stream.linear.scatter [tilespmem:s25], [sflag:$0x6], $0x80, $0x38;
	[tilespmem:$0x19E00] =	vst v63  }
0x216: {  	s14 =	sadd.s32 $0x70, s14;
	s26 =	simm.s32 $0x11238  }
0x217: {  	[hbm4b:s14+s3] =	stream.linear.scatter [tilespmem:s26], [sflag:$0x6], $0x80, $0x38;
	[tilespmem:$0x19E00] =	vst v63  }
0x218: {  	s24 =	simm.s32 $0x112C0;
	s14 =	sadd.s32 s7, s9  }
0x219: {  	[hbm4b:s14+s3] =	stream.linear.scatter [tilespmem:s24], [sflag:$0x6], $0x80, $0x38;
	[tilespmem:$0x19E00] =	vst v63  }
0x21a: {  	s26 =	simm.s32 $0x11348;
	s25 =	sadd.s32 $0x10, s14  }
0x21b: {  	[hbm4b:s25+s3] =	stream.linear.scatter [tilespmem:s26], [sflag:$0x6], $0x80, $0x38;
	[tilespmem:$0x19E00] =	vst v63  }
0x21c: {  	s25 =	sadd.s32 $0x20, s14;
	s26 =	simm.s32 $0x113D0  }
0x21d: {  	[hbm4b:s25+s3] =	stream.linear.scatter [tilespmem:s26], [sflag:$0x6], $0x80, $0x38;
	[tilespmem:$0x19E00] =	vst v63  }
0x21e: {  	s25 =	sadd.s32 $0x30, s14;
	s26 =	simm.s32 $0x11458  }
0x21f: {  	[hbm4b:s25+s3] =	stream.linear.scatter [tilespmem:s26], [sflag:$0x6], $0x80, $0x38;
	[tilespmem:$0x19E00] =	vst v63  }
0x220: {  	s25 =	sadd.s32 $0x40, s14;
	s26 =	simm.s32 $0x114E0  }
0x221: {  	[hbm4b:s25+s3] =	stream.linear.scatter [tilespmem:s26], [sflag:$0x6], $0x80, $0x38;
	[tilespmem:$0x19E00] =	vst v63  }
0x222: {  	s25 =	sadd.s32 $0x50, s14;
	s26 =	simm.s32 $0x11568  }
0x223: {  	[hbm4b:s25+s3] =	stream.linear.scatter [tilespmem:s26], [sflag:$0x6], $0x80, $0x38;
	[tilespmem:$0x19E00] =	vst v63  }
0x224: {  	s24 =	sadd.s32 $0x60, s14;
	s25 =	simm.s32 $0x115F0  }
0x225: {  	[hbm4b:s24+s3] =	stream.linear.scatter [tilespmem:s25], [sflag:$0x6], $0x80, $0x38;
	[tilespmem:$0x19E00] =	vst v63  }
0x226: {  	s14 =	sadd.s32 $0x70, s14;
	s26 =	simm.s32 $0x11678  }
0x227: {  	[hbm4b:s14+s3] =	stream.linear.scatter [tilespmem:s26], [sflag:$0x6], $0x80, $0x38;
	[tilespmem:$0x19E00] =	vst v63  }
0x228: {  	s24 =	simm.s32 $0x11700;
	s14 =	sadd.s32 s7, s10  }
0x229: {  	[hbm4b:s14+s3] =	stream.linear.scatter [tilespmem:s24], [sflag:$0x6], $0x80, $0x38;
	[tilespmem:$0x19E00] =	vst v63  }
0x22a: {  	s26 =	simm.s32 $0x11788;
	s25 =	sadd.s32 $0x10, s14  }
0x22b: {  	[hbm4b:s25+s3] =	stream.linear.scatter [tilespmem:s26], [sflag:$0x6], $0x80, $0x38;
	[tilespmem:$0x19E00] =	vst v63  }
0x22c: {  	s25 =	sadd.s32 $0x20, s14;
	s26 =	simm.s32 $0x11810  }
0x22d: {  	[hbm4b:s25+s3] =	stream.linear.scatter [tilespmem:s26], [sflag:$0x6], $0x80, $0x38;
	[tilespmem:$0x19E00] =	vst v63  }
0x22e: {  	s25 =	sadd.s32 $0x30, s14;
	s26 =	simm.s32 $0x11898  }
0x22f: {  	[hbm4b:s25+s3] =	stream.linear.scatter [tilespmem:s26], [sflag:$0x6], $0x80, $0x38;
	[tilespmem:$0x19E00] =	vst v63  }
0x230: {  	s25 =	sadd.s32 $0x40, s14;
	s26 =	simm.s32 $0x11920  }
0x231: {  	[hbm4b:s25+s3] =	stream.linear.scatter [tilespmem:s26], [sflag:$0x6], $0x80, $0x38;
	[tilespmem:$0x19E00] =	vst v63  }
0x232: {  	s25 =	sadd.s32 $0x50, s14;
	s26 =	simm.s32 $0x119A8  }
0x233: {  	[hbm4b:s25+s3] =	stream.linear.scatter [tilespmem:s26], [sflag:$0x6], $0x80, $0x38;
	[tilespmem:$0x19E00] =	vst v63  }
0x234: {  	s24 =	sadd.s32 $0x60, s14;
	s25 =	simm.s32 $0x11A30  }
0x235: {  	[hbm4b:s24+s3] =	stream.linear.scatter [tilespmem:s25], [sflag:$0x6], $0x80, $0x38;
	[tilespmem:$0x19E00] =	vst v63  }
0x236: {  	s14 =	sadd.s32 $0x70, s14;
	s26 =	simm.s32 $0x11AB8  }
0x237: {  	[hbm4b:s14+s3] =	stream.linear.scatter [tilespmem:s26], [sflag:$0x6], $0x80, $0x38;
	[tilespmem:$0x19E00] =	vst v63  }
0x238: {  	s24 =	simm.s32 $0x11B40;
	s14 =	sadd.s32 s7, s11  }
0x239: {  	[hbm4b:s14+s3] =	stream.linear.scatter [tilespmem:s24], [sflag:$0x6], $0x80, $0x38;
	[tilespmem:$0x19E00] =	vst v63  }
0x23a: {  	s26 =	simm.s32 $0x11BC8;
	s25 =	sadd.s32 $0x10, s14  }
0x23b: {  	[hbm4b:s25+s3] =	stream.linear.scatter [tilespmem:s26], [sflag:$0x6], $0x80, $0x38;
	[tilespmem:$0x19E00] =	vst v63  }
0x23c: {  	s25 =	sadd.s32 $0x20, s14;
	s26 =	simm.s32 $0x11C50  }
0x23d: {  	[hbm4b:s25+s3] =	stream.linear.scatter [tilespmem:s26], [sflag:$0x6], $0x80, $0x38;
	[tilespmem:$0x19E00] =	vst v63  }
0x23e: {  	s25 =	sadd.s32 $0x30, s14;
	s26 =	simm.s32 $0x11CD8  }
0x23f: {  	[hbm4b:s25+s3] =	stream.linear.scatter [tilespmem:s26], [sflag:$0x6], $0x80, $0x38;
	[tilespmem:$0x19E00] =	vst v63  }
0x240: {  	s25 =	sadd.s32 $0x40, s14;
	s26 =	simm.s32 $0x11D60  }
0x241: {  	[hbm4b:s25+s3] =	stream.linear.scatter [tilespmem:s26], [sflag:$0x6], $0x80, $0x38;
	[tilespmem:$0x19E00] =	vst v63  }
0x242: {  	s25 =	sadd.s32 $0x50, s14;
	s26 =	simm.s32 $0x11DE8  }
0x243: {  	[hbm4b:s25+s3] =	stream.linear.scatter [tilespmem:s26], [sflag:$0x6], $0x80, $0x38;
	[tilespmem:$0x19E00] =	vst v63  }
0x244: {  	s24 =	sadd.s32 $0x60, s14;
	s25 =	simm.s32 $0x11E70  }
0x245: {  	[hbm4b:s24+s3] =	stream.linear.scatter [tilespmem:s25], [sflag:$0x6], $0x80, $0x38;
	[tilespmem:$0x19E00] =	vst v63  }
0x246: {  	s14 =	sadd.s32 $0x70, s14;
	s26 =	simm.s32 $0x11EF8  }
0x247: {  	[hbm4b:s14+s3] =	stream.linear.scatter [tilespmem:s26], [sflag:$0x6], $0x80, $0x38;
	[tilespmem:$0x19E00] =	vst v63  }
0x248: {  	s24 =	simm.s32 $0x11F80;
	s14 =	sadd.s32 s7, s12  }
0x249: {  	[hbm4b:s14+s3] =	stream.linear.scatter [tilespmem:s24], [sflag:$0x6], $0x80, $0x38;
	[tilespmem:$0x19E00] =	vst v63  }
0x24a: {  	s26 =	simm.s32 $0x12008;
	s25 =	sadd.s32 $0x10, s14  }
0x24b: {  	[hbm4b:s25+s3] =	stream.linear.scatter [tilespmem:s26], [sflag:$0x6], $0x80, $0x38;
	[tilespmem:$0x19E00] =	vst v63  }
0x24c: {  	s25 =	sadd.s32 $0x20, s14;
	s26 =	simm.s32 $0x12090  }
0x24d: {  	[hbm4b:s25+s3] =	stream.linear.scatter [tilespmem:s26], [sflag:$0x6], $0x80, $0x38;
	[tilespmem:$0x19E00] =	vst v63  }
0x24e: {  	s25 =	sadd.s32 $0x30, s14;
	s26 =	simm.s32 $0x12118  }
0x24f: {  	[hbm4b:s25+s3] =	stream.linear.scatter [tilespmem:s26], [sflag:$0x6], $0x80, $0x38;
	[tilespmem:$0x19E00] =	vst v63  }
0x250: {  	s25 =	sadd.s32 $0x40, s14;
	s26 =	simm.s32 $0x121A0  }
0x251: {  	[hbm4b:s25+s3] =	stream.linear.scatter [tilespmem:s26], [sflag:$0x6], $0x80, $0x38;
	[tilespmem:$0x19E00] =	vst v63  }
0x252: {  	s25 =	sadd.s32 $0x50, s14;
	s26 =	simm.s32 $0x12228  }
0x253: {  	[hbm4b:s25+s3] =	stream.linear.scatter [tilespmem:s26], [sflag:$0x6], $0x80, $0x38;
	[tilespmem:$0x19E00] =	vst v63  }
0x254: {  	s24 =	sadd.s32 $0x60, s14;
	s25 =	simm.s32 $0x122B0  }
0x255: {  	[hbm4b:s24+s3] =	stream.linear.scatter [tilespmem:s25], [sflag:$0x6], $0x80, $0x38;
	[tilespmem:$0x19E00] =	vst v63  }
0x256: {  	s14 =	sadd.s32 $0x70, s14;
	s26 =	simm.s32 $0x12338  }
0x257: {  	[hbm4b:s14+s3] =	stream.linear.scatter [tilespmem:s26], [sflag:$0x6], $0x80, $0x38;
	[tilespmem:$0x19E00] =	vst v63  }
0x258: {  	s7 =	sadd.s32 s7, s13;
	s24 =	simm.s32 $0x123C0  }
0x259: {  	[hbm4b:s7+s3] =	stream.linear.scatter [tilespmem:s24], [sflag:$0x6], $0x80, $0x38;
	[tilespmem:$0x19E00] =	vst v63  }
0x25a: {  	s25 =	sadd.s32 $0x10, s7;
	s26 =	simm.s32 $0x12448  }
0x25b: {  	[hbm4b:s25+s3] =	stream.linear.scatter [tilespmem:s26], [sflag:$0x6], $0x80, $0x38;
	[tilespmem:$0x19E00] =	vst v63  }
0x25c: {  	s23 =	sadd.s32 $0x20, s7;
	s24 =	simm.s32 $0x124D0  }
0x25d: {  	[hbm4b:s23+s3] =	stream.linear.scatter [tilespmem:s24], [sflag:$0x6], $0x80, $0x38;
	[tilespmem:$0x19E00] =	vst v63  }
0x25e: {  	s25 =	sadd.s32 $0x30, s7;
	s26 =	simm.s32 $0x12558  }
0x25f: {  	[hbm4b:s25+s3] =	stream.linear.scatter [tilespmem:s26], [sflag:$0x6], $0x80, $0x38;
	[tilespmem:$0x19E00] =	vst v63  }
0x260: {  	s23 =	sadd.s32 $0x40, s7;
	s24 =	simm.s32 $0x125E0  }
0x261: {  	[hbm4b:s23+s3] =	stream.linear.scatter [tilespmem:s24], [sflag:$0x6], $0x80, $0x38;
	[tilespmem:$0x19E00] =	vst v63  }
0x262: {  	p1 =	sne.s32 s29, $0x0;
	s25 =	sadd.s32 $0x50, s7;
	s26 =	simm.s32 $0x12668  }
0x263: {  	[hbm4b:s25+s3] =	stream.linear.scatter [tilespmem:s26], [sflag:$0x6], $0x80, $0x38;
	[tilespmem:$0x19E00] =	vst v63  }
.Ltmp2:
0x264: {  	_ = 	snop;
	(pc) =	sbr.rel @!p1 .LBB2_7-.Ltmp2, $4  }
0x265: {  	s24 =	sadd.s32 $0x60, s7;
	s25 =	simm.s32 $0x126F0  }
0x266: {  	[hbm4b:s24+s3] =	stream.linear.scatter [tilespmem:s25], [sflag:$0x6], $0x80, $0x38;
	[tilespmem:$0x19E00] =	vst v63  }
0x267: {  	s7 =	sadd.s32 $0x70, s7;
	s26 =	simm.s32 $0x12778  }
0x268: {  	[hbm4b:s7+s3] =	stream.linear.scatter [tilespmem:s26], [sflag:$0x6], $0x80, $0x38;
	[tilespmem:$0x19E00] =	vst v63  }
0x269: {  	s7 =	simm.s32 $0x7  }
0x26a: {  	_ =	swait.ge [sflag:s7], $0x2000  }
.Ltmp3:
0x26b: {  	[sflag:s7] =	ssyncset.done $0x0;
	(pc) =	sbr.rel @p0 .LBB2_10-.Ltmp3, $4  }
.Ltmp4:
0x26c: {  	[sflag:s7] =	ssyncadd.s32 $0xFFFFE000;
	(pc) =	sbr.rel @!p0 .LBB2_9-.Ltmp4, $4  }
0x26d: {  	_ =	swait.ge [sflag:s31], $0x2000  }
0x26e: {  	[sflag:s31] =	ssyncset.done $0x0  }
0x26f: {  	[sflag:s31] =	ssyncadd.s32 $0xFFFFE000  }
0x270: {  	_ = 	snop  }
.LBB2_7:
0x271: {  	_ =	swait.ge [sflag:s31], $0x2000  }
0x272: {  	[sflag:s31] =	ssyncset.done $0x0  }
0x273: {  	[sflag:s31] =	ssyncadd.s32 $0xFFFFE000  }
.LBB2_9:
0x274: {  	s7 =	sshll.u32 s1, $0x7  }
0x275: {  	s7 =	sadd.s32 $0x280, s7  }
0x276: {  	s14 =	simm.s32 $0x8400;
	s7 =	sand.u32 $0xFE80, s7  }
0x277: {  	[tilespmem:s14], [sflag:$0x2] =	stream.indirect.gather [hbm4b:s5+s16], $0x40, s7, s16, $0xb8;
	[tilespmem:$0x19E00] =	vst v63  }
.LBB2_10:
0x278: {  	s14 =	sor.u32 $0x2, s1  }
0x279: {  	s25 =	simm.s32 $0xA480;
	s7 =	sshll.u32 s14, $0x6  }
0x27a: {  	s23 =	simm.s32 $0x3;
	v7 =	vld [tilespmem:s25+$0x40];
	s7 =	sand.u32 $0x3FFFFFC0, s7  }
0x27b: {  	v4 =	vmov s23;
	v9 =	vld [tilespmem:s7+$0x16C00]  }
0x27c: {  	v13 =	vand.u32 $0x7F, v4  }
0x27d: {  	s24 =	simm.s32 $0x0;
	v10 =	vld [tilespmem:s25+$0xFFFFFF80];
	v8 =	vadd.s32 v0, v13  }
0x27e: {  	s26 =	simm.s32 $0x1;
	v11 =	vld [tilespmem:s25+$0xFFFFFFC0];
	v4 =	vmov s24;
	s24 =	simm.s32 $0x2  }
0x27f: {  	v16 =	vld [tilespmem:s25+$0x0];
	v12 =	vand.u32 $0x7C, v4;
	v4 =	vmov s26;
	v14 =	vmov s24  }
0x280: {  	v6 =	vld [tilespmem:s7+$0x16C10];
	v15 =	vadd.s32 v0, v12;
	v19 =	vand.u32 $0x7D, v4;
	v7 =	vadd.f32 v7, v9  }
0x281: {  	v5 =	vld [tilespmem:s7+$0x16C20];
	v20 =	vand.u32 $0x7E, v14;
	v17 =	vadd.s32 v0, v19  }
0x282: {  	v4 =	vld [tilespmem:s7+$0x16C30];
	v14 =	vadd.s32 v0, v20;
	[tilespmem:v8+s0+$0x0] =	vst.idx.msk $0xffff, v7  }
0x283: {  	v7 =	vadd.f32 v10, v9;
	v8 =	vld [tilespmem:s25+$0x50]  }
0x284: {  	v10 =	vadd.f32 v11, v9  }
0x285: {  	v11 =	vadd.s32 v1, v13;
	[tilespmem:v15+s0+$0x0] =	vst.idx.msk $0xffff, v7;
	v7 =	vadd.f32 v16, v9  }
0x286: {  	[tilespmem:v17+s0+$0x0] =	vst.idx.msk $0xffff, v10;
	v15 =	vld [tilespmem:s25+$0xFFFFFF90]  }
0x287: {  	v10 =	vld [tilespmem:s25+$0xFFFFFFD0];
	[tilespmem:v14+s0+$0x0] =	vst.idx.msk $0xffff, v7  }
0x288: {  	v14 =	vld [tilespmem:s25+$0x10];
	v7 =	vadd.f32 v8, v6  }
0x289: {  	s26 =	simm.s32 $0x7;
	s7 =	simm.s32 $0xA580;
	v16 =	vadd.s32 v1, v19  }
0x28a: {  	s24 =	simm.s32 $0x4;
	v26 =	vadd.s32 v2, v13;
	v18 =	vld [tilespmem:s7+$0x40];
	v17 =	vadd.s32 v1, v20;
	[tilespmem:v11+s0+$0x0] =	vst.idx.msk $0xffff, v7;
	v7 =	vmov s26  }
0x28b: {  	v21 =	vadd.s32 v1, v12;
	v8 =	vmov s24;
	v7 =	vand.u32 $0x7F, v7;
	v22 =	vld [tilespmem:s25+$0x60]  }
0x28c: {  	v23 =	vld [tilespmem:s7+$0xFFFFFF80];
	s24 =	simm.s32 $0x5;
	v8 =	vand.u32 $0x7C, v8;
	v10 =	vadd.f32 v10, v6;
	v24 =	vadd.s32 v0, v7  }
0x28d: {  	v25 =	vld [tilespmem:s7+$0xFFFFFFC0];
	v15 =	vadd.f32 v15, v6;
	s26 =	simm.s32 $0x6;
	v11 =	vadd.f32 v14, v6;
	v14 =	vmov s24  }
0x28e: {  	v27 =	vadd.s32 v0, v8;
	[tilespmem:v16+s0+$0x0] =	vst.idx.msk $0xffff, v10;
	v16 =	vmov s26;
	v10 =	vand.u32 $0x7D, v14;
	v14 =	vld [tilespmem:s7+$0x0]  }
0x28f: {  	[tilespmem:v17+s0+$0x0] =	vst.idx.msk $0xffff, v11;
	v17 =	vadd.s32 v0, v10;
	v11 =	vand.u32 $0x7E, v16;
	v16 =	vadd.f32 v18, v9;
	v18 =	vld [tilespmem:s25+$0xFFFFFFE0]  }
0x290: {  	[tilespmem:v21+s0+$0x0] =	vst.idx.msk $0xffff, v15;
	v15 =	vadd.s32 v0, v11;
	v21 =	vld [tilespmem:s25+$0x20];
	v22 =	vadd.f32 v22, v5  }
0x291: {  	v23 =	vadd.f32 v23, v9;
	[tilespmem:v24+s0+$0x0] =	vst.idx.msk $0xffff, v16;
	v16 =	vld [tilespmem:s25+$0xFFFFFFA0];
	v24 =	vadd.s32 v2, v19  }
0x292: {  	v29 =	vadd.s32 v2, v20;
	v25 =	vadd.f32 v25, v9;
	v28 =	vld [tilespmem:s7+$0x50];
	[tilespmem:v26+s0+$0x0] =	vst.idx.msk $0xffff, v22  }
0x293: {  	[tilespmem:v27+s0+$0x0] =	vst.idx.msk $0xffff, v23;
	v23 =	vadd.s32 v2, v12;
	v14 =	vadd.f32 v14, v9;
	v26 =	vld [tilespmem:s25+$0x70]  }
0x294: {  	v27 =	vld [tilespmem:s7+$0xFFFFFF90];
	[tilespmem:v17+s0+$0x0] =	vst.idx.msk $0xffff, v25;
	v25 =	vadd.s32 v1, v7;
	v18 =	vadd.f32 v18, v5  }
0x295: {  	v31 =	vadd.s32 v3, v13;
	v30 =	vld [tilespmem:s7+$0xFFFFFFD0];
	[tilespmem:v15+s0+$0x0] =	vst.idx.msk $0xffff, v14;
	v14 =	vadd.f32 v21, v5  }
0x296: {  	v22 =	vadd.s32 v1, v8;
	v17 =	vld [tilespmem:s7+$0x10];
	v13 =	vadd.f32 v16, v5;
	[tilespmem:v24+s0+$0x0] =	vst.idx.msk $0xffff, v18  }
0x297: {  	s24 =	simm.s32 $0x8;
	v21 =	vadd.s32 v1, v10;
	[tilespmem:v29+s0+$0x0] =	vst.idx.msk $0xffff, v14;
	v18 =	vadd.f32 v28, v6;
	v16 =	vld [tilespmem:s25+$0xFFFFFFF0]  }
0x298: {  	v24 =	vmov s24;
	v14 =	vadd.s32 v1, v11;
	v15 =	vld [tilespmem:s25+$0x30];
	[tilespmem:v23+s0+$0x0] =	vst.idx.msk $0xffff, v13;
	v63 =	vadd.f32 v26, v4  }
0x299: {  	s23 =	simm.s32 $0xA680;
	s26 =	simm.s32 $0xB;
	v19 =	vadd.s32 v3, v19;
	v13 =	vand.u32 $0x7C, v24;
	v24 =	vadd.f32 v27, v6;
	[tilespmem:v25+s0+$0x0] =	vst.idx.msk $0xffff, v18;
	v18 =	vld [tilespmem:s25+$0xFFFFFFB0]  }
0x29a: {  	v20 =	vadd.s32 v3, v20;
	v26 =	vmov s26;
	v23 =	vld [tilespmem:s23+$0x40];
	s25 =	simm.s32 $0xC;
	v25 =	vadd.f32 v30, v6;
	[tilespmem:v31+s0+$0x0] =	vst.idx.msk $0xffff, v63  }
.LBB2_11:
0x29b: {  	p2 =	slt.u32 s25, $0x7C;
	s26 =	sadd.s32 $0x1, s24;
	v26 =	vand.u32 $0x7F, v26;
	[tilespmem:v22+s0+$0x0] =	vst.idx.msk $0xffff, v24;
	v17 =	vadd.f32 v17, v6;
	v22 =	vld [tilespmem:s7+$0x60];
	v24 =	vadd.s32 v3, v12  }
0x29c: {  	v30 =	vmovc v11;
	v27 =	vld [tilespmem:s23+$0xFFFFFF80];
	v28 =	vmov s26;
	s26 =	sadd.s32 $0x2, s24;
	v29 =	vadd.s32 v0, v26;
	[tilespmem:v21+s0+$0x0] =	vst.idx.msk $0xffff, v25;
	v16 =	vadd.f32 v16, v4;
	s24 =	smov.u32 s25  }
0x29d: {  	v12 =	vmovc v8;
	v21 =	vld [tilespmem:s23+$0xFFFFFFC0];
	v11 =	vmov s26;
	[tilespmem:v14+s0+$0x0] =	vst.idx.msk $0xffff, v17;
	v14 =	vadd.s32 v2, v7;
	v15 =	vadd.f32 v15, v4  }
0x29e: {  	v17 =	vadd.s32 v0, v13;
	v28 =	vand.u32 $0x7D, v28;
	v25 =	vld [tilespmem:s23+$0x0];
	v31 =	vadd.f32 v18, v4;
	[tilespmem:v19+s0+$0x0] =	vst.idx.msk $0xffff, v16  }
0x29f: {  	v16 =	vadd.s32 v0, v28;
	v11 =	vand.u32 $0x7E, v11;
	v18 =	vadd.f32 v23, v9;
	v19 =	vld [tilespmem:s7+$0xFFFFFFE0];
	[tilespmem:v20+s0+$0x0] =	vst.idx.msk $0xffff, v15  }
0x2a0: {  	v8 =	vmov v13;
	v15 =	vadd.s32 v0, v11;
	v20 =	vld [tilespmem:s7+$0x20];
	v22 =	vadd.f32 v22, v5;
	[tilespmem:v24+s0+$0x0] =	vst.idx.msk $0xffff, v31  }
0x2a1: {  	v23 =	vadd.s32 v2, v10;
	v13 =	vadd.f32 v27, v9;
	[tilespmem:v29+s0+$0x0] =	vst.idx.msk $0xffff, v18;
	v18 =	vld [tilespmem:s7+$0xFFFFFFA0]  }
0x2a2: {  	v27 =	vadd.s32 v2, v30;
	v21 =	vadd.f32 v21, v9;
	v24 =	vld [tilespmem:s23+$0x50];
	[tilespmem:v14+s0+$0x0] =	vst.idx.msk $0xffff, v22  }
0x2a3: {  	[tilespmem:v17+s0+$0x0] =	vst.idx.msk $0xffff, v13;
	v13 =	vadd.f32 v25, v9;
	v25 =	vadd.s32 v2, v12;
	v29 =	vld [tilespmem:s7+$0x70]  }
0x2a4: {  	v32 =	vadd.s32 v1, v26;
	v31 =	vld [tilespmem:s23+$0xFFFFFF90];
	[tilespmem:v16+s0+$0x0] =	vst.idx.msk $0xffff, v21;
	v14 =	vadd.f32 v19, v5  }
0x2a5: {  	v34 =	vadd.s32 v3, v7;
	v7 =	vmov v26;
	v33 =	vld [tilespmem:s23+$0xFFFFFFD0];
	[tilespmem:v15+s0+$0x0] =	vst.idx.msk $0xffff, v13;
	v13 =	vadd.f32 v20, v5  }
.Ltmp5:
0x2a6: {  	v22 =	vadd.s32 v1, v8;
	v17 =	vld [tilespmem:s23+$0x10];
	v15 =	vadd.f32 v18, v5;
	[tilespmem:v23+s0+$0x0] =	vst.idx.msk $0xffff, v14;
	(pc) =	sbr.rel @p2 .LBB2_11-.Ltmp5, $4  }
0x2a7: {  	v21 =	vadd.s32 v1, v28;
	v18 =	vadd.f32 v24, v6;
	v16 =	vld [tilespmem:s7+$0xFFFFFFF0];
	[tilespmem:v27+s0+$0x0] =	vst.idx.msk $0xffff, v13  }
0x2a8: {  	v14 =	vadd.s32 v1, v11;
	v13 =	vmov s25;
	[tilespmem:v25+s0+$0x0] =	vst.idx.msk $0xffff, v15;
	v15 =	vld [tilespmem:s7+$0x30];
	v27 =	vadd.f32 v29, v4  }
0x2a9: {  	s26 =	sadd.s32 $0x3, s25;
	v19 =	vadd.s32 v3, v10;
	v13 =	vand.u32 $0x7C, v13;
	v24 =	vadd.f32 v31, v6;
	[tilespmem:v32+s0+$0x0] =	vst.idx.msk $0xffff, v18;
	v18 =	vld [tilespmem:s7+$0xFFFFFFB0];
	s7 =	smov.u32 s23;
	s23 =	sadd.s32 $0x100, s23  }
0x2aa: {  	v26 =	vmov s26;
	v10 =	vmovc v28;
	v20 =	vadd.s32 v3, v30;
	s25 =	sadd.s32 $0x4, s25;
	v23 =	vld [tilespmem:s23+$0x40];
	v25 =	vadd.f32 v33, v6;
	[tilespmem:v34+s0+$0x0] =	vst.idx.msk $0xffff, v27  }
0x2ab: {  	s25 =	sadd.s32 $0x1, s24  }
0x2ac: {  	v26 =	vand.u32 $0x7F, v26;
	s26 =	sadd.s32 $0x2, s24;
	v28 =	vld [tilespmem:s23+$0xFFFFFFC0];
	v27 =	vmov s25  }
0x2ad: {  	v31 =	vld [tilespmem:s23+$0x0];
	v29 =	vmov s26;
	v30 =	vadd.s32 v0, v26;
	v27 =	vand.u32 $0x7D, v27  }
0x2ae: {  	v32 =	vld [tilespmem:s23+$0xFFFFFF80];
	v29 =	vand.u32 $0x7E, v29;
	v33 =	vadd.s32 v0, v27  }
0x2af: {  	v34 =	vadd.s32 v0, v29  }
0x2b0: {  	[tilespmem:v22+s0+$0x0] =	vst.idx.msk $0xffff, v24;
	v44 =	vadd.s32 v0, v13;
	v23 =	vadd.f32 v23, v9  }
0x2b1: {  	[tilespmem:v21+s0+$0x0] =	vst.idx.msk $0xffff, v25;
	v45 =	vadd.f32 v28, v9  }
0x2b2: {  	v46 =	vadd.f32 v31, v9;
	[tilespmem:v30+s0+$0x0] =	vst.idx.msk $0xffff, v23  }
0x2b3: {  	v47 =	vadd.f32 v32, v9;
	v48 =	vld [tilespmem:s23+$0x50];
	[tilespmem:v33+s0+$0x0] =	vst.idx.msk $0xffff, v45  }
0x2b4: {  	v17 =	vadd.f32 v17, v6;
	v12 =	vadd.s32 v3, v12;
	[tilespmem:v34+s0+$0x0] =	vst.idx.msk $0xffff, v46;
	v21 =	vld [tilespmem:s23+$0xFFFFFFD0]  }
0x2b5: {  	v16 =	vadd.f32 v16, v4;
	v49 =	vadd.s32 v1, v26;
	[tilespmem:v44+s0+$0x0] =	vst.idx.msk $0xffff, v47;
	v50 =	vld [tilespmem:s23+$0x10]  }
0x2b6: {  	[tilespmem:v14+s0+$0x0] =	vst.idx.msk $0xffff, v17;
	v51 =	vadd.f32 v15, v4;
	v53 =	vadd.s32 v1, v27;
	v52 =	vld [tilespmem:s23+$0xFFFFFF90]  }
0x2b7: {  	v54 =	vld [tilespmem:s7+$0x60];
	v18 =	vadd.f32 v18, v4;
	[tilespmem:v19+s0+$0x0] =	vst.idx.msk $0xffff, v16;
	v55 =	vadd.s32 v1, v29  }
0x2b8: {  	v57 =	vadd.s32 v1, v13;
	v60 =	vld [tilespmem:s7+$0x20];
	[tilespmem:v20+s0+$0x0] =	vst.idx.msk $0xffff, v51;
	v58 =	vadd.f32 v48, v6  }
0x2b9: {  	v59 =	vadd.s32 v2, v7;
	v56 =	vld [tilespmem:s7+$0xFFFFFFE0];
	[tilespmem:v12+s0+$0x0] =	vst.idx.msk $0xffff, v18;
	v61 =	vadd.f32 v21, v6  }
0x2ba: {  	v62 =	vld [tilespmem:s7+$0xFFFFFFA0];
	v30 =	vadd.s32 v2, v11;
	[tilespmem:v49+s0+$0x0] =	vst.idx.msk $0xffff, v58;
	v28 =	vadd.f32 v50, v6  }
0x2bb: {  	v63 =	vadd.s32 v2, v10;
	v31 =	vadd.f32 v52, v6;
	v32 =	vld [tilespmem:s23+$0x60];
	[tilespmem:v53+s0+$0x0] =	vst.idx.msk $0xffff, v61  }
0x2bc: {  	v33 =	vadd.f32 v54, v5;
	v34 =	vadd.s32 v2, v8;
	[tilespmem:v55+s0+$0x0] =	vst.idx.msk $0xffff, v28;
	v35 =	vld [tilespmem:s23+$0xFFFFFFE0]  }
0x2bd: {  	v37 =	vadd.s32 v2, v26;
	v39 =	vadd.f32 v60, v5;
	[tilespmem:v57+s0+$0x0] =	vst.idx.msk $0xffff, v31;
	v38 =	vld [tilespmem:s23+$0x20]  }
0x2be: {  	v41 =	vadd.s32 v2, v27;
	v36 =	vadd.f32 v56, v5;
	[tilespmem:v59+s0+$0x0] =	vst.idx.msk $0xffff, v33;
	v40 =	vld [tilespmem:s23+$0xFFFFFFA0]  }
0x2bf: {  	v43 =	vadd.s32 v2, v29;
	v18 =	vadd.f32 v62, v5;
	v42 =	vld [tilespmem:s7+$0x70];
	[tilespmem:v30+s0+$0x0] =	vst.idx.msk $0xffff, v39  }
0x2c0: {  	v45 =	vadd.s32 v2, v13;
	[tilespmem:v63+s0+$0x0] =	vst.idx.msk $0xffff, v36;
	v47 =	vld [tilespmem:s7+$0x30];
	v44 =	vadd.f32 v32, v5  }
0x2c1: {  	v46 =	vadd.s32 v3, v7;
	[tilespmem:v34+s0+$0x0] =	vst.idx.msk $0xffff, v18;
	v21 =	vld [tilespmem:s7+$0xFFFFFFF0];
	v9 =	vadd.f32 v35, v5  }
0x2c2: {  	v18 =	vld [tilespmem:s7+$0xFFFFFFB0];
	v50 =	vadd.s32 v3, v11;
	[tilespmem:v37+s0+$0x0] =	vst.idx.msk $0xffff, v44;
	v49 =	vadd.f32 v38, v5  }
0x2c3: {  	v48 =	vadd.s32 v3, v10;
	v5 =	vadd.f32 v40, v5;
	v12 =	vld [tilespmem:s23+$0x70];
	[tilespmem:v41+s0+$0x0] =	vst.idx.msk $0xffff, v9  }
0x2c4: {  	v52 =	vadd.s32 v3, v8;
	v51 =	vadd.f32 v42, v4;
	[tilespmem:v43+s0+$0x0] =	vst.idx.msk $0xffff, v49;
	v53 =	vld [tilespmem:s23+$0xFFFFFFF0]  }
0x2c5: {  	v55 =	vadd.s32 v3, v26;
	v56 =	vadd.f32 v47, v4;
	[tilespmem:v45+s0+$0x0] =	vst.idx.msk $0xffff, v5;
	v5 =	vld [tilespmem:s23+$0x30]  }
0x2c6: {  	v58 =	vadd.s32 v3, v27;
	[tilespmem:v46+s0+$0x0] =	vst.idx.msk $0xffff, v51;
	v54 =	vadd.f32 v21, v4;
	v57 =	vld [tilespmem:s23+$0xFFFFFFB0]  }
0x2c7: {  	v60 =	vadd.s32 v3, v29;
	v59 =	vadd.f32 v18, v4;
	[tilespmem:v50+s0+$0x0] =	vst.idx.msk $0xffff, v56  }
0x2c8: {  	v62 =	vadd.s32 v3, v13;
	[tilespmem:v48+s0+$0x0] =	vst.idx.msk $0xffff, v54;
	v61 =	vadd.f32 v12, v4  }
0x2c9: {  	[tilespmem:v52+s0+$0x0] =	vst.idx.msk $0xffff, v59;
	v63 =	vadd.f32 v53, v4  }
0x2ca: {  	s24 =	sshll.u32 s14, $0x12;
	[tilespmem:v55+s0+$0x0] =	vst.idx.msk $0xffff, v61;
	v5 =	vadd.f32 v5, v4  }
0x2cb: {  	s7 =	sor.u32 s4, s24;
	v4 =	vadd.f32 v57, v4;
	[tilespmem:v58+s0+$0x0] =	vst.idx.msk $0xffff, v63  }
0x2cc: {  	s7 =	sshrl.u32 s7, $0x3;
	[tilespmem:v60+s0+$0x0] =	vst.idx.msk $0xffff, v5  }
0x2cd: {  	s14 =	sadd.s32 s2, s7;
	[tilespmem:v62+s0+$0x0] =	vst.idx.msk $0xffff, v4  }
0x2ce: {  	[hbm4b:s14+s3] =	stream.linear.scatter [tilespmem:s0], [sflag:$0x7], $0x80, $0x38;
	[tilespmem:$0x19E00] =	vst v63  }
0x2cf: {  	s26 =	simm.s32 $0x12888;
	s25 =	sadd.s32 $0x10, s14  }
0x2d0: {  	[hbm4b:s25+s3] =	stream.linear.scatter [tilespmem:s26], [sflag:$0x7], $0x80, $0x38;
	[tilespmem:$0x19E00] =	vst v63  }
0x2d1: {  	s25 =	sadd.s32 $0x20, s14;
	s26 =	simm.s32 $0x12910  }
0x2d2: {  	[hbm4b:s25+s3] =	stream.linear.scatter [tilespmem:s26], [sflag:$0x7], $0x80, $0x38;
	[tilespmem:$0x19E00] =	vst v63  }
0x2d3: {  	s25 =	sadd.s32 $0x30, s14;
	s26 =	simm.s32 $0x12998  }
0x2d4: {  	[hbm4b:s25+s3] =	stream.linear.scatter [tilespmem:s26], [sflag:$0x7], $0x80, $0x38;
	[tilespmem:$0x19E00] =	vst v63  }
0x2d5: {  	s25 =	sadd.s32 $0x40, s14;
	s26 =	simm.s32 $0x12A20  }
0x2d6: {  	[hbm4b:s25+s3] =	stream.linear.scatter [tilespmem:s26], [sflag:$0x7], $0x80, $0x38;
	[tilespmem:$0x19E00] =	vst v63  }
0x2d7: {  	s25 =	sadd.s32 $0x50, s14;
	s26 =	simm.s32 $0x12AA8  }
0x2d8: {  	[hbm4b:s25+s3] =	stream.linear.scatter [tilespmem:s26], [sflag:$0x7], $0x80, $0x38;
	[tilespmem:$0x19E00] =	vst v63  }
0x2d9: {  	s24 =	sadd.s32 $0x60, s14;
	s25 =	simm.s32 $0x12B30  }
0x2da: {  	[hbm4b:s24+s3] =	stream.linear.scatter [tilespmem:s25], [sflag:$0x7], $0x80, $0x38;
	[tilespmem:$0x19E00] =	vst v63  }
0x2db: {  	s14 =	sadd.s32 $0x70, s14;
	s26 =	simm.s32 $0x12BB8  }
0x2dc: {  	[hbm4b:s14+s3] =	stream.linear.scatter [tilespmem:s26], [sflag:$0x7], $0x80, $0x38;
	[tilespmem:$0x19E00] =	vst v63  }
0x2dd: {  	s24 =	simm.s32 $0x12C40;
	s14 =	sadd.s32 s7, s6  }
0x2de: {  	[hbm4b:s14+s3] =	stream.linear.scatter [tilespmem:s24], [sflag:$0x7], $0x80, $0x38;
	[tilespmem:$0x19E00] =	vst v63  }
0x2df: {  	s26 =	simm.s32 $0x12CC8;
	s25 =	sadd.s32 $0x10, s14  }
0x2e0: {  	[hbm4b:s25+s3] =	stream.linear.scatter [tilespmem:s26], [sflag:$0x7], $0x80, $0x38;
	[tilespmem:$0x19E00] =	vst v63  }
0x2e1: {  	s25 =	sadd.s32 $0x20, s14;
	s26 =	simm.s32 $0x12D50  }
0x2e2: {  	[hbm4b:s25+s3] =	stream.linear.scatter [tilespmem:s26], [sflag:$0x7], $0x80, $0x38;
	[tilespmem:$0x19E00] =	vst v63  }
0x2e3: {  	s25 =	sadd.s32 $0x30, s14;
	s26 =	simm.s32 $0x12DD8  }
0x2e4: {  	[hbm4b:s25+s3] =	stream.linear.scatter [tilespmem:s26], [sflag:$0x7], $0x80, $0x38;
	[tilespmem:$0x19E00] =	vst v63  }
0x2e5: {  	s25 =	sadd.s32 $0x40, s14;
	s26 =	simm.s32 $0x12E60  }
0x2e6: {  	[hbm4b:s25+s3] =	stream.linear.scatter [tilespmem:s26], [sflag:$0x7], $0x80, $0x38;
	[tilespmem:$0x19E00] =	vst v63  }
0x2e7: {  	s25 =	sadd.s32 $0x50, s14;
	s26 =	simm.s32 $0x12EE8  }
0x2e8: {  	[hbm4b:s25+s3] =	stream.linear.scatter [tilespmem:s26], [sflag:$0x7], $0x80, $0x38;
	[tilespmem:$0x19E00] =	vst v63  }
0x2e9: {  	s24 =	sadd.s32 $0x60, s14;
	s25 =	simm.s32 $0x12F70  }
0x2ea: {  	[hbm4b:s24+s3] =	stream.linear.scatter [tilespmem:s25], [sflag:$0x7], $0x80, $0x38;
	[tilespmem:$0x19E00] =	vst v63  }
0x2eb: {  	s14 =	sadd.s32 $0x70, s14;
	s26 =	simm.s32 $0x12FF8  }
0x2ec: {  	[hbm4b:s14+s3] =	stream.linear.scatter [tilespmem:s26], [sflag:$0x7], $0x80, $0x38;
	[tilespmem:$0x19E00] =	vst v63  }
0x2ed: {  	s24 =	simm.s32 $0x13080;
	s14 =	sadd.s32 s7, s8  }
0x2ee: {  	[hbm4b:s14+s3] =	stream.linear.scatter [tilespmem:s24], [sflag:$0x7], $0x80, $0x38;
	[tilespmem:$0x19E00] =	vst v63  }
0x2ef: {  	s26 =	simm.s32 $0x13108;
	s25 =	sadd.s32 $0x10, s14  }
0x2f0: {  	[hbm4b:s25+s3] =	stream.linear.scatter [tilespmem:s26], [sflag:$0x7], $0x80, $0x38;
	[tilespmem:$0x19E00] =	vst v63  }
0x2f1: {  	s25 =	sadd.s32 $0x20, s14;
	s26 =	simm.s32 $0x13190  }
0x2f2: {  	[hbm4b:s25+s3] =	stream.linear.scatter [tilespmem:s26], [sflag:$0x7], $0x80, $0x38;
	[tilespmem:$0x19E00] =	vst v63  }
0x2f3: {  	s25 =	sadd.s32 $0x30, s14;
	s26 =	simm.s32 $0x13218  }
0x2f4: {  	[hbm4b:s25+s3] =	stream.linear.scatter [tilespmem:s26], [sflag:$0x7], $0x80, $0x38;
	[tilespmem:$0x19E00] =	vst v63  }
0x2f5: {  	s25 =	sadd.s32 $0x40, s14;
	s26 =	simm.s32 $0x132A0  }
0x2f6: {  	[hbm4b:s25+s3] =	stream.linear.scatter [tilespmem:s26], [sflag:$0x7], $0x80, $0x38;
	[tilespmem:$0x19E00] =	vst v63  }
0x2f7: {  	s25 =	sadd.s32 $0x50, s14;
	s26 =	simm.s32 $0x13328  }
0x2f8: {  	[hbm4b:s25+s3] =	stream.linear.scatter [tilespmem:s26], [sflag:$0x7], $0x80, $0x38;
	[tilespmem:$0x19E00] =	vst v63  }
0x2f9: {  	s24 =	sadd.s32 $0x60, s14;
	s25 =	simm.s32 $0x133B0  }
0x2fa: {  	[hbm4b:s24+s3] =	stream.linear.scatter [tilespmem:s25], [sflag:$0x7], $0x80, $0x38;
	[tilespmem:$0x19E00] =	vst v63  }
0x2fb: {  	s14 =	sadd.s32 $0x70, s14;
	s26 =	simm.s32 $0x13438  }
0x2fc: {  	[hbm4b:s14+s3] =	stream.linear.scatter [tilespmem:s26], [sflag:$0x7], $0x80, $0x38;
	[tilespmem:$0x19E00] =	vst v63  }
0x2fd: {  	s24 =	simm.s32 $0x134C0;
	s14 =	sadd.s32 s7, s9  }
0x2fe: {  	[hbm4b:s14+s3] =	stream.linear.scatter [tilespmem:s24], [sflag:$0x7], $0x80, $0x38;
	[tilespmem:$0x19E00] =	vst v63  }
0x2ff: {  	s26 =	simm.s32 $0x13548;
	s25 =	sadd.s32 $0x10, s14  }
0x300: {  	[hbm4b:s25+s3] =	stream.linear.scatter [tilespmem:s26], [sflag:$0x7], $0x80, $0x38;
	[tilespmem:$0x19E00] =	vst v63  }
0x301: {  	s25 =	sadd.s32 $0x20, s14;
	s26 =	simm.s32 $0x135D0  }
0x302: {  	[hbm4b:s25+s3] =	stream.linear.scatter [tilespmem:s26], [sflag:$0x7], $0x80, $0x38;
	[tilespmem:$0x19E00] =	vst v63  }
0x303: {  	s25 =	sadd.s32 $0x30, s14;
	s26 =	simm.s32 $0x13658  }
0x304: {  	[hbm4b:s25+s3] =	stream.linear.scatter [tilespmem:s26], [sflag:$0x7], $0x80, $0x38;
	[tilespmem:$0x19E00] =	vst v63  }
0x305: {  	s25 =	sadd.s32 $0x40, s14;
	s26 =	simm.s32 $0x136E0  }
0x306: {  	[hbm4b:s25+s3] =	stream.linear.scatter [tilespmem:s26], [sflag:$0x7], $0x80, $0x38;
	[tilespmem:$0x19E00] =	vst v63  }
0x307: {  	s25 =	sadd.s32 $0x50, s14;
	s26 =	simm.s32 $0x13768  }
0x308: {  	[hbm4b:s25+s3] =	stream.linear.scatter [tilespmem:s26], [sflag:$0x7], $0x80, $0x38;
	[tilespmem:$0x19E00] =	vst v63  }
0x309: {  	s24 =	sadd.s32 $0x60, s14;
	s25 =	simm.s32 $0x137F0  }
0x30a: {  	[hbm4b:s24+s3] =	stream.linear.scatter [tilespmem:s25], [sflag:$0x7], $0x80, $0x38;
	[tilespmem:$0x19E00] =	vst v63  }
0x30b: {  	s14 =	sadd.s32 $0x70, s14;
	s26 =	simm.s32 $0x13878  }
0x30c: {  	[hbm4b:s14+s3] =	stream.linear.scatter [tilespmem:s26], [sflag:$0x7], $0x80, $0x38;
	[tilespmem:$0x19E00] =	vst v63  }
0x30d: {  	s24 =	simm.s32 $0x13900;
	s14 =	sadd.s32 s7, s10  }
0x30e: {  	[hbm4b:s14+s3] =	stream.linear.scatter [tilespmem:s24], [sflag:$0x7], $0x80, $0x38;
	[tilespmem:$0x19E00] =	vst v63  }
0x30f: {  	s26 =	simm.s32 $0x13988;
	s25 =	sadd.s32 $0x10, s14  }
0x310: {  	[hbm4b:s25+s3] =	stream.linear.scatter [tilespmem:s26], [sflag:$0x7], $0x80, $0x38;
	[tilespmem:$0x19E00] =	vst v63  }
0x311: {  	s25 =	sadd.s32 $0x20, s14;
	s26 =	simm.s32 $0x13A10  }
0x312: {  	[hbm4b:s25+s3] =	stream.linear.scatter [tilespmem:s26], [sflag:$0x7], $0x80, $0x38;
	[tilespmem:$0x19E00] =	vst v63  }
0x313: {  	s25 =	sadd.s32 $0x30, s14;
	s26 =	simm.s32 $0x13A98  }
0x314: {  	[hbm4b:s25+s3] =	stream.linear.scatter [tilespmem:s26], [sflag:$0x7], $0x80, $0x38;
	[tilespmem:$0x19E00] =	vst v63  }
0x315: {  	s25 =	sadd.s32 $0x40, s14;
	s26 =	simm.s32 $0x13B20  }
0x316: {  	[hbm4b:s25+s3] =	stream.linear.scatter [tilespmem:s26], [sflag:$0x7], $0x80, $0x38;
	[tilespmem:$0x19E00] =	vst v63  }
0x317: {  	s25 =	sadd.s32 $0x50, s14;
	s26 =	simm.s32 $0x13BA8  }
0x318: {  	[hbm4b:s25+s3] =	stream.linear.scatter [tilespmem:s26], [sflag:$0x7], $0x80, $0x38;
	[tilespmem:$0x19E00] =	vst v63  }
0x319: {  	s24 =	sadd.s32 $0x60, s14;
	s25 =	simm.s32 $0x13C30  }
0x31a: {  	[hbm4b:s24+s3] =	stream.linear.scatter [tilespmem:s25], [sflag:$0x7], $0x80, $0x38;
	[tilespmem:$0x19E00] =	vst v63  }
0x31b: {  	s14 =	sadd.s32 $0x70, s14;
	s26 =	simm.s32 $0x13CB8  }
0x31c: {  	[hbm4b:s14+s3] =	stream.linear.scatter [tilespmem:s26], [sflag:$0x7], $0x80, $0x38;
	[tilespmem:$0x19E00] =	vst v63  }
0x31d: {  	s24 =	simm.s32 $0x13D40;
	s14 =	sadd.s32 s7, s11  }
0x31e: {  	[hbm4b:s14+s3] =	stream.linear.scatter [tilespmem:s24], [sflag:$0x7], $0x80, $0x38;
	[tilespmem:$0x19E00] =	vst v63  }
0x31f: {  	s26 =	simm.s32 $0x13DC8;
	s25 =	sadd.s32 $0x10, s14  }
0x320: {  	[hbm4b:s25+s3] =	stream.linear.scatter [tilespmem:s26], [sflag:$0x7], $0x80, $0x38;
	[tilespmem:$0x19E00] =	vst v63  }
0x321: {  	s25 =	sadd.s32 $0x20, s14;
	s26 =	simm.s32 $0x13E50  }
0x322: {  	[hbm4b:s25+s3] =	stream.linear.scatter [tilespmem:s26], [sflag:$0x7], $0x80, $0x38;
	[tilespmem:$0x19E00] =	vst v63  }
0x323: {  	s25 =	sadd.s32 $0x30, s14;
	s26 =	simm.s32 $0x13ED8  }
0x324: {  	[hbm4b:s25+s3] =	stream.linear.scatter [tilespmem:s26], [sflag:$0x7], $0x80, $0x38;
	[tilespmem:$0x19E00] =	vst v63  }
0x325: {  	s25 =	sadd.s32 $0x40, s14;
	s26 =	simm.s32 $0x13F60  }
0x326: {  	[hbm4b:s25+s3] =	stream.linear.scatter [tilespmem:s26], [sflag:$0x7], $0x80, $0x38;
	[tilespmem:$0x19E00] =	vst v63  }
0x327: {  	s25 =	sadd.s32 $0x50, s14;
	s26 =	simm.s32 $0x13FE8  }
0x328: {  	[hbm4b:s25+s3] =	stream.linear.scatter [tilespmem:s26], [sflag:$0x7], $0x80, $0x38;
	[tilespmem:$0x19E00] =	vst v63  }
0x329: {  	s24 =	sadd.s32 $0x60, s14;
	s25 =	simm.s32 $0x14070  }
0x32a: {  	[hbm4b:s24+s3] =	stream.linear.scatter [tilespmem:s25], [sflag:$0x7], $0x80, $0x38;
	[tilespmem:$0x19E00] =	vst v63  }
0x32b: {  	s14 =	sadd.s32 $0x70, s14;
	s26 =	simm.s32 $0x140F8  }
0x32c: {  	[hbm4b:s14+s3] =	stream.linear.scatter [tilespmem:s26], [sflag:$0x7], $0x80, $0x38;
	[tilespmem:$0x19E00] =	vst v63  }
0x32d: {  	s24 =	simm.s32 $0x14180;
	s14 =	sadd.s32 s7, s12  }
0x32e: {  	[hbm4b:s14+s3] =	stream.linear.scatter [tilespmem:s24], [sflag:$0x7], $0x80, $0x38;
	[tilespmem:$0x19E00] =	vst v63  }
0x32f: {  	s26 =	simm.s32 $0x14208;
	s25 =	sadd.s32 $0x10, s14  }
0x330: {  	[hbm4b:s25+s3] =	stream.linear.scatter [tilespmem:s26], [sflag:$0x7], $0x80, $0x38;
	[tilespmem:$0x19E00] =	vst v63  }
0x331: {  	s25 =	sadd.s32 $0x20, s14;
	s26 =	simm.s32 $0x14290  }
0x332: {  	[hbm4b:s25+s3] =	stream.linear.scatter [tilespmem:s26], [sflag:$0x7], $0x80, $0x38;
	[tilespmem:$0x19E00] =	vst v63  }
0x333: {  	s25 =	sadd.s32 $0x30, s14;
	s26 =	simm.s32 $0x14318  }
0x334: {  	[hbm4b:s25+s3] =	stream.linear.scatter [tilespmem:s26], [sflag:$0x7], $0x80, $0x38;
	[tilespmem:$0x19E00] =	vst v63  }
0x335: {  	s25 =	sadd.s32 $0x40, s14;
	s26 =	simm.s32 $0x143A0  }
0x336: {  	[hbm4b:s25+s3] =	stream.linear.scatter [tilespmem:s26], [sflag:$0x7], $0x80, $0x38;
	[tilespmem:$0x19E00] =	vst v63  }
0x337: {  	s25 =	sadd.s32 $0x50, s14;
	s26 =	simm.s32 $0x14428  }
0x338: {  	[hbm4b:s25+s3] =	stream.linear.scatter [tilespmem:s26], [sflag:$0x7], $0x80, $0x38;
	[tilespmem:$0x19E00] =	vst v63  }
0x339: {  	s24 =	sadd.s32 $0x60, s14;
	s25 =	simm.s32 $0x144B0  }
0x33a: {  	[hbm4b:s24+s3] =	stream.linear.scatter [tilespmem:s25], [sflag:$0x7], $0x80, $0x38;
	[tilespmem:$0x19E00] =	vst v63  }
0x33b: {  	s14 =	sadd.s32 $0x70, s14;
	s26 =	simm.s32 $0x14538  }
0x33c: {  	[hbm4b:s14+s3] =	stream.linear.scatter [tilespmem:s26], [sflag:$0x7], $0x80, $0x38;
	[tilespmem:$0x19E00] =	vst v63  }
0x33d: {  	s7 =	sadd.s32 s7, s13;
	s24 =	simm.s32 $0x145C0  }
0x33e: {  	[hbm4b:s7+s3] =	stream.linear.scatter [tilespmem:s24], [sflag:$0x7], $0x80, $0x38;
	[tilespmem:$0x19E00] =	vst v63  }
0x33f: {  	s25 =	sadd.s32 $0x10, s7;
	s26 =	simm.s32 $0x14648  }
0x340: {  	[hbm4b:s25+s3] =	stream.linear.scatter [tilespmem:s26], [sflag:$0x7], $0x80, $0x38;
	[tilespmem:$0x19E00] =	vst v63  }
0x341: {  	s23 =	sadd.s32 $0x20, s7;
	s24 =	simm.s32 $0x146D0  }
0x342: {  	[hbm4b:s23+s3] =	stream.linear.scatter [tilespmem:s24], [sflag:$0x7], $0x80, $0x38;
	[tilespmem:$0x19E00] =	vst v63  }
0x343: {  	s25 =	sadd.s32 $0x30, s7;
	s26 =	simm.s32 $0x14758  }
0x344: {  	[hbm4b:s25+s3] =	stream.linear.scatter [tilespmem:s26], [sflag:$0x7], $0x80, $0x38;
	[tilespmem:$0x19E00] =	vst v63  }
0x345: {  	s23 =	sadd.s32 $0x40, s7;
	s24 =	simm.s32 $0x147E0  }
0x346: {  	[hbm4b:s23+s3] =	stream.linear.scatter [tilespmem:s24], [sflag:$0x7], $0x80, $0x38;
	[tilespmem:$0x19E00] =	vst v63  }
0x347: {  	s25 =	sadd.s32 $0x50, s7;
	s26 =	simm.s32 $0x14868  }
0x348: {  	[hbm4b:s25+s3] =	stream.linear.scatter [tilespmem:s26], [sflag:$0x7], $0x80, $0x38;
	[tilespmem:$0x19E00] =	vst v63  }
.Ltmp6:
0x349: {  	_ = 	snop;
	(pc) =	sbr.rel @!p1 .LBB2_13-.Ltmp6, $4  }
0x34a: {  	s24 =	sadd.s32 $0x60, s7;
	s25 =	simm.s32 $0x148F0  }
0x34b: {  	[hbm4b:s24+s3] =	stream.linear.scatter [tilespmem:s25], [sflag:$0x7], $0x80, $0x38;
	[tilespmem:$0x19E00] =	vst v63  }
0x34c: {  	s7 =	sadd.s32 $0x70, s7;
	s26 =	simm.s32 $0x14978  }
0x34d: {  	[hbm4b:s7+s3] =	stream.linear.scatter [tilespmem:s26], [sflag:$0x7], $0x80, $0x38;
	[tilespmem:$0x19E00] =	vst v63  }
0x34e: {  	_ =	swait.ge [sflag:s28], $0x2000  }
.Ltmp7:
0x34f: {  	[sflag:s28] =	ssyncset.done $0x0;
	(pc) =	sbr.rel @p0 .LBB2_16-.Ltmp7, $4  }
.Ltmp8:
0x350: {  	[sflag:s28] =	ssyncadd.s32 $0xFFFFE000;
	(pc) =	sbr.rel @!p0 .LBB2_15-.Ltmp8, $4  }
0x351: {  	_ =	swait.ge [sflag:s17], $0x2000  }
0x352: {  	[sflag:s17] =	ssyncset.done $0x0  }
0x353: {  	[sflag:s17] =	ssyncadd.s32 $0xFFFFE000  }
0x354: {  	_ = 	snop  }
.LBB2_13:
0x355: {  	_ =	swait.ge [sflag:s17], $0x2000  }
0x356: {  	[sflag:s17] =	ssyncset.done $0x0  }
0x357: {  	[sflag:s17] =	ssyncadd.s32 $0xFFFFE000  }
.LBB2_15:
0x358: {  	s1 =	sshll.u32 s1, $0x7  }
0x359: {  	s1 =	sadd.s32 $0x300, s1  }
0x35a: {  	s7 =	simm.s32 $0xA400;
	s1 =	sand.u32 $0xFF00, s1  }
0x35b: {  	[tilespmem:s7], [sflag:$0x3] =	stream.indirect.gather [hbm4b:s5+s16], $0x40, s1, s16, $0xb8;
	[tilespmem:$0x19E00] =	vst v63  }
.LBB2_16:
0x35c: {  	s1 =	sshll.u32 s30, $0x6;
	s23 =	simm.s32 $0xC480  }
0x35d: {  	s7 =	simm.s32 $0x3;
	s1 =	sand.u32 $0x3FFFFFC0, s1;
	v7 =	vld [tilespmem:s23+$0x40]  }
0x35e: {  	v4 =	vmov s7;
	v9 =	vld [tilespmem:s1+$0x16C00]  }
0x35f: {  	v13 =	vand.u32 $0x7F, v4  }
0x360: {  	s25 =	simm.s32 $0x0;
	v10 =	vld [tilespmem:s23+$0xFFFFFF80];
	v8 =	vadd.s32 v0, v13  }
0x361: {  	s26 =	simm.s32 $0x1;
	s14 =	simm.s32 $0x2;
	v11 =	vld [tilespmem:s23+$0xFFFFFFC0];
	v4 =	vmov s25  }
0x362: {  	v14 =	vmov s14;
	v16 =	vld [tilespmem:s23+$0x0];
	v12 =	vand.u32 $0x7C, v4;
	v4 =	vmov s26  }
0x363: {  	v6 =	vld [tilespmem:s1+$0x16C10];
	v15 =	vadd.s32 v0, v12;
	v19 =	vand.u32 $0x7D, v4;
	v7 =	vadd.f32 v7, v9  }
0x364: {  	v5 =	vld [tilespmem:s1+$0x16C20];
	v20 =	vand.u32 $0x7E, v14;
	v17 =	vadd.s32 v0, v19  }
0x365: {  	v14 =	vadd.s32 v0, v20;
	v4 =	vld [tilespmem:s1+$0x16C30];
	[tilespmem:v8+s18+$0x0] =	vst.idx.msk $0xffff, v7  }
0x366: {  	v7 =	vadd.f32 v10, v9;
	v8 =	vld [tilespmem:s23+$0x50]  }
0x367: {  	v10 =	vadd.f32 v11, v9  }
0x368: {  	v11 =	vadd.s32 v1, v13;
	[tilespmem:v15+s18+$0x0] =	vst.idx.msk $0xffff, v7;
	v7 =	vadd.f32 v16, v9  }
0x369: {  	[tilespmem:v17+s18+$0x0] =	vst.idx.msk $0xffff, v10;
	v15 =	vld [tilespmem:s23+$0xFFFFFF90]  }
0x36a: {  	v10 =	vld [tilespmem:s23+$0xFFFFFFD0];
	[tilespmem:v14+s18+$0x0] =	vst.idx.msk $0xffff, v7  }
0x36b: {  	v14 =	vld [tilespmem:s23+$0x10];
	v7 =	vadd.f32 v8, v6  }
0x36c: {  	s24 =	simm.s32 $0x7;
	s1 =	simm.s32 $0xC580;
	v16 =	vadd.s32 v1, v19  }
0x36d: {  	s14 =	simm.s32 $0x4;
	v26 =	vadd.s32 v2, v13;
	v18 =	vld [tilespmem:s1+$0x40];
	v17 =	vadd.s32 v1, v20;
	[tilespmem:v11+s18+$0x0] =	vst.idx.msk $0xffff, v7;
	v7 =	vmov s24  }
0x36e: {  	v21 =	vadd.s32 v1, v12;
	v8 =	vmov s14;
	v7 =	vand.u32 $0x7F, v7;
	v22 =	vld [tilespmem:s23+$0x60]  }
0x36f: {  	s25 =	simm.s32 $0x5;
	v23 =	vld [tilespmem:s1+$0xFFFFFF80];
	v8 =	vand.u32 $0x7C, v8;
	v10 =	vadd.f32 v10, v6;
	v24 =	vadd.s32 v0, v7  }
0x370: {  	s26 =	simm.s32 $0x6;
	v25 =	vld [tilespmem:s1+$0xFFFFFFC0];
	v15 =	vadd.f32 v15, v6;
	v11 =	vadd.f32 v14, v6;
	v14 =	vmov s25  }
0x371: {  	v27 =	vadd.s32 v0, v8;
	[tilespmem:v16+s18+$0x0] =	vst.idx.msk $0xffff, v10;
	v16 =	vmov s26;
	v10 =	vand.u32 $0x7D, v14;
	v14 =	vld [tilespmem:s1+$0x0]  }
0x372: {  	[tilespmem:v17+s18+$0x0] =	vst.idx.msk $0xffff, v11;
	v17 =	vadd.s32 v0, v10;
	v11 =	vand.u32 $0x7E, v16;
	v16 =	vadd.f32 v18, v9;
	v18 =	vld [tilespmem:s23+$0xFFFFFFE0]  }
0x373: {  	[tilespmem:v21+s18+$0x0] =	vst.idx.msk $0xffff, v15;
	v15 =	vadd.s32 v0, v11;
	v21 =	vld [tilespmem:s23+$0x20];
	v22 =	vadd.f32 v22, v5  }
0x374: {  	v23 =	vadd.f32 v23, v9;
	[tilespmem:v24+s18+$0x0] =	vst.idx.msk $0xffff, v16;
	v16 =	vld [tilespmem:s23+$0xFFFFFFA0];
	v24 =	vadd.s32 v2, v19  }
0x375: {  	v29 =	vadd.s32 v2, v20;
	v25 =	vadd.f32 v25, v9;
	v28 =	vld [tilespmem:s1+$0x50];
	[tilespmem:v26+s18+$0x0] =	vst.idx.msk $0xffff, v22  }
0x376: {  	[tilespmem:v27+s18+$0x0] =	vst.idx.msk $0xffff, v23;
	v23 =	vadd.s32 v2, v12;
	v14 =	vadd.f32 v14, v9;
	v26 =	vld [tilespmem:s23+$0x70]  }
0x377: {  	v27 =	vld [tilespmem:s1+$0xFFFFFF90];
	[tilespmem:v17+s18+$0x0] =	vst.idx.msk $0xffff, v25;
	v25 =	vadd.s32 v1, v7;
	v18 =	vadd.f32 v18, v5  }
0x378: {  	v31 =	vadd.s32 v3, v13;
	v30 =	vld [tilespmem:s1+$0xFFFFFFD0];
	[tilespmem:v15+s18+$0x0] =	vst.idx.msk $0xffff, v14;
	v14 =	vadd.f32 v21, v5  }
0x379: {  	v22 =	vadd.s32 v1, v8;
	v17 =	vld [tilespmem:s1+$0x10];
	v13 =	vadd.f32 v16, v5;
	[tilespmem:v24+s18+$0x0] =	vst.idx.msk $0xffff, v18  }
0x37a: {  	s14 =	simm.s32 $0x8;
	v21 =	vadd.s32 v1, v10;
	[tilespmem:v29+s18+$0x0] =	vst.idx.msk $0xffff, v14;
	v18 =	vadd.f32 v28, v6;
	v16 =	vld [tilespmem:s23+$0xFFFFFFF0]  }
0x37b: {  	v24 =	vmov s14;
	v14 =	vadd.s32 v1, v11;
	v15 =	vld [tilespmem:s23+$0x30];
	[tilespmem:v23+s18+$0x0] =	vst.idx.msk $0xffff, v13;
	v63 =	vadd.f32 v26, v4  }
0x37c: {  	s7 =	simm.s32 $0xC680;
	s24 =	simm.s32 $0xB;
	v19 =	vadd.s32 v3, v19;
	v13 =	vand.u32 $0x7C, v24;
	v24 =	vadd.f32 v27, v6;
	[tilespmem:v25+s18+$0x0] =	vst.idx.msk $0xffff, v18;
	v18 =	vld [tilespmem:s23+$0xFFFFFFB0]  }
0x37d: {  	v20 =	vadd.s32 v3, v20;
	v26 =	vmov s24;
	v23 =	vld [tilespmem:s7+$0x40];
	s23 =	simm.s32 $0xC;
	v25 =	vadd.f32 v30, v6;
	[tilespmem:v31+s18+$0x0] =	vst.idx.msk $0xffff, v63  }
.LBB2_17:
0x37e: {  	p0 =	slt.u32 s23, $0x7C;
	s24 =	sadd.s32 $0x1, s14;
	v26 =	vand.u32 $0x7F, v26;
	[tilespmem:v22+s18+$0x0] =	vst.idx.msk $0xffff, v24;
	v17 =	vadd.f32 v17, v6;
	v22 =	vld [tilespmem:s1+$0x60];
	v24 =	vadd.s32 v3, v12  }
0x37f: {  	v30 =	vmovc v11;
	v27 =	vld [tilespmem:s7+$0xFFFFFF80];
	v28 =	vmov s24;
	s24 =	sadd.s32 $0x2, s14;
	v29 =	vadd.s32 v0, v26;
	[tilespmem:v21+s18+$0x0] =	vst.idx.msk $0xffff, v25;
	v16 =	vadd.f32 v16, v4;
	s14 =	smov.u32 s23  }
0x380: {  	v12 =	vmovc v8;
	v21 =	vld [tilespmem:s7+$0xFFFFFFC0];
	v11 =	vmov s24;
	[tilespmem:v14+s18+$0x0] =	vst.idx.msk $0xffff, v17;
	v14 =	vadd.s32 v2, v7;
	v15 =	vadd.f32 v15, v4  }
0x381: {  	v17 =	vadd.s32 v0, v13;
	v28 =	vand.u32 $0x7D, v28;
	v25 =	vld [tilespmem:s7+$0x0];
	v31 =	vadd.f32 v18, v4;
	[tilespmem:v19+s18+$0x0] =	vst.idx.msk $0xffff, v16  }
0x382: {  	v16 =	vadd.s32 v0, v28;
	v11 =	vand.u32 $0x7E, v11;
	v18 =	vadd.f32 v23, v9;
	v19 =	vld [tilespmem:s1+$0xFFFFFFE0];
	[tilespmem:v20+s18+$0x0] =	vst.idx.msk $0xffff, v15  }
0x383: {  	v8 =	vmov v13;
	v15 =	vadd.s32 v0, v11;
	v20 =	vld [tilespmem:s1+$0x20];
	v22 =	vadd.f32 v22, v5;
	[tilespmem:v24+s18+$0x0] =	vst.idx.msk $0xffff, v31  }
0x384: {  	v23 =	vadd.s32 v2, v10;
	v13 =	vadd.f32 v27, v9;
	[tilespmem:v29+s18+$0x0] =	vst.idx.msk $0xffff, v18;
	v18 =	vld [tilespmem:s1+$0xFFFFFFA0]  }
0x385: {  	v27 =	vadd.s32 v2, v30;
	v21 =	vadd.f32 v21, v9;
	v24 =	vld [tilespmem:s7+$0x50];
	[tilespmem:v14+s18+$0x0] =	vst.idx.msk $0xffff, v22  }
0x386: {  	[tilespmem:v17+s18+$0x0] =	vst.idx.msk $0xffff, v13;
	v13 =	vadd.f32 v25, v9;
	v25 =	vadd.s32 v2, v12;
	v29 =	vld [tilespmem:s1+$0x70]  }
0x387: {  	v32 =	vadd.s32 v1, v26;
	v31 =	vld [tilespmem:s7+$0xFFFFFF90];
	[tilespmem:v16+s18+$0x0] =	vst.idx.msk $0xffff, v21;
	v14 =	vadd.f32 v19, v5  }
0x388: {  	v34 =	vadd.s32 v3, v7;
	v7 =	vmov v26;
	v33 =	vld [tilespmem:s7+$0xFFFFFFD0];
	[tilespmem:v15+s18+$0x0] =	vst.idx.msk $0xffff, v13;
	v13 =	vadd.f32 v20, v5  }
.Ltmp9:
0x389: {  	v22 =	vadd.s32 v1, v8;
	v17 =	vld [tilespmem:s7+$0x10];
	v15 =	vadd.f32 v18, v5;
	[tilespmem:v23+s18+$0x0] =	vst.idx.msk $0xffff, v14;
	(pc) =	sbr.rel @p0 .LBB2_17-.Ltmp9, $4  }
0x38a: {  	v21 =	vadd.s32 v1, v28;
	v18 =	vadd.f32 v24, v6;
	v16 =	vld [tilespmem:s1+$0xFFFFFFF0];
	[tilespmem:v27+s18+$0x0] =	vst.idx.msk $0xffff, v13  }
0x38b: {  	v14 =	vadd.s32 v1, v11;
	v13 =	vmov s23;
	[tilespmem:v25+s18+$0x0] =	vst.idx.msk $0xffff, v15;
	v15 =	vld [tilespmem:s1+$0x30];
	v27 =	vadd.f32 v29, v4  }
0x38c: {  	s24 =	sadd.s32 $0x3, s23;
	v19 =	vadd.s32 v3, v10;
	v13 =	vand.u32 $0x7C, v13;
	v24 =	vadd.f32 v31, v6;
	[tilespmem:v32+s18+$0x0] =	vst.idx.msk $0xffff, v18;
	v18 =	vld [tilespmem:s1+$0xFFFFFFB0];
	s1 =	smov.u32 s7;
	s7 =	sadd.s32 $0x100, s7  }
0x38d: {  	v26 =	vmov s24;
	v10 =	vmovc v28;
	v20 =	vadd.s32 v3, v30;
	s23 =	sadd.s32 $0x4, s23;
	v23 =	vld [tilespmem:s7+$0x40];
	v25 =	vadd.f32 v33, v6;
	[tilespmem:v34+s18+$0x0] =	vst.idx.msk $0xffff, v27  }
0x38e: {  	s23 =	sadd.s32 $0x1, s14  }
0x38f: {  	v26 =	vand.u32 $0x7F, v26;
	s26 =	sadd.s32 $0x2, s14;
	v28 =	vld [tilespmem:s7+$0xFFFFFFC0];
	v27 =	vmov s23  }
0x390: {  	v31 =	vld [tilespmem:s7+$0x0];
	v29 =	vmov s26;
	v30 =	vadd.s32 v0, v26;
	v27 =	vand.u32 $0x7D, v27  }
0x391: {  	v32 =	vld [tilespmem:s7+$0xFFFFFF80];
	v29 =	vand.u32 $0x7E, v29;
	v33 =	vadd.s32 v0, v27  }
0x392: {  	v34 =	vadd.s32 v0, v29  }
0x393: {  	[tilespmem:v22+s18+$0x0] =	vst.idx.msk $0xffff, v24;
	v44 =	vadd.s32 v0, v13;
	v23 =	vadd.f32 v23, v9  }
0x394: {  	[tilespmem:v21+s18+$0x0] =	vst.idx.msk $0xffff, v25;
	v45 =	vadd.f32 v28, v9  }
0x395: {  	v46 =	vadd.f32 v31, v9;
	[tilespmem:v30+s18+$0x0] =	vst.idx.msk $0xffff, v23  }
0x396: {  	v47 =	vadd.f32 v32, v9;
	v48 =	vld [tilespmem:s7+$0x50];
	[tilespmem:v33+s18+$0x0] =	vst.idx.msk $0xffff, v45  }
0x397: {  	v17 =	vadd.f32 v17, v6;
	v12 =	vadd.s32 v3, v12;
	[tilespmem:v34+s18+$0x0] =	vst.idx.msk $0xffff, v46;
	v21 =	vld [tilespmem:s7+$0xFFFFFFD0]  }
0x398: {  	v16 =	vadd.f32 v16, v4;
	v49 =	vadd.s32 v1, v26;
	[tilespmem:v44+s18+$0x0] =	vst.idx.msk $0xffff, v47;
	v50 =	vld [tilespmem:s7+$0x10]  }
0x399: {  	[tilespmem:v14+s18+$0x0] =	vst.idx.msk $0xffff, v17;
	v51 =	vadd.f32 v15, v4;
	v53 =	vadd.s32 v1, v27;
	v52 =	vld [tilespmem:s7+$0xFFFFFF90]  }
0x39a: {  	v54 =	vld [tilespmem:s1+$0x60];
	v18 =	vadd.f32 v18, v4;
	[tilespmem:v19+s18+$0x0] =	vst.idx.msk $0xffff, v16;
	v55 =	vadd.s32 v1, v29  }
0x39b: {  	v57 =	vadd.s32 v1, v13;
	v60 =	vld [tilespmem:s1+$0x20];
	[tilespmem:v20+s18+$0x0] =	vst.idx.msk $0xffff, v51;
	v58 =	vadd.f32 v48, v6  }
0x39c: {  	v59 =	vadd.s32 v2, v7;
	v56 =	vld [tilespmem:s1+$0xFFFFFFE0];
	[tilespmem:v12+s18+$0x0] =	vst.idx.msk $0xffff, v18;
	v61 =	vadd.f32 v21, v6  }
0x39d: {  	v62 =	vld [tilespmem:s1+$0xFFFFFFA0];
	v30 =	vadd.s32 v2, v11;
	[tilespmem:v49+s18+$0x0] =	vst.idx.msk $0xffff, v58;
	v28 =	vadd.f32 v50, v6  }
0x39e: {  	v63 =	vadd.s32 v2, v10;
	v31 =	vadd.f32 v52, v6;
	v32 =	vld [tilespmem:s7+$0x60];
	[tilespmem:v53+s18+$0x0] =	vst.idx.msk $0xffff, v61  }
0x39f: {  	v33 =	vadd.f32 v54, v5;
	v34 =	vadd.s32 v2, v8;
	[tilespmem:v55+s18+$0x0] =	vst.idx.msk $0xffff, v28;
	v35 =	vld [tilespmem:s7+$0xFFFFFFE0]  }
0x3a0: {  	v37 =	vadd.s32 v2, v26;
	v39 =	vadd.f32 v60, v5;
	[tilespmem:v57+s18+$0x0] =	vst.idx.msk $0xffff, v31;
	v38 =	vld [tilespmem:s7+$0x20]  }
0x3a1: {  	v41 =	vadd.s32 v2, v27;
	v36 =	vadd.f32 v56, v5;
	[tilespmem:v59+s18+$0x0] =	vst.idx.msk $0xffff, v33;
	v40 =	vld [tilespmem:s7+$0xFFFFFFA0]  }
0x3a2: {  	v43 =	vadd.s32 v2, v29;
	v18 =	vadd.f32 v62, v5;
	v42 =	vld [tilespmem:s1+$0x70];
	[tilespmem:v30+s18+$0x0] =	vst.idx.msk $0xffff, v39  }
0x3a3: {  	v45 =	vadd.s32 v2, v13;
	[tilespmem:v63+s18+$0x0] =	vst.idx.msk $0xffff, v36;
	v47 =	vld [tilespmem:s1+$0x30];
	v44 =	vadd.f32 v32, v5  }
0x3a4: {  	v46 =	vadd.s32 v3, v7;
	[tilespmem:v34+s18+$0x0] =	vst.idx.msk $0xffff, v18;
	v21 =	vld [tilespmem:s1+$0xFFFFFFF0];
	v9 =	vadd.f32 v35, v5  }
0x3a5: {  	v18 =	vld [tilespmem:s1+$0xFFFFFFB0];
	v50 =	vadd.s32 v3, v11;
	[tilespmem:v37+s18+$0x0] =	vst.idx.msk $0xffff, v44;
	v49 =	vadd.f32 v38, v5  }
0x3a6: {  	v48 =	vadd.s32 v3, v10;
	v5 =	vadd.f32 v40, v5;
	v12 =	vld [tilespmem:s7+$0x70];
	[tilespmem:v41+s18+$0x0] =	vst.idx.msk $0xffff, v9  }
0x3a7: {  	v52 =	vadd.s32 v3, v8;
	v51 =	vadd.f32 v42, v4;
	[tilespmem:v43+s18+$0x0] =	vst.idx.msk $0xffff, v49;
	v53 =	vld [tilespmem:s7+$0xFFFFFFF0]  }
0x3a8: {  	v55 =	vadd.s32 v3, v26;
	v56 =	vadd.f32 v47, v4;
	[tilespmem:v45+s18+$0x0] =	vst.idx.msk $0xffff, v5;
	v5 =	vld [tilespmem:s7+$0x30]  }
0x3a9: {  	v58 =	vadd.s32 v3, v27;
	[tilespmem:v46+s18+$0x0] =	vst.idx.msk $0xffff, v51;
	v54 =	vadd.f32 v21, v4;
	v57 =	vld [tilespmem:s7+$0xFFFFFFB0]  }
0x3aa: {  	v60 =	vadd.s32 v3, v29;
	v59 =	vadd.f32 v18, v4;
	[tilespmem:v50+s18+$0x0] =	vst.idx.msk $0xffff, v56  }
0x3ab: {  	v62 =	vadd.s32 v3, v13;
	[tilespmem:v48+s18+$0x0] =	vst.idx.msk $0xffff, v54;
	v61 =	vadd.f32 v12, v4  }
0x3ac: {  	[tilespmem:v52+s18+$0x0] =	vst.idx.msk $0xffff, v59;
	v63 =	vadd.f32 v53, v4  }
0x3ad: {  	s23 =	sshll.u32 s30, $0x12;
	[tilespmem:v55+s18+$0x0] =	vst.idx.msk $0xffff, v61;
	v5 =	vadd.f32 v5, v4  }
0x3ae: {  	s1 =	sor.u32 s4, s23;
	v4 =	vadd.f32 v57, v4;
	[tilespmem:v58+s18+$0x0] =	vst.idx.msk $0xffff, v63  }
0x3af: {  	s1 =	sshrl.u32 s1, $0x3;
	[tilespmem:v60+s18+$0x0] =	vst.idx.msk $0xffff, v5  }
0x3b0: {  	s7 =	sadd.s32 s2, s1;
	[tilespmem:v62+s18+$0x0] =	vst.idx.msk $0xffff, v4  }
0x3b1: {  	[hbm4b:s7+s3] =	stream.linear.scatter [tilespmem:s18], [sflag:$0x8], $0x80, $0x38;
	[tilespmem:$0x19E00] =	vst v63  }
0x3b2: {  	s25 =	simm.s32 $0x14A88;
	s24 =	sadd.s32 $0x10, s7  }
0x3b3: {  	[hbm4b:s24+s3] =	stream.linear.scatter [tilespmem:s25], [sflag:$0x8], $0x80, $0x38;
	[tilespmem:$0x19E00] =	vst v63  }
0x3b4: {  	s30 =	simm.s32 $0x14B10;
	s26 =	sadd.s32 $0x20, s7  }
0x3b5: {  	[hbm4b:s26+s3] =	stream.linear.scatter [tilespmem:s30], [sflag:$0x8], $0x80, $0x38;
	[tilespmem:$0x19E00] =	vst v63  }
0x3b6: {  	s24 =	sadd.s32 $0x30, s7;
	s25 =	simm.s32 $0x14B98  }
0x3b7: {  	[hbm4b:s24+s3] =	stream.linear.scatter [tilespmem:s25], [sflag:$0x8], $0x80, $0x38;
	[tilespmem:$0x19E00] =	vst v63  }
0x3b8: {  	s26 =	sadd.s32 $0x40, s7;
	s30 =	simm.s32 $0x14C20  }
0x3b9: {  	[hbm4b:s26+s3] =	stream.linear.scatter [tilespmem:s30], [sflag:$0x8], $0x80, $0x38;
	[tilespmem:$0x19E00] =	vst v63  }
0x3ba: {  	s23 =	sadd.s32 $0x50, s7;
	s24 =	simm.s32 $0x14CA8  }
0x3bb: {  	[hbm4b:s23+s3] =	stream.linear.scatter [tilespmem:s24], [sflag:$0x8], $0x80, $0x38;
	[tilespmem:$0x19E00] =	vst v63  }
0x3bc: {  	s25 =	sadd.s32 $0x60, s7;
	s26 =	simm.s32 $0x14D30  }
0x3bd: {  	[hbm4b:s25+s3] =	stream.linear.scatter [tilespmem:s26], [sflag:$0x8], $0x80, $0x38;
	[tilespmem:$0x19E00] =	vst v63  }
0x3be: {  	s7 =	sadd.s32 $0x70, s7;
	s30 =	simm.s32 $0x14DB8  }
0x3bf: {  	[hbm4b:s7+s3] =	stream.linear.scatter [tilespmem:s30], [sflag:$0x8], $0x80, $0x38;
	[tilespmem:$0x19E00] =	vst v63  }
0x3c0: {  	s23 =	simm.s32 $0x14E40;
	s7 =	sadd.s32 s1, s6  }
0x3c1: {  	[hbm4b:s7+s3] =	stream.linear.scatter [tilespmem:s23], [sflag:$0x8], $0x80, $0x38;
	[tilespmem:$0x19E00] =	vst v63  }
0x3c2: {  	s25 =	simm.s32 $0x14EC8;
	s24 =	sadd.s32 $0x10, s7  }
0x3c3: {  	[hbm4b:s24+s3] =	stream.linear.scatter [tilespmem:s25], [sflag:$0x8], $0x80, $0x38;
	[tilespmem:$0x19E00] =	vst v63  }
0x3c4: {  	s30 =	simm.s32 $0x14F50;
	s26 =	sadd.s32 $0x20, s7  }
0x3c5: {  	[hbm4b:s26+s3] =	stream.linear.scatter [tilespmem:s30], [sflag:$0x8], $0x80, $0x38;
	[tilespmem:$0x19E00] =	vst v63  }
0x3c6: {  	s24 =	sadd.s32 $0x30, s7;
	s25 =	simm.s32 $0x14FD8  }
0x3c7: {  	[hbm4b:s24+s3] =	stream.linear.scatter [tilespmem:s25], [sflag:$0x8], $0x80, $0x38;
	[tilespmem:$0x19E00] =	vst v63  }
0x3c8: {  	s26 =	sadd.s32 $0x40, s7;
	s30 =	simm.s32 $0x15060  }
0x3c9: {  	[hbm4b:s26+s3] =	stream.linear.scatter [tilespmem:s30], [sflag:$0x8], $0x80, $0x38;
	[tilespmem:$0x19E00] =	vst v63  }
0x3ca: {  	s23 =	sadd.s32 $0x50, s7;
	s24 =	simm.s32 $0x150E8  }
0x3cb: {  	[hbm4b:s23+s3] =	stream.linear.scatter [tilespmem:s24], [sflag:$0x8], $0x80, $0x38;
	[tilespmem:$0x19E00] =	vst v63  }
0x3cc: {  	s25 =	sadd.s32 $0x60, s7;
	s26 =	simm.s32 $0x15170  }
0x3cd: {  	[hbm4b:s25+s3] =	stream.linear.scatter [tilespmem:s26], [sflag:$0x8], $0x80, $0x38;
	[tilespmem:$0x19E00] =	vst v63  }
0x3ce: {  	s7 =	sadd.s32 $0x70, s7;
	s30 =	simm.s32 $0x151F8  }
0x3cf: {  	[hbm4b:s7+s3] =	stream.linear.scatter [tilespmem:s30], [sflag:$0x8], $0x80, $0x38;
	[tilespmem:$0x19E00] =	vst v63  }
0x3d0: {  	s23 =	simm.s32 $0x15280;
	s7 =	sadd.s32 s1, s8  }
0x3d1: {  	[hbm4b:s7+s3] =	stream.linear.scatter [tilespmem:s23], [sflag:$0x8], $0x80, $0x38;
	[tilespmem:$0x19E00] =	vst v63  }
0x3d2: {  	s25 =	simm.s32 $0x15308;
	s24 =	sadd.s32 $0x10, s7  }
0x3d3: {  	[hbm4b:s24+s3] =	stream.linear.scatter [tilespmem:s25], [sflag:$0x8], $0x80, $0x38;
	[tilespmem:$0x19E00] =	vst v63  }
0x3d4: {  	s30 =	simm.s32 $0x15390;
	s26 =	sadd.s32 $0x20, s7  }
0x3d5: {  	[hbm4b:s26+s3] =	stream.linear.scatter [tilespmem:s30], [sflag:$0x8], $0x80, $0x38;
	[tilespmem:$0x19E00] =	vst v63  }
0x3d6: {  	s24 =	sadd.s32 $0x30, s7;
	s25 =	simm.s32 $0x15418  }
0x3d7: {  	[hbm4b:s24+s3] =	stream.linear.scatter [tilespmem:s25], [sflag:$0x8], $0x80, $0x38;
	[tilespmem:$0x19E00] =	vst v63  }
0x3d8: {  	s26 =	sadd.s32 $0x40, s7;
	s30 =	simm.s32 $0x154A0  }
0x3d9: {  	[hbm4b:s26+s3] =	stream.linear.scatter [tilespmem:s30], [sflag:$0x8], $0x80, $0x38;
	[tilespmem:$0x19E00] =	vst v63  }
0x3da: {  	s23 =	sadd.s32 $0x50, s7;
	s24 =	simm.s32 $0x15528  }
0x3db: {  	[hbm4b:s23+s3] =	stream.linear.scatter [tilespmem:s24], [sflag:$0x8], $0x80, $0x38;
	[tilespmem:$0x19E00] =	vst v63  }
0x3dc: {  	s25 =	sadd.s32 $0x60, s7;
	s26 =	simm.s32 $0x155B0  }
0x3dd: {  	[hbm4b:s25+s3] =	stream.linear.scatter [tilespmem:s26], [sflag:$0x8], $0x80, $0x38;
	[tilespmem:$0x19E00] =	vst v63  }
0x3de: {  	s7 =	sadd.s32 $0x70, s7;
	s30 =	simm.s32 $0x15638  }
0x3df: {  	[hbm4b:s7+s3] =	stream.linear.scatter [tilespmem:s30], [sflag:$0x8], $0x80, $0x38;
	[tilespmem:$0x19E00] =	vst v63  }
0x3e0: {  	s23 =	simm.s32 $0x156C0;
	s7 =	sadd.s32 s1, s9  }
0x3e1: {  	[hbm4b:s7+s3] =	stream.linear.scatter [tilespmem:s23], [sflag:$0x8], $0x80, $0x38;
	[tilespmem:$0x19E00] =	vst v63  }
0x3e2: {  	s25 =	simm.s32 $0x15748;
	s24 =	sadd.s32 $0x10, s7  }
0x3e3: {  	[hbm4b:s24+s3] =	stream.linear.scatter [tilespmem:s25], [sflag:$0x8], $0x80, $0x38;
	[tilespmem:$0x19E00] =	vst v63  }
0x3e4: {  	s30 =	simm.s32 $0x157D0;
	s26 =	sadd.s32 $0x20, s7  }
0x3e5: {  	[hbm4b:s26+s3] =	stream.linear.scatter [tilespmem:s30], [sflag:$0x8], $0x80, $0x38;
	[tilespmem:$0x19E00] =	vst v63  }
0x3e6: {  	s24 =	sadd.s32 $0x30, s7;
	s25 =	simm.s32 $0x15858  }
0x3e7: {  	[hbm4b:s24+s3] =	stream.linear.scatter [tilespmem:s25], [sflag:$0x8], $0x80, $0x38;
	[tilespmem:$0x19E00] =	vst v63  }
0x3e8: {  	s26 =	sadd.s32 $0x40, s7;
	s30 =	simm.s32 $0x158E0  }
0x3e9: {  	[hbm4b:s26+s3] =	stream.linear.scatter [tilespmem:s30], [sflag:$0x8], $0x80, $0x38;
	[tilespmem:$0x19E00] =	vst v63  }
0x3ea: {  	s23 =	sadd.s32 $0x50, s7;
	s24 =	simm.s32 $0x15968  }
0x3eb: {  	[hbm4b:s23+s3] =	stream.linear.scatter [tilespmem:s24], [sflag:$0x8], $0x80, $0x38;
	[tilespmem:$0x19E00] =	vst v63  }
0x3ec: {  	s25 =	sadd.s32 $0x60, s7;
	s26 =	simm.s32 $0x159F0  }
0x3ed: {  	[hbm4b:s25+s3] =	stream.linear.scatter [tilespmem:s26], [sflag:$0x8], $0x80, $0x38;
	[tilespmem:$0x19E00] =	vst v63  }
0x3ee: {  	s7 =	sadd.s32 $0x70, s7;
	s30 =	simm.s32 $0x15A78  }
0x3ef: {  	[hbm4b:s7+s3] =	stream.linear.scatter [tilespmem:s30], [sflag:$0x8], $0x80, $0x38;
	[tilespmem:$0x19E00] =	vst v63  }
0x3f0: {  	s23 =	simm.s32 $0x15B00;
	s7 =	sadd.s32 s1, s10  }
0x3f1: {  	[hbm4b:s7+s3] =	stream.linear.scatter [tilespmem:s23], [sflag:$0x8], $0x80, $0x38;
	[tilespmem:$0x19E00] =	vst v63  }
0x3f2: {  	s25 =	simm.s32 $0x15B88;
	s24 =	sadd.s32 $0x10, s7  }
0x3f3: {  	[hbm4b:s24+s3] =	stream.linear.scatter [tilespmem:s25], [sflag:$0x8], $0x80, $0x38;
	[tilespmem:$0x19E00] =	vst v63  }
0x3f4: {  	s30 =	simm.s32 $0x15C10;
	s26 =	sadd.s32 $0x20, s7  }
0x3f5: {  	[hbm4b:s26+s3] =	stream.linear.scatter [tilespmem:s30], [sflag:$0x8], $0x80, $0x38;
	[tilespmem:$0x19E00] =	vst v63  }
0x3f6: {  	s24 =	sadd.s32 $0x30, s7;
	s25 =	simm.s32 $0x15C98  }
0x3f7: {  	[hbm4b:s24+s3] =	stream.linear.scatter [tilespmem:s25], [sflag:$0x8], $0x80, $0x38;
	[tilespmem:$0x19E00] =	vst v63  }
0x3f8: {  	s26 =	sadd.s32 $0x40, s7;
	s30 =	simm.s32 $0x15D20  }
0x3f9: {  	[hbm4b:s26+s3] =	stream.linear.scatter [tilespmem:s30], [sflag:$0x8], $0x80, $0x38;
	[tilespmem:$0x19E00] =	vst v63  }
0x3fa: {  	s23 =	sadd.s32 $0x50, s7;
	s24 =	simm.s32 $0x15DA8  }
0x3fb: {  	[hbm4b:s23+s3] =	stream.linear.scatter [tilespmem:s24], [sflag:$0x8], $0x80, $0x38;
	[tilespmem:$0x19E00] =	vst v63  }
0x3fc: {  	s25 =	sadd.s32 $0x60, s7;
	s26 =	simm.s32 $0x15E30  }
0x3fd: {  	[hbm4b:s25+s3] =	stream.linear.scatter [tilespmem:s26], [sflag:$0x8], $0x80, $0x38;
	[tilespmem:$0x19E00] =	vst v63  }
0x3fe: {  	s7 =	sadd.s32 $0x70, s7;
	s30 =	simm.s32 $0x15EB8  }
0x3ff: {  	[hbm4b:s7+s3] =	stream.linear.scatter [tilespmem:s30], [sflag:$0x8], $0x80, $0x38;
	[tilespmem:$0x19E00] =	vst v63  }
0x400: {  	s23 =	simm.s32 $0x15F40;
	s7 =	sadd.s32 s1, s11  }
0x401: {  	[hbm4b:s7+s3] =	stream.linear.scatter [tilespmem:s23], [sflag:$0x8], $0x80, $0x38;
	[tilespmem:$0x19E00] =	vst v63  }
0x402: {  	s25 =	simm.s32 $0x15FC8;
	s24 =	sadd.s32 $0x10, s7  }
0x403: {  	[hbm4b:s24+s3] =	stream.linear.scatter [tilespmem:s25], [sflag:$0x8], $0x80, $0x38;
	[tilespmem:$0x19E00] =	vst v63  }
0x404: {  	s30 =	simm.s32 $0x16050;
	s26 =	sadd.s32 $0x20, s7  }
0x405: {  	[hbm4b:s26+s3] =	stream.linear.scatter [tilespmem:s30], [sflag:$0x8], $0x80, $0x38;
	[tilespmem:$0x19E00] =	vst v63  }
0x406: {  	s24 =	sadd.s32 $0x30, s7;
	s25 =	simm.s32 $0x160D8  }
0x407: {  	[hbm4b:s24+s3] =	stream.linear.scatter [tilespmem:s25], [sflag:$0x8], $0x80, $0x38;
	[tilespmem:$0x19E00] =	vst v63  }
0x408: {  	s26 =	sadd.s32 $0x40, s7;
	s30 =	simm.s32 $0x16160  }
0x409: {  	[hbm4b:s26+s3] =	stream.linear.scatter [tilespmem:s30], [sflag:$0x8], $0x80, $0x38;
	[tilespmem:$0x19E00] =	vst v63  }
0x40a: {  	s23 =	sadd.s32 $0x50, s7;
	s24 =	simm.s32 $0x161E8  }
0x40b: {  	[hbm4b:s23+s3] =	stream.linear.scatter [tilespmem:s24], [sflag:$0x8], $0x80, $0x38;
	[tilespmem:$0x19E00] =	vst v63  }
0x40c: {  	s25 =	sadd.s32 $0x60, s7;
	s26 =	simm.s32 $0x16270  }
0x40d: {  	[hbm4b:s25+s3] =	stream.linear.scatter [tilespmem:s26], [sflag:$0x8], $0x80, $0x38;
	[tilespmem:$0x19E00] =	vst v63  }
0x40e: {  	s7 =	sadd.s32 $0x70, s7;
	s30 =	simm.s32 $0x162F8  }
0x40f: {  	[hbm4b:s7+s3] =	stream.linear.scatter [tilespmem:s30], [sflag:$0x8], $0x80, $0x38;
	[tilespmem:$0x19E00] =	vst v63  }
0x410: {  	s23 =	simm.s32 $0x16380;
	s7 =	sadd.s32 s1, s12  }
0x411: {  	[hbm4b:s7+s3] =	stream.linear.scatter [tilespmem:s23], [sflag:$0x8], $0x80, $0x38;
	[tilespmem:$0x19E00] =	vst v63  }
0x412: {  	s25 =	simm.s32 $0x16408;
	s24 =	sadd.s32 $0x10, s7  }
0x413: {  	[hbm4b:s24+s3] =	stream.linear.scatter [tilespmem:s25], [sflag:$0x8], $0x80, $0x38;
	[tilespmem:$0x19E00] =	vst v63  }
0x414: {  	s30 =	simm.s32 $0x16490;
	s26 =	sadd.s32 $0x20, s7  }
0x415: {  	[hbm4b:s26+s3] =	stream.linear.scatter [tilespmem:s30], [sflag:$0x8], $0x80, $0x38;
	[tilespmem:$0x19E00] =	vst v63  }
0x416: {  	s24 =	sadd.s32 $0x30, s7;
	s25 =	simm.s32 $0x16518  }
0x417: {  	[hbm4b:s24+s3] =	stream.linear.scatter [tilespmem:s25], [sflag:$0x8], $0x80, $0x38;
	[tilespmem:$0x19E00] =	vst v63  }
0x418: {  	s26 =	sadd.s32 $0x40, s7;
	s30 =	simm.s32 $0x165A0  }
0x419: {  	[hbm4b:s26+s3] =	stream.linear.scatter [tilespmem:s30], [sflag:$0x8], $0x80, $0x38;
	[tilespmem:$0x19E00] =	vst v63  }
0x41a: {  	s24 =	sadd.s32 $0x50, s7;
	s25 =	simm.s32 $0x16628  }
0x41b: {  	[hbm4b:s24+s3] =	stream.linear.scatter [tilespmem:s25], [sflag:$0x8], $0x80, $0x38;
	[tilespmem:$0x19E00] =	vst v63  }
0x41c: {  	s26 =	sadd.s32 $0x60, s7;
	s30 =	simm.s32 $0x166B0  }
0x41d: {  	[hbm4b:s26+s3] =	stream.linear.scatter [tilespmem:s30], [sflag:$0x8], $0x80, $0x38;
	[tilespmem:$0x19E00] =	vst v63  }
0x41e: {  	s7 =	sadd.s32 $0x70, s7;
	s24 =	simm.s32 $0x16738  }
0x41f: {  	[hbm4b:s7+s3] =	stream.linear.scatter [tilespmem:s24], [sflag:$0x8], $0x80, $0x38;
	[tilespmem:$0x19E00] =	vst v63  }
0x420: {  	s1 =	sadd.s32 s1, s13;
	s25 =	simm.s32 $0x167C0  }
0x421: {  	[hbm4b:s1+s3] =	stream.linear.scatter [tilespmem:s25], [sflag:$0x8], $0x80, $0x38;
	[tilespmem:$0x19E00] =	vst v63  }
0x422: {  	s26 =	sadd.s32 $0x10, s1;
	s30 =	simm.s32 $0x16848  }
0x423: {  	[hbm4b:s26+s3] =	stream.linear.scatter [tilespmem:s30], [sflag:$0x8], $0x80, $0x38;
	[tilespmem:$0x19E00] =	vst v63  }
0x424: {  	s14 =	sadd.s32 $0x20, s1;
	s23 =	simm.s32 $0x168D0  }
0x425: {  	[hbm4b:s14+s3] =	stream.linear.scatter [tilespmem:s23], [sflag:$0x8], $0x80, $0x38;
	[tilespmem:$0x19E00] =	vst v63  }
0x426: {  	s24 =	sadd.s32 $0x30, s1;
	s25 =	simm.s32 $0x16958  }
0x427: {  	[hbm4b:s24+s3] =	stream.linear.scatter [tilespmem:s25], [sflag:$0x8], $0x80, $0x38;
	[tilespmem:$0x19E00] =	vst v63  }
0x428: {  	s29 =	sadd.s32 $0x1, s29;
	s26 =	sadd.s32 $0x40, s1;
	s30 =	simm.s32 $0x169E0  }
0x429: {  	[hbm4b:s26+s3] =	stream.linear.scatter [tilespmem:s30], [sflag:$0x8], $0x80, $0x38;
	[tilespmem:$0x19E00] =	vst v63  }
0x42a: {  	p0 =	sne.s32 s29, $0x32;
	s23 =	sadd.s32 $0x50, s1;
	s24 =	simm.s32 $0x16A68  }
0x42b: {  	[hbm4b:s23+s3] =	stream.linear.scatter [tilespmem:s24], [sflag:$0x8], $0x80, $0x38;
	[tilespmem:$0x19E00] =	vst v63  }
.Ltmp10:
0x42c: {  	_ = 	snop;
	(pc) =	sbr.rel @p0 .LBB2_2-.Ltmp10, $4  }
0x42d: {  	s25 =	sadd.s32 $0x60, s1;
	s26 =	simm.s32 $0x16AF0  }
0x42e: {  	[hbm4b:s25+s3] =	stream.linear.scatter [tilespmem:s26], [sflag:$0x8], $0x80, $0x38;
	[tilespmem:$0x19E00] =	vst v63  }
0x42f: {  	s1 =	sadd.s32 $0x70, s1;
	s30 =	simm.s32 $0x16B78  }
0x430: {  	[hbm4b:s1+s3] =	stream.linear.scatter [tilespmem:s30], [sflag:$0x8], $0x80, $0x38;
	[tilespmem:$0x19E00] =	vst v63  }
0x431: {  	s1 =	simm.s32 $0x5  }
0x432: {  	_ =	swait.ge [sflag:s1], $0x2000  }
0x433: {  	[sflag:s1] =	ssyncset.done $0x0  }
0x434: {  	s26 =	simm.s32 $0x6;
	[sflag:s1] =	ssyncadd.s32 $0xFFFFE000  }
0x435: {  	_ =	swait.ge [sflag:s26], $0x2000  }
0x436: {  	[sflag:s26] =	ssyncset.done $0x0  }
0x437: {  	s29 =	simm.s32 $0x7;
	[sflag:s26] =	ssyncadd.s32 $0xFFFFE000  }
0x438: {  	_ =	swait.ge [sflag:s29], $0x2000  }
0x439: {  	[sflag:s29] =	ssyncset.done $0x0  }
0x43a: {  	[sflag:s29] =	ssyncadd.s32 $0xFFFFE000  }
0x43b: {  	_ =	swait.ge [sflag:s28], $0x2000  }
0x43c: {  	s7 =	rddreg [dreg:$0x1f]  }
0x43d: {  	s30 =	rddreg [dreg:$0x17];
	s7 =	sadd.s32 $0x1, s7  }
0x43e: {  	p0 =	sne.s32 s7, s30  }
.Ltmp11:
0x43f: {  	_ = 	snop;
	(pc) =	sbr.rel @p0 .LBB2_1-.Ltmp11, $3  }
0x440: {  	_ =	sdelay $0x1  }
0x441: {  	[sflag:s28] =	ssyncset.done $0x0  }
0x442: {  	[sflag:s28] =	ssyncadd.s32 $0xFFFFE000  }
0x443: {  	_ =	sfence.sel $0x180000  }
0x444: {  	[bflag:$0x0] =	sbarrier.arrive $0xFFFF  }
0x445: {  	_ =	strace $0x90000047  }
0x446: {  	s0 =	stileid.u32;
	[bflag:$0x2] =	sbarrier.arrive $0xFFFF  }
0x447: {  	p0 =	sne.s32 s0, $0x0;
	s0 =	rddreg [dreg:$0x3]  }
0x448: {  	s0 =	sadd.s32 @!p0 $0x100000, s0  }
0x449: {  	[sflag:s0] =	ssyncadd.tile.s32 @!p0 $0x1;
	_ =	shalt  }
.Lfunc_end2:
_tile_overlayer_lowered:
.L_overlay_start_2:
0x44a: {  	(tag) =	ssettag $0x2  }
0x44b: {  	s0 =	rddreg [dreg:$0x0];
	s2 =	stileid.u32  }
0x44c: {  	s1 =	rddreg [dreg:$0x1];
	p0 =	sne.s32 s2, $0x0  }
0x44d: {  	s3 =	rddreg [dreg:$0x2];
	[bflag:$0x3] =	sbarrier.arrive $0xFFFF;
	s2 =	simm.s32 @!p0 $0x1C0A  }
0x44e: {  	[timem:s3], [sflag:s2] =	dma.local @!p0 [hbm:s0], s1  }
0x44f: {  	s0 =	simm.s32 @!p0 $0xA  }
0x450: {  	_ =	swait.ge @!p0 [sflag:s0], s1  }
0x451: {  	s1 =	ssub.s32 @!p0 $0x0, s1;
	[sflag:s0] =	ssyncset.done @!p0 $0x0  }
0x452: {  	[sflag:s0] =	ssyncadd.s32 @!p0 s1  }
0x453: {  	[bflag:$0x3] =	sbarrier.arrive $0xFFFF  }
0x454: {  	_ =	shalt  }

</sc_bundles>
